<compile_context>
chip_gen: v7x
topology: tpu7x:2x2x1
jax: 0.10.2.dev20260603
libtpu: 0.0.44.dev20260713+nightly
codegen_flags: <defaults>
</compile_context>

<pallas_src>
import functools
import jax
import jax.numpy as jnp
from jax import lax
from jax.experimental import pallas as pl
from jax.experimental.pallas import tpu as pltpu
from jax.experimental.pallas import tpu_sc as plsc

_MAX_REL = 32
_S = 512
_D = 768
_NROWS = 2 * _MAX_REL + 1
_NC = 2
_NS = 16
_CBLKS = 16
_RBLKS = 2
_CW = _D // _CBLKS
_RH = _S // _RBLKS
_NQ = 4
_QH = _RH // _NQ
_L = 16
_CV = _CW // _L
_INV = 1.0 / _S


def _row_weight(r, j):
    if r == 0:
        return max(0, _S - _MAX_REL - j)
    if r == _NROWS - 1:
        return max(0, j - (_MAX_REL - 1))
    v = r - _MAX_REL
    return 1 if (v <= j and v >= j - (_S - 1)) else 0


def _is_edge(j):
    hi = min(j, _MAX_REL) + _MAX_REL
    lo = max(j - (_S - _MAX_REL), 0)
    return not (hi == _NROWS - 1 and lo == 0)


def _walk(tbl_v, out_v, out_hbm, c0, sems, j0):
    sls = [pl.ds(k * _L, _L) for k in range(_CV)]
    inv = jnp.float32(_INV)

    ones_rows = [r for r in range(_NROWS) if _row_weight(r, j0) == 1]
    rlo, rhi = ones_rows[0], ones_rows[-1] + 1
    assert ones_rows == list(range(rlo, rhi))

    def init_body(r, accv):
        return tuple(accv[k] + tbl_v[r, sls[k]] for k in range(_CV))

    base = lax.fori_loop(
        rlo, rhi, init_body,
        tuple(jnp.zeros((_L,), jnp.float32) for _ in range(_CV)),
        unroll=8,
    )
    acc = []
    for k in range(_CV):
        a = base[k]
        for r in (0, _NROWS - 1):
            w = _row_weight(r, j0)
            if w > 1:
                a = a + tbl_v[r, sls[k]] * jnp.float32(w)
        a = a * inv
        out_v[0, sls[k]] = a
        acc.append(a)

    d_mid = [(tbl_v[_NROWS - 1, sls[k]] - tbl_v[0, sls[k]]) * inv
             for k in range(_CV)]

    anchor, s_anchor = acc, 0
    cps = []
    for q in range(_NQ):
        a0 = max(1, q * _QH)
        b0 = (q + 1) * _QH
        s = a0
        while s < b0:
            if _is_edge(j0 + s):
                e = s
                while e < b0 and _is_edge(j0 + e):
                    e += 1
                hi_a, lo_a = (min(j0 + s, _MAX_REL) + _MAX_REL,
                              max(j0 + s - (_S - _MAX_REL), 0))
                hi_b, lo_b = (min(j0 + e - 1, _MAX_REL) + _MAX_REL,
                              max(j0 + e - 1 - (_S - _MAX_REL), 0))
                hi_varies = hi_a != hi_b
                fixed = [tbl_v[lo_a if hi_varies else hi_a, sls[k]] * inv
                         for k in range(_CV)]
                sgn = inv if hi_varies else -inv
                off = (hi_a - s) if hi_varies else (lo_a - s)

                def edge_body(t, accv, off=off, sgn=sgn, fixed=fixed,
                              hv=hi_varies):
                    r = t + off
                    nxt = []
                    for k in range(_CV):
                        var = tbl_v[r, sls[k]] * sgn
                        a = (accv[k] + var - fixed[k]) if hv \
                            else (accv[k] + var + fixed[k])
                        out_v[t, sls[k]] = a
                        nxt.append(a)
                    return tuple(nxt)

                acc = list(lax.fori_loop(s, e, edge_body, tuple(acc),
                                         unroll=4))
                s = e
                anchor, s_anchor = acc, s - 1
            else:
                e = s
                while e < b0 and not _is_edge(j0 + e):
                    e += 1
                anc, s_anc = anchor, s_anchor

                def seg_body(t, carry, anc=anc, s_anc=s_anc):
                    n = (t - s_anc).astype(jnp.float32)
                    for k in range(_CV):
                        out_v[t, sls[k]] = anc[k] + n * d_mid[k]
                    return carry

                lax.fori_loop(s, e, seg_body, 0, unroll=8)
                nlast = jnp.float32(e - 1 - s_anchor)
                acc = [anchor[k] + nlast * d_mid[k] for k in range(_CV)]
                s = e
        cps.append(pltpu.async_copy(
            out_v.at[pl.ds(q * _QH, _QH)],
            out_hbm.at[pl.ds(j0 + q * _QH, _QH), pl.ds(c0, _CW)],
            sems[q],
        ))
    for cp in cps:
        cp.wait()


def _rpe_sc_body(table_hbm, out_hbm, tbl_v, out_v, *sems):
    wid = lax.axis_index("s") * _NC + lax.axis_index("c")
    cb = wid % _CBLKS
    rb = wid // _CBLKS
    c0 = cb * _CW

    pltpu.sync_copy(table_hbm.at[:, pl.ds(c0, _CW)], tbl_v)

    for blk in range(_RBLKS):
        @pl.when(rb == blk)
        def _():
            _walk(tbl_v, out_v, out_hbm, c0, sems, blk * _RH)


def kernel(seq_len, table):
    mesh = plsc.VectorSubcoreMesh(
        core_axis_name="c", subcore_axis_name="s", num_cores=_NC, num_subcores=_NS
    )
    rpe = functools.partial(
        pl.kernel,
        out_type=jax.ShapeDtypeStruct((_S, _D), jnp.float32),
        mesh=mesh,
        scratch_types=[
            pltpu.VMEM((_NROWS, _CW), jnp.float32),
            pltpu.VMEM((_RH, _CW), jnp.float32),
            pltpu.SemaphoreType.DMA,
            pltpu.SemaphoreType.DMA,
            pltpu.SemaphoreType.DMA,
            pltpu.SemaphoreType.DMA,
        ],
        compiler_params=pltpu.CompilerParams(use_tc_tiling_on_sc=False),
    )(_rpe_sc_body)
    return rpe(table)[None, :, :]

# --- scband reference (transcript-rebuilt; emitter-appended) ---
"""Pipeline reference for scband-relative-positional-encoding-64622077936009 (READ-ONLY COPY).

The authoritative reference and input builder live on the scoring server;
editing this copy changes nothing except your own understanding.
"""

import jax, jax.numpy as jnp
import numpy as np

MAX_REL = 32
D_MODEL = 768
SEQ_LEN = 512

def setup_inputs(seed: int = 0) -> dict:
    key = jax.random.key(seed)
    table = jax.random.normal(key, (2 * MAX_REL + 1, D_MODEL), dtype=jnp.float32) * 0.02
    return {"seq_len": 512, "table": table}

def reference(seq_len, table):
    # distance matrix [seq_len, seq_len]
    range_vec = jnp.arange(SEQ_LEN) + seq_len * 0
    range_mat = jnp.tile(range_vec[None, :], (SEQ_LEN, 1))
    distance_mat = range_mat - range_mat.T
    distance_mat_clipped = jnp.clip(distance_mat, -MAX_REL, MAX_REL)
    final_mat = distance_mat_clipped + MAX_REL
    # embedding lookup: gather rows of the bias table for every (i, j) pair
    rel_emb = jnp.take(table, final_mat, axis=0)  # [seq_len, seq_len, d_model]
    pos_emb = jnp.mean(rel_emb, axis=0)[None, :, :]  # [1, seq_len, d_model]
    return pos_emb

if __name__ == "__main__":
    import jax
    _d = setup_inputs()
    print(jax.jit(kernel)(*tuple(_d.values())))

</pallas_src>

<mosaic_0001>
#map = affine_map<(d0, d1) -> (0, 0)>
module attributes {stable_mosaic.version = 14 : i64} {
  func.func @_rpe_sc_body(%arg0: i32, %arg1: i32, %arg2: memref<65x768xf32, #tpu.memory_space<hbm>>, %arg3: memref<512x768xf32, #tpu.memory_space<hbm>>, %arg4: memref<65x48xf32, #tpu.memory_space<vmem>>, %arg5: memref<256x48xf32, #tpu.memory_space<vmem>>, %arg6: memref<!tpu.dma_semaphore, #tpu.memory_space<semaphore_mem>>, %arg7: memref<!tpu.dma_semaphore, #tpu.memory_space<semaphore_mem>>, %arg8: memref<!tpu.dma_semaphore, #tpu.memory_space<semaphore_mem>>, %arg9: memref<!tpu.dma_semaphore, #tpu.memory_space<semaphore_mem>>) attributes {dimension_semantics = [#tpu.dimension_semantics<core_parallel>, #tpu.dimension_semantics<subcore_parallel>], iteration_bounds = array<i64: 2, 16>, scalar_prefetch = 0 : i64, scratch_operands = 6 : i64, tpu.core_type = #tpu.core_type<sc_vector_subcore>, window_params = [{transform_indices = #map}, {transform_indices = #map}]} {
    %mul3A = arith.constant 2 : i32
    %mul3A_0 = arith.muli %arg1, %mul3A : i32
    %add3A = arith.addi %mul3A_0, %arg0 : i32
    %jit3A = arith.constant 16 : i32
    %eq3A = arith.constant 0 : i32
    %eq3A_1 = arith.cmpi eq, %jit3A, %eq3A : i32
    %jit3A_2 = arith.constant 1 : i32
    %select_n3A = arith.select %eq3A_1, %jit3A_2, %jit3A : i32
    %rem3A = arith.remsi %add3A, %select_n3A : i32
    %ne3A = arith.constant 0 : i32
    %ne3A_3 = arith.cmpi ne, %rem3A, %ne3A : i32
    %lt3A = arith.constant 0 : i32
    %lt3A_4 = arith.cmpi slt, %rem3A, %lt3A : i32
    %lt3A_5 = arith.constant 0 : i32
    %lt3A_6 = arith.cmpi slt, %select_n3A, %lt3A_5 : i32
    %ne3A_7 = arith.xori %lt3A_4, %lt3A_6 : i1
    %and3A = arith.andi %ne3A_7, %ne3A_3 : i1
    %add3A_8 = arith.addi %rem3A, %select_n3A : i32
    %select_n3A_9 = arith.select %and3A, %add3A_8, %rem3A : i32
    %jit3A_10 = arith.constant 16 : i32
    %div3A = arith.divsi %add3A, %jit3A_10 : i32
    %sign3A = arith.constant 0 : i32
    %sign3A_11 = arith.cmpi sgt, %add3A, %sign3A : i32
    %sign3A_12 = arith.extui %sign3A_11 : i1 to i32
    %sign3A_13 = arith.constant 0 : i32
    %sign3A_14 = arith.cmpi slt, %add3A, %sign3A_13 : i32
    %sign3A_15 = arith.extui %sign3A_14 : i1 to i32
    %sign3A_16 = arith.subi %sign3A_12, %sign3A_15 : i32
    %sign3A_17 = arith.constant 0 : i32
    %sign3A_18 = arith.cmpi sgt, %jit3A_10, %sign3A_17 : i32
    %sign3A_19 = arith.extui %sign3A_18 : i1 to i32
    %sign3A_20 = arith.constant 0 : i32
    %sign3A_21 = arith.cmpi slt, %jit3A_10, %sign3A_20 : i32
    %sign3A_22 = arith.extui %sign3A_21 : i1 to i32
    %sign3A_23 = arith.subi %sign3A_19, %sign3A_22 : i32
    %ne3A_24 = arith.cmpi ne, %sign3A_16, %sign3A_23 : i32
    %rem3A_25 = arith.remsi %add3A, %jit3A_10 : i32
    %ne3A_26 = arith.constant 0 : i32
    %ne3A_27 = arith.cmpi ne, %rem3A_25, %ne3A_26 : i32
    %and3A_28 = arith.andi %ne3A_24, %ne3A_27 : i1
    %sub3A = arith.constant 1 : i32
    %sub3A_29 = arith.subi %div3A, %sub3A : i32
    %select_n3A_30 = arith.select %and3A_28, %sub3A_29, %div3A : i32
    %mul3A_31 = arith.constant 48 : i32
    %mul3A_32 = arith.muli %select_n3A_9, %mul3A_31 : i32
    "tpu.region"() ({
      %run_scoped3A = tpu.sem_alloc : memref<!tpu.dma_semaphore, #tpu.memory_space<semaphore_mem>>
      %dma_start3A = arith.constant 0 : i32
      %dma_start3A_41 = tpu.memref_slice %arg2[%dma_start3A, %mul3A_32] : memref<65x768xf32, #tpu.memory_space<hbm>> -> memref<65x48xf32, #tpu.memory_space<hbm>>
      %dma_start3A_42 = arith.constant 0 : i32
      %dma_start3A_43 = tpu.memref_slice %arg2[%dma_start3A_42, %mul3A_32] : memref<65x768xf32, #tpu.memory_space<hbm>> -> memref<65x48xf32, #tpu.memory_space<hbm>>
      tpu.enqueue_dma source(%dma_start3A_43 : memref<65x48xf32, #tpu.memory_space<hbm>>) target(%arg4 : memref<65x48xf32, #tpu.memory_space<vmem>>) target_semaphore(%run_scoped3A : memref<!tpu.dma_semaphore, #tpu.memory_space<semaphore_mem>>)
      %dma_wait3A = arith.constant 0 : i32
      %dma_wait3A_44 = tpu.memref_slice %arg2[%dma_wait3A, %mul3A_32] : memref<65x768xf32, #tpu.memory_space<hbm>> -> memref<65x48xf32, #tpu.memory_space<hbm>>
      %dma_wait3A_45 = arith.constant 0 : i32
      %dma_wait3A_46 = tpu.memref_slice %arg2[%dma_wait3A_45, %mul3A_32] : memref<65x768xf32, #tpu.memory_space<hbm>> -> memref<65x48xf32, #tpu.memory_space<hbm>>
      tpu.wait_dma2 semaphore(%run_scoped3A : memref<!tpu.dma_semaphore, #tpu.memory_space<semaphore_mem>>) src(%dma_wait3A_46 : memref<65x48xf32, #tpu.memory_space<hbm>>) dst(%arg4 : memref<65x48xf32, #tpu.memory_space<vmem>>)
      tpu.yield
    }) : () -> ()
    %eq3A_33 = arith.constant 0 : i32
    %eq3A_34 = arith.cmpi eq, %select_n3A_30, %eq3A_33 : i32
    %convert_element_type3A = arith.extui %eq3A_34 : i1 to i32
    %cond3A = arith.constant 0 : i32
    %cond3A_35 = arith.cmpi ne, %convert_element_type3A, %cond3A : i32
    scf.if %cond3A_35 {
      %broadcast_in_dim3A = arith.constant 0.000000e+00 : f32
      %broadcast_in_dim3A_41 = vector.broadcast %broadcast_in_dim3A : f32 to vector<16xf32>
      %broadcast_in_dim3A_42 = arith.constant 0.000000e+00 : f32
      %broadcast_in_dim3A_43 = vector.broadcast %broadcast_in_dim3A_42 : f32 to vector<16xf32>
      %broadcast_in_dim3A_44 = arith.constant 0.000000e+00 : f32
      %broadcast_in_dim3A_45 = vector.broadcast %broadcast_in_dim3A_44 : f32 to vector<16xf32>
      %scan3A = arith.constant 1 : i32
      %scan3A_46 = arith.constant 32 : i32
      %scan3A_47 = arith.addi %scan3A, %scan3A_46 : i32
      %scan3A_48 = arith.constant 8 : i32
      %scan3A_49:3 = scf.for %scan3A_455 = %scan3A to %scan3A_47 step %scan3A_48 iter_args(%scan3A_456 = %broadcast_in_dim3A_41, %scan3A_457 = %broadcast_in_dim3A_43, %scan3A_458 = %broadcast_in_dim3A_45) -> (vector<16xf32>, vector<16xf32>, vector<16xf32>)  : i32 {
        %get3A_459 = arith.index_cast %scan3A_455 : i32 to index
        %get3A_460 = arith.constant 0 : index
        %get3A_461 = tpu.vector_load %arg4[%get3A_459, %get3A_460] {strides = array<i32>} : memref<65x48xf32, #tpu.memory_space<vmem>>, vector<1x16xf32>,
        %get3A_462 = vector.shape_cast %get3A_461 : vector<1x16xf32> to vector<16xf32>
        %add3A_463 = arith.addf %scan3A_456, %get3A_462 : vector<16xf32>
        %get3A_464 = arith.index_cast %scan3A_455 : i32 to index
        %get3A_465 = arith.constant 16 : index
        %get3A_466 = tpu.vector_load %arg4[%get3A_464, %get3A_465] {strides = array<i32>} : memref<65x48xf32, #tpu.memory_space<vmem>>, vector<1x16xf32>,
        %get3A_467 = vector.shape_cast %get3A_466 : vector<1x16xf32> to vector<16xf32>
        %add3A_468 = arith.addf %scan3A_457, %get3A_467 : vector<16xf32>
        %get3A_469 = arith.index_cast %scan3A_455 : i32 to index
        %get3A_470 = arith.constant 32 : index
        %get3A_471 = tpu.vector_load %arg4[%get3A_469, %get3A_470] {strides = array<i32>} : memref<65x48xf32, #tpu.memory_space<vmem>>, vector<1x16xf32>,
        %get3A_472 = vector.shape_cast %get3A_471 : vector<1x16xf32> to vector<16xf32>
        %add3A_473 = arith.addf %scan3A_458, %get3A_472 : vector<16xf32>
        %scan3A_474 = arith.constant 1 : i32
        %scan3A_475 = arith.addi %scan3A_455, %scan3A_474 : i32
        %get3A_476 = arith.index_cast %scan3A_475 : i32 to index
        %get3A_477 = arith.constant 0 : index
        %get3A_478 = tpu.vector_load %arg4[%get3A_476, %get3A_477] {strides = array<i32>} : memref<65x48xf32, #tpu.memory_space<vmem>>, vector<1x16xf32>,
        %get3A_479 = vector.shape_cast %get3A_478 : vector<1x16xf32> to vector<16xf32>
        %add3A_480 = arith.addf %add3A_463, %get3A_479 : vector<16xf32>
        %get3A_481 = arith.index_cast %scan3A_475 : i32 to index
        %get3A_482 = arith.constant 16 : index
        %get3A_483 = tpu.vector_load %arg4[%get3A_481, %get3A_482] {strides = array<i32>} : memref<65x48xf32, #tpu.memory_space<vmem>>, vector<1x16xf32>,
        %get3A_484 = vector.shape_cast %get3A_483 : vector<1x16xf32> to vector<16xf32>
        %add3A_485 = arith.addf %add3A_468, %get3A_484 : vector<16xf32>
        %get3A_486 = arith.index_cast %scan3A_475 : i32 to index
        %get3A_487 = arith.constant 32 : index
        %get3A_488 = tpu.vector_load %arg4[%get3A_486, %get3A_487] {strides = array<i32>} : memref<65x48xf32, #tpu.memory_space<vmem>>, vector<1x16xf32>,
        %get3A_489 = vector.shape_cast %get3A_488 : vector<1x16xf32> to vector<16xf32>
        %add3A_490 = arith.addf %add3A_473, %get3A_489 : vector<16xf32>
        %scan3A_491 = arith.constant 2 : i32
        %scan3A_492 = arith.addi %scan3A_455, %scan3A_491 : i32
        %get3A_493 = arith.index_cast %scan3A_492 : i32 to index
        %get3A_494 = arith.constant 0 : index
        %get3A_495 = tpu.vector_load %arg4[%get3A_493, %get3A_494] {strides = array<i32>} : memref<65x48xf32, #tpu.memory_space<vmem>>, vector<1x16xf32>,
        %get3A_496 = vector.shape_cast %get3A_495 : vector<1x16xf32> to vector<16xf32>
        %add3A_497 = arith.addf %add3A_480, %get3A_496 : vector<16xf32>
        %get3A_498 = arith.index_cast %scan3A_492 : i32 to index
        %get3A_499 = arith.constant 16 : index
        %get3A_500 = tpu.vector_load %arg4[%get3A_498, %get3A_499] {strides = array<i32>} : memref<65x48xf32, #tpu.memory_space<vmem>>, vector<1x16xf32>,
        %get3A_501 = vector.shape_cast %get3A_500 : vector<1x16xf32> to vector<16xf32>
        %add3A_502 = arith.addf %add3A_485, %get3A_501 : vector<16xf32>
        %get3A_503 = arith.index_cast %scan3A_492 : i32 to index
        %get3A_504 = arith.constant 32 : index
        %get3A_505 = tpu.vector_load %arg4[%get3A_503, %get3A_504] {strides = array<i32>} : memref<65x48xf32, #tpu.memory_space<vmem>>, vector<1x16xf32>,
        %get3A_506 = vector.shape_cast %get3A_505 : vector<1x16xf32> to vector<16xf32>
        %add3A_507 = arith.addf %add3A_490, %get3A_506 : vector<16xf32>
        %scan3A_508 = arith.constant 3 : i32
        %scan3A_509 = arith.addi %scan3A_455, %scan3A_508 : i32
        %get3A_510 = arith.index_cast %scan3A_509 : i32 to index
        %get3A_511 = arith.constant 0 : index
        %get3A_512 = tpu.vector_load %arg4[%get3A_510, %get3A_511] {strides = array<i32>} : memref<65x48xf32, #tpu.memory_space<vmem>>, vector<1x16xf32>,
        %get3A_513 = vector.shape_cast %get3A_512 : vector<1x16xf32> to vector<16xf32>
        %add3A_514 = arith.addf %add3A_497, %get3A_513 : vector<16xf32>
        %get3A_515 = arith.index_cast %scan3A_509 : i32 to index
        %get3A_516 = arith.constant 16 : index
        %get3A_517 = tpu.vector_load %arg4[%get3A_515, %get3A_516] {strides = array<i32>} : memref<65x48xf32, #tpu.memory_space<vmem>>, vector<1x16xf32>,
        %get3A_518 = vector.shape_cast %get3A_517 : vector<1x16xf32> to vector<16xf32>
        %add3A_519 = arith.addf %add3A_502, %get3A_518 : vector<16xf32>
        %get3A_520 = arith.index_cast %scan3A_509 : i32 to index
        %get3A_521 = arith.constant 32 : index
        %get3A_522 = tpu.vector_load %arg4[%get3A_520, %get3A_521] {strides = array<i32>} : memref<65x48xf32, #tpu.memory_space<vmem>>, vector<1x16xf32>,
        %get3A_523 = vector.shape_cast %get3A_522 : vector<1x16xf32> to vector<16xf32>
        %add3A_524 = arith.addf %add3A_507, %get3A_523 : vector<16xf32>
        %scan3A_525 = arith.constant 4 : i32
        %scan3A_526 = arith.addi %scan3A_455, %scan3A_525 : i32
        %get3A_527 = arith.index_cast %scan3A_526 : i32 to index
        %get3A_528 = arith.constant 0 : index
        %get3A_529 = tpu.vector_load %arg4[%get3A_527, %get3A_528] {strides = array<i32>} : memref<65x48xf32, #tpu.memory_space<vmem>>, vector<1x16xf32>,
        %get3A_530 = vector.shape_cast %get3A_529 : vector<1x16xf32> to vector<16xf32>
        %add3A_531 = arith.addf %add3A_514, %get3A_530 : vector<16xf32>
        %get3A_532 = arith.index_cast %scan3A_526 : i32 to index
        %get3A_533 = arith.constant 16 : index
        %get3A_534 = tpu.vector_load %arg4[%get3A_532, %get3A_533] {strides = array<i32>} : memref<65x48xf32, #tpu.memory_space<vmem>>, vector<1x16xf32>,
        %get3A_535 = vector.shape_cast %get3A_534 : vector<1x16xf32> to vector<16xf32>
        %add3A_536 = arith.addf %add3A_519, %get3A_535 : vector<16xf32>
        %get3A_537 = arith.index_cast %scan3A_526 : i32 to index
        %get3A_538 = arith.constant 32 : index
        %get3A_539 = tpu.vector_load %arg4[%get3A_537, %get3A_538] {strides = array<i32>} : memref<65x48xf32, #tpu.memory_space<vmem>>, vector<1x16xf32>,
        %get3A_540 = vector.shape_cast %get3A_539 : vector<1x16xf32> to vector<16xf32>
        %add3A_541 = arith.addf %add3A_524, %get3A_540 : vector<16xf32>
        %scan3A_542 = arith.constant 5 : i32
        %scan3A_543 = arith.addi %scan3A_455, %scan3A_542 : i32
        %get3A_544 = arith.index_cast %scan3A_543 : i32 to index
        %get3A_545 = arith.constant 0 : index
        %get3A_546 = tpu.vector_load %arg4[%get3A_544, %get3A_545] {strides = array<i32>} : memref<65x48xf32, #tpu.memory_space<vmem>>, vector<1x16xf32>,
        %get3A_547 = vector.shape_cast %get3A_546 : vector<1x16xf32> to vector<16xf32>
        %add3A_548 = arith.addf %add3A_531, %get3A_547 : vector<16xf32>
        %get3A_549 = arith.index_cast %scan3A_543 : i32 to index
        %get3A_550 = arith.constant 16 : index
        %get3A_551 = tpu.vector_load %arg4[%get3A_549, %get3A_550] {strides = array<i32>} : memref<65x48xf32, #tpu.memory_space<vmem>>, vector<1x16xf32>,
        %get3A_552 = vector.shape_cast %get3A_551 : vector<1x16xf32> to vector<16xf32>
        %add3A_553 = arith.addf %add3A_536, %get3A_552 : vector<16xf32>
        %get3A_554 = arith.index_cast %scan3A_543 : i32 to index
        %get3A_555 = arith.constant 32 : index
        %get3A_556 = tpu.vector_load %arg4[%get3A_554, %get3A_555] {strides = array<i32>} : memref<65x48xf32, #tpu.memory_space<vmem>>, vector<1x16xf32>,
        %get3A_557 = vector.shape_cast %get3A_556 : vector<1x16xf32> to vector<16xf32>
        %add3A_558 = arith.addf %add3A_541, %get3A_557 : vector<16xf32>
        %scan3A_559 = arith.constant 6 : i32
        %scan3A_560 = arith.addi %scan3A_455, %scan3A_559 : i32
        %get3A_561 = arith.index_cast %scan3A_560 : i32 to index
        %get3A_562 = arith.constant 0 : index
        %get3A_563 = tpu.vector_load %arg4[%get3A_561, %get3A_562] {strides = array<i32>} : memref<65x48xf32, #tpu.memory_space<vmem>>, vector<1x16xf32>,
        %get3A_564 = vector.shape_cast %get3A_563 : vector<1x16xf32> to vector<16xf32>
        %add3A_565 = arith.addf %add3A_548, %get3A_564 : vector<16xf32>
        %get3A_566 = arith.index_cast %scan3A_560 : i32 to index
        %get3A_567 = arith.constant 16 : index
        %get3A_568 = tpu.vector_load %arg4[%get3A_566, %get3A_567] {strides = array<i32>} : memref<65x48xf32, #tpu.memory_space<vmem>>, vector<1x16xf32>,
        %get3A_569 = vector.shape_cast %get3A_568 : vector<1x16xf32> to vector<16xf32>
        %add3A_570 = arith.addf %add3A_553, %get3A_569 : vector<16xf32>
        %get3A_571 = arith.index_cast %scan3A_560 : i32 to index
        %get3A_572 = arith.constant 32 : index
        %get3A_573 = tpu.vector_load %arg4[%get3A_571, %get3A_572] {strides = array<i32>} : memref<65x48xf32, #tpu.memory_space<vmem>>, vector<1x16xf32>,
        %get3A_574 = vector.shape_cast %get3A_573 : vector<1x16xf32> to vector<16xf32>
        %add3A_575 = arith.addf %add3A_558, %get3A_574 : vector<16xf32>
        %scan3A_576 = arith.constant 7 : i32
        %scan3A_577 = arith.addi %scan3A_455, %scan3A_576 : i32
        %get3A_578 = arith.index_cast %scan3A_577 : i32 to index
        %get3A_579 = arith.constant 0 : index
        %get3A_580 = tpu.vector_load %arg4[%get3A_578, %get3A_579] {strides = array<i32>} : memref<65x48xf32, #tpu.memory_space<vmem>>, vector<1x16xf32>,
        %get3A_581 = vector.shape_cast %get3A_580 : vector<1x16xf32> to vector<16xf32>
        %add3A_582 = arith.addf %add3A_565, %get3A_581 : vector<16xf32>
        %get3A_583 = arith.index_cast %scan3A_577 : i32 to index
        %get3A_584 = arith.constant 16 : index
        %get3A_585 = tpu.vector_load %arg4[%get3A_583, %get3A_584] {strides = array<i32>} : memref<65x48xf32, #tpu.memory_space<vmem>>, vector<1x16xf32>,
        %get3A_586 = vector.shape_cast %get3A_585 : vector<1x16xf32> to vector<16xf32>
        %add3A_587 = arith.addf %add3A_570, %get3A_586 : vector<16xf32>
        %get3A_588 = arith.index_cast %scan3A_577 : i32 to index
        %get3A_589 = arith.constant 32 : index
        %get3A_590 = tpu.vector_load %arg4[%get3A_588, %get3A_589] {strides = array<i32>} : memref<65x48xf32, #tpu.memory_space<vmem>>, vector<1x16xf32>,
        %get3A_591 = vector.shape_cast %get3A_590 : vector<1x16xf32> to vector<16xf32>
        %add3A_592 = arith.addf %add3A_575, %get3A_591 : vector<16xf32>
        scf.yield %add3A_582, %add3A_587, %add3A_592 : vector<16xf32>, vector<16xf32>, vector<16xf32>
      }
      %scan3A_50 = arith.constant 32 : i32
      %get3A = arith.constant 0 : i32
      %get3A_51 = arith.index_cast %get3A : i32 to index
      %get3A_52 = arith.constant 0 : index
      %get3A_53 = tpu.vector_load %arg4[%get3A_51, %get3A_52] {strides = array<i32>} : memref<65x48xf32, #tpu.memory_space<vmem>>, vector<1x16xf32>,
      %get3A_54 = vector.shape_cast %get3A_53 : vector<1x16xf32> to vector<16xf32>
      %mul3A_55 = arith.constant 4.800000e+02 : f32
      %mul3A_56 = vector.broadcast %mul3A_55 : f32 to vector<16xf32>
      %mul3A_57 = arith.mulf %get3A_54, %mul3A_56 : vector<16xf32>
      %add3A_58 = arith.addf %scan3A_49#0, %mul3A_57 : vector<16xf32>
      %mul3A_59 = arith.constant 0.001953125 : f32
      %mul3A_60 = vector.broadcast %mul3A_59 : f32 to vector<16xf32>
      %mul3A_61 = arith.mulf %add3A_58, %mul3A_60 : vector<16xf32>
      %swap3A = arith.constant 0 : i32
      %swap3A_62 = arith.index_cast %swap3A : i32 to index
      %swap3A_63 = arith.constant 0 : index
      %swap3A_64 = tpu.vector_load %arg5[%swap3A_62, %swap3A_63] {strides = array<i32>} : memref<256x48xf32, #tpu.memory_space<vmem>>, vector<1x16xf32>,
      %swap3A_65 = vector.shape_cast %swap3A_64 : vector<1x16xf32> to vector<16xf32>
      %swap3A_66 = vector.shape_cast %mul3A_61 : vector<16xf32> to vector<1x16xf32>
      tpu.vector_store %arg5[%swap3A_62, %swap3A_63], %swap3A_66 {strides = array<i32>} : memref<256x48xf32, #tpu.memory_space<vmem>>, vector<1x16xf32>,
      %get3A_67 = arith.constant 0 : i32
      %get3A_68 = arith.index_cast %get3A_67 : i32 to index
      %get3A_69 = arith.constant 16 : index
      %get3A_70 = tpu.vector_load %arg4[%get3A_68, %get3A_69] {strides = array<i32>} : memref<65x48xf32, #tpu.memory_space<vmem>>, vector<1x16xf32>,
      %get3A_71 = vector.shape_cast %get3A_70 : vector<1x16xf32> to vector<16xf32>
      %mul3A_72 = arith.constant 4.800000e+02 : f32
      %mul3A_73 = vector.broadcast %mul3A_72 : f32 to vector<16xf32>
      %mul3A_74 = arith.mulf %get3A_71, %mul3A_73 : vector<16xf32>
      %add3A_75 = arith.addf %scan3A_49#1, %mul3A_74 : vector<16xf32>
      %mul3A_76 = arith.constant 0.001953125 : f32
      %mul3A_77 = vector.broadcast %mul3A_76 : f32 to vector<16xf32>
      %mul3A_78 = arith.mulf %add3A_75, %mul3A_77 : vector<16xf32>
      %swap3A_79 = arith.constant 0 : i32
      %swap3A_80 = arith.index_cast %swap3A_79 : i32 to index
      %swap3A_81 = arith.constant 16 : index
      %swap3A_82 = tpu.vector_load %arg5[%swap3A_80, %swap3A_81] {strides = array<i32>} : memref<256x48xf32, #tpu.memory_space<vmem>>, vector<1x16xf32>,
      %swap3A_83 = vector.shape_cast %swap3A_82 : vector<1x16xf32> to vector<16xf32>
      %swap3A_84 = vector.shape_cast %mul3A_78 : vector<16xf32> to vector<1x16xf32>
      tpu.vector_store %arg5[%swap3A_80, %swap3A_81], %swap3A_84 {strides = array<i32>} : memref<256x48xf32, #tpu.memory_space<vmem>>, vector<1x16xf32>,
      %get3A_85 = arith.constant 0 : i32
      %get3A_86 = arith.index_cast %get3A_85 : i32 to index
      %get3A_87 = arith.constant 32 : index
      %get3A_88 = tpu.vector_load %arg4[%get3A_86, %get3A_87] {strides = array<i32>} : memref<65x48xf32, #tpu.memory_space<vmem>>, vector<1x16xf32>,
      %get3A_89 = vector.shape_cast %get3A_88 : vector<1x16xf32> to vector<16xf32>
      %mul3A_90 = arith.constant 4.800000e+02 : f32
      %mul3A_91 = vector.broadcast %mul3A_90 : f32 to vector<16xf32>
      %mul3A_92 = arith.mulf %get3A_89, %mul3A_91 : vector<16xf32>
      %add3A_93 = arith.addf %scan3A_49#2, %mul3A_92 : vector<16xf32>
      %mul3A_94 = arith.constant 0.001953125 : f32
      %mul3A_95 = vector.broadcast %mul3A_94 : f32 to vector<16xf32>
      %mul3A_96 = arith.mulf %add3A_93, %mul3A_95 : vector<16xf32>
      %swap3A_97 = arith.constant 0 : i32
      %swap3A_98 = arith.index_cast %swap3A_97 : i32 to index
      %swap3A_99 = arith.constant 32 : index
      %swap3A_100 = tpu.vector_load %arg5[%swap3A_98, %swap3A_99] {strides = array<i32>} : memref<256x48xf32, #tpu.memory_space<vmem>>, vector<1x16xf32>,
      %swap3A_101 = vector.shape_cast %swap3A_100 : vector<1x16xf32> to vector<16xf32>
      %swap3A_102 = vector.shape_cast %mul3A_96 : vector<16xf32> to vector<1x16xf32>
      tpu.vector_store %arg5[%swap3A_98, %swap3A_99], %swap3A_102 {strides = array<i32>} : memref<256x48xf32, #tpu.memory_space<vmem>>, vector<1x16xf32>,
      %get3A_103 = arith.constant 64 : i32
      %get3A_104 = arith.index_cast %get3A_103 : i32 to index
      %get3A_105 = arith.constant 0 : index
      %get3A_106 = tpu.vector_load %arg4[%get3A_104, %get3A_105] {strides = array<i32>} : memref<65x48xf32, #tpu.memory_space<vmem>>, vector<1x16xf32>,
      %get3A_107 = vector.shape_cast %get3A_106 : vector<1x16xf32> to vector<16xf32>
      %get3A_108 = arith.constant 0 : i32
      %get3A_109 = arith.index_cast %get3A_108 : i32 to index
      %get3A_110 = arith.constant 0 : index
      %get3A_111 = tpu.vector_load %arg4[%get3A_109, %get3A_110] {strides = array<i32>} : memref<65x48xf32, #tpu.memory_space<vmem>>, vector<1x16xf32>,
      %get3A_112 = vector.shape_cast %get3A_111 : vector<1x16xf32> to vector<16xf32>
      %sub3A_113 = arith.subf %get3A_107, %get3A_112 : vector<16xf32>
      %mul3A_114 = arith.constant 0.001953125 : f32
      %mul3A_115 = vector.broadcast %mul3A_114 : f32 to vector<16xf32>
      %mul3A_116 = arith.mulf %sub3A_113, %mul3A_115 : vector<16xf32>
      %get3A_117 = arith.constant 64 : i32
      %get3A_118 = arith.index_cast %get3A_117 : i32 to index
      %get3A_119 = arith.constant 16 : index
      %get3A_120 = tpu.vector_load %arg4[%get3A_118, %get3A_119] {strides = array<i32>} : memref<65x48xf32, #tpu.memory_space<vmem>>, vector<1x16xf32>,
      %get3A_121 = vector.shape_cast %get3A_120 : vector<1x16xf32> to vector<16xf32>
      %get3A_122 = arith.constant 0 : i32
      %get3A_123 = arith.index_cast %get3A_122 : i32 to index
      %get3A_124 = arith.constant 16 : index
      %get3A_125 = tpu.vector_load %arg4[%get3A_123, %get3A_124] {strides = array<i32>} : memref<65x48xf32, #tpu.memory_space<vmem>>, vector<1x16xf32>,
      %get3A_126 = vector.shape_cast %get3A_125 : vector<1x16xf32> to vector<16xf32>
      %sub3A_127 = arith.subf %get3A_121, %get3A_126 : vector<16xf32>
      %mul3A_128 = arith.constant 0.001953125 : f32
      %mul3A_129 = vector.broadcast %mul3A_128 : f32 to vector<16xf32>
      %mul3A_130 = arith.mulf %sub3A_127, %mul3A_129 : vector<16xf32>
      %get3A_131 = arith.constant 64 : i32
      %get3A_132 = arith.index_cast %get3A_131 : i32 to index
      %get3A_133 = arith.constant 32 : index
      %get3A_134 = tpu.vector_load %arg4[%get3A_132, %get3A_133] {strides = array<i32>} : memref<65x48xf32, #tpu.memory_space<vmem>>, vector<1x16xf32>,
      %get3A_135 = vector.shape_cast %get3A_134 : vector<1x16xf32> to vector<16xf32>
      %get3A_136 = arith.constant 0 : i32
      %get3A_137 = arith.index_cast %get3A_136 : i32 to index
      %get3A_138 = arith.constant 32 : index
      %get3A_139 = tpu.vector_load %arg4[%get3A_137, %get3A_138] {strides = array<i32>} : memref<65x48xf32, #tpu.memory_space<vmem>>, vector<1x16xf32>,
      %get3A_140 = vector.shape_cast %get3A_139 : vector<1x16xf32> to vector<16xf32>
      %sub3A_141 = arith.subf %get3A_135, %get3A_140 : vector<16xf32>
      %mul3A_142 = arith.constant 0.001953125 : f32
      %mul3A_143 = vector.broadcast %mul3A_142 : f32 to vector<16xf32>
      %mul3A_144 = arith.mulf %sub3A_141, %mul3A_143 : vector<16xf32>
      %get3A_145 = arith.constant 0 : i32
      %get3A_146 = arith.index_cast %get3A_145 : i32 to index
      %get3A_147 = arith.constant 0 : index
      %get3A_148 = tpu.vector_load %arg4[%get3A_146, %get3A_147] {strides = array<i32>} : memref<65x48xf32, #tpu.memory_space<vmem>>, vector<1x16xf32>,
      %get3A_149 = vector.shape_cast %get3A_148 : vector<1x16xf32> to vector<16xf32>
      %mul3A_150 = arith.constant 0.001953125 : f32
      %mul3A_151 = vector.broadcast %mul3A_150 : f32 to vector<16xf32>
      %mul3A_152 = arith.mulf %get3A_149, %mul3A_151 : vector<16xf32>
      %get3A_153 = arith.constant 0 : i32
      %get3A_154 = arith.index_cast %get3A_153 : i32 to index
      %get3A_155 = arith.constant 16 : index
      %get3A_156 = tpu.vector_load %arg4[%get3A_154, %get3A_155] {strides = array<i32>} : memref<65x48xf32, #tpu.memory_space<vmem>>, vector<1x16xf32>,
      %get3A_157 = vector.shape_cast %get3A_156 : vector<1x16xf32> to vector<16xf32>
      %mul3A_158 = arith.constant 0.001953125 : f32
      %mul3A_159 = vector.broadcast %mul3A_158 : f32 to vector<16xf32>
      %mul3A_160 = arith.mulf %get3A_157, %mul3A_159 : vector<16xf32>
      %get3A_161 = arith.constant 0 : i32
      %get3A_162 = arith.index_cast %get3A_161 : i32 to index
      %get3A_163 = arith.constant 32 : index
      %get3A_164 = tpu.vector_load %arg4[%get3A_162, %get3A_163] {strides = array<i32>} : memref<65x48xf32, #tpu.memory_space<vmem>>, vector<1x16xf32>,
      %get3A_165 = vector.shape_cast %get3A_164 : vector<1x16xf32> to vector<16xf32>
      %mul3A_166 = arith.constant 0.001953125 : f32
      %mul3A_167 = vector.broadcast %mul3A_166 : f32 to vector<16xf32>
      %mul3A_168 = arith.mulf %get3A_165, %mul3A_167 : vector<16xf32>
      %scan3A_169 = arith.constant 0.001953125 : f32
      %scan3A_170 = arith.constant 1 : i32
      %scan3A_171 = arith.constant 28 : i32
      %scan3A_172 = arith.addi %scan3A_170, %scan3A_171 : i32
      %scan3A_173 = arith.constant 4 : i32
      %scan3A_174:3 = scf.for %scan3A_455 = %scan3A_170 to %scan3A_172 step %scan3A_173 iter_args(%scan3A_456 = %mul3A_61, %scan3A_457 = %mul3A_78, %scan3A_458 = %mul3A_96) -> (vector<16xf32>, vector<16xf32>, vector<16xf32>)  : i32 {
        %add3A_459 = arith.constant 32 : i32
        %add3A_460 = arith.addi %scan3A_455, %add3A_459 : i32
        %get3A_461 = arith.index_cast %add3A_460 : i32 to index
        %get3A_462 = arith.constant 0 : index
        %get3A_463 = tpu.vector_load %arg4[%get3A_461, %get3A_462] {strides = array<i32>} : memref<65x48xf32, #tpu.memory_space<vmem>>, vector<1x16xf32>,
        %get3A_464 = vector.shape_cast %get3A_463 : vector<1x16xf32> to vector<16xf32>
        %mul3A_465 = vector.broadcast %scan3A_169 : f32 to vector<16xf32>
        %mul3A_466 = arith.mulf %get3A_464, %mul3A_465 : vector<16xf32>
        %add3A_467 = arith.addf %scan3A_456, %mul3A_466 : vector<16xf32>
        %sub3A_468 = arith.subf %add3A_467, %mul3A_152 : vector<16xf32>
        %swap3A_469 = arith.index_cast %scan3A_455 : i32 to index
        %swap3A_470 = arith.constant 0 : index
        %swap3A_471 = tpu.vector_load %arg5[%swap3A_469, %swap3A_470] {strides = array<i32>} : memref<256x48xf32, #tpu.memory_space<vmem>>, vector<1x16xf32>,
        %swap3A_472 = vector.shape_cast %swap3A_471 : vector<1x16xf32> to vector<16xf32>
        %swap3A_473 = vector.shape_cast %sub3A_468 : vector<16xf32> to vector<1x16xf32>
        tpu.vector_store %arg5[%swap3A_469, %swap3A_470], %swap3A_473 {strides = array<i32>} : memref<256x48xf32, #tpu.memory_space<vmem>>, vector<1x16xf32>,
        %get3A_474 = arith.index_cast %add3A_460 : i32 to index
        %get3A_475 = arith.constant 16 : index
        %get3A_476 = tpu.vector_load %arg4[%get3A_474, %get3A_475] {strides = array<i32>} : memref<65x48xf32, #tpu.memory_space<vmem>>, vector<1x16xf32>,
        %get3A_477 = vector.shape_cast %get3A_476 : vector<1x16xf32> to vector<16xf32>
        %mul3A_478 = vector.broadcast %scan3A_169 : f32 to vector<16xf32>
        %mul3A_479 = arith.mulf %get3A_477, %mul3A_478 : vector<16xf32>
        %add3A_480 = arith.addf %scan3A_457, %mul3A_479 : vector<16xf32>
        %sub3A_481 = arith.subf %add3A_480, %mul3A_160 : vector<16xf32>
        %swap3A_482 = arith.index_cast %scan3A_455 : i32 to index
        %swap3A_483 = arith.constant 16 : index
        %swap3A_484 = tpu.vector_load %arg5[%swap3A_482, %swap3A_483] {strides = array<i32>} : memref<256x48xf32, #tpu.memory_space<vmem>>, vector<1x16xf32>,
        %swap3A_485 = vector.shape_cast %swap3A_484 : vector<1x16xf32> to vector<16xf32>
        %swap3A_486 = vector.shape_cast %sub3A_481 : vector<16xf32> to vector<1x16xf32>
        tpu.vector_store %arg5[%swap3A_482, %swap3A_483], %swap3A_486 {strides = array<i32>} : memref<256x48xf32, #tpu.memory_space<vmem>>, vector<1x16xf32>,
        %get3A_487 = arith.index_cast %add3A_460 : i32 to index
        %get3A_488 = arith.constant 32 : index
        %get3A_489 = tpu.vector_load %arg4[%get3A_487, %get3A_488] {strides = array<i32>} : memref<65x48xf32, #tpu.memory_space<vmem>>, vector<1x16xf32>,
        %get3A_490 = vector.shape_cast %get3A_489 : vector<1x16xf32> to vector<16xf32>
        %mul3A_491 = vector.broadcast %scan3A_169 : f32 to vector<16xf32>
        %mul3A_492 = arith.mulf %get3A_490, %mul3A_491 : vector<16xf32>
        %add3A_493 = arith.addf %scan3A_458, %mul3A_492 : vector<16xf32>
        %sub3A_494 = arith.subf %add3A_493, %mul3A_168 : vector<16xf32>
        %swap3A_495 = arith.index_cast %scan3A_455 : i32 to index
        %swap3A_496 = arith.constant 32 : index
        %swap3A_497 = tpu.vector_load %arg5[%swap3A_495, %swap3A_496] {strides = array<i32>} : memref<256x48xf32, #tpu.memory_space<vmem>>, vector<1x16xf32>,
        %swap3A_498 = vector.shape_cast %swap3A_497 : vector<1x16xf32> to vector<16xf32>
        %swap3A_499 = vector.shape_cast %sub3A_494 : vector<16xf32> to vector<1x16xf32>
        tpu.vector_store %arg5[%swap3A_495, %swap3A_496], %swap3A_499 {strides = array<i32>} : memref<256x48xf32, #tpu.memory_space<vmem>>, vector<1x16xf32>,
        %scan3A_500 = arith.constant 1 : i32
        %scan3A_501 = arith.addi %scan3A_455, %scan3A_500 : i32
        %add3A_502 = arith.constant 32 : i32
        %add3A_503 = arith.addi %scan3A_501, %add3A_502 : i32
        %get3A_504 = arith.index_cast %add3A_503 : i32 to index
        %get3A_505 = arith.constant 0 : index
        %get3A_506 = tpu.vector_load %arg4[%get3A_504, %get3A_505] {strides = array<i32>} : memref<65x48xf32, #tpu.memory_space<vmem>>, vector<1x16xf32>,
        %get3A_507 = vector.shape_cast %get3A_506 : vector<1x16xf32> to vector<16xf32>
        %mul3A_508 = vector.broadcast %scan3A_169 : f32 to vector<16xf32>
        %mul3A_509 = arith.mulf %get3A_507, %mul3A_508 : vector<16xf32>
        %add3A_510 = arith.addf %sub3A_468, %mul3A_509 : vector<16xf32>
        %sub3A_511 = arith.subf %add3A_510, %mul3A_152 : vector<16xf32>
        %swap3A_512 = arith.index_cast %scan3A_501 : i32 to index
        %swap3A_513 = arith.constant 0 : index
        %swap3A_514 = tpu.vector_load %arg5[%swap3A_512, %swap3A_513] {strides = array<i32>} : memref<256x48xf32, #tpu.memory_space<vmem>>, vector<1x16xf32>,
        %swap3A_515 = vector.shape_cast %swap3A_514 : vector<1x16xf32> to vector<16xf32>
        %swap3A_516 = vector.shape_cast %sub3A_511 : vector<16xf32> to vector<1x16xf32>
        tpu.vector_store %arg5[%swap3A_512, %swap3A_513], %swap3A_516 {strides = array<i32>} : memref<256x48xf32, #tpu.memory_space<vmem>>, vector<1x16xf32>,
        %get3A_517 = arith.index_cast %add3A_503 : i32 to index
        %get3A_518 = arith.constant 16 : index
        %get3A_519 = tpu.vector_load %arg4[%get3A_517, %get3A_518] {strides = array<i32>} : memref<65x48xf32, #tpu.memory_space<vmem>>, vector<1x16xf32>,
        %get3A_520 = vector.shape_cast %get3A_519 : vector<1x16xf32> to vector<16xf32>
        %mul3A_521 = vector.broadcast %scan3A_169 : f32 to vector<16xf32>
        %mul3A_522 = arith.mulf %get3A_520, %mul3A_521 : vector<16xf32>
        %add3A_523 = arith.addf %sub3A_481, %mul3A_522 : vector<16xf32>
        %sub3A_524 = arith.subf %add3A_523, %mul3A_160 : vector<16xf32>
        %swap3A_525 = arith.index_cast %scan3A_501 : i32 to index
        %swap3A_526 = arith.constant 16 : index
        %swap3A_527 = tpu.vector_load %arg5[%swap3A_525, %swap3A_526] {strides = array<i32>} : memref<256x48xf32, #tpu.memory_space<vmem>>, vector<1x16xf32>,
        %swap3A_528 = vector.shape_cast %swap3A_527 : vector<1x16xf32> to vector<16xf32>
        %swap3A_529 = vector.shape_cast %sub3A_524 : vector<16xf32> to vector<1x16xf32>
        tpu.vector_store %arg5[%swap3A_525, %swap3A_526], %swap3A_529 {strides = array<i32>} : memref<256x48xf32, #tpu.memory_space<vmem>>, vector<1x16xf32>,
        %get3A_530 = arith.index_cast %add3A_503 : i32 to index
        %get3A_531 = arith.constant 32 : index
        %get3A_532 = tpu.vector_load %arg4[%get3A_530, %get3A_531] {strides = array<i32>} : memref<65x48xf32, #tpu.memory_space<vmem>>, vector<1x16xf32>,
        %get3A_533 = vector.shape_cast %get3A_532 : vector<1x16xf32> to vector<16xf32>
        %mul3A_534 = vector.broadcast %scan3A_169 : f32 to vector<16xf32>
        %mul3A_535 = arith.mulf %get3A_533, %mul3A_534 : vector<16xf32>
        %add3A_536 = arith.addf %sub3A_494, %mul3A_535 : vector<16xf32>
        %sub3A_537 = arith.subf %add3A_536, %mul3A_168 : vector<16xf32>
        %swap3A_538 = arith.index_cast %scan3A_501 : i32 to index
        %swap3A_539 = arith.constant 32 : index
        %swap3A_540 = tpu.vector_load %arg5[%swap3A_538, %swap3A_539] {strides = array<i32>} : memref<256x48xf32, #tpu.memory_space<vmem>>, vector<1x16xf32>,
        %swap3A_541 = vector.shape_cast %swap3A_540 : vector<1x16xf32> to vector<16xf32>
        %swap3A_542 = vector.shape_cast %sub3A_537 : vector<16xf32> to vector<1x16xf32>
        tpu.vector_store %arg5[%swap3A_538, %swap3A_539], %swap3A_542 {strides = array<i32>} : memref<256x48xf32, #tpu.memory_space<vmem>>, vector<1x16xf32>,
        %scan3A_543 = arith.constant 2 : i32
        %scan3A_544 = arith.addi %scan3A_455, %scan3A_543 : i32
        %add3A_545 = arith.constant 32 : i32
        %add3A_546 = arith.addi %scan3A_544, %add3A_545 : i32
        %get3A_547 = arith.index_cast %add3A_546 : i32 to index
        %get3A_548 = arith.constant 0 : index
        %get3A_549 = tpu.vector_load %arg4[%get3A_547, %get3A_548] {strides = array<i32>} : memref<65x48xf32, #tpu.memory_space<vmem>>, vector<1x16xf32>,
        %get3A_550 = vector.shape_cast %get3A_549 : vector<1x16xf32> to vector<16xf32>
        %mul3A_551 = vector.broadcast %scan3A_169 : f32 to vector<16xf32>
        %mul3A_552 = arith.mulf %get3A_550, %mul3A_551 : vector<16xf32>
        %add3A_553 = arith.addf %sub3A_511, %mul3A_552 : vector<16xf32>
        %sub3A_554 = arith.subf %add3A_553, %mul3A_152 : vector<16xf32>
        %swap3A_555 = arith.index_cast %scan3A_544 : i32 to index
        %swap3A_556 = arith.constant 0 : index
        %swap3A_557 = tpu.vector_load %arg5[%swap3A_555, %swap3A_556] {strides = array<i32>} : memref<256x48xf32, #tpu.memory_space<vmem>>, vector<1x16xf32>,
        %swap3A_558 = vector.shape_cast %swap3A_557 : vector<1x16xf32> to vector<16xf32>
        %swap3A_559 = vector.shape_cast %sub3A_554 : vector<16xf32> to vector<1x16xf32>
        tpu.vector_store %arg5[%swap3A_555, %swap3A_556], %swap3A_559 {strides = array<i32>} : memref<256x48xf32, #tpu.memory_space<vmem>>, vector<1x16xf32>,
        %get3A_560 = arith.index_cast %add3A_546 : i32 to index
        %get3A_561 = arith.constant 16 : index
        %get3A_562 = tpu.vector_load %arg4[%get3A_560, %get3A_561] {strides = array<i32>} : memref<65x48xf32, #tpu.memory_space<vmem>>, vector<1x16xf32>,
        %get3A_563 = vector.shape_cast %get3A_562 : vector<1x16xf32> to vector<16xf32>
        %mul3A_564 = vector.broadcast %scan3A_169 : f32 to vector<16xf32>
        %mul3A_565 = arith.mulf %get3A_563, %mul3A_564 : vector<16xf32>
        %add3A_566 = arith.addf %sub3A_524, %mul3A_565 : vector<16xf32>
        %sub3A_567 = arith.subf %add3A_566, %mul3A_160 : vector<16xf32>
        %swap3A_568 = arith.index_cast %scan3A_544 : i32 to index
        %swap3A_569 = arith.constant 16 : index
        %swap3A_570 = tpu.vector_load %arg5[%swap3A_568, %swap3A_569] {strides = array<i32>} : memref<256x48xf32, #tpu.memory_space<vmem>>, vector<1x16xf32>,
        %swap3A_571 = vector.shape_cast %swap3A_570 : vector<1x16xf32> to vector<16xf32>
        %swap3A_572 = vector.shape_cast %sub3A_567 : vector<16xf32> to vector<1x16xf32>
        tpu.vector_store %arg5[%swap3A_568, %swap3A_569], %swap3A_572 {strides = array<i32>} : memref<256x48xf32, #tpu.memory_space<vmem>>, vector<1x16xf32>,
        %get3A_573 = arith.index_cast %add3A_546 : i32 to index
        %get3A_574 = arith.constant 32 : index
        %get3A_575 = tpu.vector_load %arg4[%get3A_573, %get3A_574] {strides = array<i32>} : memref<65x48xf32, #tpu.memory_space<vmem>>, vector<1x16xf32>,
        %get3A_576 = vector.shape_cast %get3A_575 : vector<1x16xf32> to vector<16xf32>
        %mul3A_577 = vector.broadcast %scan3A_169 : f32 to vector<16xf32>
        %mul3A_578 = arith.mulf %get3A_576, %mul3A_577 : vector<16xf32>
        %add3A_579 = arith.addf %sub3A_537, %mul3A_578 : vector<16xf32>
        %sub3A_580 = arith.subf %add3A_579, %mul3A_168 : vector<16xf32>
        %swap3A_581 = arith.index_cast %scan3A_544 : i32 to index
        %swap3A_582 = arith.constant 32 : index
        %swap3A_583 = tpu.vector_load %arg5[%swap3A_581, %swap3A_582] {strides = array<i32>} : memref<256x48xf32, #tpu.memory_space<vmem>>, vector<1x16xf32>,
        %swap3A_584 = vector.shape_cast %swap3A_583 : vector<1x16xf32> to vector<16xf32>
        %swap3A_585 = vector.shape_cast %sub3A_580 : vector<16xf32> to vector<1x16xf32>
        tpu.vector_store %arg5[%swap3A_581, %swap3A_582], %swap3A_585 {strides = array<i32>} : memref<256x48xf32, #tpu.memory_space<vmem>>, vector<1x16xf32>,
        %scan3A_586 = arith.constant 3 : i32
        %scan3A_587 = arith.addi %scan3A_455, %scan3A_586 : i32
        %add3A_588 = arith.constant 32 : i32
        %add3A_589 = arith.addi %scan3A_587, %add3A_588 : i32
        %get3A_590 = arith.index_cast %add3A_589 : i32 to index
        %get3A_591 = arith.constant 0 : index
        %get3A_592 = tpu.vector_load %arg4[%get3A_590, %get3A_591] {strides = array<i32>} : memref<65x48xf32, #tpu.memory_space<vmem>>, vector<1x16xf32>,
        %get3A_593 = vector.shape_cast %get3A_592 : vector<1x16xf32> to vector<16xf32>
        %mul3A_594 = vector.broadcast %scan3A_169 : f32 to vector<16xf32>
        %mul3A_595 = arith.mulf %get3A_593, %mul3A_594 : vector<16xf32>
        %add3A_596 = arith.addf %sub3A_554, %mul3A_595 : vector<16xf32>
        %sub3A_597 = arith.subf %add3A_596, %mul3A_152 : vector<16xf32>
        %swap3A_598 = arith.index_cast %scan3A_587 : i32 to index
        %swap3A_599 = arith.constant 0 : index
        %swap3A_600 = tpu.vector_load %arg5[%swap3A_598, %swap3A_599] {strides = array<i32>} : memref<256x48xf32, #tpu.memory_space<vmem>>, vector<1x16xf32>,
        %swap3A_601 = vector.shape_cast %swap3A_600 : vector<1x16xf32> to vector<16xf32>
        %swap3A_602 = vector.shape_cast %sub3A_597 : vector<16xf32> to vector<1x16xf32>
        tpu.vector_store %arg5[%swap3A_598, %swap3A_599], %swap3A_602 {strides = array<i32>} : memref<256x48xf32, #tpu.memory_space<vmem>>, vector<1x16xf32>,
        %get3A_603 = arith.index_cast %add3A_589 : i32 to index
        %get3A_604 = arith.constant 16 : index
        %get3A_605 = tpu.vector_load %arg4[%get3A_603, %get3A_604] {strides = array<i32>} : memref<65x48xf32, #tpu.memory_space<vmem>>, vector<1x16xf32>,
        %get3A_606 = vector.shape_cast %get3A_605 : vector<1x16xf32> to vector<16xf32>
        %mul3A_607 = vector.broadcast %scan3A_169 : f32 to vector<16xf32>
        %mul3A_608 = arith.mulf %get3A_606, %mul3A_607 : vector<16xf32>
        %add3A_609 = arith.addf %sub3A_567, %mul3A_608 : vector<16xf32>
        %sub3A_610 = arith.subf %add3A_609, %mul3A_160 : vector<16xf32>
        %swap3A_611 = arith.index_cast %scan3A_587 : i32 to index
        %swap3A_612 = arith.constant 16 : index
        %swap3A_613 = tpu.vector_load %arg5[%swap3A_611, %swap3A_612] {strides = array<i32>} : memref<256x48xf32, #tpu.memory_space<vmem>>, vector<1x16xf32>,
        %swap3A_614 = vector.shape_cast %swap3A_613 : vector<1x16xf32> to vector<16xf32>
        %swap3A_615 = vector.shape_cast %sub3A_610 : vector<16xf32> to vector<1x16xf32>
        tpu.vector_store %arg5[%swap3A_611, %swap3A_612], %swap3A_615 {strides = array<i32>} : memref<256x48xf32, #tpu.memory_space<vmem>>, vector<1x16xf32>,
        %get3A_616 = arith.index_cast %add3A_589 : i32 to index
        %get3A_617 = arith.constant 32 : index
        %get3A_618 = tpu.vector_load %arg4[%get3A_616, %get3A_617] {strides = array<i32>} : memref<65x48xf32, #tpu.memory_space<vmem>>, vector<1x16xf32>,
        %get3A_619 = vector.shape_cast %get3A_618 : vector<1x16xf32> to vector<16xf32>
        %mul3A_620 = vector.broadcast %scan3A_169 : f32 to vector<16xf32>
        %mul3A_621 = arith.mulf %get3A_619, %mul3A_620 : vector<16xf32>
        %add3A_622 = arith.addf %sub3A_580, %mul3A_621 : vector<16xf32>
        %sub3A_623 = arith.subf %add3A_622, %mul3A_168 : vector<16xf32>
        %swap3A_624 = arith.index_cast %scan3A_587 : i32 to index
        %swap3A_625 = arith.constant 32 : index
        %swap3A_626 = tpu.vector_load %arg5[%swap3A_624, %swap3A_625] {strides = array<i32>} : memref<256x48xf32, #tpu.memory_space<vmem>>, vector<1x16xf32>,
        %swap3A_627 = vector.shape_cast %swap3A_626 : vector<1x16xf32> to vector<16xf32>
        %swap3A_628 = vector.shape_cast %sub3A_623 : vector<16xf32> to vector<1x16xf32>
        tpu.vector_store %arg5[%swap3A_624, %swap3A_625], %swap3A_628 {strides = array<i32>} : memref<256x48xf32, #tpu.memory_space<vmem>>, vector<1x16xf32>,
        scf.yield %sub3A_597, %sub3A_610, %sub3A_623 : vector<16xf32>, vector<16xf32>, vector<16xf32>
      }
      %scan3A_175 = arith.constant 28 : i32
      %scan3A_176 = arith.addi %scan3A_170, %scan3A_175 : i32
      %add3A_177 = arith.constant 32 : i32
      %add3A_178 = arith.addi %scan3A_176, %add3A_177 : i32
      %get3A_179 = arith.index_cast %add3A_178 : i32 to index
      %get3A_180 = arith.constant 0 : index
      %get3A_181 = tpu.vector_load %arg4[%get3A_179, %get3A_180] {strides = array<i32>} : memref<65x48xf32, #tpu.memory_space<vmem>>, vector<1x16xf32>,
      %get3A_182 = vector.shape_cast %get3A_181 : vector<1x16xf32> to vector<16xf32>
      %mul3A_183 = vector.broadcast %scan3A_169 : f32 to vector<16xf32>
      %mul3A_184 = arith.mulf %get3A_182, %mul3A_183 : vector<16xf32>
      %add3A_185 = arith.addf %scan3A_174#0, %mul3A_184 : vector<16xf32>
      %sub3A_186 = arith.subf %add3A_185, %mul3A_152 : vector<16xf32>
      %swap3A_187 = arith.index_cast %scan3A_176 : i32 to index
      %swap3A_188 = arith.constant 0 : index
      %swap3A_189 = tpu.vector_load %arg5[%swap3A_187, %swap3A_188] {strides = array<i32>} : memref<256x48xf32, #tpu.memory_space<vmem>>, vector<1x16xf32>,
      %swap3A_190 = vector.shape_cast %swap3A_189 : vector<1x16xf32> to vector<16xf32>
      %swap3A_191 = vector.shape_cast %sub3A_186 : vector<16xf32> to vector<1x16xf32>
      tpu.vector_store %arg5[%swap3A_187, %swap3A_188], %swap3A_191 {strides = array<i32>} : memref<256x48xf32, #tpu.memory_space<vmem>>, vector<1x16xf32>,
      %get3A_192 = arith.index_cast %add3A_178 : i32 to index
      %get3A_193 = arith.constant 16 : index
      %get3A_194 = tpu.vector_load %arg4[%get3A_192, %get3A_193] {strides = array<i32>} : memref<65x48xf32, #tpu.memory_space<vmem>>, vector<1x16xf32>,
      %get3A_195 = vector.shape_cast %get3A_194 : vector<1x16xf32> to vector<16xf32>
      %mul3A_196 = vector.broadcast %scan3A_169 : f32 to vector<16xf32>
      %mul3A_197 = arith.mulf %get3A_195, %mul3A_196 : vector<16xf32>
      %add3A_198 = arith.addf %scan3A_174#1, %mul3A_197 : vector<16xf32>
      %sub3A_199 = arith.subf %add3A_198, %mul3A_160 : vector<16xf32>
      %swap3A_200 = arith.index_cast %scan3A_176 : i32 to index
      %swap3A_201 = arith.constant 16 : index
      %swap3A_202 = tpu.vector_load %arg5[%swap3A_200, %swap3A_201] {strides = array<i32>} : memref<256x48xf32, #tpu.memory_space<vmem>>, vector<1x16xf32>,
      %swap3A_203 = vector.shape_cast %swap3A_202 : vector<1x16xf32> to vector<16xf32>
      %swap3A_204 = vector.shape_cast %sub3A_199 : vector<16xf32> to vector<1x16xf32>
      tpu.vector_store %arg5[%swap3A_200, %swap3A_201], %swap3A_204 {strides = array<i32>} : memref<256x48xf32, #tpu.memory_space<vmem>>, vector<1x16xf32>,
      %get3A_205 = arith.index_cast %add3A_178 : i32 to index
      %get3A_206 = arith.constant 32 : index
      %get3A_207 = tpu.vector_load %arg4[%get3A_205, %get3A_206] {strides = array<i32>} : memref<65x48xf32, #tpu.memory_space<vmem>>, vector<1x16xf32>,
      %get3A_208 = vector.shape_cast %get3A_207 : vector<1x16xf32> to vector<16xf32>
      %mul3A_209 = vector.broadcast %scan3A_169 : f32 to vector<16xf32>
      %mul3A_210 = arith.mulf %get3A_208, %mul3A_209 : vector<16xf32>
      %add3A_211 = arith.addf %scan3A_174#2, %mul3A_210 : vector<16xf32>
      %sub3A_212 = arith.subf %add3A_211, %mul3A_168 : vector<16xf32>
      %swap3A_213 = arith.index_cast %scan3A_176 : i32 to index
      %swap3A_214 = arith.constant 32 : index
      %swap3A_215 = tpu.vector_load %arg5[%swap3A_213, %swap3A_214] {strides = array<i32>} : memref<256x48xf32, #tpu.memory_space<vmem>>, vector<1x16xf32>,
      %swap3A_216 = vector.shape_cast %swap3A_215 : vector<1x16xf32> to vector<16xf32>
      %swap3A_217 = vector.shape_cast %sub3A_212 : vector<16xf32> to vector<1x16xf32>
      tpu.vector_store %arg5[%swap3A_213, %swap3A_214], %swap3A_217 {strides = array<i32>} : memref<256x48xf32, #tpu.memory_space<vmem>>, vector<1x16xf32>,
      %scan3A_218 = arith.constant 29 : i32
      %scan3A_219 = arith.addi %scan3A_170, %scan3A_218 : i32
      %add3A_220 = arith.constant 32 : i32
      %add3A_221 = arith.addi %scan3A_219, %add3A_220 : i32
      %get3A_222 = arith.index_cast %add3A_221 : i32 to index
      %get3A_223 = arith.constant 0 : index
      %get3A_224 = tpu.vector_load %arg4[%get3A_222, %get3A_223] {strides = array<i32>} : memref<65x48xf32, #tpu.memory_space<vmem>>, vector<1x16xf32>,
      %get3A_225 = vector.shape_cast %get3A_224 : vector<1x16xf32> to vector<16xf32>
      %mul3A_226 = vector.broadcast %scan3A_169 : f32 to vector<16xf32>
      %mul3A_227 = arith.mulf %get3A_225, %mul3A_226 : vector<16xf32>
      %add3A_228 = arith.addf %sub3A_186, %mul3A_227 : vector<16xf32>
      %sub3A_229 = arith.subf %add3A_228, %mul3A_152 : vector<16xf32>
      %swap3A_230 = arith.index_cast %scan3A_219 : i32 to index
      %swap3A_231 = arith.constant 0 : index
      %swap3A_232 = tpu.vector_load %arg5[%swap3A_230, %swap3A_231] {strides = array<i32>} : memref<256x48xf32, #tpu.memory_space<vmem>>, vector<1x16xf32>,
      %swap3A_233 = vector.shape_cast %swap3A_232 : vector<1x16xf32> to vector<16xf32>
      %swap3A_234 = vector.shape_cast %sub3A_229 : vector<16xf32> to vector<1x16xf32>
      tpu.vector_store %arg5[%swap3A_230, %swap3A_231], %swap3A_234 {strides = array<i32>} : memref<256x48xf32, #tpu.memory_space<vmem>>, vector<1x16xf32>,
      %get3A_235 = arith.index_cast %add3A_221 : i32 to index
      %get3A_236 = arith.constant 16 : index
      %get3A_237 = tpu.vector_load %arg4[%get3A_235, %get3A_236] {strides = array<i32>} : memref<65x48xf32, #tpu.memory_space<vmem>>, vector<1x16xf32>,
      %get3A_238 = vector.shape_cast %get3A_237 : vector<1x16xf32> to vector<16xf32>
      %mul3A_239 = vector.broadcast %scan3A_169 : f32 to vector<16xf32>
      %mul3A_240 = arith.mulf %get3A_238, %mul3A_239 : vector<16xf32>
      %add3A_241 = arith.addf %sub3A_199, %mul3A_240 : vector<16xf32>
      %sub3A_242 = arith.subf %add3A_241, %mul3A_160 : vector<16xf32>
      %swap3A_243 = arith.index_cast %scan3A_219 : i32 to index
      %swap3A_244 = arith.constant 16 : index
      %swap3A_245 = tpu.vector_load %arg5[%swap3A_243, %swap3A_244] {strides = array<i32>} : memref<256x48xf32, #tpu.memory_space<vmem>>, vector<1x16xf32>,
      %swap3A_246 = vector.shape_cast %swap3A_245 : vector<1x16xf32> to vector<16xf32>
      %swap3A_247 = vector.shape_cast %sub3A_242 : vector<16xf32> to vector<1x16xf32>
      tpu.vector_store %arg5[%swap3A_243, %swap3A_244], %swap3A_247 {strides = array<i32>} : memref<256x48xf32, #tpu.memory_space<vmem>>, vector<1x16xf32>,
      %get3A_248 = arith.index_cast %add3A_221 : i32 to index
      %get3A_249 = arith.constant 32 : index
      %get3A_250 = tpu.vector_load %arg4[%get3A_248, %get3A_249] {strides = array<i32>} : memref<65x48xf32, #tpu.memory_space<vmem>>, vector<1x16xf32>,
      %get3A_251 = vector.shape_cast %get3A_250 : vector<1x16xf32> to vector<16xf32>
      %mul3A_252 = vector.broadcast %scan3A_169 : f32 to vector<16xf32>
      %mul3A_253 = arith.mulf %get3A_251, %mul3A_252 : vector<16xf32>
      %add3A_254 = arith.addf %sub3A_212, %mul3A_253 : vector<16xf32>
      %sub3A_255 = arith.subf %add3A_254, %mul3A_168 : vector<16xf32>
      %swap3A_256 = arith.index_cast %scan3A_219 : i32 to index
      %swap3A_257 = arith.constant 32 : index
      %swap3A_258 = tpu.vector_load %arg5[%swap3A_256, %swap3A_257] {strides = array<i32>} : memref<256x48xf32, #tpu.memory_space<vmem>>, vector<1x16xf32>,
      %swap3A_259 = vector.shape_cast %swap3A_258 : vector<1x16xf32> to vector<16xf32>
      %swap3A_260 = vector.shape_cast %sub3A_255 : vector<16xf32> to vector<1x16xf32>
      tpu.vector_store %arg5[%swap3A_256, %swap3A_257], %swap3A_260 {strides = array<i32>} : memref<256x48xf32, #tpu.memory_space<vmem>>, vector<1x16xf32>,
      %scan3A_261 = arith.constant 30 : i32
      %scan3A_262 = arith.addi %scan3A_170, %scan3A_261 : i32
      %add3A_263 = arith.constant 32 : i32
      %add3A_264 = arith.addi %scan3A_262, %add3A_263 : i32
      %get3A_265 = arith.index_cast %add3A_264 : i32 to index
      %get3A_266 = arith.constant 0 : index
      %get3A_267 = tpu.vector_load %arg4[%get3A_265, %get3A_266] {strides = array<i32>} : memref<65x48xf32, #tpu.memory_space<vmem>>, vector<1x16xf32>,
      %get3A_268 = vector.shape_cast %get3A_267 : vector<1x16xf32> to vector<16xf32>
      %mul3A_269 = vector.broadcast %scan3A_169 : f32 to vector<16xf32>
      %mul3A_270 = arith.mulf %get3A_268, %mul3A_269 : vector<16xf32>
      %add3A_271 = arith.addf %sub3A_229, %mul3A_270 : vector<16xf32>
      %sub3A_272 = arith.subf %add3A_271, %mul3A_152 : vector<16xf32>
      %swap3A_273 = arith.index_cast %scan3A_262 : i32 to index
      %swap3A_274 = arith.constant 0 : index
      %swap3A_275 = tpu.vector_load %arg5[%swap3A_273, %swap3A_274] {strides = array<i32>} : memref<256x48xf32, #tpu.memory_space<vmem>>, vector<1x16xf32>,
      %swap3A_276 = vector.shape_cast %swap3A_275 : vector<1x16xf32> to vector<16xf32>
      %swap3A_277 = vector.shape_cast %sub3A_272 : vector<16xf32> to vector<1x16xf32>
      tpu.vector_store %arg5[%swap3A_273, %swap3A_274], %swap3A_277 {strides = array<i32>} : memref<256x48xf32, #tpu.memory_space<vmem>>, vector<1x16xf32>,
      %get3A_278 = arith.index_cast %add3A_264 : i32 to index
      %get3A_279 = arith.constant 16 : index
      %get3A_280 = tpu.vector_load %arg4[%get3A_278, %get3A_279] {strides = array<i32>} : memref<65x48xf32, #tpu.memory_space<vmem>>, vector<1x16xf32>,
      %get3A_281 = vector.shape_cast %get3A_280 : vector<1x16xf32> to vector<16xf32>
      %mul3A_282 = vector.broadcast %scan3A_169 : f32 to vector<16xf32>
      %mul3A_283 = arith.mulf %get3A_281, %mul3A_282 : vector<16xf32>
      %add3A_284 = arith.addf %sub3A_242, %mul3A_283 : vector<16xf32>
      %sub3A_285 = arith.subf %add3A_284, %mul3A_160 : vector<16xf32>
      %swap3A_286 = arith.index_cast %scan3A_262 : i32 to index
      %swap3A_287 = arith.constant 16 : index
      %swap3A_288 = tpu.vector_load %arg5[%swap3A_286, %swap3A_287] {strides = array<i32>} : memref<256x48xf32, #tpu.memory_space<vmem>>, vector<1x16xf32>,
      %swap3A_289 = vector.shape_cast %swap3A_288 : vector<1x16xf32> to vector<16xf32>
      %swap3A_290 = vector.shape_cast %sub3A_285 : vector<16xf32> to vector<1x16xf32>
      tpu.vector_store %arg5[%swap3A_286, %swap3A_287], %swap3A_290 {strides = array<i32>} : memref<256x48xf32, #tpu.memory_space<vmem>>, vector<1x16xf32>,
      %get3A_291 = arith.index_cast %add3A_264 : i32 to index
      %get3A_292 = arith.constant 32 : index
      %get3A_293 = tpu.vector_load %arg4[%get3A_291, %get3A_292] {strides = array<i32>} : memref<65x48xf32, #tpu.memory_space<vmem>>, vector<1x16xf32>,
      %get3A_294 = vector.shape_cast %get3A_293 : vector<1x16xf32> to vector<16xf32>
      %mul3A_295 = vector.broadcast %scan3A_169 : f32 to vector<16xf32>
      %mul3A_296 = arith.mulf %get3A_294, %mul3A_295 : vector<16xf32>
      %add3A_297 = arith.addf %sub3A_255, %mul3A_296 : vector<16xf32>
      %sub3A_298 = arith.subf %add3A_297, %mul3A_168 : vector<16xf32>
      %swap3A_299 = arith.index_cast %scan3A_262 : i32 to index
      %swap3A_300 = arith.constant 32 : index
      %swap3A_301 = tpu.vector_load %arg5[%swap3A_299, %swap3A_300] {strides = array<i32>} : memref<256x48xf32, #tpu.memory_space<vmem>>, vector<1x16xf32>,
      %swap3A_302 = vector.shape_cast %swap3A_301 : vector<1x16xf32> to vector<16xf32>
      %swap3A_303 = vector.shape_cast %sub3A_298 : vector<16xf32> to vector<1x16xf32>
      tpu.vector_store %arg5[%swap3A_299, %swap3A_300], %swap3A_303 {strides = array<i32>} : memref<256x48xf32, #tpu.memory_space<vmem>>, vector<1x16xf32>,
      %scan3A_304 = arith.constant 31 : i32
      %scan3A_305 = arith.constant 0 : i32
      %scan3A_306 = arith.constant 32 : i32
      %scan3A_307 = arith.constant 32 : i32
      %scan3A_308 = arith.addi %scan3A_306, %scan3A_307 : i32
      %scan3A_309 = arith.constant 8 : i32
      scf.for %scan3A_455 = %scan3A_306 to %scan3A_308 step %scan3A_309  : i32 {
        %sub3A_456 = arith.constant 31 : i32
        %sub3A_457 = arith.subi %scan3A_455, %sub3A_456 : i32
        %convert_element_type3A_458 = arith.sitofp %sub3A_457 : i32 to f32
        %mul3A_459 = vector.broadcast %convert_element_type3A_458 : f32 to vector<16xf32>
        %mul3A_460 = arith.mulf %mul3A_459, %mul3A_116 : vector<16xf32>
        %add3A_461 = arith.addf %sub3A_272, %mul3A_460 : vector<16xf32>
        %swap3A_462 = arith.index_cast %scan3A_455 : i32 to index
        %swap3A_463 = arith.constant 0 : index
        %swap3A_464 = tpu.vector_load %arg5[%swap3A_462, %swap3A_463] {strides = array<i32>} : memref<256x48xf32, #tpu.memory_space<vmem>>, vector<1x16xf32>,
        %swap3A_465 = vector.shape_cast %swap3A_464 : vector<1x16xf32> to vector<16xf32>
        %swap3A_466 = vector.shape_cast %add3A_461 : vector<16xf32> to vector<1x16xf32>
        tpu.vector_store %arg5[%swap3A_462, %swap3A_463], %swap3A_466 {strides = array<i32>} : memref<256x48xf32, #tpu.memory_space<vmem>>, vector<1x16xf32>,
        %mul3A_467 = vector.broadcast %convert_element_type3A_458 : f32 to vector<16xf32>
        %mul3A_468 = arith.mulf %mul3A_467, %mul3A_130 : vector<16xf32>
        %add3A_469 = arith.addf %sub3A_285, %mul3A_468 : vector<16xf32>
        %swap3A_470 = arith.index_cast %scan3A_455 : i32 to index
        %swap3A_471 = arith.constant 16 : index
        %swap3A_472 = tpu.vector_load %arg5[%swap3A_470, %swap3A_471] {strides = array<i32>} : memref<256x48xf32, #tpu.memory_space<vmem>>, vector<1x16xf32>,
        %swap3A_473 = vector.shape_cast %swap3A_472 : vector<1x16xf32> to vector<16xf32>
        %swap3A_474 = vector.shape_cast %add3A_469 : vector<16xf32> to vector<1x16xf32>
        tpu.vector_store %arg5[%swap3A_470, %swap3A_471], %swap3A_474 {strides = array<i32>} : memref<256x48xf32, #tpu.memory_space<vmem>>, vector<1x16xf32>,
        %mul3A_475 = vector.broadcast %convert_element_type3A_458 : f32 to vector<16xf32>
        %mul3A_476 = arith.mulf %mul3A_475, %mul3A_144 : vector<16xf32>
        %add3A_477 = arith.addf %sub3A_298, %mul3A_476 : vector<16xf32>
        %swap3A_478 = arith.index_cast %scan3A_455 : i32 to index
        %swap3A_479 = arith.constant 32 : index
        %swap3A_480 = tpu.vector_load %arg5[%swap3A_478, %swap3A_479] {strides = array<i32>} : memref<256x48xf32, #tpu.memory_space<vmem>>, vector<1x16xf32>,
        %swap3A_481 = vector.shape_cast %swap3A_480 : vector<1x16xf32> to vector<16xf32>
        %swap3A_482 = vector.shape_cast %add3A_477 : vector<16xf32> to vector<1x16xf32>
        tpu.vector_store %arg5[%swap3A_478, %swap3A_479], %swap3A_482 {strides = array<i32>} : memref<256x48xf32, #tpu.memory_space<vmem>>, vector<1x16xf32>,
        %scan3A_483 = arith.constant 1 : i32
        %scan3A_484 = arith.addi %scan3A_455, %scan3A_483 : i32
        %sub3A_485 = arith.constant 31 : i32
        %sub3A_486 = arith.subi %scan3A_484, %sub3A_485 : i32
        %convert_element_type3A_487 = arith.sitofp %sub3A_486 : i32 to f32
        %mul3A_488 = vector.broadcast %convert_element_type3A_487 : f32 to vector<16xf32>
        %mul3A_489 = arith.mulf %mul3A_488, %mul3A_116 : vector<16xf32>
        %add3A_490 = arith.addf %sub3A_272, %mul3A_489 : vector<16xf32>
        %swap3A_491 = arith.index_cast %scan3A_484 : i32 to index
        %swap3A_492 = arith.constant 0 : index
        %swap3A_493 = tpu.vector_load %arg5[%swap3A_491, %swap3A_492] {strides = array<i32>} : memref<256x48xf32, #tpu.memory_space<vmem>>, vector<1x16xf32>,
        %swap3A_494 = vector.shape_cast %swap3A_493 : vector<1x16xf32> to vector<16xf32>
        %swap3A_495 = vector.shape_cast %add3A_490 : vector<16xf32> to vector<1x16xf32>
        tpu.vector_store %arg5[%swap3A_491, %swap3A_492], %swap3A_495 {strides = array<i32>} : memref<256x48xf32, #tpu.memory_space<vmem>>, vector<1x16xf32>,
        %mul3A_496 = vector.broadcast %convert_element_type3A_487 : f32 to vector<16xf32>
        %mul3A_497 = arith.mulf %mul3A_496, %mul3A_130 : vector<16xf32>
        %add3A_498 = arith.addf %sub3A_285, %mul3A_497 : vector<16xf32>
        %swap3A_499 = arith.index_cast %scan3A_484 : i32 to index
        %swap3A_500 = arith.constant 16 : index
        %swap3A_501 = tpu.vector_load %arg5[%swap3A_499, %swap3A_500] {strides = array<i32>} : memref<256x48xf32, #tpu.memory_space<vmem>>, vector<1x16xf32>,
        %swap3A_502 = vector.shape_cast %swap3A_501 : vector<1x16xf32> to vector<16xf32>
        %swap3A_503 = vector.shape_cast %add3A_498 : vector<16xf32> to vector<1x16xf32>
        tpu.vector_store %arg5[%swap3A_499, %swap3A_500], %swap3A_503 {strides = array<i32>} : memref<256x48xf32, #tpu.memory_space<vmem>>, vector<1x16xf32>,
        %mul3A_504 = vector.broadcast %convert_element_type3A_487 : f32 to vector<16xf32>
        %mul3A_505 = arith.mulf %mul3A_504, %mul3A_144 : vector<16xf32>
        %add3A_506 = arith.addf %sub3A_298, %mul3A_505 : vector<16xf32>
        %swap3A_507 = arith.index_cast %scan3A_484 : i32 to index
        %swap3A_508 = arith.constant 32 : index
        %swap3A_509 = tpu.vector_load %arg5[%swap3A_507, %swap3A_508] {strides = array<i32>} : memref<256x48xf32, #tpu.memory_space<vmem>>, vector<1x16xf32>,
        %swap3A_510 = vector.shape_cast %swap3A_509 : vector<1x16xf32> to vector<16xf32>
        %swap3A_511 = vector.shape_cast %add3A_506 : vector<16xf32> to vector<1x16xf32>
        tpu.vector_store %arg5[%swap3A_507, %swap3A_508], %swap3A_511 {strides = array<i32>} : memref<256x48xf32, #tpu.memory_space<vmem>>, vector<1x16xf32>,
        %scan3A_512 = arith.constant 2 : i32
        %scan3A_513 = arith.addi %scan3A_455, %scan3A_512 : i32
        %sub3A_514 = arith.constant 31 : i32
        %sub3A_515 = arith.subi %scan3A_513, %sub3A_514 : i32
        %convert_element_type3A_516 = arith.sitofp %sub3A_515 : i32 to f32
        %mul3A_517 = vector.broadcast %convert_element_type3A_516 : f32 to vector<16xf32>
        %mul3A_518 = arith.mulf %mul3A_517, %mul3A_116 : vector<16xf32>
        %add3A_519 = arith.addf %sub3A_272, %mul3A_518 : vector<16xf32>
        %swap3A_520 = arith.index_cast %scan3A_513 : i32 to index
        %swap3A_521 = arith.constant 0 : index
        %swap3A_522 = tpu.vector_load %arg5[%swap3A_520, %swap3A_521] {strides = array<i32>} : memref<256x48xf32, #tpu.memory_space<vmem>>, vector<1x16xf32>,
        %swap3A_523 = vector.shape_cast %swap3A_522 : vector<1x16xf32> to vector<16xf32>
        %swap3A_524 = vector.shape_cast %add3A_519 : vector<16xf32> to vector<1x16xf32>
        tpu.vector_store %arg5[%swap3A_520, %swap3A_521], %swap3A_524 {strides = array<i32>} : memref<256x48xf32, #tpu.memory_space<vmem>>, vector<1x16xf32>,
        %mul3A_525 = vector.broadcast %convert_element_type3A_516 : f32 to vector<16xf32>
        %mul3A_526 = arith.mulf %mul3A_525, %mul3A_130 : vector<16xf32>
        %add3A_527 = arith.addf %sub3A_285, %mul3A_526 : vector<16xf32>
        %swap3A_528 = arith.index_cast %scan3A_513 : i32 to index
        %swap3A_529 = arith.constant 16 : index
        %swap3A_530 = tpu.vector_load %arg5[%swap3A_528, %swap3A_529] {strides = array<i32>} : memref<256x48xf32, #tpu.memory_space<vmem>>, vector<1x16xf32>,
        %swap3A_531 = vector.shape_cast %swap3A_530 : vector<1x16xf32> to vector<16xf32>
        %swap3A_532 = vector.shape_cast %add3A_527 : vector<16xf32> to vector<1x16xf32>
        tpu.vector_store %arg5[%swap3A_528, %swap3A_529], %swap3A_532 {strides = array<i32>} : memref<256x48xf32, #tpu.memory_space<vmem>>, vector<1x16xf32>,
        %mul3A_533 = vector.broadcast %convert_element_type3A_516 : f32 to vector<16xf32>
        %mul3A_534 = arith.mulf %mul3A_533, %mul3A_144 : vector<16xf32>
        %add3A_535 = arith.addf %sub3A_298, %mul3A_534 : vector<16xf32>
        %swap3A_536 = arith.index_cast %scan3A_513 : i32 to index
        %swap3A_537 = arith.constant 32 : index
        %swap3A_538 = tpu.vector_load %arg5[%swap3A_536, %swap3A_537] {strides = array<i32>} : memref<256x48xf32, #tpu.memory_space<vmem>>, vector<1x16xf32>,
        %swap3A_539 = vector.shape_cast %swap3A_538 : vector<1x16xf32> to vector<16xf32>
        %swap3A_540 = vector.shape_cast %add3A_535 : vector<16xf32> to vector<1x16xf32>
        tpu.vector_store %arg5[%swap3A_536, %swap3A_537], %swap3A_540 {strides = array<i32>} : memref<256x48xf32, #tpu.memory_space<vmem>>, vector<1x16xf32>,
        %scan3A_541 = arith.constant 3 : i32
        %scan3A_542 = arith.addi %scan3A_455, %scan3A_541 : i32
        %sub3A_543 = arith.constant 31 : i32
        %sub3A_544 = arith.subi %scan3A_542, %sub3A_543 : i32
        %convert_element_type3A_545 = arith.sitofp %sub3A_544 : i32 to f32
        %mul3A_546 = vector.broadcast %convert_element_type3A_545 : f32 to vector<16xf32>
        %mul3A_547 = arith.mulf %mul3A_546, %mul3A_116 : vector<16xf32>
        %add3A_548 = arith.addf %sub3A_272, %mul3A_547 : vector<16xf32>
        %swap3A_549 = arith.index_cast %scan3A_542 : i32 to index
        %swap3A_550 = arith.constant 0 : index
        %swap3A_551 = tpu.vector_load %arg5[%swap3A_549, %swap3A_550] {strides = array<i32>} : memref<256x48xf32, #tpu.memory_space<vmem>>, vector<1x16xf32>,
        %swap3A_552 = vector.shape_cast %swap3A_551 : vector<1x16xf32> to vector<16xf32>
        %swap3A_553 = vector.shape_cast %add3A_548 : vector<16xf32> to vector<1x16xf32>
        tpu.vector_store %arg5[%swap3A_549, %swap3A_550], %swap3A_553 {strides = array<i32>} : memref<256x48xf32, #tpu.memory_space<vmem>>, vector<1x16xf32>,
        %mul3A_554 = vector.broadcast %convert_element_type3A_545 : f32 to vector<16xf32>
        %mul3A_555 = arith.mulf %mul3A_554, %mul3A_130 : vector<16xf32>
        %add3A_556 = arith.addf %sub3A_285, %mul3A_555 : vector<16xf32>
        %swap3A_557 = arith.index_cast %scan3A_542 : i32 to index
        %swap3A_558 = arith.constant 16 : index
        %swap3A_559 = tpu.vector_load %arg5[%swap3A_557, %swap3A_558] {strides = array<i32>} : memref<256x48xf32, #tpu.memory_space<vmem>>, vector<1x16xf32>,
        %swap3A_560 = vector.shape_cast %swap3A_559 : vector<1x16xf32> to vector<16xf32>
        %swap3A_561 = vector.shape_cast %add3A_556 : vector<16xf32> to vector<1x16xf32>
        tpu.vector_store %arg5[%swap3A_557, %swap3A_558], %swap3A_561 {strides = array<i32>} : memref<256x48xf32, #tpu.memory_space<vmem>>, vector<1x16xf32>,
        %mul3A_562 = vector.broadcast %convert_element_type3A_545 : f32 to vector<16xf32>
        %mul3A_563 = arith.mulf %mul3A_562, %mul3A_144 : vector<16xf32>
        %add3A_564 = arith.addf %sub3A_298, %mul3A_563 : vector<16xf32>
        %swap3A_565 = arith.index_cast %scan3A_542 : i32 to index
        %swap3A_566 = arith.constant 32 : index
        %swap3A_567 = tpu.vector_load %arg5[%swap3A_565, %swap3A_566] {strides = array<i32>} : memref<256x48xf32, #tpu.memory_space<vmem>>, vector<1x16xf32>,
        %swap3A_568 = vector.shape_cast %swap3A_567 : vector<1x16xf32> to vector<16xf32>
        %swap3A_569 = vector.shape_cast %add3A_564 : vector<16xf32> to vector<1x16xf32>
        tpu.vector_store %arg5[%swap3A_565, %swap3A_566], %swap3A_569 {strides = array<i32>} : memref<256x48xf32, #tpu.memory_space<vmem>>, vector<1x16xf32>,
        %scan3A_570 = arith.constant 4 : i32
        %scan3A_571 = arith.addi %scan3A_455, %scan3A_570 : i32
        %sub3A_572 = arith.constant 31 : i32
        %sub3A_573 = arith.subi %scan3A_571, %sub3A_572 : i32
        %convert_element_type3A_574 = arith.sitofp %sub3A_573 : i32 to f32
        %mul3A_575 = vector.broadcast %convert_element_type3A_574 : f32 to vector<16xf32>
        %mul3A_576 = arith.mulf %mul3A_575, %mul3A_116 : vector<16xf32>
        %add3A_577 = arith.addf %sub3A_272, %mul3A_576 : vector<16xf32>
        %swap3A_578 = arith.index_cast %scan3A_571 : i32 to index
        %swap3A_579 = arith.constant 0 : index
        %swap3A_580 = tpu.vector_load %arg5[%swap3A_578, %swap3A_579] {strides = array<i32>} : memref<256x48xf32, #tpu.memory_space<vmem>>, vector<1x16xf32>,
        %swap3A_581 = vector.shape_cast %swap3A_580 : vector<1x16xf32> to vector<16xf32>
        %swap3A_582 = vector.shape_cast %add3A_577 : vector<16xf32> to vector<1x16xf32>
        tpu.vector_store %arg5[%swap3A_578, %swap3A_579], %swap3A_582 {strides = array<i32>} : memref<256x48xf32, #tpu.memory_space<vmem>>, vector<1x16xf32>,
        %mul3A_583 = vector.broadcast %convert_element_type3A_574 : f32 to vector<16xf32>
        %mul3A_584 = arith.mulf %mul3A_583, %mul3A_130 : vector<16xf32>
        %add3A_585 = arith.addf %sub3A_285, %mul3A_584 : vector<16xf32>
        %swap3A_586 = arith.index_cast %scan3A_571 : i32 to index
        %swap3A_587 = arith.constant 16 : index
        %swap3A_588 = tpu.vector_load %arg5[%swap3A_586, %swap3A_587] {strides = array<i32>} : memref<256x48xf32, #tpu.memory_space<vmem>>, vector<1x16xf32>,
        %swap3A_589 = vector.shape_cast %swap3A_588 : vector<1x16xf32> to vector<16xf32>
        %swap3A_590 = vector.shape_cast %add3A_585 : vector<16xf32> to vector<1x16xf32>
        tpu.vector_store %arg5[%swap3A_586, %swap3A_587], %swap3A_590 {strides = array<i32>} : memref<256x48xf32, #tpu.memory_space<vmem>>, vector<1x16xf32>,
        %mul3A_591 = vector.broadcast %convert_element_type3A_574 : f32 to vector<16xf32>
        %mul3A_592 = arith.mulf %mul3A_591, %mul3A_144 : vector<16xf32>
        %add3A_593 = arith.addf %sub3A_298, %mul3A_592 : vector<16xf32>
        %swap3A_594 = arith.index_cast %scan3A_571 : i32 to index
        %swap3A_595 = arith.constant 32 : index
        %swap3A_596 = tpu.vector_load %arg5[%swap3A_594, %swap3A_595] {strides = array<i32>} : memref<256x48xf32, #tpu.memory_space<vmem>>, vector<1x16xf32>,
        %swap3A_597 = vector.shape_cast %swap3A_596 : vector<1x16xf32> to vector<16xf32>
        %swap3A_598 = vector.shape_cast %add3A_593 : vector<16xf32> to vector<1x16xf32>
        tpu.vector_store %arg5[%swap3A_594, %swap3A_595], %swap3A_598 {strides = array<i32>} : memref<256x48xf32, #tpu.memory_space<vmem>>, vector<1x16xf32>,
        %scan3A_599 = arith.constant 5 : i32
        %scan3A_600 = arith.addi %scan3A_455, %scan3A_599 : i32
        %sub3A_601 = arith.constant 31 : i32
        %sub3A_602 = arith.subi %scan3A_600, %sub3A_601 : i32
        %convert_element_type3A_603 = arith.sitofp %sub3A_602 : i32 to f32
        %mul3A_604 = vector.broadcast %convert_element_type3A_603 : f32 to vector<16xf32>
        %mul3A_605 = arith.mulf %mul3A_604, %mul3A_116 : vector<16xf32>
        %add3A_606 = arith.addf %sub3A_272, %mul3A_605 : vector<16xf32>
        %swap3A_607 = arith.index_cast %scan3A_600 : i32 to index
        %swap3A_608 = arith.constant 0 : index
        %swap3A_609 = tpu.vector_load %arg5[%swap3A_607, %swap3A_608] {strides = array<i32>} : memref<256x48xf32, #tpu.memory_space<vmem>>, vector<1x16xf32>,
        %swap3A_610 = vector.shape_cast %swap3A_609 : vector<1x16xf32> to vector<16xf32>
        %swap3A_611 = vector.shape_cast %add3A_606 : vector<16xf32> to vector<1x16xf32>
        tpu.vector_store %arg5[%swap3A_607, %swap3A_608], %swap3A_611 {strides = array<i32>} : memref<256x48xf32, #tpu.memory_space<vmem>>, vector<1x16xf32>,
        %mul3A_612 = vector.broadcast %convert_element_type3A_603 : f32 to vector<16xf32>
        %mul3A_613 = arith.mulf %mul3A_612, %mul3A_130 : vector<16xf32>
        %add3A_614 = arith.addf %sub3A_285, %mul3A_613 : vector<16xf32>
        %swap3A_615 = arith.index_cast %scan3A_600 : i32 to index
        %swap3A_616 = arith.constant 16 : index
        %swap3A_617 = tpu.vector_load %arg5[%swap3A_615, %swap3A_616] {strides = array<i32>} : memref<256x48xf32, #tpu.memory_space<vmem>>, vector<1x16xf32>,
        %swap3A_618 = vector.shape_cast %swap3A_617 : vector<1x16xf32> to vector<16xf32>
        %swap3A_619 = vector.shape_cast %add3A_614 : vector<16xf32> to vector<1x16xf32>
        tpu.vector_store %arg5[%swap3A_615, %swap3A_616], %swap3A_619 {strides = array<i32>} : memref<256x48xf32, #tpu.memory_space<vmem>>, vector<1x16xf32>,
        %mul3A_620 = vector.broadcast %convert_element_type3A_603 : f32 to vector<16xf32>
        %mul3A_621 = arith.mulf %mul3A_620, %mul3A_144 : vector<16xf32>
        %add3A_622 = arith.addf %sub3A_298, %mul3A_621 : vector<16xf32>
        %swap3A_623 = arith.index_cast %scan3A_600 : i32 to index
        %swap3A_624 = arith.constant 32 : index
        %swap3A_625 = tpu.vector_load %arg5[%swap3A_623, %swap3A_624] {strides = array<i32>} : memref<256x48xf32, #tpu.memory_space<vmem>>, vector<1x16xf32>,
        %swap3A_626 = vector.shape_cast %swap3A_625 : vector<1x16xf32> to vector<16xf32>
        %swap3A_627 = vector.shape_cast %add3A_622 : vector<16xf32> to vector<1x16xf32>
        tpu.vector_store %arg5[%swap3A_623, %swap3A_624], %swap3A_627 {strides = array<i32>} : memref<256x48xf32, #tpu.memory_space<vmem>>, vector<1x16xf32>,
        %scan3A_628 = arith.constant 6 : i32
        %scan3A_629 = arith.addi %scan3A_455, %scan3A_628 : i32
        %sub3A_630 = arith.constant 31 : i32
        %sub3A_631 = arith.subi %scan3A_629, %sub3A_630 : i32
        %convert_element_type3A_632 = arith.sitofp %sub3A_631 : i32 to f32
        %mul3A_633 = vector.broadcast %convert_element_type3A_632 : f32 to vector<16xf32>
        %mul3A_634 = arith.mulf %mul3A_633, %mul3A_116 : vector<16xf32>
        %add3A_635 = arith.addf %sub3A_272, %mul3A_634 : vector<16xf32>
        %swap3A_636 = arith.index_cast %scan3A_629 : i32 to index
        %swap3A_637 = arith.constant 0 : index
        %swap3A_638 = tpu.vector_load %arg5[%swap3A_636, %swap3A_637] {strides = array<i32>} : memref<256x48xf32, #tpu.memory_space<vmem>>, vector<1x16xf32>,
        %swap3A_639 = vector.shape_cast %swap3A_638 : vector<1x16xf32> to vector<16xf32>
        %swap3A_640 = vector.shape_cast %add3A_635 : vector<16xf32> to vector<1x16xf32>
        tpu.vector_store %arg5[%swap3A_636, %swap3A_637], %swap3A_640 {strides = array<i32>} : memref<256x48xf32, #tpu.memory_space<vmem>>, vector<1x16xf32>,
        %mul3A_641 = vector.broadcast %convert_element_type3A_632 : f32 to vector<16xf32>
        %mul3A_642 = arith.mulf %mul3A_641, %mul3A_130 : vector<16xf32>
        %add3A_643 = arith.addf %sub3A_285, %mul3A_642 : vector<16xf32>
        %swap3A_644 = arith.index_cast %scan3A_629 : i32 to index
        %swap3A_645 = arith.constant 16 : index
        %swap3A_646 = tpu.vector_load %arg5[%swap3A_644, %swap3A_645] {strides = array<i32>} : memref<256x48xf32, #tpu.memory_space<vmem>>, vector<1x16xf32>,
        %swap3A_647 = vector.shape_cast %swap3A_646 : vector<1x16xf32> to vector<16xf32>
        %swap3A_648 = vector.shape_cast %add3A_643 : vector<16xf32> to vector<1x16xf32>
        tpu.vector_store %arg5[%swap3A_644, %swap3A_645], %swap3A_648 {strides = array<i32>} : memref<256x48xf32, #tpu.memory_space<vmem>>, vector<1x16xf32>,
        %mul3A_649 = vector.broadcast %convert_element_type3A_632 : f32 to vector<16xf32>
        %mul3A_650 = arith.mulf %mul3A_649, %mul3A_144 : vector<16xf32>
        %add3A_651 = arith.addf %sub3A_298, %mul3A_650 : vector<16xf32>
        %swap3A_652 = arith.index_cast %scan3A_629 : i32 to index
        %swap3A_653 = arith.constant 32 : index
        %swap3A_654 = tpu.vector_load %arg5[%swap3A_652, %swap3A_653] {strides = array<i32>} : memref<256x48xf32, #tpu.memory_space<vmem>>, vector<1x16xf32>,
        %swap3A_655 = vector.shape_cast %swap3A_654 : vector<1x16xf32> to vector<16xf32>
        %swap3A_656 = vector.shape_cast %add3A_651 : vector<16xf32> to vector<1x16xf32>
        tpu.vector_store %arg5[%swap3A_652, %swap3A_653], %swap3A_656 {strides = array<i32>} : memref<256x48xf32, #tpu.memory_space<vmem>>, vector<1x16xf32>,
        %scan3A_657 = arith.constant 7 : i32
        %scan3A_658 = arith.addi %scan3A_455, %scan3A_657 : i32
        %sub3A_659 = arith.constant 31 : i32
        %sub3A_660 = arith.subi %scan3A_658, %sub3A_659 : i32
        %convert_element_type3A_661 = arith.sitofp %sub3A_660 : i32 to f32
        %mul3A_662 = vector.broadcast %convert_element_type3A_661 : f32 to vector<16xf32>
        %mul3A_663 = arith.mulf %mul3A_662, %mul3A_116 : vector<16xf32>
        %add3A_664 = arith.addf %sub3A_272, %mul3A_663 : vector<16xf32>
        %swap3A_665 = arith.index_cast %scan3A_658 : i32 to index
        %swap3A_666 = arith.constant 0 : index
        %swap3A_667 = tpu.vector_load %arg5[%swap3A_665, %swap3A_666] {strides = array<i32>} : memref<256x48xf32, #tpu.memory_space<vmem>>, vector<1x16xf32>,
        %swap3A_668 = vector.shape_cast %swap3A_667 : vector<1x16xf32> to vector<16xf32>
        %swap3A_669 = vector.shape_cast %add3A_664 : vector<16xf32> to vector<1x16xf32>
        tpu.vector_store %arg5[%swap3A_665, %swap3A_666], %swap3A_669 {strides = array<i32>} : memref<256x48xf32, #tpu.memory_space<vmem>>, vector<1x16xf32>,
        %mul3A_670 = vector.broadcast %convert_element_type3A_661 : f32 to vector<16xf32>
        %mul3A_671 = arith.mulf %mul3A_670, %mul3A_130 : vector<16xf32>
        %add3A_672 = arith.addf %sub3A_285, %mul3A_671 : vector<16xf32>
        %swap3A_673 = arith.index_cast %scan3A_658 : i32 to index
        %swap3A_674 = arith.constant 16 : index
        %swap3A_675 = tpu.vector_load %arg5[%swap3A_673, %swap3A_674] {strides = array<i32>} : memref<256x48xf32, #tpu.memory_space<vmem>>, vector<1x16xf32>,
        %swap3A_676 = vector.shape_cast %swap3A_675 : vector<1x16xf32> to vector<16xf32>
        %swap3A_677 = vector.shape_cast %add3A_672 : vector<16xf32> to vector<1x16xf32>
        tpu.vector_store %arg5[%swap3A_673, %swap3A_674], %swap3A_677 {strides = array<i32>} : memref<256x48xf32, #tpu.memory_space<vmem>>, vector<1x16xf32>,
        %mul3A_678 = vector.broadcast %convert_element_type3A_661 : f32 to vector<16xf32>
        %mul3A_679 = arith.mulf %mul3A_678, %mul3A_144 : vector<16xf32>
        %add3A_680 = arith.addf %sub3A_298, %mul3A_679 : vector<16xf32>
        %swap3A_681 = arith.index_cast %scan3A_658 : i32 to index
        %swap3A_682 = arith.constant 32 : index
        %swap3A_683 = tpu.vector_load %arg5[%swap3A_681, %swap3A_682] {strides = array<i32>} : memref<256x48xf32, #tpu.memory_space<vmem>>, vector<1x16xf32>,
        %swap3A_684 = vector.shape_cast %swap3A_683 : vector<1x16xf32> to vector<16xf32>
        %swap3A_685 = vector.shape_cast %add3A_680 : vector<16xf32> to vector<1x16xf32>
        tpu.vector_store %arg5[%swap3A_681, %swap3A_682], %swap3A_685 {strides = array<i32>} : memref<256x48xf32, #tpu.memory_space<vmem>>, vector<1x16xf32>,
      }
      %scan3A_310 = arith.constant 32 : i32
      %mul3A_311 = arith.constant 3.200000e+01 : f32
      %mul3A_312 = vector.broadcast %mul3A_311 : f32 to vector<16xf32>
      %mul3A_313 = arith.mulf %mul3A_312, %mul3A_116 : vector<16xf32>
      %add3A_314 = arith.addf %sub3A_272, %mul3A_313 : vector<16xf32>
      %mul3A_315 = arith.constant 3.200000e+01 : f32
      %mul3A_316 = vector.broadcast %mul3A_315 : f32 to vector<16xf32>
      %mul3A_317 = arith.mulf %mul3A_316, %mul3A_130 : vector<16xf32>
      %add3A_318 = arith.addf %sub3A_285, %mul3A_317 : vector<16xf32>
      %mul3A_319 = arith.constant 3.200000e+01 : f32
      %mul3A_320 = vector.broadcast %mul3A_319 : f32 to vector<16xf32>
      %mul3A_321 = arith.mulf %mul3A_320, %mul3A_144 : vector<16xf32>
      %add3A_322 = arith.addf %sub3A_298, %mul3A_321 : vector<16xf32>
      %dma_start3A = arith.constant 0 : i32
      %dma_start3A_323 = arith.constant 0 : i32
      %dma_start3A_324 = tpu.memref_slice %arg5[%dma_start3A, %dma_start3A_323] : memref<256x48xf32, #tpu.memory_space<vmem>> -> memref<64x48xf32, #tpu.memory_space<vmem>>
      %dma_start3A_325 = arith.constant 0 : i32
      %dma_start3A_326 = tpu.memref_slice %arg3[%dma_start3A_325, %mul3A_32] : memref<512x768xf32, #tpu.memory_space<hbm>> -> memref<64x48xf32, #tpu.memory_space<hbm>>
      %dma_start3A_327 = arith.constant 0 : i32
      %dma_start3A_328 = tpu.memref_slice %arg3[%dma_start3A_327, %mul3A_32] : memref<512x768xf32, #tpu.memory_space<hbm>> -> memref<64x48xf32, #tpu.memory_space<hbm>>
      %dma_start3A_329 = arith.constant 0 : i32
      %dma_start3A_330 = arith.constant 0 : i32
      %dma_start3A_331 = tpu.memref_slice %arg5[%dma_start3A_329, %dma_start3A_330] : memref<256x48xf32, #tpu.memory_space<vmem>> -> memref<64x48xf32, #tpu.memory_space<vmem>>
      tpu.enqueue_dma source(%dma_start3A_331 : memref<64x48xf32, #tpu.memory_space<vmem>>) target(%dma_start3A_328 : memref<64x48xf32, #tpu.memory_space<hbm>>) target_semaphore(%arg6 : memref<!tpu.dma_semaphore, #tpu.memory_space<semaphore_mem>>)
      %scan3A_332 = arith.constant 0 : i32
      %scan3A_333 = arith.constant 64 : i32
      %scan3A_334 = arith.constant 64 : i32
      %scan3A_335 = arith.addi %scan3A_333, %scan3A_334 : i32
      %scan3A_336 = arith.constant 8 : i32
      scf.for %scan3A_455 = %scan3A_333 to %scan3A_335 step %scan3A_336  : i32 {
        %sub3A_456 = arith.constant 31 : i32
        %sub3A_457 = arith.subi %scan3A_455, %sub3A_456 : i32
        %convert_element_type3A_458 = arith.sitofp %sub3A_457 : i32 to f32
        %mul3A_459 = vector.broadcast %convert_element_type3A_458 : f32 to vector<16xf32>
        %mul3A_460 = arith.mulf %mul3A_459, %mul3A_116 : vector<16xf32>
        %add3A_461 = arith.addf %sub3A_272, %mul3A_460 : vector<16xf32>
        %swap3A_462 = arith.index_cast %scan3A_455 : i32 to index
        %swap3A_463 = arith.constant 0 : index
        %swap3A_464 = tpu.vector_load %arg5[%swap3A_462, %swap3A_463] {strides = array<i32>} : memref<256x48xf32, #tpu.memory_space<vmem>>, vector<1x16xf32>,
        %swap3A_465 = vector.shape_cast %swap3A_464 : vector<1x16xf32> to vector<16xf32>
        %swap3A_466 = vector.shape_cast %add3A_461 : vector<16xf32> to vector<1x16xf32>
        tpu.vector_store %arg5[%swap3A_462, %swap3A_463], %swap3A_466 {strides = array<i32>} : memref<256x48xf32, #tpu.memory_space<vmem>>, vector<1x16xf32>,
        %mul3A_467 = vector.broadcast %convert_element_type3A_458 : f32 to vector<16xf32>
        %mul3A_468 = arith.mulf %mul3A_467, %mul3A_130 : vector<16xf32>
        %add3A_469 = arith.addf %sub3A_285, %mul3A_468 : vector<16xf32>
        %swap3A_470 = arith.index_cast %scan3A_455 : i32 to index
        %swap3A_471 = arith.constant 16 : index
        %swap3A_472 = tpu.vector_load %arg5[%swap3A_470, %swap3A_471] {strides = array<i32>} : memref<256x48xf32, #tpu.memory_space<vmem>>, vector<1x16xf32>,
        %swap3A_473 = vector.shape_cast %swap3A_472 : vector<1x16xf32> to vector<16xf32>
        %swap3A_474 = vector.shape_cast %add3A_469 : vector<16xf32> to vector<1x16xf32>
        tpu.vector_store %arg5[%swap3A_470, %swap3A_471], %swap3A_474 {strides = array<i32>} : memref<256x48xf32, #tpu.memory_space<vmem>>, vector<1x16xf32>,
        %mul3A_475 = vector.broadcast %convert_element_type3A_458 : f32 to vector<16xf32>
        %mul3A_476 = arith.mulf %mul3A_475, %mul3A_144 : vector<16xf32>
        %add3A_477 = arith.addf %sub3A_298, %mul3A_476 : vector<16xf32>
        %swap3A_478 = arith.index_cast %scan3A_455 : i32 to index
        %swap3A_479 = arith.constant 32 : index
        %swap3A_480 = tpu.vector_load %arg5[%swap3A_478, %swap3A_479] {strides = array<i32>} : memref<256x48xf32, #tpu.memory_space<vmem>>, vector<1x16xf32>,
        %swap3A_481 = vector.shape_cast %swap3A_480 : vector<1x16xf32> to vector<16xf32>
        %swap3A_482 = vector.shape_cast %add3A_477 : vector<16xf32> to vector<1x16xf32>
        tpu.vector_store %arg5[%swap3A_478, %swap3A_479], %swap3A_482 {strides = array<i32>} : memref<256x48xf32, #tpu.memory_space<vmem>>, vector<1x16xf32>,
        %scan3A_483 = arith.constant 1 : i32
        %scan3A_484 = arith.addi %scan3A_455, %scan3A_483 : i32
        %sub3A_485 = arith.constant 31 : i32
        %sub3A_486 = arith.subi %scan3A_484, %sub3A_485 : i32
        %convert_element_type3A_487 = arith.sitofp %sub3A_486 : i32 to f32
        %mul3A_488 = vector.broadcast %convert_element_type3A_487 : f32 to vector<16xf32>
        %mul3A_489 = arith.mulf %mul3A_488, %mul3A_116 : vector<16xf32>
        %add3A_490 = arith.addf %sub3A_272, %mul3A_489 : vector<16xf32>
        %swap3A_491 = arith.index_cast %scan3A_484 : i32 to index
        %swap3A_492 = arith.constant 0 : index
        %swap3A_493 = tpu.vector_load %arg5[%swap3A_491, %swap3A_492] {strides = array<i32>} : memref<256x48xf32, #tpu.memory_space<vmem>>, vector<1x16xf32>,
        %swap3A_494 = vector.shape_cast %swap3A_493 : vector<1x16xf32> to vector<16xf32>
        %swap3A_495 = vector.shape_cast %add3A_490 : vector<16xf32> to vector<1x16xf32>
        tpu.vector_store %arg5[%swap3A_491, %swap3A_492], %swap3A_495 {strides = array<i32>} : memref<256x48xf32, #tpu.memory_space<vmem>>, vector<1x16xf32>,
        %mul3A_496 = vector.broadcast %convert_element_type3A_487 : f32 to vector<16xf32>
        %mul3A_497 = arith.mulf %mul3A_496, %mul3A_130 : vector<16xf32>
        %add3A_498 = arith.addf %sub3A_285, %mul3A_497 : vector<16xf32>
        %swap3A_499 = arith.index_cast %scan3A_484 : i32 to index
        %swap3A_500 = arith.constant 16 : index
        %swap3A_501 = tpu.vector_load %arg5[%swap3A_499, %swap3A_500] {strides = array<i32>} : memref<256x48xf32, #tpu.memory_space<vmem>>, vector<1x16xf32>,
        %swap3A_502 = vector.shape_cast %swap3A_501 : vector<1x16xf32> to vector<16xf32>
        %swap3A_503 = vector.shape_cast %add3A_498 : vector<16xf32> to vector<1x16xf32>
        tpu.vector_store %arg5[%swap3A_499, %swap3A_500], %swap3A_503 {strides = array<i32>} : memref<256x48xf32, #tpu.memory_space<vmem>>, vector<1x16xf32>,
        %mul3A_504 = vector.broadcast %convert_element_type3A_487 : f32 to vector<16xf32>
        %mul3A_505 = arith.mulf %mul3A_504, %mul3A_144 : vector<16xf32>
        %add3A_506 = arith.addf %sub3A_298, %mul3A_505 : vector<16xf32>
        %swap3A_507 = arith.index_cast %scan3A_484 : i32 to index
        %swap3A_508 = arith.constant 32 : index
        %swap3A_509 = tpu.vector_load %arg5[%swap3A_507, %swap3A_508] {strides = array<i32>} : memref<256x48xf32, #tpu.memory_space<vmem>>, vector<1x16xf32>,
        %swap3A_510 = vector.shape_cast %swap3A_509 : vector<1x16xf32> to vector<16xf32>
        %swap3A_511 = vector.shape_cast %add3A_506 : vector<16xf32> to vector<1x16xf32>
        tpu.vector_store %arg5[%swap3A_507, %swap3A_508], %swap3A_511 {strides = array<i32>} : memref<256x48xf32, #tpu.memory_space<vmem>>, vector<1x16xf32>,
        %scan3A_512 = arith.constant 2 : i32
        %scan3A_513 = arith.addi %scan3A_455, %scan3A_512 : i32
        %sub3A_514 = arith.constant 31 : i32
        %sub3A_515 = arith.subi %scan3A_513, %sub3A_514 : i32
        %convert_element_type3A_516 = arith.sitofp %sub3A_515 : i32 to f32
        %mul3A_517 = vector.broadcast %convert_element_type3A_516 : f32 to vector<16xf32>
        %mul3A_518 = arith.mulf %mul3A_517, %mul3A_116 : vector<16xf32>
        %add3A_519 = arith.addf %sub3A_272, %mul3A_518 : vector<16xf32>
        %swap3A_520 = arith.index_cast %scan3A_513 : i32 to index
        %swap3A_521 = arith.constant 0 : index
        %swap3A_522 = tpu.vector_load %arg5[%swap3A_520, %swap3A_521] {strides = array<i32>} : memref<256x48xf32, #tpu.memory_space<vmem>>, vector<1x16xf32>,
        %swap3A_523 = vector.shape_cast %swap3A_522 : vector<1x16xf32> to vector<16xf32>
        %swap3A_524 = vector.shape_cast %add3A_519 : vector<16xf32> to vector<1x16xf32>
        tpu.vector_store %arg5[%swap3A_520, %swap3A_521], %swap3A_524 {strides = array<i32>} : memref<256x48xf32, #tpu.memory_space<vmem>>, vector<1x16xf32>,
        %mul3A_525 = vector.broadcast %convert_element_type3A_516 : f32 to vector<16xf32>
        %mul3A_526 = arith.mulf %mul3A_525, %mul3A_130 : vector<16xf32>
        %add3A_527 = arith.addf %sub3A_285, %mul3A_526 : vector<16xf32>
        %swap3A_528 = arith.index_cast %scan3A_513 : i32 to index
        %swap3A_529 = arith.constant 16 : index
        %swap3A_530 = tpu.vector_load %arg5[%swap3A_528, %swap3A_529] {strides = array<i32>} : memref<256x48xf32, #tpu.memory_space<vmem>>, vector<1x16xf32>,
        %swap3A_531 = vector.shape_cast %swap3A_530 : vector<1x16xf32> to vector<16xf32>
        %swap3A_532 = vector.shape_cast %add3A_527 : vector<16xf32> to vector<1x16xf32>
        tpu.vector_store %arg5[%swap3A_528, %swap3A_529], %swap3A_532 {strides = array<i32>} : memref<256x48xf32, #tpu.memory_space<vmem>>, vector<1x16xf32>,
        %mul3A_533 = vector.broadcast %convert_element_type3A_516 : f32 to vector<16xf32>
        %mul3A_534 = arith.mulf %mul3A_533, %mul3A_144 : vector<16xf32>
        %add3A_535 = arith.addf %sub3A_298, %mul3A_534 : vector<16xf32>
        %swap3A_536 = arith.index_cast %scan3A_513 : i32 to index
        %swap3A_537 = arith.constant 32 : index
        %swap3A_538 = tpu.vector_load %arg5[%swap3A_536, %swap3A_537] {strides = array<i32>} : memref<256x48xf32, #tpu.memory_space<vmem>>, vector<1x16xf32>,
        %swap3A_539 = vector.shape_cast %swap3A_538 : vector<1x16xf32> to vector<16xf32>
        %swap3A_540 = vector.shape_cast %add3A_535 : vector<16xf32> to vector<1x16xf32>
        tpu.vector_store %arg5[%swap3A_536, %swap3A_537], %swap3A_540 {strides = array<i32>} : memref<256x48xf32, #tpu.memory_space<vmem>>, vector<1x16xf32>,
        %scan3A_541 = arith.constant 3 : i32
        %scan3A_542 = arith.addi %scan3A_455, %scan3A_541 : i32
        %sub3A_543 = arith.constant 31 : i32
        %sub3A_544 = arith.subi %scan3A_542, %sub3A_543 : i32
        %convert_element_type3A_545 = arith.sitofp %sub3A_544 : i32 to f32
        %mul3A_546 = vector.broadcast %convert_element_type3A_545 : f32 to vector<16xf32>
        %mul3A_547 = arith.mulf %mul3A_546, %mul3A_116 : vector<16xf32>
        %add3A_548 = arith.addf %sub3A_272, %mul3A_547 : vector<16xf32>
        %swap3A_549 = arith.index_cast %scan3A_542 : i32 to index
        %swap3A_550 = arith.constant 0 : index
        %swap3A_551 = tpu.vector_load %arg5[%swap3A_549, %swap3A_550] {strides = array<i32>} : memref<256x48xf32, #tpu.memory_space<vmem>>, vector<1x16xf32>,
        %swap3A_552 = vector.shape_cast %swap3A_551 : vector<1x16xf32> to vector<16xf32>
        %swap3A_553 = vector.shape_cast %add3A_548 : vector<16xf32> to vector<1x16xf32>
        tpu.vector_store %arg5[%swap3A_549, %swap3A_550], %swap3A_553 {strides = array<i32>} : memref<256x48xf32, #tpu.memory_space<vmem>>, vector<1x16xf32>,
        %mul3A_554 = vector.broadcast %convert_element_type3A_545 : f32 to vector<16xf32>
        %mul3A_555 = arith.mulf %mul3A_554, %mul3A_130 : vector<16xf32>
        %add3A_556 = arith.addf %sub3A_285, %mul3A_555 : vector<16xf32>
        %swap3A_557 = arith.index_cast %scan3A_542 : i32 to index
        %swap3A_558 = arith.constant 16 : index
        %swap3A_559 = tpu.vector_load %arg5[%swap3A_557, %swap3A_558] {strides = array<i32>} : memref<256x48xf32, #tpu.memory_space<vmem>>, vector<1x16xf32>,
        %swap3A_560 = vector.shape_cast %swap3A_559 : vector<1x16xf32> to vector<16xf32>
        %swap3A_561 = vector.shape_cast %add3A_556 : vector<16xf32> to vector<1x16xf32>
        tpu.vector_store %arg5[%swap3A_557, %swap3A_558], %swap3A_561 {strides = array<i32>} : memref<256x48xf32, #tpu.memory_space<vmem>>, vector<1x16xf32>,
        %mul3A_562 = vector.broadcast %convert_element_type3A_545 : f32 to vector<16xf32>
        %mul3A_563 = arith.mulf %mul3A_562, %mul3A_144 : vector<16xf32>
        %add3A_564 = arith.addf %sub3A_298, %mul3A_563 : vector<16xf32>
        %swap3A_565 = arith.index_cast %scan3A_542 : i32 to index
        %swap3A_566 = arith.constant 32 : index
        %swap3A_567 = tpu.vector_load %arg5[%swap3A_565, %swap3A_566] {strides = array<i32>} : memref<256x48xf32, #tpu.memory_space<vmem>>, vector<1x16xf32>,
        %swap3A_568 = vector.shape_cast %swap3A_567 : vector<1x16xf32> to vector<16xf32>
        %swap3A_569 = vector.shape_cast %add3A_564 : vector<16xf32> to vector<1x16xf32>
        tpu.vector_store %arg5[%swap3A_565, %swap3A_566], %swap3A_569 {strides = array<i32>} : memref<256x48xf32, #tpu.memory_space<vmem>>, vector<1x16xf32>,
        %scan3A_570 = arith.constant 4 : i32
        %scan3A_571 = arith.addi %scan3A_455, %scan3A_570 : i32
        %sub3A_572 = arith.constant 31 : i32
        %sub3A_573 = arith.subi %scan3A_571, %sub3A_572 : i32
        %convert_element_type3A_574 = arith.sitofp %sub3A_573 : i32 to f32
        %mul3A_575 = vector.broadcast %convert_element_type3A_574 : f32 to vector<16xf32>
        %mul3A_576 = arith.mulf %mul3A_575, %mul3A_116 : vector<16xf32>
        %add3A_577 = arith.addf %sub3A_272, %mul3A_576 : vector<16xf32>
        %swap3A_578 = arith.index_cast %scan3A_571 : i32 to index
        %swap3A_579 = arith.constant 0 : index
        %swap3A_580 = tpu.vector_load %arg5[%swap3A_578, %swap3A_579] {strides = array<i32>} : memref<256x48xf32, #tpu.memory_space<vmem>>, vector<1x16xf32>,
        %swap3A_581 = vector.shape_cast %swap3A_580 : vector<1x16xf32> to vector<16xf32>
        %swap3A_582 = vector.shape_cast %add3A_577 : vector<16xf32> to vector<1x16xf32>
        tpu.vector_store %arg5[%swap3A_578, %swap3A_579], %swap3A_582 {strides = array<i32>} : memref<256x48xf32, #tpu.memory_space<vmem>>, vector<1x16xf32>,
        %mul3A_583 = vector.broadcast %convert_element_type3A_574 : f32 to vector<16xf32>
        %mul3A_584 = arith.mulf %mul3A_583, %mul3A_130 : vector<16xf32>
        %add3A_585 = arith.addf %sub3A_285, %mul3A_584 : vector<16xf32>
        %swap3A_586 = arith.index_cast %scan3A_571 : i32 to index
        %swap3A_587 = arith.constant 16 : index
        %swap3A_588 = tpu.vector_load %arg5[%swap3A_586, %swap3A_587] {strides = array<i32>} : memref<256x48xf32, #tpu.memory_space<vmem>>, vector<1x16xf32>,
        %swap3A_589 = vector.shape_cast %swap3A_588 : vector<1x16xf32> to vector<16xf32>
        %swap3A_590 = vector.shape_cast %add3A_585 : vector<16xf32> to vector<1x16xf32>
        tpu.vector_store %arg5[%swap3A_586, %swap3A_587], %swap3A_590 {strides = array<i32>} : memref<256x48xf32, #tpu.memory_space<vmem>>, vector<1x16xf32>,
        %mul3A_591 = vector.broadcast %convert_element_type3A_574 : f32 to vector<16xf32>
        %mul3A_592 = arith.mulf %mul3A_591, %mul3A_144 : vector<16xf32>
        %add3A_593 = arith.addf %sub3A_298, %mul3A_592 : vector<16xf32>
        %swap3A_594 = arith.index_cast %scan3A_571 : i32 to index
        %swap3A_595 = arith.constant 32 : index
        %swap3A_596 = tpu.vector_load %arg5[%swap3A_594, %swap3A_595] {strides = array<i32>} : memref<256x48xf32, #tpu.memory_space<vmem>>, vector<1x16xf32>,
        %swap3A_597 = vector.shape_cast %swap3A_596 : vector<1x16xf32> to vector<16xf32>
        %swap3A_598 = vector.shape_cast %add3A_593 : vector<16xf32> to vector<1x16xf32>
        tpu.vector_store %arg5[%swap3A_594, %swap3A_595], %swap3A_598 {strides = array<i32>} : memref<256x48xf32, #tpu.memory_space<vmem>>, vector<1x16xf32>,
        %scan3A_599 = arith.constant 5 : i32
        %scan3A_600 = arith.addi %scan3A_455, %scan3A_599 : i32
        %sub3A_601 = arith.constant 31 : i32
        %sub3A_602 = arith.subi %scan3A_600, %sub3A_601 : i32
        %convert_element_type3A_603 = arith.sitofp %sub3A_602 : i32 to f32
        %mul3A_604 = vector.broadcast %convert_element_type3A_603 : f32 to vector<16xf32>
        %mul3A_605 = arith.mulf %mul3A_604, %mul3A_116 : vector<16xf32>
        %add3A_606 = arith.addf %sub3A_272, %mul3A_605 : vector<16xf32>
        %swap3A_607 = arith.index_cast %scan3A_600 : i32 to index
        %swap3A_608 = arith.constant 0 : index
        %swap3A_609 = tpu.vector_load %arg5[%swap3A_607, %swap3A_608] {strides = array<i32>} : memref<256x48xf32, #tpu.memory_space<vmem>>, vector<1x16xf32>,
        %swap3A_610 = vector.shape_cast %swap3A_609 : vector<1x16xf32> to vector<16xf32>
        %swap3A_611 = vector.shape_cast %add3A_606 : vector<16xf32> to vector<1x16xf32>
        tpu.vector_store %arg5[%swap3A_607, %swap3A_608], %swap3A_611 {strides = array<i32>} : memref<256x48xf32, #tpu.memory_space<vmem>>, vector<1x16xf32>,
        %mul3A_612 = vector.broadcast %convert_element_type3A_603 : f32 to vector<16xf32>
        %mul3A_613 = arith.mulf %mul3A_612, %mul3A_130 : vector<16xf32>
        %add3A_614 = arith.addf %sub3A_285, %mul3A_613 : vector<16xf32>
        %swap3A_615 = arith.index_cast %scan3A_600 : i32 to index
        %swap3A_616 = arith.constant 16 : index
        %swap3A_617 = tpu.vector_load %arg5[%swap3A_615, %swap3A_616] {strides = array<i32>} : memref<256x48xf32, #tpu.memory_space<vmem>>, vector<1x16xf32>,
        %swap3A_618 = vector.shape_cast %swap3A_617 : vector<1x16xf32> to vector<16xf32>
        %swap3A_619 = vector.shape_cast %add3A_614 : vector<16xf32> to vector<1x16xf32>
        tpu.vector_store %arg5[%swap3A_615, %swap3A_616], %swap3A_619 {strides = array<i32>} : memref<256x48xf32, #tpu.memory_space<vmem>>, vector<1x16xf32>,
        %mul3A_620 = vector.broadcast %convert_element_type3A_603 : f32 to vector<16xf32>
        %mul3A_621 = arith.mulf %mul3A_620, %mul3A_144 : vector<16xf32>
        %add3A_622 = arith.addf %sub3A_298, %mul3A_621 : vector<16xf32>
        %swap3A_623 = arith.index_cast %scan3A_600 : i32 to index
        %swap3A_624 = arith.constant 32 : index
        %swap3A_625 = tpu.vector_load %arg5[%swap3A_623, %swap3A_624] {strides = array<i32>} : memref<256x48xf32, #tpu.memory_space<vmem>>, vector<1x16xf32>,
        %swap3A_626 = vector.shape_cast %swap3A_625 : vector<1x16xf32> to vector<16xf32>
        %swap3A_627 = vector.shape_cast %add3A_622 : vector<16xf32> to vector<1x16xf32>
        tpu.vector_store %arg5[%swap3A_623, %swap3A_624], %swap3A_627 {strides = array<i32>} : memref<256x48xf32, #tpu.memory_space<vmem>>, vector<1x16xf32>,
        %scan3A_628 = arith.constant 6 : i32
        %scan3A_629 = arith.addi %scan3A_455, %scan3A_628 : i32
        %sub3A_630 = arith.constant 31 : i32
        %sub3A_631 = arith.subi %scan3A_629, %sub3A_630 : i32
        %convert_element_type3A_632 = arith.sitofp %sub3A_631 : i32 to f32
        %mul3A_633 = vector.broadcast %convert_element_type3A_632 : f32 to vector<16xf32>
        %mul3A_634 = arith.mulf %mul3A_633, %mul3A_116 : vector<16xf32>
        %add3A_635 = arith.addf %sub3A_272, %mul3A_634 : vector<16xf32>
        %swap3A_636 = arith.index_cast %scan3A_629 : i32 to index
        %swap3A_637 = arith.constant 0 : index
        %swap3A_638 = tpu.vector_load %arg5[%swap3A_636, %swap3A_637] {strides = array<i32>} : memref<256x48xf32, #tpu.memory_space<vmem>>, vector<1x16xf32>,
        %swap3A_639 = vector.shape_cast %swap3A_638 : vector<1x16xf32> to vector<16xf32>
        %swap3A_640 = vector.shape_cast %add3A_635 : vector<16xf32> to vector<1x16xf32>
        tpu.vector_store %arg5[%swap3A_636, %swap3A_637], %swap3A_640 {strides = array<i32>} : memref<256x48xf32, #tpu.memory_space<vmem>>, vector<1x16xf32>,
        %mul3A_641 = vector.broadcast %convert_element_type3A_632 : f32 to vector<16xf32>
        %mul3A_642 = arith.mulf %mul3A_641, %mul3A_130 : vector<16xf32>
        %add3A_643 = arith.addf %sub3A_285, %mul3A_642 : vector<16xf32>
        %swap3A_644 = arith.index_cast %scan3A_629 : i32 to index
        %swap3A_645 = arith.constant 16 : index
        %swap3A_646 = tpu.vector_load %arg5[%swap3A_644, %swap3A_645] {strides = array<i32>} : memref<256x48xf32, #tpu.memory_space<vmem>>, vector<1x16xf32>,
        %swap3A_647 = vector.shape_cast %swap3A_646 : vector<1x16xf32> to vector<16xf32>
        %swap3A_648 = vector.shape_cast %add3A_643 : vector<16xf32> to vector<1x16xf32>
        tpu.vector_store %arg5[%swap3A_644, %swap3A_645], %swap3A_648 {strides = array<i32>} : memref<256x48xf32, #tpu.memory_space<vmem>>, vector<1x16xf32>,
        %mul3A_649 = vector.broadcast %convert_element_type3A_632 : f32 to vector<16xf32>
        %mul3A_650 = arith.mulf %mul3A_649, %mul3A_144 : vector<16xf32>
        %add3A_651 = arith.addf %sub3A_298, %mul3A_650 : vector<16xf32>
        %swap3A_652 = arith.index_cast %scan3A_629 : i32 to index
        %swap3A_653 = arith.constant 32 : index
        %swap3A_654 = tpu.vector_load %arg5[%swap3A_652, %swap3A_653] {strides = array<i32>} : memref<256x48xf32, #tpu.memory_space<vmem>>, vector<1x16xf32>,
        %swap3A_655 = vector.shape_cast %swap3A_654 : vector<1x16xf32> to vector<16xf32>
        %swap3A_656 = vector.shape_cast %add3A_651 : vector<16xf32> to vector<1x16xf32>
        tpu.vector_store %arg5[%swap3A_652, %swap3A_653], %swap3A_656 {strides = array<i32>} : memref<256x48xf32, #tpu.memory_space<vmem>>, vector<1x16xf32>,
        %scan3A_657 = arith.constant 7 : i32
        %scan3A_658 = arith.addi %scan3A_455, %scan3A_657 : i32
        %sub3A_659 = arith.constant 31 : i32
        %sub3A_660 = arith.subi %scan3A_658, %sub3A_659 : i32
        %convert_element_type3A_661 = arith.sitofp %sub3A_660 : i32 to f32
        %mul3A_662 = vector.broadcast %convert_element_type3A_661 : f32 to vector<16xf32>
        %mul3A_663 = arith.mulf %mul3A_662, %mul3A_116 : vector<16xf32>
        %add3A_664 = arith.addf %sub3A_272, %mul3A_663 : vector<16xf32>
        %swap3A_665 = arith.index_cast %scan3A_658 : i32 to index
        %swap3A_666 = arith.constant 0 : index
        %swap3A_667 = tpu.vector_load %arg5[%swap3A_665, %swap3A_666] {strides = array<i32>} : memref<256x48xf32, #tpu.memory_space<vmem>>, vector<1x16xf32>,
        %swap3A_668 = vector.shape_cast %swap3A_667 : vector<1x16xf32> to vector<16xf32>
        %swap3A_669 = vector.shape_cast %add3A_664 : vector<16xf32> to vector<1x16xf32>
        tpu.vector_store %arg5[%swap3A_665, %swap3A_666], %swap3A_669 {strides = array<i32>} : memref<256x48xf32, #tpu.memory_space<vmem>>, vector<1x16xf32>,
        %mul3A_670 = vector.broadcast %convert_element_type3A_661 : f32 to vector<16xf32>
        %mul3A_671 = arith.mulf %mul3A_670, %mul3A_130 : vector<16xf32>
        %add3A_672 = arith.addf %sub3A_285, %mul3A_671 : vector<16xf32>
        %swap3A_673 = arith.index_cast %scan3A_658 : i32 to index
        %swap3A_674 = arith.constant 16 : index
        %swap3A_675 = tpu.vector_load %arg5[%swap3A_673, %swap3A_674] {strides = array<i32>} : memref<256x48xf32, #tpu.memory_space<vmem>>, vector<1x16xf32>,
        %swap3A_676 = vector.shape_cast %swap3A_675 : vector<1x16xf32> to vector<16xf32>
        %swap3A_677 = vector.shape_cast %add3A_672 : vector<16xf32> to vector<1x16xf32>
        tpu.vector_store %arg5[%swap3A_673, %swap3A_674], %swap3A_677 {strides = array<i32>} : memref<256x48xf32, #tpu.memory_space<vmem>>, vector<1x16xf32>,
        %mul3A_678 = vector.broadcast %convert_element_type3A_661 : f32 to vector<16xf32>
        %mul3A_679 = arith.mulf %mul3A_678, %mul3A_144 : vector<16xf32>
        %add3A_680 = arith.addf %sub3A_298, %mul3A_679 : vector<16xf32>
        %swap3A_681 = arith.index_cast %scan3A_658 : i32 to index
        %swap3A_682 = arith.constant 32 : index
        %swap3A_683 = tpu.vector_load %arg5[%swap3A_681, %swap3A_682] {strides = array<i32>} : memref<256x48xf32, #tpu.memory_space<vmem>>, vector<1x16xf32>,
        %swap3A_684 = vector.shape_cast %swap3A_683 : vector<1x16xf32> to vector<16xf32>
        %swap3A_685 = vector.shape_cast %add3A_680 : vector<16xf32> to vector<1x16xf32>
        tpu.vector_store %arg5[%swap3A_681, %swap3A_682], %swap3A_685 {strides = array<i32>} : memref<256x48xf32, #tpu.memory_space<vmem>>, vector<1x16xf32>,
      }
      %scan3A_337 = arith.constant 64 : i32
      %mul3A_338 = arith.constant 9.600000e+01 : f32
      %mul3A_339 = vector.broadcast %mul3A_338 : f32 to vector<16xf32>
      %mul3A_340 = arith.mulf %mul3A_339, %mul3A_116 : vector<16xf32>
      %add3A_341 = arith.addf %sub3A_272, %mul3A_340 : vector<16xf32>
      %mul3A_342 = arith.constant 9.600000e+01 : f32
      %mul3A_343 = vector.broadcast %mul3A_342 : f32 to vector<16xf32>
      %mul3A_344 = arith.mulf %mul3A_343, %mul3A_130 : vector<16xf32>
      %add3A_345 = arith.addf %sub3A_285, %mul3A_344 : vector<16xf32>
      %mul3A_346 = arith.constant 9.600000e+01 : f32
      %mul3A_347 = vector.broadcast %mul3A_346 : f32 to vector<16xf32>
      %mul3A_348 = arith.mulf %mul3A_347, %mul3A_144 : vector<16xf32>
      %add3A_349 = arith.addf %sub3A_298, %mul3A_348 : vector<16xf32>
      %dma_start3A_350 = arith.constant 64 : i32
      %dma_start3A_351 = arith.constant 0 : i32
      %dma_start3A_352 = tpu.memref_slice %arg5[%dma_start3A_350, %dma_start3A_351] : memref<256x48xf32, #tpu.memory_space<vmem>> -> memref<64x48xf32, #tpu.memory_space<vmem>>
      %dma_start3A_353 = arith.constant 64 : i32
      %dma_start3A_354 = tpu.memref_slice %arg3[%dma_start3A_353, %mul3A_32] : memref<512x768xf32, #tpu.memory_space<hbm>> -> memref<64x48xf32, #tpu.memory_space<hbm>>
      %dma_start3A_355 = arith.constant 64 : i32
      %dma_start3A_356 = tpu.memref_slice %arg3[%dma_start3A_355, %mul3A_32] : memref<512x768xf32, #tpu.memory_space<hbm>> -> memref<64x48xf32, #tpu.memory_space<hbm>>
      %dma_start3A_357 = arith.constant 64 : i32
      %dma_start3A_358 = arith.constant 0 : i32
      %dma_start3A_359 = tpu.memref_slice %arg5[%dma_start3A_357, %dma_start3A_358] : memref<256x48xf32, #tpu.memory_space<vmem>> -> memref<64x48xf32, #tpu.memory_space<vmem>>
      tpu.enqueue_dma source(%dma_start3A_359 : memref<64x48xf32, #tpu.memory_space<vmem>>) target(%dma_start3A_356 : memref<64x48xf32, #tpu.memory_space<hbm>>) target_semaphore(%arg7 : memref<!tpu.dma_semaphore, #tpu.memory_space<semaphore_mem>>)
      %scan3A_360 = arith.constant 0 : i32
      %scan3A_361 = arith.constant 128 : i32
      %scan3A_362 = arith.constant 64 : i32
      %scan3A_363 = arith.addi %scan3A_361, %scan3A_362 : i32
      %scan3A_364 = arith.constant 8 : i32
      scf.for %scan3A_455 = %scan3A_361 to %scan3A_363 step %scan3A_364  : i32 {
        %sub3A_456 = arith.constant 31 : i32
        %sub3A_457 = arith.subi %scan3A_455, %sub3A_456 : i32
        %convert_element_type3A_458 = arith.sitofp %sub3A_457 : i32 to f32
        %mul3A_459 = vector.broadcast %convert_element_type3A_458 : f32 to vector<16xf32>
        %mul3A_460 = arith.mulf %mul3A_459, %mul3A_116 : vector<16xf32>
        %add3A_461 = arith.addf %sub3A_272, %mul3A_460 : vector<16xf32>
        %swap3A_462 = arith.index_cast %scan3A_455 : i32 to index
        %swap3A_463 = arith.constant 0 : index
        %swap3A_464 = tpu.vector_load %arg5[%swap3A_462, %swap3A_463] {strides = array<i32>} : memref<256x48xf32, #tpu.memory_space<vmem>>, vector<1x16xf32>,
        %swap3A_465 = vector.shape_cast %swap3A_464 : vector<1x16xf32> to vector<16xf32>
        %swap3A_466 = vector.shape_cast %add3A_461 : vector<16xf32> to vector<1x16xf32>
        tpu.vector_store %arg5[%swap3A_462, %swap3A_463], %swap3A_466 {strides = array<i32>} : memref<256x48xf32, #tpu.memory_space<vmem>>, vector<1x16xf32>,
        %mul3A_467 = vector.broadcast %convert_element_type3A_458 : f32 to vector<16xf32>
        %mul3A_468 = arith.mulf %mul3A_467, %mul3A_130 : vector<16xf32>
        %add3A_469 = arith.addf %sub3A_285, %mul3A_468 : vector<16xf32>
        %swap3A_470 = arith.index_cast %scan3A_455 : i32 to index
        %swap3A_471 = arith.constant 16 : index
        %swap3A_472 = tpu.vector_load %arg5[%swap3A_470, %swap3A_471] {strides = array<i32>} : memref<256x48xf32, #tpu.memory_space<vmem>>, vector<1x16xf32>,
        %swap3A_473 = vector.shape_cast %swap3A_472 : vector<1x16xf32> to vector<16xf32>
        %swap3A_474 = vector.shape_cast %add3A_469 : vector<16xf32> to vector<1x16xf32>
        tpu.vector_store %arg5[%swap3A_470, %swap3A_471], %swap3A_474 {strides = array<i32>} : memref<256x48xf32, #tpu.memory_space<vmem>>, vector<1x16xf32>,
        %mul3A_475 = vector.broadcast %convert_element_type3A_458 : f32 to vector<16xf32>
        %mul3A_476 = arith.mulf %mul3A_475, %mul3A_144 : vector<16xf32>
        %add3A_477 = arith.addf %sub3A_298, %mul3A_476 : vector<16xf32>
        %swap3A_478 = arith.index_cast %scan3A_455 : i32 to index
        %swap3A_479 = arith.constant 32 : index
        %swap3A_480 = tpu.vector_load %arg5[%swap3A_478, %swap3A_479] {strides = array<i32>} : memref<256x48xf32, #tpu.memory_space<vmem>>, vector<1x16xf32>,
        %swap3A_481 = vector.shape_cast %swap3A_480 : vector<1x16xf32> to vector<16xf32>
        %swap3A_482 = vector.shape_cast %add3A_477 : vector<16xf32> to vector<1x16xf32>
        tpu.vector_store %arg5[%swap3A_478, %swap3A_479], %swap3A_482 {strides = array<i32>} : memref<256x48xf32, #tpu.memory_space<vmem>>, vector<1x16xf32>,
        %scan3A_483 = arith.constant 1 : i32
        %scan3A_484 = arith.addi %scan3A_455, %scan3A_483 : i32
        %sub3A_485 = arith.constant 31 : i32
        %sub3A_486 = arith.subi %scan3A_484, %sub3A_485 : i32
        %convert_element_type3A_487 = arith.sitofp %sub3A_486 : i32 to f32
        %mul3A_488 = vector.broadcast %convert_element_type3A_487 : f32 to vector<16xf32>
        %mul3A_489 = arith.mulf %mul3A_488, %mul3A_116 : vector<16xf32>
        %add3A_490 = arith.addf %sub3A_272, %mul3A_489 : vector<16xf32>
        %swap3A_491 = arith.index_cast %scan3A_484 : i32 to index
        %swap3A_492 = arith.constant 0 : index
        %swap3A_493 = tpu.vector_load %arg5[%swap3A_491, %swap3A_492] {strides = array<i32>} : memref<256x48xf32, #tpu.memory_space<vmem>>, vector<1x16xf32>,
        %swap3A_494 = vector.shape_cast %swap3A_493 : vector<1x16xf32> to vector<16xf32>
        %swap3A_495 = vector.shape_cast %add3A_490 : vector<16xf32> to vector<1x16xf32>
        tpu.vector_store %arg5[%swap3A_491, %swap3A_492], %swap3A_495 {strides = array<i32>} : memref<256x48xf32, #tpu.memory_space<vmem>>, vector<1x16xf32>,
        %mul3A_496 = vector.broadcast %convert_element_type3A_487 : f32 to vector<16xf32>
        %mul3A_497 = arith.mulf %mul3A_496, %mul3A_130 : vector<16xf32>
        %add3A_498 = arith.addf %sub3A_285, %mul3A_497 : vector<16xf32>
        %swap3A_499 = arith.index_cast %scan3A_484 : i32 to index
        %swap3A_500 = arith.constant 16 : index
        %swap3A_501 = tpu.vector_load %arg5[%swap3A_499, %swap3A_500] {strides = array<i32>} : memref<256x48xf32, #tpu.memory_space<vmem>>, vector<1x16xf32>,
        %swap3A_502 = vector.shape_cast %swap3A_501 : vector<1x16xf32> to vector<16xf32>
        %swap3A_503 = vector.shape_cast %add3A_498 : vector<16xf32> to vector<1x16xf32>
        tpu.vector_store %arg5[%swap3A_499, %swap3A_500], %swap3A_503 {strides = array<i32>} : memref<256x48xf32, #tpu.memory_space<vmem>>, vector<1x16xf32>,
        %mul3A_504 = vector.broadcast %convert_element_type3A_487 : f32 to vector<16xf32>
        %mul3A_505 = arith.mulf %mul3A_504, %mul3A_144 : vector<16xf32>
        %add3A_506 = arith.addf %sub3A_298, %mul3A_505 : vector<16xf32>
        %swap3A_507 = arith.index_cast %scan3A_484 : i32 to index
        %swap3A_508 = arith.constant 32 : index
        %swap3A_509 = tpu.vector_load %arg5[%swap3A_507, %swap3A_508] {strides = array<i32>} : memref<256x48xf32, #tpu.memory_space<vmem>>, vector<1x16xf32>,
        %swap3A_510 = vector.shape_cast %swap3A_509 : vector<1x16xf32> to vector<16xf32>
        %swap3A_511 = vector.shape_cast %add3A_506 : vector<16xf32> to vector<1x16xf32>
        tpu.vector_store %arg5[%swap3A_507, %swap3A_508], %swap3A_511 {strides = array<i32>} : memref<256x48xf32, #tpu.memory_space<vmem>>, vector<1x16xf32>,
        %scan3A_512 = arith.constant 2 : i32
        %scan3A_513 = arith.addi %scan3A_455, %scan3A_512 : i32
        %sub3A_514 = arith.constant 31 : i32
        %sub3A_515 = arith.subi %scan3A_513, %sub3A_514 : i32
        %convert_element_type3A_516 = arith.sitofp %sub3A_515 : i32 to f32
        %mul3A_517 = vector.broadcast %convert_element_type3A_516 : f32 to vector<16xf32>
        %mul3A_518 = arith.mulf %mul3A_517, %mul3A_116 : vector<16xf32>
        %add3A_519 = arith.addf %sub3A_272, %mul3A_518 : vector<16xf32>
        %swap3A_520 = arith.index_cast %scan3A_513 : i32 to index
        %swap3A_521 = arith.constant 0 : index
        %swap3A_522 = tpu.vector_load %arg5[%swap3A_520, %swap3A_521] {strides = array<i32>} : memref<256x48xf32, #tpu.memory_space<vmem>>, vector<1x16xf32>,
        %swap3A_523 = vector.shape_cast %swap3A_522 : vector<1x16xf32> to vector<16xf32>
        %swap3A_524 = vector.shape_cast %add3A_519 : vector<16xf32> to vector<1x16xf32>
        tpu.vector_store %arg5[%swap3A_520, %swap3A_521], %swap3A_524 {strides = array<i32>} : memref<256x48xf32, #tpu.memory_space<vmem>>, vector<1x16xf32>,
        %mul3A_525 = vector.broadcast %convert_element_type3A_516 : f32 to vector<16xf32>
        %mul3A_526 = arith.mulf %mul3A_525, %mul3A_130 : vector<16xf32>
        %add3A_527 = arith.addf %sub3A_285, %mul3A_526 : vector<16xf32>
        %swap3A_528 = arith.index_cast %scan3A_513 : i32 to index
        %swap3A_529 = arith.constant 16 : index
        %swap3A_530 = tpu.vector_load %arg5[%swap3A_528, %swap3A_529] {strides = array<i32>} : memref<256x48xf32, #tpu.memory_space<vmem>>, vector<1x16xf32>,
        %swap3A_531 = vector.shape_cast %swap3A_530 : vector<1x16xf32> to vector<16xf32>
        %swap3A_532 = vector.shape_cast %add3A_527 : vector<16xf32> to vector<1x16xf32>
        tpu.vector_store %arg5[%swap3A_528, %swap3A_529], %swap3A_532 {strides = array<i32>} : memref<256x48xf32, #tpu.memory_space<vmem>>, vector<1x16xf32>,
        %mul3A_533 = vector.broadcast %convert_element_type3A_516 : f32 to vector<16xf32>
        %mul3A_534 = arith.mulf %mul3A_533, %mul3A_144 : vector<16xf32>
        %add3A_535 = arith.addf %sub3A_298, %mul3A_534 : vector<16xf32>
        %swap3A_536 = arith.index_cast %scan3A_513 : i32 to index
        %swap3A_537 = arith.constant 32 : index
        %swap3A_538 = tpu.vector_load %arg5[%swap3A_536, %swap3A_537] {strides = array<i32>} : memref<256x48xf32, #tpu.memory_space<vmem>>, vector<1x16xf32>,
        %swap3A_539 = vector.shape_cast %swap3A_538 : vector<1x16xf32> to vector<16xf32>
        %swap3A_540 = vector.shape_cast %add3A_535 : vector<16xf32> to vector<1x16xf32>
        tpu.vector_store %arg5[%swap3A_536, %swap3A_537], %swap3A_540 {strides = array<i32>} : memref<256x48xf32, #tpu.memory_space<vmem>>, vector<1x16xf32>,
        %scan3A_541 = arith.constant 3 : i32
        %scan3A_542 = arith.addi %scan3A_455, %scan3A_541 : i32
        %sub3A_543 = arith.constant 31 : i32
        %sub3A_544 = arith.subi %scan3A_542, %sub3A_543 : i32
        %convert_element_type3A_545 = arith.sitofp %sub3A_544 : i32 to f32
        %mul3A_546 = vector.broadcast %convert_element_type3A_545 : f32 to vector<16xf32>
        %mul3A_547 = arith.mulf %mul3A_546, %mul3A_116 : vector<16xf32>
        %add3A_548 = arith.addf %sub3A_272, %mul3A_547 : vector<16xf32>
        %swap3A_549 = arith.index_cast %scan3A_542 : i32 to index
        %swap3A_550 = arith.constant 0 : index
        %swap3A_551 = tpu.vector_load %arg5[%swap3A_549, %swap3A_550] {strides = array<i32>} : memref<256x48xf32, #tpu.memory_space<vmem>>, vector<1x16xf32>,
        %swap3A_552 = vector.shape_cast %swap3A_551 : vector<1x16xf32> to vector<16xf32>
        %swap3A_553 = vector.shape_cast %add3A_548 : vector<16xf32> to vector<1x16xf32>
        tpu.vector_store %arg5[%swap3A_549, %swap3A_550], %swap3A_553 {strides = array<i32>} : memref<256x48xf32, #tpu.memory_space<vmem>>, vector<1x16xf32>,
        %mul3A_554 = vector.broadcast %convert_element_type3A_545 : f32 to vector<16xf32>
        %mul3A_555 = arith.mulf %mul3A_554, %mul3A_130 : vector<16xf32>
        %add3A_556 = arith.addf %sub3A_285, %mul3A_555 : vector<16xf32>
        %swap3A_557 = arith.index_cast %scan3A_542 : i32 to index
        %swap3A_558 = arith.constant 16 : index
        %swap3A_559 = tpu.vector_load %arg5[%swap3A_557, %swap3A_558] {strides = array<i32>} : memref<256x48xf32, #tpu.memory_space<vmem>>, vector<1x16xf32>,
        %swap3A_560 = vector.shape_cast %swap3A_559 : vector<1x16xf32> to vector<16xf32>
        %swap3A_561 = vector.shape_cast %add3A_556 : vector<16xf32> to vector<1x16xf32>
        tpu.vector_store %arg5[%swap3A_557, %swap3A_558], %swap3A_561 {strides = array<i32>} : memref<256x48xf32, #tpu.memory_space<vmem>>, vector<1x16xf32>,
        %mul3A_562 = vector.broadcast %convert_element_type3A_545 : f32 to vector<16xf32>
        %mul3A_563 = arith.mulf %mul3A_562, %mul3A_144 : vector<16xf32>
        %add3A_564 = arith.addf %sub3A_298, %mul3A_563 : vector<16xf32>
        %swap3A_565 = arith.index_cast %scan3A_542 : i32 to index
        %swap3A_566 = arith.constant 32 : index
        %swap3A_567 = tpu.vector_load %arg5[%swap3A_565, %swap3A_566] {strides = array<i32>} : memref<256x48xf32, #tpu.memory_space<vmem>>, vector<1x16xf32>,
        %swap3A_568 = vector.shape_cast %swap3A_567 : vector<1x16xf32> to vector<16xf32>
        %swap3A_569 = vector.shape_cast %add3A_564 : vector<16xf32> to vector<1x16xf32>
        tpu.vector_store %arg5[%swap3A_565, %swap3A_566], %swap3A_569 {strides = array<i32>} : memref<256x48xf32, #tpu.memory_space<vmem>>, vector<1x16xf32>,
        %scan3A_570 = arith.constant 4 : i32
        %scan3A_571 = arith.addi %scan3A_455, %scan3A_570 : i32
        %sub3A_572 = arith.constant 31 : i32
        %sub3A_573 = arith.subi %scan3A_571, %sub3A_572 : i32
        %convert_element_type3A_574 = arith.sitofp %sub3A_573 : i32 to f32
        %mul3A_575 = vector.broadcast %convert_element_type3A_574 : f32 to vector<16xf32>
        %mul3A_576 = arith.mulf %mul3A_575, %mul3A_116 : vector<16xf32>
        %add3A_577 = arith.addf %sub3A_272, %mul3A_576 : vector<16xf32>
        %swap3A_578 = arith.index_cast %scan3A_571 : i32 to index
        %swap3A_579 = arith.constant 0 : index
        %swap3A_580 = tpu.vector_load %arg5[%swap3A_578, %swap3A_579] {strides = array<i32>} : memref<256x48xf32, #tpu.memory_space<vmem>>, vector<1x16xf32>,
        %swap3A_581 = vector.shape_cast %swap3A_580 : vector<1x16xf32> to vector<16xf32>
        %swap3A_582 = vector.shape_cast %add3A_577 : vector<16xf32> to vector<1x16xf32>
        tpu.vector_store %arg5[%swap3A_578, %swap3A_579], %swap3A_582 {strides = array<i32>} : memref<256x48xf32, #tpu.memory_space<vmem>>, vector<1x16xf32>,
        %mul3A_583 = vector.broadcast %convert_element_type3A_574 : f32 to vector<16xf32>
        %mul3A_584 = arith.mulf %mul3A_583, %mul3A_130 : vector<16xf32>
        %add3A_585 = arith.addf %sub3A_285, %mul3A_584 : vector<16xf32>
        %swap3A_586 = arith.index_cast %scan3A_571 : i32 to index
        %swap3A_587 = arith.constant 16 : index
        %swap3A_588 = tpu.vector_load %arg5[%swap3A_586, %swap3A_587] {strides = array<i32>} : memref<256x48xf32, #tpu.memory_space<vmem>>, vector<1x16xf32>,
        %swap3A_589 = vector.shape_cast %swap3A_588 : vector<1x16xf32> to vector<16xf32>
        %swap3A_590 = vector.shape_cast %add3A_585 : vector<16xf32> to vector<1x16xf32>
        tpu.vector_store %arg5[%swap3A_586, %swap3A_587], %swap3A_590 {strides = array<i32>} : memref<256x48xf32, #tpu.memory_space<vmem>>, vector<1x16xf32>,
        %mul3A_591 = vector.broadcast %convert_element_type3A_574 : f32 to vector<16xf32>
        %mul3A_592 = arith.mulf %mul3A_591, %mul3A_144 : vector<16xf32>
        %add3A_593 = arith.addf %sub3A_298, %mul3A_592 : vector<16xf32>
        %swap3A_594 = arith.index_cast %scan3A_571 : i32 to index
        %swap3A_595 = arith.constant 32 : index
        %swap3A_596 = tpu.vector_load %arg5[%swap3A_594, %swap3A_595] {strides = array<i32>} : memref<256x48xf32, #tpu.memory_space<vmem>>, vector<1x16xf32>,
        %swap3A_597 = vector.shape_cast %swap3A_596 : vector<1x16xf32> to vector<16xf32>
        %swap3A_598 = vector.shape_cast %add3A_593 : vector<16xf32> to vector<1x16xf32>
        tpu.vector_store %arg5[%swap3A_594, %swap3A_595], %swap3A_598 {strides = array<i32>} : memref<256x48xf32, #tpu.memory_space<vmem>>, vector<1x16xf32>,
        %scan3A_599 = arith.constant 5 : i32
        %scan3A_600 = arith.addi %scan3A_455, %scan3A_599 : i32
        %sub3A_601 = arith.constant 31 : i32
        %sub3A_602 = arith.subi %scan3A_600, %sub3A_601 : i32
        %convert_element_type3A_603 = arith.sitofp %sub3A_602 : i32 to f32
        %mul3A_604 = vector.broadcast %convert_element_type3A_603 : f32 to vector<16xf32>
        %mul3A_605 = arith.mulf %mul3A_604, %mul3A_116 : vector<16xf32>
        %add3A_606 = arith.addf %sub3A_272, %mul3A_605 : vector<16xf32>
        %swap3A_607 = arith.index_cast %scan3A_600 : i32 to index
        %swap3A_608 = arith.constant 0 : index
        %swap3A_609 = tpu.vector_load %arg5[%swap3A_607, %swap3A_608] {strides = array<i32>} : memref<256x48xf32, #tpu.memory_space<vmem>>, vector<1x16xf32>,
        %swap3A_610 = vector.shape_cast %swap3A_609 : vector<1x16xf32> to vector<16xf32>
        %swap3A_611 = vector.shape_cast %add3A_606 : vector<16xf32> to vector<1x16xf32>
        tpu.vector_store %arg5[%swap3A_607, %swap3A_608], %swap3A_611 {strides = array<i32>} : memref<256x48xf32, #tpu.memory_space<vmem>>, vector<1x16xf32>,
        %mul3A_612 = vector.broadcast %convert_element_type3A_603 : f32 to vector<16xf32>
        %mul3A_613 = arith.mulf %mul3A_612, %mul3A_130 : vector<16xf32>
        %add3A_614 = arith.addf %sub3A_285, %mul3A_613 : vector<16xf32>
        %swap3A_615 = arith.index_cast %scan3A_600 : i32 to index
        %swap3A_616 = arith.constant 16 : index
        %swap3A_617 = tpu.vector_load %arg5[%swap3A_615, %swap3A_616] {strides = array<i32>} : memref<256x48xf32, #tpu.memory_space<vmem>>, vector<1x16xf32>,
        %swap3A_618 = vector.shape_cast %swap3A_617 : vector<1x16xf32> to vector<16xf32>
        %swap3A_619 = vector.shape_cast %add3A_614 : vector<16xf32> to vector<1x16xf32>
        tpu.vector_store %arg5[%swap3A_615, %swap3A_616], %swap3A_619 {strides = array<i32>} : memref<256x48xf32, #tpu.memory_space<vmem>>, vector<1x16xf32>,
        %mul3A_620 = vector.broadcast %convert_element_type3A_603 : f32 to vector<16xf32>
        %mul3A_621 = arith.mulf %mul3A_620, %mul3A_144 : vector<16xf32>
        %add3A_622 = arith.addf %sub3A_298, %mul3A_621 : vector<16xf32>
        %swap3A_623 = arith.index_cast %scan3A_600 : i32 to index
        %swap3A_624 = arith.constant 32 : index
        %swap3A_625 = tpu.vector_load %arg5[%swap3A_623, %swap3A_624] {strides = array<i32>} : memref<256x48xf32, #tpu.memory_space<vmem>>, vector<1x16xf32>,
        %swap3A_626 = vector.shape_cast %swap3A_625 : vector<1x16xf32> to vector<16xf32>
        %swap3A_627 = vector.shape_cast %add3A_622 : vector<16xf32> to vector<1x16xf32>
        tpu.vector_store %arg5[%swap3A_623, %swap3A_624], %swap3A_627 {strides = array<i32>} : memref<256x48xf32, #tpu.memory_space<vmem>>, vector<1x16xf32>,
        %scan3A_628 = arith.constant 6 : i32
        %scan3A_629 = arith.addi %scan3A_455, %scan3A_628 : i32
        %sub3A_630 = arith.constant 31 : i32
        %sub3A_631 = arith.subi %scan3A_629, %sub3A_630 : i32
        %convert_element_type3A_632 = arith.sitofp %sub3A_631 : i32 to f32
        %mul3A_633 = vector.broadcast %convert_element_type3A_632 : f32 to vector<16xf32>
        %mul3A_634 = arith.mulf %mul3A_633, %mul3A_116 : vector<16xf32>
        %add3A_635 = arith.addf %sub3A_272, %mul3A_634 : vector<16xf32>
        %swap3A_636 = arith.index_cast %scan3A_629 : i32 to index
        %swap3A_637 = arith.constant 0 : index
        %swap3A_638 = tpu.vector_load %arg5[%swap3A_636, %swap3A_637] {strides = array<i32>} : memref<256x48xf32, #tpu.memory_space<vmem>>, vector<1x16xf32>,
        %swap3A_639 = vector.shape_cast %swap3A_638 : vector<1x16xf32> to vector<16xf32>
        %swap3A_640 = vector.shape_cast %add3A_635 : vector<16xf32> to vector<1x16xf32>
        tpu.vector_store %arg5[%swap3A_636, %swap3A_637], %swap3A_640 {strides = array<i32>} : memref<256x48xf32, #tpu.memory_space<vmem>>, vector<1x16xf32>,
        %mul3A_641 = vector.broadcast %convert_element_type3A_632 : f32 to vector<16xf32>
        %mul3A_642 = arith.mulf %mul3A_641, %mul3A_130 : vector<16xf32>
        %add3A_643 = arith.addf %sub3A_285, %mul3A_642 : vector<16xf32>
        %swap3A_644 = arith.index_cast %scan3A_629 : i32 to index
        %swap3A_645 = arith.constant 16 : index
        %swap3A_646 = tpu.vector_load %arg5[%swap3A_644, %swap3A_645] {strides = array<i32>} : memref<256x48xf32, #tpu.memory_space<vmem>>, vector<1x16xf32>,
        %swap3A_647 = vector.shape_cast %swap3A_646 : vector<1x16xf32> to vector<16xf32>
        %swap3A_648 = vector.shape_cast %add3A_643 : vector<16xf32> to vector<1x16xf32>
        tpu.vector_store %arg5[%swap3A_644, %swap3A_645], %swap3A_648 {strides = array<i32>} : memref<256x48xf32, #tpu.memory_space<vmem>>, vector<1x16xf32>,
        %mul3A_649 = vector.broadcast %convert_element_type3A_632 : f32 to vector<16xf32>
        %mul3A_650 = arith.mulf %mul3A_649, %mul3A_144 : vector<16xf32>
        %add3A_651 = arith.addf %sub3A_298, %mul3A_650 : vector<16xf32>
        %swap3A_652 = arith.index_cast %scan3A_629 : i32 to index
        %swap3A_653 = arith.constant 32 : index
        %swap3A_654 = tpu.vector_load %arg5[%swap3A_652, %swap3A_653] {strides = array<i32>} : memref<256x48xf32, #tpu.memory_space<vmem>>, vector<1x16xf32>,
        %swap3A_655 = vector.shape_cast %swap3A_654 : vector<1x16xf32> to vector<16xf32>
        %swap3A_656 = vector.shape_cast %add3A_651 : vector<16xf32> to vector<1x16xf32>
        tpu.vector_store %arg5[%swap3A_652, %swap3A_653], %swap3A_656 {strides = array<i32>} : memref<256x48xf32, #tpu.memory_space<vmem>>, vector<1x16xf32>,
        %scan3A_657 = arith.constant 7 : i32
        %scan3A_658 = arith.addi %scan3A_455, %scan3A_657 : i32
        %sub3A_659 = arith.constant 31 : i32
        %sub3A_660 = arith.subi %scan3A_658, %sub3A_659 : i32
        %convert_element_type3A_661 = arith.sitofp %sub3A_660 : i32 to f32
        %mul3A_662 = vector.broadcast %convert_element_type3A_661 : f32 to vector<16xf32>
        %mul3A_663 = arith.mulf %mul3A_662, %mul3A_116 : vector<16xf32>
        %add3A_664 = arith.addf %sub3A_272, %mul3A_663 : vector<16xf32>
        %swap3A_665 = arith.index_cast %scan3A_658 : i32 to index
        %swap3A_666 = arith.constant 0 : index
        %swap3A_667 = tpu.vector_load %arg5[%swap3A_665, %swap3A_666] {strides = array<i32>} : memref<256x48xf32, #tpu.memory_space<vmem>>, vector<1x16xf32>,
        %swap3A_668 = vector.shape_cast %swap3A_667 : vector<1x16xf32> to vector<16xf32>
        %swap3A_669 = vector.shape_cast %add3A_664 : vector<16xf32> to vector<1x16xf32>
        tpu.vector_store %arg5[%swap3A_665, %swap3A_666], %swap3A_669 {strides = array<i32>} : memref<256x48xf32, #tpu.memory_space<vmem>>, vector<1x16xf32>,
        %mul3A_670 = vector.broadcast %convert_element_type3A_661 : f32 to vector<16xf32>
        %mul3A_671 = arith.mulf %mul3A_670, %mul3A_130 : vector<16xf32>
        %add3A_672 = arith.addf %sub3A_285, %mul3A_671 : vector<16xf32>
        %swap3A_673 = arith.index_cast %scan3A_658 : i32 to index
        %swap3A_674 = arith.constant 16 : index
        %swap3A_675 = tpu.vector_load %arg5[%swap3A_673, %swap3A_674] {strides = array<i32>} : memref<256x48xf32, #tpu.memory_space<vmem>>, vector<1x16xf32>,
        %swap3A_676 = vector.shape_cast %swap3A_675 : vector<1x16xf32> to vector<16xf32>
        %swap3A_677 = vector.shape_cast %add3A_672 : vector<16xf32> to vector<1x16xf32>
        tpu.vector_store %arg5[%swap3A_673, %swap3A_674], %swap3A_677 {strides = array<i32>} : memref<256x48xf32, #tpu.memory_space<vmem>>, vector<1x16xf32>,
        %mul3A_678 = vector.broadcast %convert_element_type3A_661 : f32 to vector<16xf32>
        %mul3A_679 = arith.mulf %mul3A_678, %mul3A_144 : vector<16xf32>
        %add3A_680 = arith.addf %sub3A_298, %mul3A_679 : vector<16xf32>
        %swap3A_681 = arith.index_cast %scan3A_658 : i32 to index
        %swap3A_682 = arith.constant 32 : index
        %swap3A_683 = tpu.vector_load %arg5[%swap3A_681, %swap3A_682] {strides = array<i32>} : memref<256x48xf32, #tpu.memory_space<vmem>>, vector<1x16xf32>,
        %swap3A_684 = vector.shape_cast %swap3A_683 : vector<1x16xf32> to vector<16xf32>
        %swap3A_685 = vector.shape_cast %add3A_680 : vector<16xf32> to vector<1x16xf32>
        tpu.vector_store %arg5[%swap3A_681, %swap3A_682], %swap3A_685 {strides = array<i32>} : memref<256x48xf32, #tpu.memory_space<vmem>>, vector<1x16xf32>,
      }
      %scan3A_365 = arith.constant 64 : i32
      %mul3A_366 = arith.constant 1.600000e+02 : f32
      %mul3A_367 = vector.broadcast %mul3A_366 : f32 to vector<16xf32>
      %mul3A_368 = arith.mulf %mul3A_367, %mul3A_116 : vector<16xf32>
      %add3A_369 = arith.addf %sub3A_272, %mul3A_368 : vector<16xf32>
      %mul3A_370 = arith.constant 1.600000e+02 : f32
      %mul3A_371 = vector.broadcast %mul3A_370 : f32 to vector<16xf32>
      %mul3A_372 = arith.mulf %mul3A_371, %mul3A_130 : vector<16xf32>
      %add3A_373 = arith.addf %sub3A_285, %mul3A_372 : vector<16xf32>
      %mul3A_374 = arith.constant 1.600000e+02 : f32
      %mul3A_375 = vector.broadcast %mul3A_374 : f32 to vector<16xf32>
      %mul3A_376 = arith.mulf %mul3A_375, %mul3A_144 : vector<16xf32>
      %add3A_377 = arith.addf %sub3A_298, %mul3A_376 : vector<16xf32>
      %dma_start3A_378 = arith.constant 128 : i32
      %dma_start3A_379 = arith.constant 0 : i32
      %dma_start3A_380 = tpu.memref_slice %arg5[%dma_start3A_378, %dma_start3A_379] : memref<256x48xf32, #tpu.memory_space<vmem>> -> memref<64x48xf32, #tpu.memory_space<vmem>>
      %dma_start3A_381 = arith.constant 128 : i32
      %dma_start3A_382 = tpu.memref_slice %arg3[%dma_start3A_381, %mul3A_32] : memref<512x768xf32, #tpu.memory_space<hbm>> -> memref<64x48xf32, #tpu.memory_space<hbm>>
      %dma_start3A_383 = arith.constant 128 : i32
      %dma_start3A_384 = tpu.memref_slice %arg3[%dma_start3A_383, %mul3A_32] : memref<512x768xf32, #tpu.memory_space<hbm>> -> memref<64x48xf32, #tpu.memory_space<hbm>>
      %dma_start3A_385 = arith.constant 128 : i32
      %dma_start3A_386 = arith.constant 0 : i32
      %dma_start3A_387 = tpu.memref_slice %arg5[%dma_start3A_385, %dma_start3A_386] : memref<256x48xf32, #tpu.memory_space<vmem>> -> memref<64x48xf32, #tpu.memory_space<vmem>>
      tpu.enqueue_dma source(%dma_start3A_387 : memref<64x48xf32, #tpu.memory_space<vmem>>) target(%dma_start3A_384 : memref<64x48xf32, #tpu.memory_space<hbm>>) target_semaphore(%arg8 : memref<!tpu.dma_semaphore, #tpu.memory_space<semaphore_mem>>)
      %scan3A_388 = arith.constant 0 : i32
      %scan3A_389 = arith.constant 192 : i32
      %scan3A_390 = arith.constant 64 : i32
      %scan3A_391 = arith.addi %scan3A_389, %scan3A_390 : i32
      %scan3A_392 = arith.constant 8 : i32
      scf.for %scan3A_455 = %scan3A_389 to %scan3A_391 step %scan3A_392  : i32 {
        %sub3A_456 = arith.constant 31 : i32
        %sub3A_457 = arith.subi %scan3A_455, %sub3A_456 : i32
        %convert_element_type3A_458 = arith.sitofp %sub3A_457 : i32 to f32
        %mul3A_459 = vector.broadcast %convert_element_type3A_458 : f32 to vector<16xf32>
        %mul3A_460 = arith.mulf %mul3A_459, %mul3A_116 : vector<16xf32>
        %add3A_461 = arith.addf %sub3A_272, %mul3A_460 : vector<16xf32>
        %swap3A_462 = arith.index_cast %scan3A_455 : i32 to index
        %swap3A_463 = arith.constant 0 : index
        %swap3A_464 = tpu.vector_load %arg5[%swap3A_462, %swap3A_463] {strides = array<i32>} : memref<256x48xf32, #tpu.memory_space<vmem>>, vector<1x16xf32>,
        %swap3A_465 = vector.shape_cast %swap3A_464 : vector<1x16xf32> to vector<16xf32>
        %swap3A_466 = vector.shape_cast %add3A_461 : vector<16xf32> to vector<1x16xf32>
        tpu.vector_store %arg5[%swap3A_462, %swap3A_463], %swap3A_466 {strides = array<i32>} : memref<256x48xf32, #tpu.memory_space<vmem>>, vector<1x16xf32>,
        %mul3A_467 = vector.broadcast %convert_element_type3A_458 : f32 to vector<16xf32>
        %mul3A_468 = arith.mulf %mul3A_467, %mul3A_130 : vector<16xf32>
        %add3A_469 = arith.addf %sub3A_285, %mul3A_468 : vector<16xf32>
        %swap3A_470 = arith.index_cast %scan3A_455 : i32 to index
        %swap3A_471 = arith.constant 16 : index
        %swap3A_472 = tpu.vector_load %arg5[%swap3A_470, %swap3A_471] {strides = array<i32>} : memref<256x48xf32, #tpu.memory_space<vmem>>, vector<1x16xf32>,
        %swap3A_473 = vector.shape_cast %swap3A_472 : vector<1x16xf32> to vector<16xf32>
        %swap3A_474 = vector.shape_cast %add3A_469 : vector<16xf32> to vector<1x16xf32>
        tpu.vector_store %arg5[%swap3A_470, %swap3A_471], %swap3A_474 {strides = array<i32>} : memref<256x48xf32, #tpu.memory_space<vmem>>, vector<1x16xf32>,
        %mul3A_475 = vector.broadcast %convert_element_type3A_458 : f32 to vector<16xf32>
        %mul3A_476 = arith.mulf %mul3A_475, %mul3A_144 : vector<16xf32>
        %add3A_477 = arith.addf %sub3A_298, %mul3A_476 : vector<16xf32>
        %swap3A_478 = arith.index_cast %scan3A_455 : i32 to index
        %swap3A_479 = arith.constant 32 : index
        %swap3A_480 = tpu.vector_load %arg5[%swap3A_478, %swap3A_479] {strides = array<i32>} : memref<256x48xf32, #tpu.memory_space<vmem>>, vector<1x16xf32>,
        %swap3A_481 = vector.shape_cast %swap3A_480 : vector<1x16xf32> to vector<16xf32>
        %swap3A_482 = vector.shape_cast %add3A_477 : vector<16xf32> to vector<1x16xf32>
        tpu.vector_store %arg5[%swap3A_478, %swap3A_479], %swap3A_482 {strides = array<i32>} : memref<256x48xf32, #tpu.memory_space<vmem>>, vector<1x16xf32>,
        %scan3A_483 = arith.constant 1 : i32
        %scan3A_484 = arith.addi %scan3A_455, %scan3A_483 : i32
        %sub3A_485 = arith.constant 31 : i32
        %sub3A_486 = arith.subi %scan3A_484, %sub3A_485 : i32
        %convert_element_type3A_487 = arith.sitofp %sub3A_486 : i32 to f32
        %mul3A_488 = vector.broadcast %convert_element_type3A_487 : f32 to vector<16xf32>
        %mul3A_489 = arith.mulf %mul3A_488, %mul3A_116 : vector<16xf32>
        %add3A_490 = arith.addf %sub3A_272, %mul3A_489 : vector<16xf32>
        %swap3A_491 = arith.index_cast %scan3A_484 : i32 to index
        %swap3A_492 = arith.constant 0 : index
        %swap3A_493 = tpu.vector_load %arg5[%swap3A_491, %swap3A_492] {strides = array<i32>} : memref<256x48xf32, #tpu.memory_space<vmem>>, vector<1x16xf32>,
        %swap3A_494 = vector.shape_cast %swap3A_493 : vector<1x16xf32> to vector<16xf32>
        %swap3A_495 = vector.shape_cast %add3A_490 : vector<16xf32> to vector<1x16xf32>
        tpu.vector_store %arg5[%swap3A_491, %swap3A_492], %swap3A_495 {strides = array<i32>} : memref<256x48xf32, #tpu.memory_space<vmem>>, vector<1x16xf32>,
        %mul3A_496 = vector.broadcast %convert_element_type3A_487 : f32 to vector<16xf32>
        %mul3A_497 = arith.mulf %mul3A_496, %mul3A_130 : vector<16xf32>
        %add3A_498 = arith.addf %sub3A_285, %mul3A_497 : vector<16xf32>
        %swap3A_499 = arith.index_cast %scan3A_484 : i32 to index
        %swap3A_500 = arith.constant 16 : index
        %swap3A_501 = tpu.vector_load %arg5[%swap3A_499, %swap3A_500] {strides = array<i32>} : memref<256x48xf32, #tpu.memory_space<vmem>>, vector<1x16xf32>,
        %swap3A_502 = vector.shape_cast %swap3A_501 : vector<1x16xf32> to vector<16xf32>
        %swap3A_503 = vector.shape_cast %add3A_498 : vector<16xf32> to vector<1x16xf32>
        tpu.vector_store %arg5[%swap3A_499, %swap3A_500], %swap3A_503 {strides = array<i32>} : memref<256x48xf32, #tpu.memory_space<vmem>>, vector<1x16xf32>,
        %mul3A_504 = vector.broadcast %convert_element_type3A_487 : f32 to vector<16xf32>
        %mul3A_505 = arith.mulf %mul3A_504, %mul3A_144 : vector<16xf32>
        %add3A_506 = arith.addf %sub3A_298, %mul3A_505 : vector<16xf32>
        %swap3A_507 = arith.index_cast %scan3A_484 : i32 to index
        %swap3A_508 = arith.constant 32 : index
        %swap3A_509 = tpu.vector_load %arg5[%swap3A_507, %swap3A_508] {strides = array<i32>} : memref<256x48xf32, #tpu.memory_space<vmem>>, vector<1x16xf32>,
        %swap3A_510 = vector.shape_cast %swap3A_509 : vector<1x16xf32> to vector<16xf32>
        %swap3A_511 = vector.shape_cast %add3A_506 : vector<16xf32> to vector<1x16xf32>
        tpu.vector_store %arg5[%swap3A_507, %swap3A_508], %swap3A_511 {strides = array<i32>} : memref<256x48xf32, #tpu.memory_space<vmem>>, vector<1x16xf32>,
        %scan3A_512 = arith.constant 2 : i32
        %scan3A_513 = arith.addi %scan3A_455, %scan3A_512 : i32
        %sub3A_514 = arith.constant 31 : i32
        %sub3A_515 = arith.subi %scan3A_513, %sub3A_514 : i32
        %convert_element_type3A_516 = arith.sitofp %sub3A_515 : i32 to f32
        %mul3A_517 = vector.broadcast %convert_element_type3A_516 : f32 to vector<16xf32>
        %mul3A_518 = arith.mulf %mul3A_517, %mul3A_116 : vector<16xf32>
        %add3A_519 = arith.addf %sub3A_272, %mul3A_518 : vector<16xf32>
        %swap3A_520 = arith.index_cast %scan3A_513 : i32 to index
        %swap3A_521 = arith.constant 0 : index
        %swap3A_522 = tpu.vector_load %arg5[%swap3A_520, %swap3A_521] {strides = array<i32>} : memref<256x48xf32, #tpu.memory_space<vmem>>, vector<1x16xf32>,
        %swap3A_523 = vector.shape_cast %swap3A_522 : vector<1x16xf32> to vector<16xf32>
        %swap3A_524 = vector.shape_cast %add3A_519 : vector<16xf32> to vector<1x16xf32>
        tpu.vector_store %arg5[%swap3A_520, %swap3A_521], %swap3A_524 {strides = array<i32>} : memref<256x48xf32, #tpu.memory_space<vmem>>, vector<1x16xf32>,
        %mul3A_525 = vector.broadcast %convert_element_type3A_516 : f32 to vector<16xf32>
        %mul3A_526 = arith.mulf %mul3A_525, %mul3A_130 : vector<16xf32>
        %add3A_527 = arith.addf %sub3A_285, %mul3A_526 : vector<16xf32>
        %swap3A_528 = arith.index_cast %scan3A_513 : i32 to index
        %swap3A_529 = arith.constant 16 : index
        %swap3A_530 = tpu.vector_load %arg5[%swap3A_528, %swap3A_529] {strides = array<i32>} : memref<256x48xf32, #tpu.memory_space<vmem>>, vector<1x16xf32>,
        %swap3A_531 = vector.shape_cast %swap3A_530 : vector<1x16xf32> to vector<16xf32>
        %swap3A_532 = vector.shape_cast %add3A_527 : vector<16xf32> to vector<1x16xf32>
        tpu.vector_store %arg5[%swap3A_528, %swap3A_529], %swap3A_532 {strides = array<i32>} : memref<256x48xf32, #tpu.memory_space<vmem>>, vector<1x16xf32>,
        %mul3A_533 = vector.broadcast %convert_element_type3A_516 : f32 to vector<16xf32>
        %mul3A_534 = arith.mulf %mul3A_533, %mul3A_144 : vector<16xf32>
        %add3A_535 = arith.addf %sub3A_298, %mul3A_534 : vector<16xf32>
        %swap3A_536 = arith.index_cast %scan3A_513 : i32 to index
        %swap3A_537 = arith.constant 32 : index
        %swap3A_538 = tpu.vector_load %arg5[%swap3A_536, %swap3A_537] {strides = array<i32>} : memref<256x48xf32, #tpu.memory_space<vmem>>, vector<1x16xf32>,
        %swap3A_539 = vector.shape_cast %swap3A_538 : vector<1x16xf32> to vector<16xf32>
        %swap3A_540 = vector.shape_cast %add3A_535 : vector<16xf32> to vector<1x16xf32>
        tpu.vector_store %arg5[%swap3A_536, %swap3A_537], %swap3A_540 {strides = array<i32>} : memref<256x48xf32, #tpu.memory_space<vmem>>, vector<1x16xf32>,
        %scan3A_541 = arith.constant 3 : i32
        %scan3A_542 = arith.addi %scan3A_455, %scan3A_541 : i32
        %sub3A_543 = arith.constant 31 : i32
        %sub3A_544 = arith.subi %scan3A_542, %sub3A_543 : i32
        %convert_element_type3A_545 = arith.sitofp %sub3A_544 : i32 to f32
        %mul3A_546 = vector.broadcast %convert_element_type3A_545 : f32 to vector<16xf32>
        %mul3A_547 = arith.mulf %mul3A_546, %mul3A_116 : vector<16xf32>
        %add3A_548 = arith.addf %sub3A_272, %mul3A_547 : vector<16xf32>
        %swap3A_549 = arith.index_cast %scan3A_542 : i32 to index
        %swap3A_550 = arith.constant 0 : index
        %swap3A_551 = tpu.vector_load %arg5[%swap3A_549, %swap3A_550] {strides = array<i32>} : memref<256x48xf32, #tpu.memory_space<vmem>>, vector<1x16xf32>,
        %swap3A_552 = vector.shape_cast %swap3A_551 : vector<1x16xf32> to vector<16xf32>
        %swap3A_553 = vector.shape_cast %add3A_548 : vector<16xf32> to vector<1x16xf32>
        tpu.vector_store %arg5[%swap3A_549, %swap3A_550], %swap3A_553 {strides = array<i32>} : memref<256x48xf32, #tpu.memory_space<vmem>>, vector<1x16xf32>,
        %mul3A_554 = vector.broadcast %convert_element_type3A_545 : f32 to vector<16xf32>
        %mul3A_555 = arith.mulf %mul3A_554, %mul3A_130 : vector<16xf32>
        %add3A_556 = arith.addf %sub3A_285, %mul3A_555 : vector<16xf32>
        %swap3A_557 = arith.index_cast %scan3A_542 : i32 to index
        %swap3A_558 = arith.constant 16 : index
        %swap3A_559 = tpu.vector_load %arg5[%swap3A_557, %swap3A_558] {strides = array<i32>} : memref<256x48xf32, #tpu.memory_space<vmem>>, vector<1x16xf32>,
        %swap3A_560 = vector.shape_cast %swap3A_559 : vector<1x16xf32> to vector<16xf32>
        %swap3A_561 = vector.shape_cast %add3A_556 : vector<16xf32> to vector<1x16xf32>
        tpu.vector_store %arg5[%swap3A_557, %swap3A_558], %swap3A_561 {strides = array<i32>} : memref<256x48xf32, #tpu.memory_space<vmem>>, vector<1x16xf32>,
        %mul3A_562 = vector.broadcast %convert_element_type3A_545 : f32 to vector<16xf32>
        %mul3A_563 = arith.mulf %mul3A_562, %mul3A_144 : vector<16xf32>
        %add3A_564 = arith.addf %sub3A_298, %mul3A_563 : vector<16xf32>
        %swap3A_565 = arith.index_cast %scan3A_542 : i32 to index
        %swap3A_566 = arith.constant 32 : index
        %swap3A_567 = tpu.vector_load %arg5[%swap3A_565, %swap3A_566] {strides = array<i32>} : memref<256x48xf32, #tpu.memory_space<vmem>>, vector<1x16xf32>,
        %swap3A_568 = vector.shape_cast %swap3A_567 : vector<1x16xf32> to vector<16xf32>
        %swap3A_569 = vector.shape_cast %add3A_564 : vector<16xf32> to vector<1x16xf32>
        tpu.vector_store %arg5[%swap3A_565, %swap3A_566], %swap3A_569 {strides = array<i32>} : memref<256x48xf32, #tpu.memory_space<vmem>>, vector<1x16xf32>,
        %scan3A_570 = arith.constant 4 : i32
        %scan3A_571 = arith.addi %scan3A_455, %scan3A_570 : i32
        %sub3A_572 = arith.constant 31 : i32
        %sub3A_573 = arith.subi %scan3A_571, %sub3A_572 : i32
        %convert_element_type3A_574 = arith.sitofp %sub3A_573 : i32 to f32
        %mul3A_575 = vector.broadcast %convert_element_type3A_574 : f32 to vector<16xf32>
        %mul3A_576 = arith.mulf %mul3A_575, %mul3A_116 : vector<16xf32>
        %add3A_577 = arith.addf %sub3A_272, %mul3A_576 : vector<16xf32>
        %swap3A_578 = arith.index_cast %scan3A_571 : i32 to index
        %swap3A_579 = arith.constant 0 : index
        %swap3A_580 = tpu.vector_load %arg5[%swap3A_578, %swap3A_579] {strides = array<i32>} : memref<256x48xf32, #tpu.memory_space<vmem>>, vector<1x16xf32>,
        %swap3A_581 = vector.shape_cast %swap3A_580 : vector<1x16xf32> to vector<16xf32>
        %swap3A_582 = vector.shape_cast %add3A_577 : vector<16xf32> to vector<1x16xf32>
        tpu.vector_store %arg5[%swap3A_578, %swap3A_579], %swap3A_582 {strides = array<i32>} : memref<256x48xf32, #tpu.memory_space<vmem>>, vector<1x16xf32>,
        %mul3A_583 = vector.broadcast %convert_element_type3A_574 : f32 to vector<16xf32>
        %mul3A_584 = arith.mulf %mul3A_583, %mul3A_130 : vector<16xf32>
        %add3A_585 = arith.addf %sub3A_285, %mul3A_584 : vector<16xf32>
        %swap3A_586 = arith.index_cast %scan3A_571 : i32 to index
        %swap3A_587 = arith.constant 16 : index
        %swap3A_588 = tpu.vector_load %arg5[%swap3A_586, %swap3A_587] {strides = array<i32>} : memref<256x48xf32, #tpu.memory_space<vmem>>, vector<1x16xf32>,
        %swap3A_589 = vector.shape_cast %swap3A_588 : vector<1x16xf32> to vector<16xf32>
        %swap3A_590 = vector.shape_cast %add3A_585 : vector<16xf32> to vector<1x16xf32>
        tpu.vector_store %arg5[%swap3A_586, %swap3A_587], %swap3A_590 {strides = array<i32>} : memref<256x48xf32, #tpu.memory_space<vmem>>, vector<1x16xf32>,
        %mul3A_591 = vector.broadcast %convert_element_type3A_574 : f32 to vector<16xf32>
        %mul3A_592 = arith.mulf %mul3A_591, %mul3A_144 : vector<16xf32>
        %add3A_593 = arith.addf %sub3A_298, %mul3A_592 : vector<16xf32>
        %swap3A_594 = arith.index_cast %scan3A_571 : i32 to index
        %swap3A_595 = arith.constant 32 : index
        %swap3A_596 = tpu.vector_load %arg5[%swap3A_594, %swap3A_595] {strides = array<i32>} : memref<256x48xf32, #tpu.memory_space<vmem>>, vector<1x16xf32>,
        %swap3A_597 = vector.shape_cast %swap3A_596 : vector<1x16xf32> to vector<16xf32>
        %swap3A_598 = vector.shape_cast %add3A_593 : vector<16xf32> to vector<1x16xf32>
        tpu.vector_store %arg5[%swap3A_594, %swap3A_595], %swap3A_598 {strides = array<i32>} : memref<256x48xf32, #tpu.memory_space<vmem>>, vector<1x16xf32>,
        %scan3A_599 = arith.constant 5 : i32
        %scan3A_600 = arith.addi %scan3A_455, %scan3A_599 : i32
        %sub3A_601 = arith.constant 31 : i32
        %sub3A_602 = arith.subi %scan3A_600, %sub3A_601 : i32
        %convert_element_type3A_603 = arith.sitofp %sub3A_602 : i32 to f32
        %mul3A_604 = vector.broadcast %convert_element_type3A_603 : f32 to vector<16xf32>
        %mul3A_605 = arith.mulf %mul3A_604, %mul3A_116 : vector<16xf32>
        %add3A_606 = arith.addf %sub3A_272, %mul3A_605 : vector<16xf32>
        %swap3A_607 = arith.index_cast %scan3A_600 : i32 to index
        %swap3A_608 = arith.constant 0 : index
        %swap3A_609 = tpu.vector_load %arg5[%swap3A_607, %swap3A_608] {strides = array<i32>} : memref<256x48xf32, #tpu.memory_space<vmem>>, vector<1x16xf32>,
        %swap3A_610 = vector.shape_cast %swap3A_609 : vector<1x16xf32> to vector<16xf32>
        %swap3A_611 = vector.shape_cast %add3A_606 : vector<16xf32> to vector<1x16xf32>
        tpu.vector_store %arg5[%swap3A_607, %swap3A_608], %swap3A_611 {strides = array<i32>} : memref<256x48xf32, #tpu.memory_space<vmem>>, vector<1x16xf32>,
        %mul3A_612 = vector.broadcast %convert_element_type3A_603 : f32 to vector<16xf32>
        %mul3A_613 = arith.mulf %mul3A_612, %mul3A_130 : vector<16xf32>
        %add3A_614 = arith.addf %sub3A_285, %mul3A_613 : vector<16xf32>
        %swap3A_615 = arith.index_cast %scan3A_600 : i32 to index
        %swap3A_616 = arith.constant 16 : index
        %swap3A_617 = tpu.vector_load %arg5[%swap3A_615, %swap3A_616] {strides = array<i32>} : memref<256x48xf32, #tpu.memory_space<vmem>>, vector<1x16xf32>,
        %swap3A_618 = vector.shape_cast %swap3A_617 : vector<1x16xf32> to vector<16xf32>
        %swap3A_619 = vector.shape_cast %add3A_614 : vector<16xf32> to vector<1x16xf32>
        tpu.vector_store %arg5[%swap3A_615, %swap3A_616], %swap3A_619 {strides = array<i32>} : memref<256x48xf32, #tpu.memory_space<vmem>>, vector<1x16xf32>,
        %mul3A_620 = vector.broadcast %convert_element_type3A_603 : f32 to vector<16xf32>
        %mul3A_621 = arith.mulf %mul3A_620, %mul3A_144 : vector<16xf32>
        %add3A_622 = arith.addf %sub3A_298, %mul3A_621 : vector<16xf32>
        %swap3A_623 = arith.index_cast %scan3A_600 : i32 to index
        %swap3A_624 = arith.constant 32 : index
        %swap3A_625 = tpu.vector_load %arg5[%swap3A_623, %swap3A_624] {strides = array<i32>} : memref<256x48xf32, #tpu.memory_space<vmem>>, vector<1x16xf32>,
        %swap3A_626 = vector.shape_cast %swap3A_625 : vector<1x16xf32> to vector<16xf32>
        %swap3A_627 = vector.shape_cast %add3A_622 : vector<16xf32> to vector<1x16xf32>
        tpu.vector_store %arg5[%swap3A_623, %swap3A_624], %swap3A_627 {strides = array<i32>} : memref<256x48xf32, #tpu.memory_space<vmem>>, vector<1x16xf32>,
        %scan3A_628 = arith.constant 6 : i32
        %scan3A_629 = arith.addi %scan3A_455, %scan3A_628 : i32
        %sub3A_630 = arith.constant 31 : i32
        %sub3A_631 = arith.subi %scan3A_629, %sub3A_630 : i32
        %convert_element_type3A_632 = arith.sitofp %sub3A_631 : i32 to f32
        %mul3A_633 = vector.broadcast %convert_element_type3A_632 : f32 to vector<16xf32>
        %mul3A_634 = arith.mulf %mul3A_633, %mul3A_116 : vector<16xf32>
        %add3A_635 = arith.addf %sub3A_272, %mul3A_634 : vector<16xf32>
        %swap3A_636 = arith.index_cast %scan3A_629 : i32 to index
        %swap3A_637 = arith.constant 0 : index
        %swap3A_638 = tpu.vector_load %arg5[%swap3A_636, %swap3A_637] {strides = array<i32>} : memref<256x48xf32, #tpu.memory_space<vmem>>, vector<1x16xf32>,
        %swap3A_639 = vector.shape_cast %swap3A_638 : vector<1x16xf32> to vector<16xf32>
        %swap3A_640 = vector.shape_cast %add3A_635 : vector<16xf32> to vector<1x16xf32>
        tpu.vector_store %arg5[%swap3A_636, %swap3A_637], %swap3A_640 {strides = array<i32>} : memref<256x48xf32, #tpu.memory_space<vmem>>, vector<1x16xf32>,
        %mul3A_641 = vector.broadcast %convert_element_type3A_632 : f32 to vector<16xf32>
        %mul3A_642 = arith.mulf %mul3A_641, %mul3A_130 : vector<16xf32>
        %add3A_643 = arith.addf %sub3A_285, %mul3A_642 : vector<16xf32>
        %swap3A_644 = arith.index_cast %scan3A_629 : i32 to index
        %swap3A_645 = arith.constant 16 : index
        %swap3A_646 = tpu.vector_load %arg5[%swap3A_644, %swap3A_645] {strides = array<i32>} : memref<256x48xf32, #tpu.memory_space<vmem>>, vector<1x16xf32>,
        %swap3A_647 = vector.shape_cast %swap3A_646 : vector<1x16xf32> to vector<16xf32>
        %swap3A_648 = vector.shape_cast %add3A_643 : vector<16xf32> to vector<1x16xf32>
        tpu.vector_store %arg5[%swap3A_644, %swap3A_645], %swap3A_648 {strides = array<i32>} : memref<256x48xf32, #tpu.memory_space<vmem>>, vector<1x16xf32>,
        %mul3A_649 = vector.broadcast %convert_element_type3A_632 : f32 to vector<16xf32>
        %mul3A_650 = arith.mulf %mul3A_649, %mul3A_144 : vector<16xf32>
        %add3A_651 = arith.addf %sub3A_298, %mul3A_650 : vector<16xf32>
        %swap3A_652 = arith.index_cast %scan3A_629 : i32 to index
        %swap3A_653 = arith.constant 32 : index
        %swap3A_654 = tpu.vector_load %arg5[%swap3A_652, %swap3A_653] {strides = array<i32>} : memref<256x48xf32, #tpu.memory_space<vmem>>, vector<1x16xf32>,
        %swap3A_655 = vector.shape_cast %swap3A_654 : vector<1x16xf32> to vector<16xf32>
        %swap3A_656 = vector.shape_cast %add3A_651 : vector<16xf32> to vector<1x16xf32>
        tpu.vector_store %arg5[%swap3A_652, %swap3A_653], %swap3A_656 {strides = array<i32>} : memref<256x48xf32, #tpu.memory_space<vmem>>, vector<1x16xf32>,
        %scan3A_657 = arith.constant 7 : i32
        %scan3A_658 = arith.addi %scan3A_455, %scan3A_657 : i32
        %sub3A_659 = arith.constant 31 : i32
        %sub3A_660 = arith.subi %scan3A_658, %sub3A_659 : i32
        %convert_element_type3A_661 = arith.sitofp %sub3A_660 : i32 to f32
        %mul3A_662 = vector.broadcast %convert_element_type3A_661 : f32 to vector<16xf32>
        %mul3A_663 = arith.mulf %mul3A_662, %mul3A_116 : vector<16xf32>
        %add3A_664 = arith.addf %sub3A_272, %mul3A_663 : vector<16xf32>
        %swap3A_665 = arith.index_cast %scan3A_658 : i32 to index
        %swap3A_666 = arith.constant 0 : index
        %swap3A_667 = tpu.vector_load %arg5[%swap3A_665, %swap3A_666] {strides = array<i32>} : memref<256x48xf32, #tpu.memory_space<vmem>>, vector<1x16xf32>,
        %swap3A_668 = vector.shape_cast %swap3A_667 : vector<1x16xf32> to vector<16xf32>
        %swap3A_669 = vector.shape_cast %add3A_664 : vector<16xf32> to vector<1x16xf32>
        tpu.vector_store %arg5[%swap3A_665, %swap3A_666], %swap3A_669 {strides = array<i32>} : memref<256x48xf32, #tpu.memory_space<vmem>>, vector<1x16xf32>,
        %mul3A_670 = vector.broadcast %convert_element_type3A_661 : f32 to vector<16xf32>
        %mul3A_671 = arith.mulf %mul3A_670, %mul3A_130 : vector<16xf32>
        %add3A_672 = arith.addf %sub3A_285, %mul3A_671 : vector<16xf32>
        %swap3A_673 = arith.index_cast %scan3A_658 : i32 to index
        %swap3A_674 = arith.constant 16 : index
        %swap3A_675 = tpu.vector_load %arg5[%swap3A_673, %swap3A_674] {strides = array<i32>} : memref<256x48xf32, #tpu.memory_space<vmem>>, vector<1x16xf32>,
        %swap3A_676 = vector.shape_cast %swap3A_675 : vector<1x16xf32> to vector<16xf32>
        %swap3A_677 = vector.shape_cast %add3A_672 : vector<16xf32> to vector<1x16xf32>
        tpu.vector_store %arg5[%swap3A_673, %swap3A_674], %swap3A_677 {strides = array<i32>} : memref<256x48xf32, #tpu.memory_space<vmem>>, vector<1x16xf32>,
        %mul3A_678 = vector.broadcast %convert_element_type3A_661 : f32 to vector<16xf32>
        %mul3A_679 = arith.mulf %mul3A_678, %mul3A_144 : vector<16xf32>
        %add3A_680 = arith.addf %sub3A_298, %mul3A_679 : vector<16xf32>
        %swap3A_681 = arith.index_cast %scan3A_658 : i32 to index
        %swap3A_682 = arith.constant 32 : index
        %swap3A_683 = tpu.vector_load %arg5[%swap3A_681, %swap3A_682] {strides = array<i32>} : memref<256x48xf32, #tpu.memory_space<vmem>>, vector<1x16xf32>,
        %swap3A_684 = vector.shape_cast %swap3A_683 : vector<1x16xf32> to vector<16xf32>
        %swap3A_685 = vector.shape_cast %add3A_680 : vector<16xf32> to vector<1x16xf32>
        tpu.vector_store %arg5[%swap3A_681, %swap3A_682], %swap3A_685 {strides = array<i32>} : memref<256x48xf32, #tpu.memory_space<vmem>>, vector<1x16xf32>,
      }
      %scan3A_393 = arith.constant 64 : i32
      %mul3A_394 = arith.constant 2.240000e+02 : f32
      %mul3A_395 = vector.broadcast %mul3A_394 : f32 to vector<16xf32>
      %mul3A_396 = arith.mulf %mul3A_395, %mul3A_116 : vector<16xf32>
      %add3A_397 = arith.addf %sub3A_272, %mul3A_396 : vector<16xf32>
      %mul3A_398 = arith.constant 2.240000e+02 : f32
      %mul3A_399 = vector.broadcast %mul3A_398 : f32 to vector<16xf32>
      %mul3A_400 = arith.mulf %mul3A_399, %mul3A_130 : vector<16xf32>
      %add3A_401 = arith.addf %sub3A_285, %mul3A_400 : vector<16xf32>
      %mul3A_402 = arith.constant 2.240000e+02 : f32
      %mul3A_403 = vector.broadcast %mul3A_402 : f32 to vector<16xf32>
      %mul3A_404 = arith.mulf %mul3A_403, %mul3A_144 : vector<16xf32>
      %add3A_405 = arith.addf %sub3A_298, %mul3A_404 : vector<16xf32>
      %dma_start3A_406 = arith.constant 192 : i32
      %dma_start3A_407 = arith.constant 0 : i32
      %dma_start3A_408 = tpu.memref_slice %arg5[%dma_start3A_406, %dma_start3A_407] : memref<256x48xf32, #tpu.memory_space<vmem>> -> memref<64x48xf32, #tpu.memory_space<vmem>>
      %dma_start3A_409 = arith.constant 192 : i32
      %dma_start3A_410 = tpu.memref_slice %arg3[%dma_start3A_409, %mul3A_32] : memref<512x768xf32, #tpu.memory_space<hbm>> -> memref<64x48xf32, #tpu.memory_space<hbm>>
      %dma_start3A_411 = arith.constant 192 : i32
      %dma_start3A_412 = tpu.memref_slice %arg3[%dma_start3A_411, %mul3A_32] : memref<512x768xf32, #tpu.memory_space<hbm>> -> memref<64x48xf32, #tpu.memory_space<hbm>>
      %dma_start3A_413 = arith.constant 192 : i32
      %dma_start3A_414 = arith.constant 0 : i32
      %dma_start3A_415 = tpu.memref_slice %arg5[%dma_start3A_413, %dma_start3A_414] : memref<256x48xf32, #tpu.memory_space<vmem>> -> memref<64x48xf32, #tpu.memory_space<vmem>>
      tpu.enqueue_dma source(%dma_start3A_415 : memref<64x48xf32, #tpu.memory_space<vmem>>) target(%dma_start3A_412 : memref<64x48xf32, #tpu.memory_space<hbm>>) target_semaphore(%arg9 : memref<!tpu.dma_semaphore, #tpu.memory_space<semaphore_mem>>)
      %dma_wait3A = arith.constant 0 : i32
      %dma_wait3A_416 = arith.constant 0 : i32
      %dma_wait3A_417 = tpu.memref_slice %arg5[%dma_wait3A, %dma_wait3A_416] : memref<256x48xf32, #tpu.memory_space<vmem>> -> memref<64x48xf32, #tpu.memory_space<vmem>>
      %dma_wait3A_418 = arith.constant 0 : i32
      %dma_wait3A_419 = tpu.memref_slice %arg3[%dma_wait3A_418, %mul3A_32] : memref<512x768xf32, #tpu.memory_space<hbm>> -> memref<64x48xf32, #tpu.memory_space<hbm>>
      %dma_wait3A_420 = arith.constant 0 : i32
      %dma_wait3A_421 = tpu.memref_slice %arg3[%dma_wait3A_420, %mul3A_32] : memref<512x768xf32, #tpu.memory_space<hbm>> -> memref<64x48xf32, #tpu.memory_space<hbm>>
      %dma_wait3A_422 = arith.constant 0 : i32
      %dma_wait3A_423 = arith.constant 0 : i32
      %dma_wait3A_424 = tpu.memref_slice %arg5[%dma_wait3A_422, %dma_wait3A_423] : memref<256x48xf32, #tpu.memory_space<vmem>> -> memref<64x48xf32, #tpu.memory_space<vmem>>
      tpu.wait_dma2 semaphore(%arg6 : memref<!tpu.dma_semaphore, #tpu.memory_space<semaphore_mem>>) src(%dma_wait3A_424 : memref<64x48xf32, #tpu.memory_space<vmem>>) dst(%dma_wait3A_421 : memref<64x48xf32, #tpu.memory_space<hbm>>)
      %dma_wait3A_425 = arith.constant 64 : i32
      %dma_wait3A_426 = arith.constant 0 : i32
      %dma_wait3A_427 = tpu.memref_slice %arg5[%dma_wait3A_425, %dma_wait3A_426] : memref<256x48xf32, #tpu.memory_space<vmem>> -> memref<64x48xf32, #tpu.memory_space<vmem>>
      %dma_wait3A_428 = arith.constant 64 : i32
      %dma_wait3A_429 = tpu.memref_slice %arg3[%dma_wait3A_428, %mul3A_32] : memref<512x768xf32, #tpu.memory_space<hbm>> -> memref<64x48xf32, #tpu.memory_space<hbm>>
      %dma_wait3A_430 = arith.constant 64 : i32
      %dma_wait3A_431 = tpu.memref_slice %arg3[%dma_wait3A_430, %mul3A_32] : memref<512x768xf32, #tpu.memory_space<hbm>> -> memref<64x48xf32, #tpu.memory_space<hbm>>
      %dma_wait3A_432 = arith.constant 64 : i32
      %dma_wait3A_433 = arith.constant 0 : i32
      %dma_wait3A_434 = tpu.memref_slice %arg5[%dma_wait3A_432, %dma_wait3A_433] : memref<256x48xf32, #tpu.memory_space<vmem>> -> memref<64x48xf32, #tpu.memory_space<vmem>>
      tpu.wait_dma2 semaphore(%arg7 : memref<!tpu.dma_semaphore, #tpu.memory_space<semaphore_mem>>) src(%dma_wait3A_434 : memref<64x48xf32, #tpu.memory_space<vmem>>) dst(%dma_wait3A_431 : memref<64x48xf32, #tpu.memory_space<hbm>>)
      %dma_wait3A_435 = arith.constant 128 : i32
      %dma_wait3A_436 = arith.constant 0 : i32
      %dma_wait3A_437 = tpu.memref_slice %arg5[%dma_wait3A_435, %dma_wait3A_436] : memref<256x48xf32, #tpu.memory_space<vmem>> -> memref<64x48xf32, #tpu.memory_space<vmem>>
      %dma_wait3A_438 = arith.constant 128 : i32
      %dma_wait3A_439 = tpu.memref_slice %arg3[%dma_wait3A_438, %mul3A_32] : memref<512x768xf32, #tpu.memory_space<hbm>> -> memref<64x48xf32, #tpu.memory_space<hbm>>
      %dma_wait3A_440 = arith.constant 128 : i32
      %dma_wait3A_441 = tpu.memref_slice %arg3[%dma_wait3A_440, %mul3A_32] : memref<512x768xf32, #tpu.memory_space<hbm>> -> memref<64x48xf32, #tpu.memory_space<hbm>>
      %dma_wait3A_442 = arith.constant 128 : i32
      %dma_wait3A_443 = arith.constant 0 : i32
      %dma_wait3A_444 = tpu.memref_slice %arg5[%dma_wait3A_442, %dma_wait3A_443] : memref<256x48xf32, #tpu.memory_space<vmem>> -> memref<64x48xf32, #tpu.memory_space<vmem>>
      tpu.wait_dma2 semaphore(%arg8 : memref<!tpu.dma_semaphore, #tpu.memory_space<semaphore_mem>>) src(%dma_wait3A_444 : memref<64x48xf32, #tpu.memory_space<vmem>>) dst(%dma_wait3A_441 : memref<64x48xf32, #tpu.memory_space<hbm>>)
      %dma_wait3A_445 = arith.constant 192 : i32
      %dma_wait3A_446 = arith.constant 0 : i32
      %dma_wait3A_447 = tpu.memref_slice %arg5[%dma_wait3A_445, %dma_wait3A_446] : memref<256x48xf32, #tpu.memory_space<vmem>> -> memref<64x48xf32, #tpu.memory_space<vmem>>
      %dma_wait3A_448 = arith.constant 192 : i32
      %dma_wait3A_449 = tpu.memref_slice %arg3[%dma_wait3A_448, %mul3A_32] : memref<512x768xf32, #tpu.memory_space<hbm>> -> memref<64x48xf32, #tpu.memory_space<hbm>>
      %dma_wait3A_450 = arith.constant 192 : i32
      %dma_wait3A_451 = tpu.memref_slice %arg3[%dma_wait3A_450, %mul3A_32] : memref<512x768xf32, #tpu.memory_space<hbm>> -> memref<64x48xf32, #tpu.memory_space<hbm>>
      %dma_wait3A_452 = arith.constant 192 : i32
      %dma_wait3A_453 = arith.constant 0 : i32
      %dma_wait3A_454 = tpu.memref_slice %arg5[%dma_wait3A_452, %dma_wait3A_453] : memref<256x48xf32, #tpu.memory_space<vmem>> -> memref<64x48xf32, #tpu.memory_space<vmem>>
      tpu.wait_dma2 semaphore(%arg9 : memref<!tpu.dma_semaphore, #tpu.memory_space<semaphore_mem>>) src(%dma_wait3A_454 : memref<64x48xf32, #tpu.memory_space<vmem>>) dst(%dma_wait3A_451 : memref<64x48xf32, #tpu.memory_space<hbm>>)
    } else {
    }
    %eq3A_36 = arith.constant 1 : i32
    %eq3A_37 = arith.cmpi eq, %select_n3A_30, %eq3A_36 : i32
    %convert_element_type3A_38 = arith.extui %eq3A_37 : i1 to i32
    %cond3A_39 = arith.constant 0 : i32
    %cond3A_40 = arith.cmpi ne, %convert_element_type3A_38, %cond3A_39 : i32
    scf.if %cond3A_40 {
      %broadcast_in_dim3A = arith.constant 0.000000e+00 : f32
      %broadcast_in_dim3A_41 = vector.broadcast %broadcast_in_dim3A : f32 to vector<16xf32>
      %broadcast_in_dim3A_42 = arith.constant 0.000000e+00 : f32
      %broadcast_in_dim3A_43 = vector.broadcast %broadcast_in_dim3A_42 : f32 to vector<16xf32>
      %broadcast_in_dim3A_44 = arith.constant 0.000000e+00 : f32
      %broadcast_in_dim3A_45 = vector.broadcast %broadcast_in_dim3A_44 : f32 to vector<16xf32>
      %scan3A = arith.constant 1 : i32
      %scan3A_46 = arith.constant 56 : i32
      %scan3A_47 = arith.addi %scan3A, %scan3A_46 : i32
      %scan3A_48 = arith.constant 8 : i32
      %scan3A_49:3 = scf.for %scan3A_834 = %scan3A to %scan3A_47 step %scan3A_48 iter_args(%scan3A_835 = %broadcast_in_dim3A_41, %scan3A_836 = %broadcast_in_dim3A_43, %scan3A_837 = %broadcast_in_dim3A_45) -> (vector<16xf32>, vector<16xf32>, vector<16xf32>)  : i32 {
        %get3A_838 = arith.index_cast %scan3A_834 : i32 to index
        %get3A_839 = arith.constant 0 : index
        %get3A_840 = tpu.vector_load %arg4[%get3A_838, %get3A_839] {strides = array<i32>} : memref<65x48xf32, #tpu.memory_space<vmem>>, vector<1x16xf32>,
        %get3A_841 = vector.shape_cast %get3A_840 : vector<1x16xf32> to vector<16xf32>
        %add3A_842 = arith.addf %scan3A_835, %get3A_841 : vector<16xf32>
        %get3A_843 = arith.index_cast %scan3A_834 : i32 to index
        %get3A_844 = arith.constant 16 : index
        %get3A_845 = tpu.vector_load %arg4[%get3A_843, %get3A_844] {strides = array<i32>} : memref<65x48xf32, #tpu.memory_space<vmem>>, vector<1x16xf32>,
        %get3A_846 = vector.shape_cast %get3A_845 : vector<1x16xf32> to vector<16xf32>
        %add3A_847 = arith.addf %scan3A_836, %get3A_846 : vector<16xf32>
        %get3A_848 = arith.index_cast %scan3A_834 : i32 to index
        %get3A_849 = arith.constant 32 : index
        %get3A_850 = tpu.vector_load %arg4[%get3A_848, %get3A_849] {strides = array<i32>} : memref<65x48xf32, #tpu.memory_space<vmem>>, vector<1x16xf32>,
        %get3A_851 = vector.shape_cast %get3A_850 : vector<1x16xf32> to vector<16xf32>
        %add3A_852 = arith.addf %scan3A_837, %get3A_851 : vector<16xf32>
        %scan3A_853 = arith.constant 1 : i32
        %scan3A_854 = arith.addi %scan3A_834, %scan3A_853 : i32
        %get3A_855 = arith.index_cast %scan3A_854 : i32 to index
        %get3A_856 = arith.constant 0 : index
        %get3A_857 = tpu.vector_load %arg4[%get3A_855, %get3A_856] {strides = array<i32>} : memref<65x48xf32, #tpu.memory_space<vmem>>, vector<1x16xf32>,
        %get3A_858 = vector.shape_cast %get3A_857 : vector<1x16xf32> to vector<16xf32>
        %add3A_859 = arith.addf %add3A_842, %get3A_858 : vector<16xf32>
        %get3A_860 = arith.index_cast %scan3A_854 : i32 to index
        %get3A_861 = arith.constant 16 : index
        %get3A_862 = tpu.vector_load %arg4[%get3A_860, %get3A_861] {strides = array<i32>} : memref<65x48xf32, #tpu.memory_space<vmem>>, vector<1x16xf32>,
        %get3A_863 = vector.shape_cast %get3A_862 : vector<1x16xf32> to vector<16xf32>
        %add3A_864 = arith.addf %add3A_847, %get3A_863 : vector<16xf32>
        %get3A_865 = arith.index_cast %scan3A_854 : i32 to index
        %get3A_866 = arith.constant 32 : index
        %get3A_867 = tpu.vector_load %arg4[%get3A_865, %get3A_866] {strides = array<i32>} : memref<65x48xf32, #tpu.memory_space<vmem>>, vector<1x16xf32>,
        %get3A_868 = vector.shape_cast %get3A_867 : vector<1x16xf32> to vector<16xf32>
        %add3A_869 = arith.addf %add3A_852, %get3A_868 : vector<16xf32>
        %scan3A_870 = arith.constant 2 : i32
        %scan3A_871 = arith.addi %scan3A_834, %scan3A_870 : i32
        %get3A_872 = arith.index_cast %scan3A_871 : i32 to index
        %get3A_873 = arith.constant 0 : index
        %get3A_874 = tpu.vector_load %arg4[%get3A_872, %get3A_873] {strides = array<i32>} : memref<65x48xf32, #tpu.memory_space<vmem>>, vector<1x16xf32>,
        %get3A_875 = vector.shape_cast %get3A_874 : vector<1x16xf32> to vector<16xf32>
        %add3A_876 = arith.addf %add3A_859, %get3A_875 : vector<16xf32>
        %get3A_877 = arith.index_cast %scan3A_871 : i32 to index
        %get3A_878 = arith.constant 16 : index
        %get3A_879 = tpu.vector_load %arg4[%get3A_877, %get3A_878] {strides = array<i32>} : memref<65x48xf32, #tpu.memory_space<vmem>>, vector<1x16xf32>,
        %get3A_880 = vector.shape_cast %get3A_879 : vector<1x16xf32> to vector<16xf32>
        %add3A_881 = arith.addf %add3A_864, %get3A_880 : vector<16xf32>
        %get3A_882 = arith.index_cast %scan3A_871 : i32 to index
        %get3A_883 = arith.constant 32 : index
        %get3A_884 = tpu.vector_load %arg4[%get3A_882, %get3A_883] {strides = array<i32>} : memref<65x48xf32, #tpu.memory_space<vmem>>, vector<1x16xf32>,
        %get3A_885 = vector.shape_cast %get3A_884 : vector<1x16xf32> to vector<16xf32>
        %add3A_886 = arith.addf %add3A_869, %get3A_885 : vector<16xf32>
        %scan3A_887 = arith.constant 3 : i32
        %scan3A_888 = arith.addi %scan3A_834, %scan3A_887 : i32
        %get3A_889 = arith.index_cast %scan3A_888 : i32 to index
        %get3A_890 = arith.constant 0 : index
        %get3A_891 = tpu.vector_load %arg4[%get3A_889, %get3A_890] {strides = array<i32>} : memref<65x48xf32, #tpu.memory_space<vmem>>, vector<1x16xf32>,
        %get3A_892 = vector.shape_cast %get3A_891 : vector<1x16xf32> to vector<16xf32>
        %add3A_893 = arith.addf %add3A_876, %get3A_892 : vector<16xf32>
        %get3A_894 = arith.index_cast %scan3A_888 : i32 to index
        %get3A_895 = arith.constant 16 : index
        %get3A_896 = tpu.vector_load %arg4[%get3A_894, %get3A_895] {strides = array<i32>} : memref<65x48xf32, #tpu.memory_space<vmem>>, vector<1x16xf32>,
        %get3A_897 = vector.shape_cast %get3A_896 : vector<1x16xf32> to vector<16xf32>
        %add3A_898 = arith.addf %add3A_881, %get3A_897 : vector<16xf32>
        %get3A_899 = arith.index_cast %scan3A_888 : i32 to index
        %get3A_900 = arith.constant 32 : index
        %get3A_901 = tpu.vector_load %arg4[%get3A_899, %get3A_900] {strides = array<i32>} : memref<65x48xf32, #tpu.memory_space<vmem>>, vector<1x16xf32>,
        %get3A_902 = vector.shape_cast %get3A_901 : vector<1x16xf32> to vector<16xf32>
        %add3A_903 = arith.addf %add3A_886, %get3A_902 : vector<16xf32>
        %scan3A_904 = arith.constant 4 : i32
        %scan3A_905 = arith.addi %scan3A_834, %scan3A_904 : i32
        %get3A_906 = arith.index_cast %scan3A_905 : i32 to index
        %get3A_907 = arith.constant 0 : index
        %get3A_908 = tpu.vector_load %arg4[%get3A_906, %get3A_907] {strides = array<i32>} : memref<65x48xf32, #tpu.memory_space<vmem>>, vector<1x16xf32>,
        %get3A_909 = vector.shape_cast %get3A_908 : vector<1x16xf32> to vector<16xf32>
        %add3A_910 = arith.addf %add3A_893, %get3A_909 : vector<16xf32>
        %get3A_911 = arith.index_cast %scan3A_905 : i32 to index
        %get3A_912 = arith.constant 16 : index
        %get3A_913 = tpu.vector_load %arg4[%get3A_911, %get3A_912] {strides = array<i32>} : memref<65x48xf32, #tpu.memory_space<vmem>>, vector<1x16xf32>,
        %get3A_914 = vector.shape_cast %get3A_913 : vector<1x16xf32> to vector<16xf32>
        %add3A_915 = arith.addf %add3A_898, %get3A_914 : vector<16xf32>
        %get3A_916 = arith.index_cast %scan3A_905 : i32 to index
        %get3A_917 = arith.constant 32 : index
        %get3A_918 = tpu.vector_load %arg4[%get3A_916, %get3A_917] {strides = array<i32>} : memref<65x48xf32, #tpu.memory_space<vmem>>, vector<1x16xf32>,
        %get3A_919 = vector.shape_cast %get3A_918 : vector<1x16xf32> to vector<16xf32>
        %add3A_920 = arith.addf %add3A_903, %get3A_919 : vector<16xf32>
        %scan3A_921 = arith.constant 5 : i32
        %scan3A_922 = arith.addi %scan3A_834, %scan3A_921 : i32
        %get3A_923 = arith.index_cast %scan3A_922 : i32 to index
        %get3A_924 = arith.constant 0 : index
        %get3A_925 = tpu.vector_load %arg4[%get3A_923, %get3A_924] {strides = array<i32>} : memref<65x48xf32, #tpu.memory_space<vmem>>, vector<1x16xf32>,
        %get3A_926 = vector.shape_cast %get3A_925 : vector<1x16xf32> to vector<16xf32>
        %add3A_927 = arith.addf %add3A_910, %get3A_926 : vector<16xf32>
        %get3A_928 = arith.index_cast %scan3A_922 : i32 to index
        %get3A_929 = arith.constant 16 : index
        %get3A_930 = tpu.vector_load %arg4[%get3A_928, %get3A_929] {strides = array<i32>} : memref<65x48xf32, #tpu.memory_space<vmem>>, vector<1x16xf32>,
        %get3A_931 = vector.shape_cast %get3A_930 : vector<1x16xf32> to vector<16xf32>
        %add3A_932 = arith.addf %add3A_915, %get3A_931 : vector<16xf32>
        %get3A_933 = arith.index_cast %scan3A_922 : i32 to index
        %get3A_934 = arith.constant 32 : index
        %get3A_935 = tpu.vector_load %arg4[%get3A_933, %get3A_934] {strides = array<i32>} : memref<65x48xf32, #tpu.memory_space<vmem>>, vector<1x16xf32>,
        %get3A_936 = vector.shape_cast %get3A_935 : vector<1x16xf32> to vector<16xf32>
        %add3A_937 = arith.addf %add3A_920, %get3A_936 : vector<16xf32>
        %scan3A_938 = arith.constant 6 : i32
        %scan3A_939 = arith.addi %scan3A_834, %scan3A_938 : i32
        %get3A_940 = arith.index_cast %scan3A_939 : i32 to index
        %get3A_941 = arith.constant 0 : index
        %get3A_942 = tpu.vector_load %arg4[%get3A_940, %get3A_941] {strides = array<i32>} : memref<65x48xf32, #tpu.memory_space<vmem>>, vector<1x16xf32>,
        %get3A_943 = vector.shape_cast %get3A_942 : vector<1x16xf32> to vector<16xf32>
        %add3A_944 = arith.addf %add3A_927, %get3A_943 : vector<16xf32>
        %get3A_945 = arith.index_cast %scan3A_939 : i32 to index
        %get3A_946 = arith.constant 16 : index
        %get3A_947 = tpu.vector_load %arg4[%get3A_945, %get3A_946] {strides = array<i32>} : memref<65x48xf32, #tpu.memory_space<vmem>>, vector<1x16xf32>,
        %get3A_948 = vector.shape_cast %get3A_947 : vector<1x16xf32> to vector<16xf32>
        %add3A_949 = arith.addf %add3A_932, %get3A_948 : vector<16xf32>
        %get3A_950 = arith.index_cast %scan3A_939 : i32 to index
        %get3A_951 = arith.constant 32 : index
        %get3A_952 = tpu.vector_load %arg4[%get3A_950, %get3A_951] {strides = array<i32>} : memref<65x48xf32, #tpu.memory_space<vmem>>, vector<1x16xf32>,
        %get3A_953 = vector.shape_cast %get3A_952 : vector<1x16xf32> to vector<16xf32>
        %add3A_954 = arith.addf %add3A_937, %get3A_953 : vector<16xf32>
        %scan3A_955 = arith.constant 7 : i32
        %scan3A_956 = arith.addi %scan3A_834, %scan3A_955 : i32
        %get3A_957 = arith.index_cast %scan3A_956 : i32 to index
        %get3A_958 = arith.constant 0 : index
        %get3A_959 = tpu.vector_load %arg4[%get3A_957, %get3A_958] {strides = array<i32>} : memref<65x48xf32, #tpu.memory_space<vmem>>, vector<1x16xf32>,
        %get3A_960 = vector.shape_cast %get3A_959 : vector<1x16xf32> to vector<16xf32>
        %add3A_961 = arith.addf %add3A_944, %get3A_960 : vector<16xf32>
        %get3A_962 = arith.index_cast %scan3A_956 : i32 to index
        %get3A_963 = arith.constant 16 : index
        %get3A_964 = tpu.vector_load %arg4[%get3A_962, %get3A_963] {strides = array<i32>} : memref<65x48xf32, #tpu.memory_space<vmem>>, vector<1x16xf32>,
        %get3A_965 = vector.shape_cast %get3A_964 : vector<1x16xf32> to vector<16xf32>
        %add3A_966 = arith.addf %add3A_949, %get3A_965 : vector<16xf32>
        %get3A_967 = arith.index_cast %scan3A_956 : i32 to index
        %get3A_968 = arith.constant 32 : index
        %get3A_969 = tpu.vector_load %arg4[%get3A_967, %get3A_968] {strides = array<i32>} : memref<65x48xf32, #tpu.memory_space<vmem>>, vector<1x16xf32>,
        %get3A_970 = vector.shape_cast %get3A_969 : vector<1x16xf32> to vector<16xf32>
        %add3A_971 = arith.addf %add3A_954, %get3A_970 : vector<16xf32>
        scf.yield %add3A_961, %add3A_966, %add3A_971 : vector<16xf32>, vector<16xf32>, vector<16xf32>
      }
      %scan3A_50 = arith.constant 56 : i32
      %scan3A_51 = arith.addi %scan3A, %scan3A_50 : i32
      %get3A = arith.index_cast %scan3A_51 : i32 to index
      %get3A_52 = arith.constant 0 : index
      %get3A_53 = tpu.vector_load %arg4[%get3A, %get3A_52] {strides = array<i32>} : memref<65x48xf32, #tpu.memory_space<vmem>>, vector<1x16xf32>,
      %get3A_54 = vector.shape_cast %get3A_53 : vector<1x16xf32> to vector<16xf32>
      %add3A_55 = arith.addf %scan3A_49#0, %get3A_54 : vector<16xf32>
      %get3A_56 = arith.index_cast %scan3A_51 : i32 to index
      %get3A_57 = arith.constant 16 : index
      %get3A_58 = tpu.vector_load %arg4[%get3A_56, %get3A_57] {strides = array<i32>} : memref<65x48xf32, #tpu.memory_space<vmem>>, vector<1x16xf32>,
      %get3A_59 = vector.shape_cast %get3A_58 : vector<1x16xf32> to vector<16xf32>
      %add3A_60 = arith.addf %scan3A_49#1, %get3A_59 : vector<16xf32>
      %get3A_61 = arith.index_cast %scan3A_51 : i32 to index
      %get3A_62 = arith.constant 32 : index
      %get3A_63 = tpu.vector_load %arg4[%get3A_61, %get3A_62] {strides = array<i32>} : memref<65x48xf32, #tpu.memory_space<vmem>>, vector<1x16xf32>,
      %get3A_64 = vector.shape_cast %get3A_63 : vector<1x16xf32> to vector<16xf32>
      %add3A_65 = arith.addf %scan3A_49#2, %get3A_64 : vector<16xf32>
      %scan3A_66 = arith.constant 57 : i32
      %scan3A_67 = arith.addi %scan3A, %scan3A_66 : i32
      %get3A_68 = arith.index_cast %scan3A_67 : i32 to index
      %get3A_69 = arith.constant 0 : index
      %get3A_70 = tpu.vector_load %arg4[%get3A_68, %get3A_69] {strides = array<i32>} : memref<65x48xf32, #tpu.memory_space<vmem>>, vector<1x16xf32>,
      %get3A_71 = vector.shape_cast %get3A_70 : vector<1x16xf32> to vector<16xf32>
      %add3A_72 = arith.addf %add3A_55, %get3A_71 : vector<16xf32>
      %get3A_73 = arith.index_cast %scan3A_67 : i32 to index
      %get3A_74 = arith.constant 16 : index
      %get3A_75 = tpu.vector_load %arg4[%get3A_73, %get3A_74] {strides = array<i32>} : memref<65x48xf32, #tpu.memory_space<vmem>>, vector<1x16xf32>,
      %get3A_76 = vector.shape_cast %get3A_75 : vector<1x16xf32> to vector<16xf32>
      %add3A_77 = arith.addf %add3A_60, %get3A_76 : vector<16xf32>
      %get3A_78 = arith.index_cast %scan3A_67 : i32 to index
      %get3A_79 = arith.constant 32 : index
      %get3A_80 = tpu.vector_load %arg4[%get3A_78, %get3A_79] {strides = array<i32>} : memref<65x48xf32, #tpu.memory_space<vmem>>, vector<1x16xf32>,
      %get3A_81 = vector.shape_cast %get3A_80 : vector<1x16xf32> to vector<16xf32>
      %add3A_82 = arith.addf %add3A_65, %get3A_81 : vector<16xf32>
      %scan3A_83 = arith.constant 58 : i32
      %scan3A_84 = arith.addi %scan3A, %scan3A_83 : i32
      %get3A_85 = arith.index_cast %scan3A_84 : i32 to index
      %get3A_86 = arith.constant 0 : index
      %get3A_87 = tpu.vector_load %arg4[%get3A_85, %get3A_86] {strides = array<i32>} : memref<65x48xf32, #tpu.memory_space<vmem>>, vector<1x16xf32>,
      %get3A_88 = vector.shape_cast %get3A_87 : vector<1x16xf32> to vector<16xf32>
      %add3A_89 = arith.addf %add3A_72, %get3A_88 : vector<16xf32>
      %get3A_90 = arith.index_cast %scan3A_84 : i32 to index
      %get3A_91 = arith.constant 16 : index
      %get3A_92 = tpu.vector_load %arg4[%get3A_90, %get3A_91] {strides = array<i32>} : memref<65x48xf32, #tpu.memory_space<vmem>>, vector<1x16xf32>,
      %get3A_93 = vector.shape_cast %get3A_92 : vector<1x16xf32> to vector<16xf32>
      %add3A_94 = arith.addf %add3A_77, %get3A_93 : vector<16xf32>
      %get3A_95 = arith.index_cast %scan3A_84 : i32 to index
      %get3A_96 = arith.constant 32 : index
      %get3A_97 = tpu.vector_load %arg4[%get3A_95, %get3A_96] {strides = array<i32>} : memref<65x48xf32, #tpu.memory_space<vmem>>, vector<1x16xf32>,
      %get3A_98 = vector.shape_cast %get3A_97 : vector<1x16xf32> to vector<16xf32>
      %add3A_99 = arith.addf %add3A_82, %get3A_98 : vector<16xf32>
      %scan3A_100 = arith.constant 59 : i32
      %scan3A_101 = arith.addi %scan3A, %scan3A_100 : i32
      %get3A_102 = arith.index_cast %scan3A_101 : i32 to index
      %get3A_103 = arith.constant 0 : index
      %get3A_104 = tpu.vector_load %arg4[%get3A_102, %get3A_103] {strides = array<i32>} : memref<65x48xf32, #tpu.memory_space<vmem>>, vector<1x16xf32>,
      %get3A_105 = vector.shape_cast %get3A_104 : vector<1x16xf32> to vector<16xf32>
      %add3A_106 = arith.addf %add3A_89, %get3A_105 : vector<16xf32>
      %get3A_107 = arith.index_cast %scan3A_101 : i32 to index
      %get3A_108 = arith.constant 16 : index
      %get3A_109 = tpu.vector_load %arg4[%get3A_107, %get3A_108] {strides = array<i32>} : memref<65x48xf32, #tpu.memory_space<vmem>>, vector<1x16xf32>,
      %get3A_110 = vector.shape_cast %get3A_109 : vector<1x16xf32> to vector<16xf32>
      %add3A_111 = arith.addf %add3A_94, %get3A_110 : vector<16xf32>
      %get3A_112 = arith.index_cast %scan3A_101 : i32 to index
      %get3A_113 = arith.constant 32 : index
      %get3A_114 = tpu.vector_load %arg4[%get3A_112, %get3A_113] {strides = array<i32>} : memref<65x48xf32, #tpu.memory_space<vmem>>, vector<1x16xf32>,
      %get3A_115 = vector.shape_cast %get3A_114 : vector<1x16xf32> to vector<16xf32>
      %add3A_116 = arith.addf %add3A_99, %get3A_115 : vector<16xf32>
      %scan3A_117 = arith.constant 60 : i32
      %scan3A_118 = arith.addi %scan3A, %scan3A_117 : i32
      %get3A_119 = arith.index_cast %scan3A_118 : i32 to index
      %get3A_120 = arith.constant 0 : index
      %get3A_121 = tpu.vector_load %arg4[%get3A_119, %get3A_120] {strides = array<i32>} : memref<65x48xf32, #tpu.memory_space<vmem>>, vector<1x16xf32>,
      %get3A_122 = vector.shape_cast %get3A_121 : vector<1x16xf32> to vector<16xf32>
      %add3A_123 = arith.addf %add3A_106, %get3A_122 : vector<16xf32>
      %get3A_124 = arith.index_cast %scan3A_118 : i32 to index
      %get3A_125 = arith.constant 16 : index
      %get3A_126 = tpu.vector_load %arg4[%get3A_124, %get3A_125] {strides = array<i32>} : memref<65x48xf32, #tpu.memory_space<vmem>>, vector<1x16xf32>,
      %get3A_127 = vector.shape_cast %get3A_126 : vector<1x16xf32> to vector<16xf32>
      %add3A_128 = arith.addf %add3A_111, %get3A_127 : vector<16xf32>
      %get3A_129 = arith.index_cast %scan3A_118 : i32 to index
      %get3A_130 = arith.constant 32 : index
      %get3A_131 = tpu.vector_load %arg4[%get3A_129, %get3A_130] {strides = array<i32>} : memref<65x48xf32, #tpu.memory_space<vmem>>, vector<1x16xf32>,
      %get3A_132 = vector.shape_cast %get3A_131 : vector<1x16xf32> to vector<16xf32>
      %add3A_133 = arith.addf %add3A_116, %get3A_132 : vector<16xf32>
      %scan3A_134 = arith.constant 61 : i32
      %scan3A_135 = arith.addi %scan3A, %scan3A_134 : i32
      %get3A_136 = arith.index_cast %scan3A_135 : i32 to index
      %get3A_137 = arith.constant 0 : index
      %get3A_138 = tpu.vector_load %arg4[%get3A_136, %get3A_137] {strides = array<i32>} : memref<65x48xf32, #tpu.memory_space<vmem>>, vector<1x16xf32>,
      %get3A_139 = vector.shape_cast %get3A_138 : vector<1x16xf32> to vector<16xf32>
      %add3A_140 = arith.addf %add3A_123, %get3A_139 : vector<16xf32>
      %get3A_141 = arith.index_cast %scan3A_135 : i32 to index
      %get3A_142 = arith.constant 16 : index
      %get3A_143 = tpu.vector_load %arg4[%get3A_141, %get3A_142] {strides = array<i32>} : memref<65x48xf32, #tpu.memory_space<vmem>>, vector<1x16xf32>,
      %get3A_144 = vector.shape_cast %get3A_143 : vector<1x16xf32> to vector<16xf32>
      %add3A_145 = arith.addf %add3A_128, %get3A_144 : vector<16xf32>
      %get3A_146 = arith.index_cast %scan3A_135 : i32 to index
      %get3A_147 = arith.constant 32 : index
      %get3A_148 = tpu.vector_load %arg4[%get3A_146, %get3A_147] {strides = array<i32>} : memref<65x48xf32, #tpu.memory_space<vmem>>, vector<1x16xf32>,
      %get3A_149 = vector.shape_cast %get3A_148 : vector<1x16xf32> to vector<16xf32>
      %add3A_150 = arith.addf %add3A_133, %get3A_149 : vector<16xf32>
      %scan3A_151 = arith.constant 62 : i32
      %scan3A_152 = arith.addi %scan3A, %scan3A_151 : i32
      %get3A_153 = arith.index_cast %scan3A_152 : i32 to index
      %get3A_154 = arith.constant 0 : index
      %get3A_155 = tpu.vector_load %arg4[%get3A_153, %get3A_154] {strides = array<i32>} : memref<65x48xf32, #tpu.memory_space<vmem>>, vector<1x16xf32>,
      %get3A_156 = vector.shape_cast %get3A_155 : vector<1x16xf32> to vector<16xf32>
      %add3A_157 = arith.addf %add3A_140, %get3A_156 : vector<16xf32>
      %get3A_158 = arith.index_cast %scan3A_152 : i32 to index
      %get3A_159 = arith.constant 16 : index
      %get3A_160 = tpu.vector_load %arg4[%get3A_158, %get3A_159] {strides = array<i32>} : memref<65x48xf32, #tpu.memory_space<vmem>>, vector<1x16xf32>,
      %get3A_161 = vector.shape_cast %get3A_160 : vector<1x16xf32> to vector<16xf32>
      %add3A_162 = arith.addf %add3A_145, %get3A_161 : vector<16xf32>
      %get3A_163 = arith.index_cast %scan3A_152 : i32 to index
      %get3A_164 = arith.constant 32 : index
      %get3A_165 = tpu.vector_load %arg4[%get3A_163, %get3A_164] {strides = array<i32>} : memref<65x48xf32, #tpu.memory_space<vmem>>, vector<1x16xf32>,
      %get3A_166 = vector.shape_cast %get3A_165 : vector<1x16xf32> to vector<16xf32>
      %add3A_167 = arith.addf %add3A_150, %get3A_166 : vector<16xf32>
      %scan3A_168 = arith.constant 63 : i32
      %get3A_169 = arith.constant 0 : i32
      %get3A_170 = arith.index_cast %get3A_169 : i32 to index
      %get3A_171 = arith.constant 0 : index
      %get3A_172 = tpu.vector_load %arg4[%get3A_170, %get3A_171] {strides = array<i32>} : memref<65x48xf32, #tpu.memory_space<vmem>>, vector<1x16xf32>,
      %get3A_173 = vector.shape_cast %get3A_172 : vector<1x16xf32> to vector<16xf32>
      %mul3A_174 = arith.constant 2.240000e+02 : f32
      %mul3A_175 = vector.broadcast %mul3A_174 : f32 to vector<16xf32>
      %mul3A_176 = arith.mulf %get3A_173, %mul3A_175 : vector<16xf32>
      %add3A_177 = arith.addf %add3A_157, %mul3A_176 : vector<16xf32>
      %get3A_178 = arith.constant 64 : i32
      %get3A_179 = arith.index_cast %get3A_178 : i32 to index
      %get3A_180 = arith.constant 0 : index
      %get3A_181 = tpu.vector_load %arg4[%get3A_179, %get3A_180] {strides = array<i32>} : memref<65x48xf32, #tpu.memory_space<vmem>>, vector<1x16xf32>,
      %get3A_182 = vector.shape_cast %get3A_181 : vector<1x16xf32> to vector<16xf32>
      %mul3A_183 = arith.constant 2.250000e+02 : f32
      %mul3A_184 = vector.broadcast %mul3A_183 : f32 to vector<16xf32>
      %mul3A_185 = arith.mulf %get3A_182, %mul3A_184 : vector<16xf32>
      %add3A_186 = arith.addf %add3A_177, %mul3A_185 : vector<16xf32>
      %mul3A_187 = arith.constant 0.001953125 : f32
      %mul3A_188 = vector.broadcast %mul3A_187 : f32 to vector<16xf32>
      %mul3A_189 = arith.mulf %add3A_186, %mul3A_188 : vector<16xf32>
      %swap3A = arith.constant 0 : i32
      %swap3A_190 = arith.index_cast %swap3A : i32 to index
      %swap3A_191 = arith.constant 0 : index
      %swap3A_192 = tpu.vector_load %arg5[%swap3A_190, %swap3A_191] {strides = array<i32>} : memref<256x48xf32, #tpu.memory_space<vmem>>, vector<1x16xf32>,
      %swap3A_193 = vector.shape_cast %swap3A_192 : vector<1x16xf32> to vector<16xf32>
      %swap3A_194 = vector.shape_cast %mul3A_189 : vector<16xf32> to vector<1x16xf32>
      tpu.vector_store %arg5[%swap3A_190, %swap3A_191], %swap3A_194 {strides = array<i32>} : memref<256x48xf32, #tpu.memory_space<vmem>>, vector<1x16xf32>,
      %get3A_195 = arith.constant 0 : i32
      %get3A_196 = arith.index_cast %get3A_195 : i32 to index
      %get3A_197 = arith.constant 16 : index
      %get3A_198 = tpu.vector_load %arg4[%get3A_196, %get3A_197] {strides = array<i32>} : memref<65x48xf32, #tpu.memory_space<vmem>>, vector<1x16xf32>,
      %get3A_199 = vector.shape_cast %get3A_198 : vector<1x16xf32> to vector<16xf32>
      %mul3A_200 = arith.constant 2.240000e+02 : f32
      %mul3A_201 = vector.broadcast %mul3A_200 : f32 to vector<16xf32>
      %mul3A_202 = arith.mulf %get3A_199, %mul3A_201 : vector<16xf32>
      %add3A_203 = arith.addf %add3A_162, %mul3A_202 : vector<16xf32>
      %get3A_204 = arith.constant 64 : i32
      %get3A_205 = arith.index_cast %get3A_204 : i32 to index
      %get3A_206 = arith.constant 16 : index
      %get3A_207 = tpu.vector_load %arg4[%get3A_205, %get3A_206] {strides = array<i32>} : memref<65x48xf32, #tpu.memory_space<vmem>>, vector<1x16xf32>,
      %get3A_208 = vector.shape_cast %get3A_207 : vector<1x16xf32> to vector<16xf32>
      %mul3A_209 = arith.constant 2.250000e+02 : f32
      %mul3A_210 = vector.broadcast %mul3A_209 : f32 to vector<16xf32>
      %mul3A_211 = arith.mulf %get3A_208, %mul3A_210 : vector<16xf32>
      %add3A_212 = arith.addf %add3A_203, %mul3A_211 : vector<16xf32>
      %mul3A_213 = arith.constant 0.001953125 : f32
      %mul3A_214 = vector.broadcast %mul3A_213 : f32 to vector<16xf32>
      %mul3A_215 = arith.mulf %add3A_212, %mul3A_214 : vector<16xf32>
      %swap3A_216 = arith.constant 0 : i32
      %swap3A_217 = arith.index_cast %swap3A_216 : i32 to index
      %swap3A_218 = arith.constant 16 : index
      %swap3A_219 = tpu.vector_load %arg5[%swap3A_217, %swap3A_218] {strides = array<i32>} : memref<256x48xf32, #tpu.memory_space<vmem>>, vector<1x16xf32>,
      %swap3A_220 = vector.shape_cast %swap3A_219 : vector<1x16xf32> to vector<16xf32>
      %swap3A_221 = vector.shape_cast %mul3A_215 : vector<16xf32> to vector<1x16xf32>
      tpu.vector_store %arg5[%swap3A_217, %swap3A_218], %swap3A_221 {strides = array<i32>} : memref<256x48xf32, #tpu.memory_space<vmem>>, vector<1x16xf32>,
      %get3A_222 = arith.constant 0 : i32
      %get3A_223 = arith.index_cast %get3A_222 : i32 to index
      %get3A_224 = arith.constant 32 : index
      %get3A_225 = tpu.vector_load %arg4[%get3A_223, %get3A_224] {strides = array<i32>} : memref<65x48xf32, #tpu.memory_space<vmem>>, vector<1x16xf32>,
      %get3A_226 = vector.shape_cast %get3A_225 : vector<1x16xf32> to vector<16xf32>
      %mul3A_227 = arith.constant 2.240000e+02 : f32
      %mul3A_228 = vector.broadcast %mul3A_227 : f32 to vector<16xf32>
      %mul3A_229 = arith.mulf %get3A_226, %mul3A_228 : vector<16xf32>
      %add3A_230 = arith.addf %add3A_167, %mul3A_229 : vector<16xf32>
      %get3A_231 = arith.constant 64 : i32
      %get3A_232 = arith.index_cast %get3A_231 : i32 to index
      %get3A_233 = arith.constant 32 : index
      %get3A_234 = tpu.vector_load %arg4[%get3A_232, %get3A_233] {strides = array<i32>} : memref<65x48xf32, #tpu.memory_space<vmem>>, vector<1x16xf32>,
      %get3A_235 = vector.shape_cast %get3A_234 : vector<1x16xf32> to vector<16xf32>
      %mul3A_236 = arith.constant 2.250000e+02 : f32
      %mul3A_237 = vector.broadcast %mul3A_236 : f32 to vector<16xf32>
      %mul3A_238 = arith.mulf %get3A_235, %mul3A_237 : vector<16xf32>
      %add3A_239 = arith.addf %add3A_230, %mul3A_238 : vector<16xf32>
      %mul3A_240 = arith.constant 0.001953125 : f32
      %mul3A_241 = vector.broadcast %mul3A_240 : f32 to vector<16xf32>
      %mul3A_242 = arith.mulf %add3A_239, %mul3A_241 : vector<16xf32>
      %swap3A_243 = arith.constant 0 : i32
      %swap3A_244 = arith.index_cast %swap3A_243 : i32 to index
      %swap3A_245 = arith.constant 32 : index
      %swap3A_246 = tpu.vector_load %arg5[%swap3A_244, %swap3A_245] {strides = array<i32>} : memref<256x48xf32, #tpu.memory_space<vmem>>, vector<1x16xf32>,
      %swap3A_247 = vector.shape_cast %swap3A_246 : vector<1x16xf32> to vector<16xf32>
      %swap3A_248 = vector.shape_cast %mul3A_242 : vector<16xf32> to vector<1x16xf32>
      tpu.vector_store %arg5[%swap3A_244, %swap3A_245], %swap3A_248 {strides = array<i32>} : memref<256x48xf32, #tpu.memory_space<vmem>>, vector<1x16xf32>,
      %get3A_249 = arith.constant 64 : i32
      %get3A_250 = arith.index_cast %get3A_249 : i32 to index
      %get3A_251 = arith.constant 0 : index
      %get3A_252 = tpu.vector_load %arg4[%get3A_250, %get3A_251] {strides = array<i32>} : memref<65x48xf32, #tpu.memory_space<vmem>>, vector<1x16xf32>,
      %get3A_253 = vector.shape_cast %get3A_252 : vector<1x16xf32> to vector<16xf32>
      %get3A_254 = arith.constant 0 : i32
      %get3A_255 = arith.index_cast %get3A_254 : i32 to index
      %get3A_256 = arith.constant 0 : index
      %get3A_257 = tpu.vector_load %arg4[%get3A_255, %get3A_256] {strides = array<i32>} : memref<65x48xf32, #tpu.memory_space<vmem>>, vector<1x16xf32>,
      %get3A_258 = vector.shape_cast %get3A_257 : vector<1x16xf32> to vector<16xf32>
      %sub3A_259 = arith.subf %get3A_253, %get3A_258 : vector<16xf32>
      %mul3A_260 = arith.constant 0.001953125 : f32
      %mul3A_261 = vector.broadcast %mul3A_260 : f32 to vector<16xf32>
      %mul3A_262 = arith.mulf %sub3A_259, %mul3A_261 : vector<16xf32>
      %get3A_263 = arith.constant 64 : i32
      %get3A_264 = arith.index_cast %get3A_263 : i32 to index
      %get3A_265 = arith.constant 16 : index
      %get3A_266 = tpu.vector_load %arg4[%get3A_264, %get3A_265] {strides = array<i32>} : memref<65x48xf32, #tpu.memory_space<vmem>>, vector<1x16xf32>,
      %get3A_267 = vector.shape_cast %get3A_266 : vector<1x16xf32> to vector<16xf32>
      %get3A_268 = arith.constant 0 : i32
      %get3A_269 = arith.index_cast %get3A_268 : i32 to index
      %get3A_270 = arith.constant 16 : index
      %get3A_271 = tpu.vector_load %arg4[%get3A_269, %get3A_270] {strides = array<i32>} : memref<65x48xf32, #tpu.memory_space<vmem>>, vector<1x16xf32>,
      %get3A_272 = vector.shape_cast %get3A_271 : vector<1x16xf32> to vector<16xf32>
      %sub3A_273 = arith.subf %get3A_267, %get3A_272 : vector<16xf32>
      %mul3A_274 = arith.constant 0.001953125 : f32
      %mul3A_275 = vector.broadcast %mul3A_274 : f32 to vector<16xf32>
      %mul3A_276 = arith.mulf %sub3A_273, %mul3A_275 : vector<16xf32>
      %get3A_277 = arith.constant 64 : i32
      %get3A_278 = arith.index_cast %get3A_277 : i32 to index
      %get3A_279 = arith.constant 32 : index
      %get3A_280 = tpu.vector_load %arg4[%get3A_278, %get3A_279] {strides = array<i32>} : memref<65x48xf32, #tpu.memory_space<vmem>>, vector<1x16xf32>,
      %get3A_281 = vector.shape_cast %get3A_280 : vector<1x16xf32> to vector<16xf32>
      %get3A_282 = arith.constant 0 : i32
      %get3A_283 = arith.index_cast %get3A_282 : i32 to index
      %get3A_284 = arith.constant 32 : index
      %get3A_285 = tpu.vector_load %arg4[%get3A_283, %get3A_284] {strides = array<i32>} : memref<65x48xf32, #tpu.memory_space<vmem>>, vector<1x16xf32>,
      %get3A_286 = vector.shape_cast %get3A_285 : vector<1x16xf32> to vector<16xf32>
      %sub3A_287 = arith.subf %get3A_281, %get3A_286 : vector<16xf32>
      %mul3A_288 = arith.constant 0.001953125 : f32
      %mul3A_289 = vector.broadcast %mul3A_288 : f32 to vector<16xf32>
      %mul3A_290 = arith.mulf %sub3A_287, %mul3A_289 : vector<16xf32>
      %scan3A_291 = arith.constant 0 : i32
      %scan3A_292 = arith.constant 1 : i32
      %scan3A_293 = arith.constant 56 : i32
      %scan3A_294 = arith.addi %scan3A_292, %scan3A_293 : i32
      %scan3A_295 = arith.constant 8 : i32
      scf.for %scan3A_834 = %scan3A_292 to %scan3A_294 step %scan3A_295  : i32 {
        %sub3A_835 = arith.constant 0 : i32
        %sub3A_836 = arith.subi %scan3A_834, %sub3A_835 : i32
        %convert_element_type3A_837 = arith.sitofp %sub3A_836 : i32 to f32
        %mul3A_838 = vector.broadcast %convert_element_type3A_837 : f32 to vector<16xf32>
        %mul3A_839 = arith.mulf %mul3A_838, %mul3A_262 : vector<16xf32>
        %add3A_840 = arith.addf %mul3A_189, %mul3A_839 : vector<16xf32>
        %swap3A_841 = arith.index_cast %scan3A_834 : i32 to index
        %swap3A_842 = arith.constant 0 : index
        %swap3A_843 = tpu.vector_load %arg5[%swap3A_841, %swap3A_842] {strides = array<i32>} : memref<256x48xf32, #tpu.memory_space<vmem>>, vector<1x16xf32>,
        %swap3A_844 = vector.shape_cast %swap3A_843 : vector<1x16xf32> to vector<16xf32>
        %swap3A_845 = vector.shape_cast %add3A_840 : vector<16xf32> to vector<1x16xf32>
        tpu.vector_store %arg5[%swap3A_841, %swap3A_842], %swap3A_845 {strides = array<i32>} : memref<256x48xf32, #tpu.memory_space<vmem>>, vector<1x16xf32>,
        %mul3A_846 = vector.broadcast %convert_element_type3A_837 : f32 to vector<16xf32>
        %mul3A_847 = arith.mulf %mul3A_846, %mul3A_276 : vector<16xf32>
        %add3A_848 = arith.addf %mul3A_215, %mul3A_847 : vector<16xf32>
        %swap3A_849 = arith.index_cast %scan3A_834 : i32 to index
        %swap3A_850 = arith.constant 16 : index
        %swap3A_851 = tpu.vector_load %arg5[%swap3A_849, %swap3A_850] {strides = array<i32>} : memref<256x48xf32, #tpu.memory_space<vmem>>, vector<1x16xf32>,
        %swap3A_852 = vector.shape_cast %swap3A_851 : vector<1x16xf32> to vector<16xf32>
        %swap3A_853 = vector.shape_cast %add3A_848 : vector<16xf32> to vector<1x16xf32>
        tpu.vector_store %arg5[%swap3A_849, %swap3A_850], %swap3A_853 {strides = array<i32>} : memref<256x48xf32, #tpu.memory_space<vmem>>, vector<1x16xf32>,
        %mul3A_854 = vector.broadcast %convert_element_type3A_837 : f32 to vector<16xf32>
        %mul3A_855 = arith.mulf %mul3A_854, %mul3A_290 : vector<16xf32>
        %add3A_856 = arith.addf %mul3A_242, %mul3A_855 : vector<16xf32>
        %swap3A_857 = arith.index_cast %scan3A_834 : i32 to index
        %swap3A_858 = arith.constant 32 : index
        %swap3A_859 = tpu.vector_load %arg5[%swap3A_857, %swap3A_858] {strides = array<i32>} : memref<256x48xf32, #tpu.memory_space<vmem>>, vector<1x16xf32>,
        %swap3A_860 = vector.shape_cast %swap3A_859 : vector<1x16xf32> to vector<16xf32>
        %swap3A_861 = vector.shape_cast %add3A_856 : vector<16xf32> to vector<1x16xf32>
        tpu.vector_store %arg5[%swap3A_857, %swap3A_858], %swap3A_861 {strides = array<i32>} : memref<256x48xf32, #tpu.memory_space<vmem>>, vector<1x16xf32>,
        %scan3A_862 = arith.constant 1 : i32
        %scan3A_863 = arith.addi %scan3A_834, %scan3A_862 : i32
        %sub3A_864 = arith.constant 0 : i32
        %sub3A_865 = arith.subi %scan3A_863, %sub3A_864 : i32
        %convert_element_type3A_866 = arith.sitofp %sub3A_865 : i32 to f32
        %mul3A_867 = vector.broadcast %convert_element_type3A_866 : f32 to vector<16xf32>
        %mul3A_868 = arith.mulf %mul3A_867, %mul3A_262 : vector<16xf32>
        %add3A_869 = arith.addf %mul3A_189, %mul3A_868 : vector<16xf32>
        %swap3A_870 = arith.index_cast %scan3A_863 : i32 to index
        %swap3A_871 = arith.constant 0 : index
        %swap3A_872 = tpu.vector_load %arg5[%swap3A_870, %swap3A_871] {strides = array<i32>} : memref<256x48xf32, #tpu.memory_space<vmem>>, vector<1x16xf32>,
        %swap3A_873 = vector.shape_cast %swap3A_872 : vector<1x16xf32> to vector<16xf32>
        %swap3A_874 = vector.shape_cast %add3A_869 : vector<16xf32> to vector<1x16xf32>
        tpu.vector_store %arg5[%swap3A_870, %swap3A_871], %swap3A_874 {strides = array<i32>} : memref<256x48xf32, #tpu.memory_space<vmem>>, vector<1x16xf32>,
        %mul3A_875 = vector.broadcast %convert_element_type3A_866 : f32 to vector<16xf32>
        %mul3A_876 = arith.mulf %mul3A_875, %mul3A_276 : vector<16xf32>
        %add3A_877 = arith.addf %mul3A_215, %mul3A_876 : vector<16xf32>
        %swap3A_878 = arith.index_cast %scan3A_863 : i32 to index
        %swap3A_879 = arith.constant 16 : index
        %swap3A_880 = tpu.vector_load %arg5[%swap3A_878, %swap3A_879] {strides = array<i32>} : memref<256x48xf32, #tpu.memory_space<vmem>>, vector<1x16xf32>,
        %swap3A_881 = vector.shape_cast %swap3A_880 : vector<1x16xf32> to vector<16xf32>
        %swap3A_882 = vector.shape_cast %add3A_877 : vector<16xf32> to vector<1x16xf32>
        tpu.vector_store %arg5[%swap3A_878, %swap3A_879], %swap3A_882 {strides = array<i32>} : memref<256x48xf32, #tpu.memory_space<vmem>>, vector<1x16xf32>,
        %mul3A_883 = vector.broadcast %convert_element_type3A_866 : f32 to vector<16xf32>
        %mul3A_884 = arith.mulf %mul3A_883, %mul3A_290 : vector<16xf32>
        %add3A_885 = arith.addf %mul3A_242, %mul3A_884 : vector<16xf32>
        %swap3A_886 = arith.index_cast %scan3A_863 : i32 to index
        %swap3A_887 = arith.constant 32 : index
        %swap3A_888 = tpu.vector_load %arg5[%swap3A_886, %swap3A_887] {strides = array<i32>} : memref<256x48xf32, #tpu.memory_space<vmem>>, vector<1x16xf32>,
        %swap3A_889 = vector.shape_cast %swap3A_888 : vector<1x16xf32> to vector<16xf32>
        %swap3A_890 = vector.shape_cast %add3A_885 : vector<16xf32> to vector<1x16xf32>
        tpu.vector_store %arg5[%swap3A_886, %swap3A_887], %swap3A_890 {strides = array<i32>} : memref<256x48xf32, #tpu.memory_space<vmem>>, vector<1x16xf32>,
        %scan3A_891 = arith.constant 2 : i32
        %scan3A_892 = arith.addi %scan3A_834, %scan3A_891 : i32
        %sub3A_893 = arith.constant 0 : i32
        %sub3A_894 = arith.subi %scan3A_892, %sub3A_893 : i32
        %convert_element_type3A_895 = arith.sitofp %sub3A_894 : i32 to f32
        %mul3A_896 = vector.broadcast %convert_element_type3A_895 : f32 to vector<16xf32>
        %mul3A_897 = arith.mulf %mul3A_896, %mul3A_262 : vector<16xf32>
        %add3A_898 = arith.addf %mul3A_189, %mul3A_897 : vector<16xf32>
        %swap3A_899 = arith.index_cast %scan3A_892 : i32 to index
        %swap3A_900 = arith.constant 0 : index
        %swap3A_901 = tpu.vector_load %arg5[%swap3A_899, %swap3A_900] {strides = array<i32>} : memref<256x48xf32, #tpu.memory_space<vmem>>, vector<1x16xf32>,
        %swap3A_902 = vector.shape_cast %swap3A_901 : vector<1x16xf32> to vector<16xf32>
        %swap3A_903 = vector.shape_cast %add3A_898 : vector<16xf32> to vector<1x16xf32>
        tpu.vector_store %arg5[%swap3A_899, %swap3A_900], %swap3A_903 {strides = array<i32>} : memref<256x48xf32, #tpu.memory_space<vmem>>, vector<1x16xf32>,
        %mul3A_904 = vector.broadcast %convert_element_type3A_895 : f32 to vector<16xf32>
        %mul3A_905 = arith.mulf %mul3A_904, %mul3A_276 : vector<16xf32>
        %add3A_906 = arith.addf %mul3A_215, %mul3A_905 : vector<16xf32>
        %swap3A_907 = arith.index_cast %scan3A_892 : i32 to index
        %swap3A_908 = arith.constant 16 : index
        %swap3A_909 = tpu.vector_load %arg5[%swap3A_907, %swap3A_908] {strides = array<i32>} : memref<256x48xf32, #tpu.memory_space<vmem>>, vector<1x16xf32>,
        %swap3A_910 = vector.shape_cast %swap3A_909 : vector<1x16xf32> to vector<16xf32>
        %swap3A_911 = vector.shape_cast %add3A_906 : vector<16xf32> to vector<1x16xf32>
        tpu.vector_store %arg5[%swap3A_907, %swap3A_908], %swap3A_911 {strides = array<i32>} : memref<256x48xf32, #tpu.memory_space<vmem>>, vector<1x16xf32>,
        %mul3A_912 = vector.broadcast %convert_element_type3A_895 : f32 to vector<16xf32>
        %mul3A_913 = arith.mulf %mul3A_912, %mul3A_290 : vector<16xf32>
        %add3A_914 = arith.addf %mul3A_242, %mul3A_913 : vector<16xf32>
        %swap3A_915 = arith.index_cast %scan3A_892 : i32 to index
        %swap3A_916 = arith.constant 32 : index
        %swap3A_917 = tpu.vector_load %arg5[%swap3A_915, %swap3A_916] {strides = array<i32>} : memref<256x48xf32, #tpu.memory_space<vmem>>, vector<1x16xf32>,
        %swap3A_918 = vector.shape_cast %swap3A_917 : vector<1x16xf32> to vector<16xf32>
        %swap3A_919 = vector.shape_cast %add3A_914 : vector<16xf32> to vector<1x16xf32>
        tpu.vector_store %arg5[%swap3A_915, %swap3A_916], %swap3A_919 {strides = array<i32>} : memref<256x48xf32, #tpu.memory_space<vmem>>, vector<1x16xf32>,
        %scan3A_920 = arith.constant 3 : i32
        %scan3A_921 = arith.addi %scan3A_834, %scan3A_920 : i32
        %sub3A_922 = arith.constant 0 : i32
        %sub3A_923 = arith.subi %scan3A_921, %sub3A_922 : i32
        %convert_element_type3A_924 = arith.sitofp %sub3A_923 : i32 to f32
        %mul3A_925 = vector.broadcast %convert_element_type3A_924 : f32 to vector<16xf32>
        %mul3A_926 = arith.mulf %mul3A_925, %mul3A_262 : vector<16xf32>
        %add3A_927 = arith.addf %mul3A_189, %mul3A_926 : vector<16xf32>
        %swap3A_928 = arith.index_cast %scan3A_921 : i32 to index
        %swap3A_929 = arith.constant 0 : index
        %swap3A_930 = tpu.vector_load %arg5[%swap3A_928, %swap3A_929] {strides = array<i32>} : memref<256x48xf32, #tpu.memory_space<vmem>>, vector<1x16xf32>,
        %swap3A_931 = vector.shape_cast %swap3A_930 : vector<1x16xf32> to vector<16xf32>
        %swap3A_932 = vector.shape_cast %add3A_927 : vector<16xf32> to vector<1x16xf32>
        tpu.vector_store %arg5[%swap3A_928, %swap3A_929], %swap3A_932 {strides = array<i32>} : memref<256x48xf32, #tpu.memory_space<vmem>>, vector<1x16xf32>,
        %mul3A_933 = vector.broadcast %convert_element_type3A_924 : f32 to vector<16xf32>
        %mul3A_934 = arith.mulf %mul3A_933, %mul3A_276 : vector<16xf32>
        %add3A_935 = arith.addf %mul3A_215, %mul3A_934 : vector<16xf32>
        %swap3A_936 = arith.index_cast %scan3A_921 : i32 to index
        %swap3A_937 = arith.constant 16 : index
        %swap3A_938 = tpu.vector_load %arg5[%swap3A_936, %swap3A_937] {strides = array<i32>} : memref<256x48xf32, #tpu.memory_space<vmem>>, vector<1x16xf32>,
        %swap3A_939 = vector.shape_cast %swap3A_938 : vector<1x16xf32> to vector<16xf32>
        %swap3A_940 = vector.shape_cast %add3A_935 : vector<16xf32> to vector<1x16xf32>
        tpu.vector_store %arg5[%swap3A_936, %swap3A_937], %swap3A_940 {strides = array<i32>} : memref<256x48xf32, #tpu.memory_space<vmem>>, vector<1x16xf32>,
        %mul3A_941 = vector.broadcast %convert_element_type3A_924 : f32 to vector<16xf32>
        %mul3A_942 = arith.mulf %mul3A_941, %mul3A_290 : vector<16xf32>
        %add3A_943 = arith.addf %mul3A_242, %mul3A_942 : vector<16xf32>
        %swap3A_944 = arith.index_cast %scan3A_921 : i32 to index
        %swap3A_945 = arith.constant 32 : index
        %swap3A_946 = tpu.vector_load %arg5[%swap3A_944, %swap3A_945] {strides = array<i32>} : memref<256x48xf32, #tpu.memory_space<vmem>>, vector<1x16xf32>,
        %swap3A_947 = vector.shape_cast %swap3A_946 : vector<1x16xf32> to vector<16xf32>
        %swap3A_948 = vector.shape_cast %add3A_943 : vector<16xf32> to vector<1x16xf32>
        tpu.vector_store %arg5[%swap3A_944, %swap3A_945], %swap3A_948 {strides = array<i32>} : memref<256x48xf32, #tpu.memory_space<vmem>>, vector<1x16xf32>,
        %scan3A_949 = arith.constant 4 : i32
        %scan3A_950 = arith.addi %scan3A_834, %scan3A_949 : i32
        %sub3A_951 = arith.constant 0 : i32
        %sub3A_952 = arith.subi %scan3A_950, %sub3A_951 : i32
        %convert_element_type3A_953 = arith.sitofp %sub3A_952 : i32 to f32
        %mul3A_954 = vector.broadcast %convert_element_type3A_953 : f32 to vector<16xf32>
        %mul3A_955 = arith.mulf %mul3A_954, %mul3A_262 : vector<16xf32>
        %add3A_956 = arith.addf %mul3A_189, %mul3A_955 : vector<16xf32>
        %swap3A_957 = arith.index_cast %scan3A_950 : i32 to index
        %swap3A_958 = arith.constant 0 : index
        %swap3A_959 = tpu.vector_load %arg5[%swap3A_957, %swap3A_958] {strides = array<i32>} : memref<256x48xf32, #tpu.memory_space<vmem>>, vector<1x16xf32>,
        %swap3A_960 = vector.shape_cast %swap3A_959 : vector<1x16xf32> to vector<16xf32>
        %swap3A_961 = vector.shape_cast %add3A_956 : vector<16xf32> to vector<1x16xf32>
        tpu.vector_store %arg5[%swap3A_957, %swap3A_958], %swap3A_961 {strides = array<i32>} : memref<256x48xf32, #tpu.memory_space<vmem>>, vector<1x16xf32>,
        %mul3A_962 = vector.broadcast %convert_element_type3A_953 : f32 to vector<16xf32>
        %mul3A_963 = arith.mulf %mul3A_962, %mul3A_276 : vector<16xf32>
        %add3A_964 = arith.addf %mul3A_215, %mul3A_963 : vector<16xf32>
        %swap3A_965 = arith.index_cast %scan3A_950 : i32 to index
        %swap3A_966 = arith.constant 16 : index
        %swap3A_967 = tpu.vector_load %arg5[%swap3A_965, %swap3A_966] {strides = array<i32>} : memref<256x48xf32, #tpu.memory_space<vmem>>, vector<1x16xf32>,
        %swap3A_968 = vector.shape_cast %swap3A_967 : vector<1x16xf32> to vector<16xf32>
        %swap3A_969 = vector.shape_cast %add3A_964 : vector<16xf32> to vector<1x16xf32>
        tpu.vector_store %arg5[%swap3A_965, %swap3A_966], %swap3A_969 {strides = array<i32>} : memref<256x48xf32, #tpu.memory_space<vmem>>, vector<1x16xf32>,
        %mul3A_970 = vector.broadcast %convert_element_type3A_953 : f32 to vector<16xf32>
        %mul3A_971 = arith.mulf %mul3A_970, %mul3A_290 : vector<16xf32>
        %add3A_972 = arith.addf %mul3A_242, %mul3A_971 : vector<16xf32>
        %swap3A_973 = arith.index_cast %scan3A_950 : i32 to index
        %swap3A_974 = arith.constant 32 : index
        %swap3A_975 = tpu.vector_load %arg5[%swap3A_973, %swap3A_974] {strides = array<i32>} : memref<256x48xf32, #tpu.memory_space<vmem>>, vector<1x16xf32>,
        %swap3A_976 = vector.shape_cast %swap3A_975 : vector<1x16xf32> to vector<16xf32>
        %swap3A_977 = vector.shape_cast %add3A_972 : vector<16xf32> to vector<1x16xf32>
        tpu.vector_store %arg5[%swap3A_973, %swap3A_974], %swap3A_977 {strides = array<i32>} : memref<256x48xf32, #tpu.memory_space<vmem>>, vector<1x16xf32>,
        %scan3A_978 = arith.constant 5 : i32
        %scan3A_979 = arith.addi %scan3A_834, %scan3A_978 : i32
        %sub3A_980 = arith.constant 0 : i32
        %sub3A_981 = arith.subi %scan3A_979, %sub3A_980 : i32
        %convert_element_type3A_982 = arith.sitofp %sub3A_981 : i32 to f32
        %mul3A_983 = vector.broadcast %convert_element_type3A_982 : f32 to vector<16xf32>
        %mul3A_984 = arith.mulf %mul3A_983, %mul3A_262 : vector<16xf32>
        %add3A_985 = arith.addf %mul3A_189, %mul3A_984 : vector<16xf32>
        %swap3A_986 = arith.index_cast %scan3A_979 : i32 to index
        %swap3A_987 = arith.constant 0 : index
        %swap3A_988 = tpu.vector_load %arg5[%swap3A_986, %swap3A_987] {strides = array<i32>} : memref<256x48xf32, #tpu.memory_space<vmem>>, vector<1x16xf32>,
        %swap3A_989 = vector.shape_cast %swap3A_988 : vector<1x16xf32> to vector<16xf32>
        %swap3A_990 = vector.shape_cast %add3A_985 : vector<16xf32> to vector<1x16xf32>
        tpu.vector_store %arg5[%swap3A_986, %swap3A_987], %swap3A_990 {strides = array<i32>} : memref<256x48xf32, #tpu.memory_space<vmem>>, vector<1x16xf32>,
        %mul3A_991 = vector.broadcast %convert_element_type3A_982 : f32 to vector<16xf32>
        %mul3A_992 = arith.mulf %mul3A_991, %mul3A_276 : vector<16xf32>
        %add3A_993 = arith.addf %mul3A_215, %mul3A_992 : vector<16xf32>
        %swap3A_994 = arith.index_cast %scan3A_979 : i32 to index
        %swap3A_995 = arith.constant 16 : index
        %swap3A_996 = tpu.vector_load %arg5[%swap3A_994, %swap3A_995] {strides = array<i32>} : memref<256x48xf32, #tpu.memory_space<vmem>>, vector<1x16xf32>,
        %swap3A_997 = vector.shape_cast %swap3A_996 : vector<1x16xf32> to vector<16xf32>
        %swap3A_998 = vector.shape_cast %add3A_993 : vector<16xf32> to vector<1x16xf32>
        tpu.vector_store %arg5[%swap3A_994, %swap3A_995], %swap3A_998 {strides = array<i32>} : memref<256x48xf32, #tpu.memory_space<vmem>>, vector<1x16xf32>,
        %mul3A_999 = vector.broadcast %convert_element_type3A_982 : f32 to vector<16xf32>
        %mul3A_1000 = arith.mulf %mul3A_999, %mul3A_290 : vector<16xf32>
        %add3A_1001 = arith.addf %mul3A_242, %mul3A_1000 : vector<16xf32>
        %swap3A_1002 = arith.index_cast %scan3A_979 : i32 to index
        %swap3A_1003 = arith.constant 32 : index
        %swap3A_1004 = tpu.vector_load %arg5[%swap3A_1002, %swap3A_1003] {strides = array<i32>} : memref<256x48xf32, #tpu.memory_space<vmem>>, vector<1x16xf32>,
        %swap3A_1005 = vector.shape_cast %swap3A_1004 : vector<1x16xf32> to vector<16xf32>
        %swap3A_1006 = vector.shape_cast %add3A_1001 : vector<16xf32> to vector<1x16xf32>
        tpu.vector_store %arg5[%swap3A_1002, %swap3A_1003], %swap3A_1006 {strides = array<i32>} : memref<256x48xf32, #tpu.memory_space<vmem>>, vector<1x16xf32>,
        %scan3A_1007 = arith.constant 6 : i32
        %scan3A_1008 = arith.addi %scan3A_834, %scan3A_1007 : i32
        %sub3A_1009 = arith.constant 0 : i32
        %sub3A_1010 = arith.subi %scan3A_1008, %sub3A_1009 : i32
        %convert_element_type3A_1011 = arith.sitofp %sub3A_1010 : i32 to f32
        %mul3A_1012 = vector.broadcast %convert_element_type3A_1011 : f32 to vector<16xf32>
        %mul3A_1013 = arith.mulf %mul3A_1012, %mul3A_262 : vector<16xf32>
        %add3A_1014 = arith.addf %mul3A_189, %mul3A_1013 : vector<16xf32>
        %swap3A_1015 = arith.index_cast %scan3A_1008 : i32 to index
        %swap3A_1016 = arith.constant 0 : index
        %swap3A_1017 = tpu.vector_load %arg5[%swap3A_1015, %swap3A_1016] {strides = array<i32>} : memref<256x48xf32, #tpu.memory_space<vmem>>, vector<1x16xf32>,
        %swap3A_1018 = vector.shape_cast %swap3A_1017 : vector<1x16xf32> to vector<16xf32>
        %swap3A_1019 = vector.shape_cast %add3A_1014 : vector<16xf32> to vector<1x16xf32>
        tpu.vector_store %arg5[%swap3A_1015, %swap3A_1016], %swap3A_1019 {strides = array<i32>} : memref<256x48xf32, #tpu.memory_space<vmem>>, vector<1x16xf32>,
        %mul3A_1020 = vector.broadcast %convert_element_type3A_1011 : f32 to vector<16xf32>
        %mul3A_1021 = arith.mulf %mul3A_1020, %mul3A_276 : vector<16xf32>
        %add3A_1022 = arith.addf %mul3A_215, %mul3A_1021 : vector<16xf32>
        %swap3A_1023 = arith.index_cast %scan3A_1008 : i32 to index
        %swap3A_1024 = arith.constant 16 : index
        %swap3A_1025 = tpu.vector_load %arg5[%swap3A_1023, %swap3A_1024] {strides = array<i32>} : memref<256x48xf32, #tpu.memory_space<vmem>>, vector<1x16xf32>,
        %swap3A_1026 = vector.shape_cast %swap3A_1025 : vector<1x16xf32> to vector<16xf32>
        %swap3A_1027 = vector.shape_cast %add3A_1022 : vector<16xf32> to vector<1x16xf32>
        tpu.vector_store %arg5[%swap3A_1023, %swap3A_1024], %swap3A_1027 {strides = array<i32>} : memref<256x48xf32, #tpu.memory_space<vmem>>, vector<1x16xf32>,
        %mul3A_1028 = vector.broadcast %convert_element_type3A_1011 : f32 to vector<16xf32>
        %mul3A_1029 = arith.mulf %mul3A_1028, %mul3A_290 : vector<16xf32>
        %add3A_1030 = arith.addf %mul3A_242, %mul3A_1029 : vector<16xf32>
        %swap3A_1031 = arith.index_cast %scan3A_1008 : i32 to index
        %swap3A_1032 = arith.constant 32 : index
        %swap3A_1033 = tpu.vector_load %arg5[%swap3A_1031, %swap3A_1032] {strides = array<i32>} : memref<256x48xf32, #tpu.memory_space<vmem>>, vector<1x16xf32>,
        %swap3A_1034 = vector.shape_cast %swap3A_1033 : vector<1x16xf32> to vector<16xf32>
        %swap3A_1035 = vector.shape_cast %add3A_1030 : vector<16xf32> to vector<1x16xf32>
        tpu.vector_store %arg5[%swap3A_1031, %swap3A_1032], %swap3A_1035 {strides = array<i32>} : memref<256x48xf32, #tpu.memory_space<vmem>>, vector<1x16xf32>,
        %scan3A_1036 = arith.constant 7 : i32
        %scan3A_1037 = arith.addi %scan3A_834, %scan3A_1036 : i32
        %sub3A_1038 = arith.constant 0 : i32
        %sub3A_1039 = arith.subi %scan3A_1037, %sub3A_1038 : i32
        %convert_element_type3A_1040 = arith.sitofp %sub3A_1039 : i32 to f32
        %mul3A_1041 = vector.broadcast %convert_element_type3A_1040 : f32 to vector<16xf32>
        %mul3A_1042 = arith.mulf %mul3A_1041, %mul3A_262 : vector<16xf32>
        %add3A_1043 = arith.addf %mul3A_189, %mul3A_1042 : vector<16xf32>
        %swap3A_1044 = arith.index_cast %scan3A_1037 : i32 to index
        %swap3A_1045 = arith.constant 0 : index
        %swap3A_1046 = tpu.vector_load %arg5[%swap3A_1044, %swap3A_1045] {strides = array<i32>} : memref<256x48xf32, #tpu.memory_space<vmem>>, vector<1x16xf32>,
        %swap3A_1047 = vector.shape_cast %swap3A_1046 : vector<1x16xf32> to vector<16xf32>
        %swap3A_1048 = vector.shape_cast %add3A_1043 : vector<16xf32> to vector<1x16xf32>
        tpu.vector_store %arg5[%swap3A_1044, %swap3A_1045], %swap3A_1048 {strides = array<i32>} : memref<256x48xf32, #tpu.memory_space<vmem>>, vector<1x16xf32>,
        %mul3A_1049 = vector.broadcast %convert_element_type3A_1040 : f32 to vector<16xf32>
        %mul3A_1050 = arith.mulf %mul3A_1049, %mul3A_276 : vector<16xf32>
        %add3A_1051 = arith.addf %mul3A_215, %mul3A_1050 : vector<16xf32>
        %swap3A_1052 = arith.index_cast %scan3A_1037 : i32 to index
        %swap3A_1053 = arith.constant 16 : index
        %swap3A_1054 = tpu.vector_load %arg5[%swap3A_1052, %swap3A_1053] {strides = array<i32>} : memref<256x48xf32, #tpu.memory_space<vmem>>, vector<1x16xf32>,
        %swap3A_1055 = vector.shape_cast %swap3A_1054 : vector<1x16xf32> to vector<16xf32>
        %swap3A_1056 = vector.shape_cast %add3A_1051 : vector<16xf32> to vector<1x16xf32>
        tpu.vector_store %arg5[%swap3A_1052, %swap3A_1053], %swap3A_1056 {strides = array<i32>} : memref<256x48xf32, #tpu.memory_space<vmem>>, vector<1x16xf32>,
        %mul3A_1057 = vector.broadcast %convert_element_type3A_1040 : f32 to vector<16xf32>
        %mul3A_1058 = arith.mulf %mul3A_1057, %mul3A_290 : vector<16xf32>
        %add3A_1059 = arith.addf %mul3A_242, %mul3A_1058 : vector<16xf32>
        %swap3A_1060 = arith.index_cast %scan3A_1037 : i32 to index
        %swap3A_1061 = arith.constant 32 : index
        %swap3A_1062 = tpu.vector_load %arg5[%swap3A_1060, %swap3A_1061] {strides = array<i32>} : memref<256x48xf32, #tpu.memory_space<vmem>>, vector<1x16xf32>,
        %swap3A_1063 = vector.shape_cast %swap3A_1062 : vector<1x16xf32> to vector<16xf32>
        %swap3A_1064 = vector.shape_cast %add3A_1059 : vector<16xf32> to vector<1x16xf32>
        tpu.vector_store %arg5[%swap3A_1060, %swap3A_1061], %swap3A_1064 {strides = array<i32>} : memref<256x48xf32, #tpu.memory_space<vmem>>, vector<1x16xf32>,
      }
      %scan3A_296 = arith.constant 56 : i32
      %scan3A_297 = arith.addi %scan3A_292, %scan3A_296 : i32
      %sub3A_298 = arith.constant 0 : i32
      %sub3A_299 = arith.subi %scan3A_297, %sub3A_298 : i32
      %convert_element_type3A_300 = arith.sitofp %sub3A_299 : i32 to f32
      %mul3A_301 = vector.broadcast %convert_element_type3A_300 : f32 to vector<16xf32>
      %mul3A_302 = arith.mulf %mul3A_301, %mul3A_262 : vector<16xf32>
      %add3A_303 = arith.addf %mul3A_189, %mul3A_302 : vector<16xf32>
      %swap3A_304 = arith.index_cast %scan3A_297 : i32 to index
      %swap3A_305 = arith.constant 0 : index
      %swap3A_306 = tpu.vector_load %arg5[%swap3A_304, %swap3A_305] {strides = array<i32>} : memref<256x48xf32, #tpu.memory_space<vmem>>, vector<1x16xf32>,
      %swap3A_307 = vector.shape_cast %swap3A_306 : vector<1x16xf32> to vector<16xf32>
      %swap3A_308 = vector.shape_cast %add3A_303 : vector<16xf32> to vector<1x16xf32>
      tpu.vector_store %arg5[%swap3A_304, %swap3A_305], %swap3A_308 {strides = array<i32>} : memref<256x48xf32, #tpu.memory_space<vmem>>, vector<1x16xf32>,
      %mul3A_309 = vector.broadcast %convert_element_type3A_300 : f32 to vector<16xf32>
      %mul3A_310 = arith.mulf %mul3A_309, %mul3A_276 : vector<16xf32>
      %add3A_311 = arith.addf %mul3A_215, %mul3A_310 : vector<16xf32>
      %swap3A_312 = arith.index_cast %scan3A_297 : i32 to index
      %swap3A_313 = arith.constant 16 : index
      %swap3A_314 = tpu.vector_load %arg5[%swap3A_312, %swap3A_313] {strides = array<i32>} : memref<256x48xf32, #tpu.memory_space<vmem>>, vector<1x16xf32>,
      %swap3A_315 = vector.shape_cast %swap3A_314 : vector<1x16xf32> to vector<16xf32>
      %swap3A_316 = vector.shape_cast %add3A_311 : vector<16xf32> to vector<1x16xf32>
      tpu.vector_store %arg5[%swap3A_312, %swap3A_313], %swap3A_316 {strides = array<i32>} : memref<256x48xf32, #tpu.memory_space<vmem>>, vector<1x16xf32>,
      %mul3A_317 = vector.broadcast %convert_element_type3A_300 : f32 to vector<16xf32>
      %mul3A_318 = arith.mulf %mul3A_317, %mul3A_290 : vector<16xf32>
      %add3A_319 = arith.addf %mul3A_242, %mul3A_318 : vector<16xf32>
      %swap3A_320 = arith.index_cast %scan3A_297 : i32 to index
      %swap3A_321 = arith.constant 32 : index
      %swap3A_322 = tpu.vector_load %arg5[%swap3A_320, %swap3A_321] {strides = array<i32>} : memref<256x48xf32, #tpu.memory_space<vmem>>, vector<1x16xf32>,
      %swap3A_323 = vector.shape_cast %swap3A_322 : vector<1x16xf32> to vector<16xf32>
      %swap3A_324 = vector.shape_cast %add3A_319 : vector<16xf32> to vector<1x16xf32>
      tpu.vector_store %arg5[%swap3A_320, %swap3A_321], %swap3A_324 {strides = array<i32>} : memref<256x48xf32, #tpu.memory_space<vmem>>, vector<1x16xf32>,
      %scan3A_325 = arith.constant 57 : i32
      %scan3A_326 = arith.addi %scan3A_292, %scan3A_325 : i32
      %sub3A_327 = arith.constant 0 : i32
      %sub3A_328 = arith.subi %scan3A_326, %sub3A_327 : i32
      %convert_element_type3A_329 = arith.sitofp %sub3A_328 : i32 to f32
      %mul3A_330 = vector.broadcast %convert_element_type3A_329 : f32 to vector<16xf32>
      %mul3A_331 = arith.mulf %mul3A_330, %mul3A_262 : vector<16xf32>
      %add3A_332 = arith.addf %mul3A_189, %mul3A_331 : vector<16xf32>
      %swap3A_333 = arith.index_cast %scan3A_326 : i32 to index
      %swap3A_334 = arith.constant 0 : index
      %swap3A_335 = tpu.vector_load %arg5[%swap3A_333, %swap3A_334] {strides = array<i32>} : memref<256x48xf32, #tpu.memory_space<vmem>>, vector<1x16xf32>,
      %swap3A_336 = vector.shape_cast %swap3A_335 : vector<1x16xf32> to vector<16xf32>
      %swap3A_337 = vector.shape_cast %add3A_332 : vector<16xf32> to vector<1x16xf32>
      tpu.vector_store %arg5[%swap3A_333, %swap3A_334], %swap3A_337 {strides = array<i32>} : memref<256x48xf32, #tpu.memory_space<vmem>>, vector<1x16xf32>,
      %mul3A_338 = vector.broadcast %convert_element_type3A_329 : f32 to vector<16xf32>
      %mul3A_339 = arith.mulf %mul3A_338, %mul3A_276 : vector<16xf32>
      %add3A_340 = arith.addf %mul3A_215, %mul3A_339 : vector<16xf32>
      %swap3A_341 = arith.index_cast %scan3A_326 : i32 to index
      %swap3A_342 = arith.constant 16 : index
      %swap3A_343 = tpu.vector_load %arg5[%swap3A_341, %swap3A_342] {strides = array<i32>} : memref<256x48xf32, #tpu.memory_space<vmem>>, vector<1x16xf32>,
      %swap3A_344 = vector.shape_cast %swap3A_343 : vector<1x16xf32> to vector<16xf32>
      %swap3A_345 = vector.shape_cast %add3A_340 : vector<16xf32> to vector<1x16xf32>
      tpu.vector_store %arg5[%swap3A_341, %swap3A_342], %swap3A_345 {strides = array<i32>} : memref<256x48xf32, #tpu.memory_space<vmem>>, vector<1x16xf32>,
      %mul3A_346 = vector.broadcast %convert_element_type3A_329 : f32 to vector<16xf32>
      %mul3A_347 = arith.mulf %mul3A_346, %mul3A_290 : vector<16xf32>
      %add3A_348 = arith.addf %mul3A_242, %mul3A_347 : vector<16xf32>
      %swap3A_349 = arith.index_cast %scan3A_326 : i32 to index
      %swap3A_350 = arith.constant 32 : index
      %swap3A_351 = tpu.vector_load %arg5[%swap3A_349, %swap3A_350] {strides = array<i32>} : memref<256x48xf32, #tpu.memory_space<vmem>>, vector<1x16xf32>,
      %swap3A_352 = vector.shape_cast %swap3A_351 : vector<1x16xf32> to vector<16xf32>
      %swap3A_353 = vector.shape_cast %add3A_348 : vector<16xf32> to vector<1x16xf32>
      tpu.vector_store %arg5[%swap3A_349, %swap3A_350], %swap3A_353 {strides = array<i32>} : memref<256x48xf32, #tpu.memory_space<vmem>>, vector<1x16xf32>,
      %scan3A_354 = arith.constant 58 : i32
      %scan3A_355 = arith.addi %scan3A_292, %scan3A_354 : i32
      %sub3A_356 = arith.constant 0 : i32
      %sub3A_357 = arith.subi %scan3A_355, %sub3A_356 : i32
      %convert_element_type3A_358 = arith.sitofp %sub3A_357 : i32 to f32
      %mul3A_359 = vector.broadcast %convert_element_type3A_358 : f32 to vector<16xf32>
      %mul3A_360 = arith.mulf %mul3A_359, %mul3A_262 : vector<16xf32>
      %add3A_361 = arith.addf %mul3A_189, %mul3A_360 : vector<16xf32>
      %swap3A_362 = arith.index_cast %scan3A_355 : i32 to index
      %swap3A_363 = arith.constant 0 : index
      %swap3A_364 = tpu.vector_load %arg5[%swap3A_362, %swap3A_363] {strides = array<i32>} : memref<256x48xf32, #tpu.memory_space<vmem>>, vector<1x16xf32>,
      %swap3A_365 = vector.shape_cast %swap3A_364 : vector<1x16xf32> to vector<16xf32>
      %swap3A_366 = vector.shape_cast %add3A_361 : vector<16xf32> to vector<1x16xf32>
      tpu.vector_store %arg5[%swap3A_362, %swap3A_363], %swap3A_366 {strides = array<i32>} : memref<256x48xf32, #tpu.memory_space<vmem>>, vector<1x16xf32>,
      %mul3A_367 = vector.broadcast %convert_element_type3A_358 : f32 to vector<16xf32>
      %mul3A_368 = arith.mulf %mul3A_367, %mul3A_276 : vector<16xf32>
      %add3A_369 = arith.addf %mul3A_215, %mul3A_368 : vector<16xf32>
      %swap3A_370 = arith.index_cast %scan3A_355 : i32 to index
      %swap3A_371 = arith.constant 16 : index
      %swap3A_372 = tpu.vector_load %arg5[%swap3A_370, %swap3A_371] {strides = array<i32>} : memref<256x48xf32, #tpu.memory_space<vmem>>, vector<1x16xf32>,
      %swap3A_373 = vector.shape_cast %swap3A_372 : vector<1x16xf32> to vector<16xf32>
      %swap3A_374 = vector.shape_cast %add3A_369 : vector<16xf32> to vector<1x16xf32>
      tpu.vector_store %arg5[%swap3A_370, %swap3A_371], %swap3A_374 {strides = array<i32>} : memref<256x48xf32, #tpu.memory_space<vmem>>, vector<1x16xf32>,
      %mul3A_375 = vector.broadcast %convert_element_type3A_358 : f32 to vector<16xf32>
      %mul3A_376 = arith.mulf %mul3A_375, %mul3A_290 : vector<16xf32>
      %add3A_377 = arith.addf %mul3A_242, %mul3A_376 : vector<16xf32>
      %swap3A_378 = arith.index_cast %scan3A_355 : i32 to index
      %swap3A_379 = arith.constant 32 : index
      %swap3A_380 = tpu.vector_load %arg5[%swap3A_378, %swap3A_379] {strides = array<i32>} : memref<256x48xf32, #tpu.memory_space<vmem>>, vector<1x16xf32>,
      %swap3A_381 = vector.shape_cast %swap3A_380 : vector<1x16xf32> to vector<16xf32>
      %swap3A_382 = vector.shape_cast %add3A_377 : vector<16xf32> to vector<1x16xf32>
      tpu.vector_store %arg5[%swap3A_378, %swap3A_379], %swap3A_382 {strides = array<i32>} : memref<256x48xf32, #tpu.memory_space<vmem>>, vector<1x16xf32>,
      %scan3A_383 = arith.constant 59 : i32
      %scan3A_384 = arith.addi %scan3A_292, %scan3A_383 : i32
      %sub3A_385 = arith.constant 0 : i32
      %sub3A_386 = arith.subi %scan3A_384, %sub3A_385 : i32
      %convert_element_type3A_387 = arith.sitofp %sub3A_386 : i32 to f32
      %mul3A_388 = vector.broadcast %convert_element_type3A_387 : f32 to vector<16xf32>
      %mul3A_389 = arith.mulf %mul3A_388, %mul3A_262 : vector<16xf32>
      %add3A_390 = arith.addf %mul3A_189, %mul3A_389 : vector<16xf32>
      %swap3A_391 = arith.index_cast %scan3A_384 : i32 to index
      %swap3A_392 = arith.constant 0 : index
      %swap3A_393 = tpu.vector_load %arg5[%swap3A_391, %swap3A_392] {strides = array<i32>} : memref<256x48xf32, #tpu.memory_space<vmem>>, vector<1x16xf32>,
      %swap3A_394 = vector.shape_cast %swap3A_393 : vector<1x16xf32> to vector<16xf32>
      %swap3A_395 = vector.shape_cast %add3A_390 : vector<16xf32> to vector<1x16xf32>
      tpu.vector_store %arg5[%swap3A_391, %swap3A_392], %swap3A_395 {strides = array<i32>} : memref<256x48xf32, #tpu.memory_space<vmem>>, vector<1x16xf32>,
      %mul3A_396 = vector.broadcast %convert_element_type3A_387 : f32 to vector<16xf32>
      %mul3A_397 = arith.mulf %mul3A_396, %mul3A_276 : vector<16xf32>
      %add3A_398 = arith.addf %mul3A_215, %mul3A_397 : vector<16xf32>
      %swap3A_399 = arith.index_cast %scan3A_384 : i32 to index
      %swap3A_400 = arith.constant 16 : index
      %swap3A_401 = tpu.vector_load %arg5[%swap3A_399, %swap3A_400] {strides = array<i32>} : memref<256x48xf32, #tpu.memory_space<vmem>>, vector<1x16xf32>,
      %swap3A_402 = vector.shape_cast %swap3A_401 : vector<1x16xf32> to vector<16xf32>
      %swap3A_403 = vector.shape_cast %add3A_398 : vector<16xf32> to vector<1x16xf32>
      tpu.vector_store %arg5[%swap3A_399, %swap3A_400], %swap3A_403 {strides = array<i32>} : memref<256x48xf32, #tpu.memory_space<vmem>>, vector<1x16xf32>,
      %mul3A_404 = vector.broadcast %convert_element_type3A_387 : f32 to vector<16xf32>
      %mul3A_405 = arith.mulf %mul3A_404, %mul3A_290 : vector<16xf32>
      %add3A_406 = arith.addf %mul3A_242, %mul3A_405 : vector<16xf32>
      %swap3A_407 = arith.index_cast %scan3A_384 : i32 to index
      %swap3A_408 = arith.constant 32 : index
      %swap3A_409 = tpu.vector_load %arg5[%swap3A_407, %swap3A_408] {strides = array<i32>} : memref<256x48xf32, #tpu.memory_space<vmem>>, vector<1x16xf32>,
      %swap3A_410 = vector.shape_cast %swap3A_409 : vector<1x16xf32> to vector<16xf32>
      %swap3A_411 = vector.shape_cast %add3A_406 : vector<16xf32> to vector<1x16xf32>
      tpu.vector_store %arg5[%swap3A_407, %swap3A_408], %swap3A_411 {strides = array<i32>} : memref<256x48xf32, #tpu.memory_space<vmem>>, vector<1x16xf32>,
      %scan3A_412 = arith.constant 60 : i32
      %scan3A_413 = arith.addi %scan3A_292, %scan3A_412 : i32
      %sub3A_414 = arith.constant 0 : i32
      %sub3A_415 = arith.subi %scan3A_413, %sub3A_414 : i32
      %convert_element_type3A_416 = arith.sitofp %sub3A_415 : i32 to f32
      %mul3A_417 = vector.broadcast %convert_element_type3A_416 : f32 to vector<16xf32>
      %mul3A_418 = arith.mulf %mul3A_417, %mul3A_262 : vector<16xf32>
      %add3A_419 = arith.addf %mul3A_189, %mul3A_418 : vector<16xf32>
      %swap3A_420 = arith.index_cast %scan3A_413 : i32 to index
      %swap3A_421 = arith.constant 0 : index
      %swap3A_422 = tpu.vector_load %arg5[%swap3A_420, %swap3A_421] {strides = array<i32>} : memref<256x48xf32, #tpu.memory_space<vmem>>, vector<1x16xf32>,
      %swap3A_423 = vector.shape_cast %swap3A_422 : vector<1x16xf32> to vector<16xf32>
      %swap3A_424 = vector.shape_cast %add3A_419 : vector<16xf32> to vector<1x16xf32>
      tpu.vector_store %arg5[%swap3A_420, %swap3A_421], %swap3A_424 {strides = array<i32>} : memref<256x48xf32, #tpu.memory_space<vmem>>, vector<1x16xf32>,
      %mul3A_425 = vector.broadcast %convert_element_type3A_416 : f32 to vector<16xf32>
      %mul3A_426 = arith.mulf %mul3A_425, %mul3A_276 : vector<16xf32>
      %add3A_427 = arith.addf %mul3A_215, %mul3A_426 : vector<16xf32>
      %swap3A_428 = arith.index_cast %scan3A_413 : i32 to index
      %swap3A_429 = arith.constant 16 : index
      %swap3A_430 = tpu.vector_load %arg5[%swap3A_428, %swap3A_429] {strides = array<i32>} : memref<256x48xf32, #tpu.memory_space<vmem>>, vector<1x16xf32>,
      %swap3A_431 = vector.shape_cast %swap3A_430 : vector<1x16xf32> to vector<16xf32>
      %swap3A_432 = vector.shape_cast %add3A_427 : vector<16xf32> to vector<1x16xf32>
      tpu.vector_store %arg5[%swap3A_428, %swap3A_429], %swap3A_432 {strides = array<i32>} : memref<256x48xf32, #tpu.memory_space<vmem>>, vector<1x16xf32>,
      %mul3A_433 = vector.broadcast %convert_element_type3A_416 : f32 to vector<16xf32>
      %mul3A_434 = arith.mulf %mul3A_433, %mul3A_290 : vector<16xf32>
      %add3A_435 = arith.addf %mul3A_242, %mul3A_434 : vector<16xf32>
      %swap3A_436 = arith.index_cast %scan3A_413 : i32 to index
      %swap3A_437 = arith.constant 32 : index
      %swap3A_438 = tpu.vector_load %arg5[%swap3A_436, %swap3A_437] {strides = array<i32>} : memref<256x48xf32, #tpu.memory_space<vmem>>, vector<1x16xf32>,
      %swap3A_439 = vector.shape_cast %swap3A_438 : vector<1x16xf32> to vector<16xf32>
      %swap3A_440 = vector.shape_cast %add3A_435 : vector<16xf32> to vector<1x16xf32>
      tpu.vector_store %arg5[%swap3A_436, %swap3A_437], %swap3A_440 {strides = array<i32>} : memref<256x48xf32, #tpu.memory_space<vmem>>, vector<1x16xf32>,
      %scan3A_441 = arith.constant 61 : i32
      %scan3A_442 = arith.addi %scan3A_292, %scan3A_441 : i32
      %sub3A_443 = arith.constant 0 : i32
      %sub3A_444 = arith.subi %scan3A_442, %sub3A_443 : i32
      %convert_element_type3A_445 = arith.sitofp %sub3A_444 : i32 to f32
      %mul3A_446 = vector.broadcast %convert_element_type3A_445 : f32 to vector<16xf32>
      %mul3A_447 = arith.mulf %mul3A_446, %mul3A_262 : vector<16xf32>
      %add3A_448 = arith.addf %mul3A_189, %mul3A_447 : vector<16xf32>
      %swap3A_449 = arith.index_cast %scan3A_442 : i32 to index
      %swap3A_450 = arith.constant 0 : index
      %swap3A_451 = tpu.vector_load %arg5[%swap3A_449, %swap3A_450] {strides = array<i32>} : memref<256x48xf32, #tpu.memory_space<vmem>>, vector<1x16xf32>,
      %swap3A_452 = vector.shape_cast %swap3A_451 : vector<1x16xf32> to vector<16xf32>
      %swap3A_453 = vector.shape_cast %add3A_448 : vector<16xf32> to vector<1x16xf32>
      tpu.vector_store %arg5[%swap3A_449, %swap3A_450], %swap3A_453 {strides = array<i32>} : memref<256x48xf32, #tpu.memory_space<vmem>>, vector<1x16xf32>,
      %mul3A_454 = vector.broadcast %convert_element_type3A_445 : f32 to vector<16xf32>
      %mul3A_455 = arith.mulf %mul3A_454, %mul3A_276 : vector<16xf32>
      %add3A_456 = arith.addf %mul3A_215, %mul3A_455 : vector<16xf32>
      %swap3A_457 = arith.index_cast %scan3A_442 : i32 to index
      %swap3A_458 = arith.constant 16 : index
      %swap3A_459 = tpu.vector_load %arg5[%swap3A_457, %swap3A_458] {strides = array<i32>} : memref<256x48xf32, #tpu.memory_space<vmem>>, vector<1x16xf32>,
      %swap3A_460 = vector.shape_cast %swap3A_459 : vector<1x16xf32> to vector<16xf32>
      %swap3A_461 = vector.shape_cast %add3A_456 : vector<16xf32> to vector<1x16xf32>
      tpu.vector_store %arg5[%swap3A_457, %swap3A_458], %swap3A_461 {strides = array<i32>} : memref<256x48xf32, #tpu.memory_space<vmem>>, vector<1x16xf32>,
      %mul3A_462 = vector.broadcast %convert_element_type3A_445 : f32 to vector<16xf32>
      %mul3A_463 = arith.mulf %mul3A_462, %mul3A_290 : vector<16xf32>
      %add3A_464 = arith.addf %mul3A_242, %mul3A_463 : vector<16xf32>
      %swap3A_465 = arith.index_cast %scan3A_442 : i32 to index
      %swap3A_466 = arith.constant 32 : index
      %swap3A_467 = tpu.vector_load %arg5[%swap3A_465, %swap3A_466] {strides = array<i32>} : memref<256x48xf32, #tpu.memory_space<vmem>>, vector<1x16xf32>,
      %swap3A_468 = vector.shape_cast %swap3A_467 : vector<1x16xf32> to vector<16xf32>
      %swap3A_469 = vector.shape_cast %add3A_464 : vector<16xf32> to vector<1x16xf32>
      tpu.vector_store %arg5[%swap3A_465, %swap3A_466], %swap3A_469 {strides = array<i32>} : memref<256x48xf32, #tpu.memory_space<vmem>>, vector<1x16xf32>,
      %scan3A_470 = arith.constant 62 : i32
      %scan3A_471 = arith.addi %scan3A_292, %scan3A_470 : i32
      %sub3A_472 = arith.constant 0 : i32
      %sub3A_473 = arith.subi %scan3A_471, %sub3A_472 : i32
      %convert_element_type3A_474 = arith.sitofp %sub3A_473 : i32 to f32
      %mul3A_475 = vector.broadcast %convert_element_type3A_474 : f32 to vector<16xf32>
      %mul3A_476 = arith.mulf %mul3A_475, %mul3A_262 : vector<16xf32>
      %add3A_477 = arith.addf %mul3A_189, %mul3A_476 : vector<16xf32>
      %swap3A_478 = arith.index_cast %scan3A_471 : i32 to index
      %swap3A_479 = arith.constant 0 : index
      %swap3A_480 = tpu.vector_load %arg5[%swap3A_478, %swap3A_479] {strides = array<i32>} : memref<256x48xf32, #tpu.memory_space<vmem>>, vector<1x16xf32>,
      %swap3A_481 = vector.shape_cast %swap3A_480 : vector<1x16xf32> to vector<16xf32>
      %swap3A_482 = vector.shape_cast %add3A_477 : vector<16xf32> to vector<1x16xf32>
      tpu.vector_store %arg5[%swap3A_478, %swap3A_479], %swap3A_482 {strides = array<i32>} : memref<256x48xf32, #tpu.memory_space<vmem>>, vector<1x16xf32>,
      %mul3A_483 = vector.broadcast %convert_element_type3A_474 : f32 to vector<16xf32>
      %mul3A_484 = arith.mulf %mul3A_483, %mul3A_276 : vector<16xf32>
      %add3A_485 = arith.addf %mul3A_215, %mul3A_484 : vector<16xf32>
      %swap3A_486 = arith.index_cast %scan3A_471 : i32 to index
      %swap3A_487 = arith.constant 16 : index
      %swap3A_488 = tpu.vector_load %arg5[%swap3A_486, %swap3A_487] {strides = array<i32>} : memref<256x48xf32, #tpu.memory_space<vmem>>, vector<1x16xf32>,
      %swap3A_489 = vector.shape_cast %swap3A_488 : vector<1x16xf32> to vector<16xf32>
      %swap3A_490 = vector.shape_cast %add3A_485 : vector<16xf32> to vector<1x16xf32>
      tpu.vector_store %arg5[%swap3A_486, %swap3A_487], %swap3A_490 {strides = array<i32>} : memref<256x48xf32, #tpu.memory_space<vmem>>, vector<1x16xf32>,
      %mul3A_491 = vector.broadcast %convert_element_type3A_474 : f32 to vector<16xf32>
      %mul3A_492 = arith.mulf %mul3A_491, %mul3A_290 : vector<16xf32>
      %add3A_493 = arith.addf %mul3A_242, %mul3A_492 : vector<16xf32>
      %swap3A_494 = arith.index_cast %scan3A_471 : i32 to index
      %swap3A_495 = arith.constant 32 : index
      %swap3A_496 = tpu.vector_load %arg5[%swap3A_494, %swap3A_495] {strides = array<i32>} : memref<256x48xf32, #tpu.memory_space<vmem>>, vector<1x16xf32>,
      %swap3A_497 = vector.shape_cast %swap3A_496 : vector<1x16xf32> to vector<16xf32>
      %swap3A_498 = vector.shape_cast %add3A_493 : vector<16xf32> to vector<1x16xf32>
      tpu.vector_store %arg5[%swap3A_494, %swap3A_495], %swap3A_498 {strides = array<i32>} : memref<256x48xf32, #tpu.memory_space<vmem>>, vector<1x16xf32>,
      %scan3A_499 = arith.constant 63 : i32
      %mul3A_500 = arith.constant 6.300000e+01 : f32
      %mul3A_501 = vector.broadcast %mul3A_500 : f32 to vector<16xf32>
      %mul3A_502 = arith.mulf %mul3A_501, %mul3A_262 : vector<16xf32>
      %add3A_503 = arith.addf %mul3A_189, %mul3A_502 : vector<16xf32>
      %mul3A_504 = arith.constant 6.300000e+01 : f32
      %mul3A_505 = vector.broadcast %mul3A_504 : f32 to vector<16xf32>
      %mul3A_506 = arith.mulf %mul3A_505, %mul3A_276 : vector<16xf32>
      %add3A_507 = arith.addf %mul3A_215, %mul3A_506 : vector<16xf32>
      %mul3A_508 = arith.constant 6.300000e+01 : f32
      %mul3A_509 = vector.broadcast %mul3A_508 : f32 to vector<16xf32>
      %mul3A_510 = arith.mulf %mul3A_509, %mul3A_290 : vector<16xf32>
      %add3A_511 = arith.addf %mul3A_242, %mul3A_510 : vector<16xf32>
      %dma_start3A = arith.constant 0 : i32
      %dma_start3A_512 = arith.constant 0 : i32
      %dma_start3A_513 = tpu.memref_slice %arg5[%dma_start3A, %dma_start3A_512] : memref<256x48xf32, #tpu.memory_space<vmem>> -> memref<64x48xf32, #tpu.memory_space<vmem>>
      %dma_start3A_514 = arith.constant 256 : i32
      %dma_start3A_515 = tpu.memref_slice %arg3[%dma_start3A_514, %mul3A_32] : memref<512x768xf32, #tpu.memory_space<hbm>> -> memref<64x48xf32, #tpu.memory_space<hbm>>
      %dma_start3A_516 = arith.constant 256 : i32
      %dma_start3A_517 = tpu.memref_slice %arg3[%dma_start3A_516, %mul3A_32] : memref<512x768xf32, #tpu.memory_space<hbm>> -> memref<64x48xf32, #tpu.memory_space<hbm>>
      %dma_start3A_518 = arith.constant 0 : i32
      %dma_start3A_519 = arith.constant 0 : i32
      %dma_start3A_520 = tpu.memref_slice %arg5[%dma_start3A_518, %dma_start3A_519] : memref<256x48xf32, #tpu.memory_space<vmem>> -> memref<64x48xf32, #tpu.memory_space<vmem>>
      tpu.enqueue_dma source(%dma_start3A_520 : memref<64x48xf32, #tpu.memory_space<vmem>>) target(%dma_start3A_517 : memref<64x48xf32, #tpu.memory_space<hbm>>) target_semaphore(%arg6 : memref<!tpu.dma_semaphore, #tpu.memory_space<semaphore_mem>>)
      %scan3A_521 = arith.constant 0 : i32
      %scan3A_522 = arith.constant 64 : i32
      %scan3A_523 = arith.constant 64 : i32
      %scan3A_524 = arith.addi %scan3A_522, %scan3A_523 : i32
      %scan3A_525 = arith.constant 8 : i32
      scf.for %scan3A_834 = %scan3A_522 to %scan3A_524 step %scan3A_525  : i32 {
        %sub3A_835 = arith.constant 0 : i32
        %sub3A_836 = arith.subi %scan3A_834, %sub3A_835 : i32
        %convert_element_type3A_837 = arith.sitofp %sub3A_836 : i32 to f32
        %mul3A_838 = vector.broadcast %convert_element_type3A_837 : f32 to vector<16xf32>
        %mul3A_839 = arith.mulf %mul3A_838, %mul3A_262 : vector<16xf32>
        %add3A_840 = arith.addf %mul3A_189, %mul3A_839 : vector<16xf32>
        %swap3A_841 = arith.index_cast %scan3A_834 : i32 to index
        %swap3A_842 = arith.constant 0 : index
        %swap3A_843 = tpu.vector_load %arg5[%swap3A_841, %swap3A_842] {strides = array<i32>} : memref<256x48xf32, #tpu.memory_space<vmem>>, vector<1x16xf32>,
        %swap3A_844 = vector.shape_cast %swap3A_843 : vector<1x16xf32> to vector<16xf32>
        %swap3A_845 = vector.shape_cast %add3A_840 : vector<16xf32> to vector<1x16xf32>
        tpu.vector_store %arg5[%swap3A_841, %swap3A_842], %swap3A_845 {strides = array<i32>} : memref<256x48xf32, #tpu.memory_space<vmem>>, vector<1x16xf32>,
        %mul3A_846 = vector.broadcast %convert_element_type3A_837 : f32 to vector<16xf32>
        %mul3A_847 = arith.mulf %mul3A_846, %mul3A_276 : vector<16xf32>
        %add3A_848 = arith.addf %mul3A_215, %mul3A_847 : vector<16xf32>
        %swap3A_849 = arith.index_cast %scan3A_834 : i32 to index
        %swap3A_850 = arith.constant 16 : index
        %swap3A_851 = tpu.vector_load %arg5[%swap3A_849, %swap3A_850] {strides = array<i32>} : memref<256x48xf32, #tpu.memory_space<vmem>>, vector<1x16xf32>,
        %swap3A_852 = vector.shape_cast %swap3A_851 : vector<1x16xf32> to vector<16xf32>
        %swap3A_853 = vector.shape_cast %add3A_848 : vector<16xf32> to vector<1x16xf32>
        tpu.vector_store %arg5[%swap3A_849, %swap3A_850], %swap3A_853 {strides = array<i32>} : memref<256x48xf32, #tpu.memory_space<vmem>>, vector<1x16xf32>,
        %mul3A_854 = vector.broadcast %convert_element_type3A_837 : f32 to vector<16xf32>
        %mul3A_855 = arith.mulf %mul3A_854, %mul3A_290 : vector<16xf32>
        %add3A_856 = arith.addf %mul3A_242, %mul3A_855 : vector<16xf32>
        %swap3A_857 = arith.index_cast %scan3A_834 : i32 to index
        %swap3A_858 = arith.constant 32 : index
        %swap3A_859 = tpu.vector_load %arg5[%swap3A_857, %swap3A_858] {strides = array<i32>} : memref<256x48xf32, #tpu.memory_space<vmem>>, vector<1x16xf32>,
        %swap3A_860 = vector.shape_cast %swap3A_859 : vector<1x16xf32> to vector<16xf32>
        %swap3A_861 = vector.shape_cast %add3A_856 : vector<16xf32> to vector<1x16xf32>
        tpu.vector_store %arg5[%swap3A_857, %swap3A_858], %swap3A_861 {strides = array<i32>} : memref<256x48xf32, #tpu.memory_space<vmem>>, vector<1x16xf32>,
        %scan3A_862 = arith.constant 1 : i32
        %scan3A_863 = arith.addi %scan3A_834, %scan3A_862 : i32
        %sub3A_864 = arith.constant 0 : i32
        %sub3A_865 = arith.subi %scan3A_863, %sub3A_864 : i32
        %convert_element_type3A_866 = arith.sitofp %sub3A_865 : i32 to f32
        %mul3A_867 = vector.broadcast %convert_element_type3A_866 : f32 to vector<16xf32>
        %mul3A_868 = arith.mulf %mul3A_867, %mul3A_262 : vector<16xf32>
        %add3A_869 = arith.addf %mul3A_189, %mul3A_868 : vector<16xf32>
        %swap3A_870 = arith.index_cast %scan3A_863 : i32 to index
        %swap3A_871 = arith.constant 0 : index
        %swap3A_872 = tpu.vector_load %arg5[%swap3A_870, %swap3A_871] {strides = array<i32>} : memref<256x48xf32, #tpu.memory_space<vmem>>, vector<1x16xf32>,
        %swap3A_873 = vector.shape_cast %swap3A_872 : vector<1x16xf32> to vector<16xf32>
        %swap3A_874 = vector.shape_cast %add3A_869 : vector<16xf32> to vector<1x16xf32>
        tpu.vector_store %arg5[%swap3A_870, %swap3A_871], %swap3A_874 {strides = array<i32>} : memref<256x48xf32, #tpu.memory_space<vmem>>, vector<1x16xf32>,
        %mul3A_875 = vector.broadcast %convert_element_type3A_866 : f32 to vector<16xf32>
        %mul3A_876 = arith.mulf %mul3A_875, %mul3A_276 : vector<16xf32>
        %add3A_877 = arith.addf %mul3A_215, %mul3A_876 : vector<16xf32>
        %swap3A_878 = arith.index_cast %scan3A_863 : i32 to index
        %swap3A_879 = arith.constant 16 : index
        %swap3A_880 = tpu.vector_load %arg5[%swap3A_878, %swap3A_879] {strides = array<i32>} : memref<256x48xf32, #tpu.memory_space<vmem>>, vector<1x16xf32>,
        %swap3A_881 = vector.shape_cast %swap3A_880 : vector<1x16xf32> to vector<16xf32>
        %swap3A_882 = vector.shape_cast %add3A_877 : vector<16xf32> to vector<1x16xf32>
        tpu.vector_store %arg5[%swap3A_878, %swap3A_879], %swap3A_882 {strides = array<i32>} : memref<256x48xf32, #tpu.memory_space<vmem>>, vector<1x16xf32>,
        %mul3A_883 = vector.broadcast %convert_element_type3A_866 : f32 to vector<16xf32>
        %mul3A_884 = arith.mulf %mul3A_883, %mul3A_290 : vector<16xf32>
        %add3A_885 = arith.addf %mul3A_242, %mul3A_884 : vector<16xf32>
        %swap3A_886 = arith.index_cast %scan3A_863 : i32 to index
        %swap3A_887 = arith.constant 32 : index
        %swap3A_888 = tpu.vector_load %arg5[%swap3A_886, %swap3A_887] {strides = array<i32>} : memref<256x48xf32, #tpu.memory_space<vmem>>, vector<1x16xf32>,
        %swap3A_889 = vector.shape_cast %swap3A_888 : vector<1x16xf32> to vector<16xf32>
        %swap3A_890 = vector.shape_cast %add3A_885 : vector<16xf32> to vector<1x16xf32>
        tpu.vector_store %arg5[%swap3A_886, %swap3A_887], %swap3A_890 {strides = array<i32>} : memref<256x48xf32, #tpu.memory_space<vmem>>, vector<1x16xf32>,
        %scan3A_891 = arith.constant 2 : i32
        %scan3A_892 = arith.addi %scan3A_834, %scan3A_891 : i32
        %sub3A_893 = arith.constant 0 : i32
        %sub3A_894 = arith.subi %scan3A_892, %sub3A_893 : i32
        %convert_element_type3A_895 = arith.sitofp %sub3A_894 : i32 to f32
        %mul3A_896 = vector.broadcast %convert_element_type3A_895 : f32 to vector<16xf32>
        %mul3A_897 = arith.mulf %mul3A_896, %mul3A_262 : vector<16xf32>
        %add3A_898 = arith.addf %mul3A_189, %mul3A_897 : vector<16xf32>
        %swap3A_899 = arith.index_cast %scan3A_892 : i32 to index
        %swap3A_900 = arith.constant 0 : index
        %swap3A_901 = tpu.vector_load %arg5[%swap3A_899, %swap3A_900] {strides = array<i32>} : memref<256x48xf32, #tpu.memory_space<vmem>>, vector<1x16xf32>,
        %swap3A_902 = vector.shape_cast %swap3A_901 : vector<1x16xf32> to vector<16xf32>
        %swap3A_903 = vector.shape_cast %add3A_898 : vector<16xf32> to vector<1x16xf32>
        tpu.vector_store %arg5[%swap3A_899, %swap3A_900], %swap3A_903 {strides = array<i32>} : memref<256x48xf32, #tpu.memory_space<vmem>>, vector<1x16xf32>,
        %mul3A_904 = vector.broadcast %convert_element_type3A_895 : f32 to vector<16xf32>
        %mul3A_905 = arith.mulf %mul3A_904, %mul3A_276 : vector<16xf32>
        %add3A_906 = arith.addf %mul3A_215, %mul3A_905 : vector<16xf32>
        %swap3A_907 = arith.index_cast %scan3A_892 : i32 to index
        %swap3A_908 = arith.constant 16 : index
        %swap3A_909 = tpu.vector_load %arg5[%swap3A_907, %swap3A_908] {strides = array<i32>} : memref<256x48xf32, #tpu.memory_space<vmem>>, vector<1x16xf32>,
        %swap3A_910 = vector.shape_cast %swap3A_909 : vector<1x16xf32> to vector<16xf32>
        %swap3A_911 = vector.shape_cast %add3A_906 : vector<16xf32> to vector<1x16xf32>
        tpu.vector_store %arg5[%swap3A_907, %swap3A_908], %swap3A_911 {strides = array<i32>} : memref<256x48xf32, #tpu.memory_space<vmem>>, vector<1x16xf32>,
        %mul3A_912 = vector.broadcast %convert_element_type3A_895 : f32 to vector<16xf32>
        %mul3A_913 = arith.mulf %mul3A_912, %mul3A_290 : vector<16xf32>
        %add3A_914 = arith.addf %mul3A_242, %mul3A_913 : vector<16xf32>
        %swap3A_915 = arith.index_cast %scan3A_892 : i32 to index
        %swap3A_916 = arith.constant 32 : index
        %swap3A_917 = tpu.vector_load %arg5[%swap3A_915, %swap3A_916] {strides = array<i32>} : memref<256x48xf32, #tpu.memory_space<vmem>>, vector<1x16xf32>,
        %swap3A_918 = vector.shape_cast %swap3A_917 : vector<1x16xf32> to vector<16xf32>
        %swap3A_919 = vector.shape_cast %add3A_914 : vector<16xf32> to vector<1x16xf32>
        tpu.vector_store %arg5[%swap3A_915, %swap3A_916], %swap3A_919 {strides = array<i32>} : memref<256x48xf32, #tpu.memory_space<vmem>>, vector<1x16xf32>,
        %scan3A_920 = arith.constant 3 : i32
        %scan3A_921 = arith.addi %scan3A_834, %scan3A_920 : i32
        %sub3A_922 = arith.constant 0 : i32
        %sub3A_923 = arith.subi %scan3A_921, %sub3A_922 : i32
        %convert_element_type3A_924 = arith.sitofp %sub3A_923 : i32 to f32
        %mul3A_925 = vector.broadcast %convert_element_type3A_924 : f32 to vector<16xf32>
        %mul3A_926 = arith.mulf %mul3A_925, %mul3A_262 : vector<16xf32>
        %add3A_927 = arith.addf %mul3A_189, %mul3A_926 : vector<16xf32>
        %swap3A_928 = arith.index_cast %scan3A_921 : i32 to index
        %swap3A_929 = arith.constant 0 : index
        %swap3A_930 = tpu.vector_load %arg5[%swap3A_928, %swap3A_929] {strides = array<i32>} : memref<256x48xf32, #tpu.memory_space<vmem>>, vector<1x16xf32>,
        %swap3A_931 = vector.shape_cast %swap3A_930 : vector<1x16xf32> to vector<16xf32>
        %swap3A_932 = vector.shape_cast %add3A_927 : vector<16xf32> to vector<1x16xf32>
        tpu.vector_store %arg5[%swap3A_928, %swap3A_929], %swap3A_932 {strides = array<i32>} : memref<256x48xf32, #tpu.memory_space<vmem>>, vector<1x16xf32>,
        %mul3A_933 = vector.broadcast %convert_element_type3A_924 : f32 to vector<16xf32>
        %mul3A_934 = arith.mulf %mul3A_933, %mul3A_276 : vector<16xf32>
        %add3A_935 = arith.addf %mul3A_215, %mul3A_934 : vector<16xf32>
        %swap3A_936 = arith.index_cast %scan3A_921 : i32 to index
        %swap3A_937 = arith.constant 16 : index
        %swap3A_938 = tpu.vector_load %arg5[%swap3A_936, %swap3A_937] {strides = array<i32>} : memref<256x48xf32, #tpu.memory_space<vmem>>, vector<1x16xf32>,
        %swap3A_939 = vector.shape_cast %swap3A_938 : vector<1x16xf32> to vector<16xf32>
        %swap3A_940 = vector.shape_cast %add3A_935 : vector<16xf32> to vector<1x16xf32>
        tpu.vector_store %arg5[%swap3A_936, %swap3A_937], %swap3A_940 {strides = array<i32>} : memref<256x48xf32, #tpu.memory_space<vmem>>, vector<1x16xf32>,
        %mul3A_941 = vector.broadcast %convert_element_type3A_924 : f32 to vector<16xf32>
        %mul3A_942 = arith.mulf %mul3A_941, %mul3A_290 : vector<16xf32>
        %add3A_943 = arith.addf %mul3A_242, %mul3A_942 : vector<16xf32>
        %swap3A_944 = arith.index_cast %scan3A_921 : i32 to index
        %swap3A_945 = arith.constant 32 : index
        %swap3A_946 = tpu.vector_load %arg5[%swap3A_944, %swap3A_945] {strides = array<i32>} : memref<256x48xf32, #tpu.memory_space<vmem>>, vector<1x16xf32>,
        %swap3A_947 = vector.shape_cast %swap3A_946 : vector<1x16xf32> to vector<16xf32>
        %swap3A_948 = vector.shape_cast %add3A_943 : vector<16xf32> to vector<1x16xf32>
        tpu.vector_store %arg5[%swap3A_944, %swap3A_945], %swap3A_948 {strides = array<i32>} : memref<256x48xf32, #tpu.memory_space<vmem>>, vector<1x16xf32>,
        %scan3A_949 = arith.constant 4 : i32
        %scan3A_950 = arith.addi %scan3A_834, %scan3A_949 : i32
        %sub3A_951 = arith.constant 0 : i32
        %sub3A_952 = arith.subi %scan3A_950, %sub3A_951 : i32
        %convert_element_type3A_953 = arith.sitofp %sub3A_952 : i32 to f32
        %mul3A_954 = vector.broadcast %convert_element_type3A_953 : f32 to vector<16xf32>
        %mul3A_955 = arith.mulf %mul3A_954, %mul3A_262 : vector<16xf32>
        %add3A_956 = arith.addf %mul3A_189, %mul3A_955 : vector<16xf32>
        %swap3A_957 = arith.index_cast %scan3A_950 : i32 to index
        %swap3A_958 = arith.constant 0 : index
        %swap3A_959 = tpu.vector_load %arg5[%swap3A_957, %swap3A_958] {strides = array<i32>} : memref<256x48xf32, #tpu.memory_space<vmem>>, vector<1x16xf32>,
        %swap3A_960 = vector.shape_cast %swap3A_959 : vector<1x16xf32> to vector<16xf32>
        %swap3A_961 = vector.shape_cast %add3A_956 : vector<16xf32> to vector<1x16xf32>
        tpu.vector_store %arg5[%swap3A_957, %swap3A_958], %swap3A_961 {strides = array<i32>} : memref<256x48xf32, #tpu.memory_space<vmem>>, vector<1x16xf32>,
        %mul3A_962 = vector.broadcast %convert_element_type3A_953 : f32 to vector<16xf32>
        %mul3A_963 = arith.mulf %mul3A_962, %mul3A_276 : vector<16xf32>
        %add3A_964 = arith.addf %mul3A_215, %mul3A_963 : vector<16xf32>
        %swap3A_965 = arith.index_cast %scan3A_950 : i32 to index
        %swap3A_966 = arith.constant 16 : index
        %swap3A_967 = tpu.vector_load %arg5[%swap3A_965, %swap3A_966] {strides = array<i32>} : memref<256x48xf32, #tpu.memory_space<vmem>>, vector<1x16xf32>,
        %swap3A_968 = vector.shape_cast %swap3A_967 : vector<1x16xf32> to vector<16xf32>
        %swap3A_969 = vector.shape_cast %add3A_964 : vector<16xf32> to vector<1x16xf32>
        tpu.vector_store %arg5[%swap3A_965, %swap3A_966], %swap3A_969 {strides = array<i32>} : memref<256x48xf32, #tpu.memory_space<vmem>>, vector<1x16xf32>,
        %mul3A_970 = vector.broadcast %convert_element_type3A_953 : f32 to vector<16xf32>
        %mul3A_971 = arith.mulf %mul3A_970, %mul3A_290 : vector<16xf32>
        %add3A_972 = arith.addf %mul3A_242, %mul3A_971 : vector<16xf32>
        %swap3A_973 = arith.index_cast %scan3A_950 : i32 to index
        %swap3A_974 = arith.constant 32 : index
        %swap3A_975 = tpu.vector_load %arg5[%swap3A_973, %swap3A_974] {strides = array<i32>} : memref<256x48xf32, #tpu.memory_space<vmem>>, vector<1x16xf32>,
        %swap3A_976 = vector.shape_cast %swap3A_975 : vector<1x16xf32> to vector<16xf32>
        %swap3A_977 = vector.shape_cast %add3A_972 : vector<16xf32> to vector<1x16xf32>
        tpu.vector_store %arg5[%swap3A_973, %swap3A_974], %swap3A_977 {strides = array<i32>} : memref<256x48xf32, #tpu.memory_space<vmem>>, vector<1x16xf32>,
        %scan3A_978 = arith.constant 5 : i32
        %scan3A_979 = arith.addi %scan3A_834, %scan3A_978 : i32
        %sub3A_980 = arith.constant 0 : i32
        %sub3A_981 = arith.subi %scan3A_979, %sub3A_980 : i32
        %convert_element_type3A_982 = arith.sitofp %sub3A_981 : i32 to f32
        %mul3A_983 = vector.broadcast %convert_element_type3A_982 : f32 to vector<16xf32>
        %mul3A_984 = arith.mulf %mul3A_983, %mul3A_262 : vector<16xf32>
        %add3A_985 = arith.addf %mul3A_189, %mul3A_984 : vector<16xf32>
        %swap3A_986 = arith.index_cast %scan3A_979 : i32 to index
        %swap3A_987 = arith.constant 0 : index
        %swap3A_988 = tpu.vector_load %arg5[%swap3A_986, %swap3A_987] {strides = array<i32>} : memref<256x48xf32, #tpu.memory_space<vmem>>, vector<1x16xf32>,
        %swap3A_989 = vector.shape_cast %swap3A_988 : vector<1x16xf32> to vector<16xf32>
        %swap3A_990 = vector.shape_cast %add3A_985 : vector<16xf32> to vector<1x16xf32>
        tpu.vector_store %arg5[%swap3A_986, %swap3A_987], %swap3A_990 {strides = array<i32>} : memref<256x48xf32, #tpu.memory_space<vmem>>, vector<1x16xf32>,
        %mul3A_991 = vector.broadcast %convert_element_type3A_982 : f32 to vector<16xf32>
        %mul3A_992 = arith.mulf %mul3A_991, %mul3A_276 : vector<16xf32>
        %add3A_993 = arith.addf %mul3A_215, %mul3A_992 : vector<16xf32>
        %swap3A_994 = arith.index_cast %scan3A_979 : i32 to index
        %swap3A_995 = arith.constant 16 : index
        %swap3A_996 = tpu.vector_load %arg5[%swap3A_994, %swap3A_995] {strides = array<i32>} : memref<256x48xf32, #tpu.memory_space<vmem>>, vector<1x16xf32>,
        %swap3A_997 = vector.shape_cast %swap3A_996 : vector<1x16xf32> to vector<16xf32>
        %swap3A_998 = vector.shape_cast %add3A_993 : vector<16xf32> to vector<1x16xf32>
        tpu.vector_store %arg5[%swap3A_994, %swap3A_995], %swap3A_998 {strides = array<i32>} : memref<256x48xf32, #tpu.memory_space<vmem>>, vector<1x16xf32>,
        %mul3A_999 = vector.broadcast %convert_element_type3A_982 : f32 to vector<16xf32>
        %mul3A_1000 = arith.mulf %mul3A_999, %mul3A_290 : vector<16xf32>
        %add3A_1001 = arith.addf %mul3A_242, %mul3A_1000 : vector<16xf32>
        %swap3A_1002 = arith.index_cast %scan3A_979 : i32 to index
        %swap3A_1003 = arith.constant 32 : index
        %swap3A_1004 = tpu.vector_load %arg5[%swap3A_1002, %swap3A_1003] {strides = array<i32>} : memref<256x48xf32, #tpu.memory_space<vmem>>, vector<1x16xf32>,
        %swap3A_1005 = vector.shape_cast %swap3A_1004 : vector<1x16xf32> to vector<16xf32>
        %swap3A_1006 = vector.shape_cast %add3A_1001 : vector<16xf32> to vector<1x16xf32>
        tpu.vector_store %arg5[%swap3A_1002, %swap3A_1003], %swap3A_1006 {strides = array<i32>} : memref<256x48xf32, #tpu.memory_space<vmem>>, vector<1x16xf32>,
        %scan3A_1007 = arith.constant 6 : i32
        %scan3A_1008 = arith.addi %scan3A_834, %scan3A_1007 : i32
        %sub3A_1009 = arith.constant 0 : i32
        %sub3A_1010 = arith.subi %scan3A_1008, %sub3A_1009 : i32
        %convert_element_type3A_1011 = arith.sitofp %sub3A_1010 : i32 to f32
        %mul3A_1012 = vector.broadcast %convert_element_type3A_1011 : f32 to vector<16xf32>
        %mul3A_1013 = arith.mulf %mul3A_1012, %mul3A_262 : vector<16xf32>
        %add3A_1014 = arith.addf %mul3A_189, %mul3A_1013 : vector<16xf32>
        %swap3A_1015 = arith.index_cast %scan3A_1008 : i32 to index
        %swap3A_1016 = arith.constant 0 : index
        %swap3A_1017 = tpu.vector_load %arg5[%swap3A_1015, %swap3A_1016] {strides = array<i32>} : memref<256x48xf32, #tpu.memory_space<vmem>>, vector<1x16xf32>,
        %swap3A_1018 = vector.shape_cast %swap3A_1017 : vector<1x16xf32> to vector<16xf32>
        %swap3A_1019 = vector.shape_cast %add3A_1014 : vector<16xf32> to vector<1x16xf32>
        tpu.vector_store %arg5[%swap3A_1015, %swap3A_1016], %swap3A_1019 {strides = array<i32>} : memref<256x48xf32, #tpu.memory_space<vmem>>, vector<1x16xf32>,
        %mul3A_1020 = vector.broadcast %convert_element_type3A_1011 : f32 to vector<16xf32>
        %mul3A_1021 = arith.mulf %mul3A_1020, %mul3A_276 : vector<16xf32>
        %add3A_1022 = arith.addf %mul3A_215, %mul3A_1021 : vector<16xf32>
        %swap3A_1023 = arith.index_cast %scan3A_1008 : i32 to index
        %swap3A_1024 = arith.constant 16 : index
        %swap3A_1025 = tpu.vector_load %arg5[%swap3A_1023, %swap3A_1024] {strides = array<i32>} : memref<256x48xf32, #tpu.memory_space<vmem>>, vector<1x16xf32>,
        %swap3A_1026 = vector.shape_cast %swap3A_1025 : vector<1x16xf32> to vector<16xf32>
        %swap3A_1027 = vector.shape_cast %add3A_1022 : vector<16xf32> to vector<1x16xf32>
        tpu.vector_store %arg5[%swap3A_1023, %swap3A_1024], %swap3A_1027 {strides = array<i32>} : memref<256x48xf32, #tpu.memory_space<vmem>>, vector<1x16xf32>,
        %mul3A_1028 = vector.broadcast %convert_element_type3A_1011 : f32 to vector<16xf32>
        %mul3A_1029 = arith.mulf %mul3A_1028, %mul3A_290 : vector<16xf32>
        %add3A_1030 = arith.addf %mul3A_242, %mul3A_1029 : vector<16xf32>
        %swap3A_1031 = arith.index_cast %scan3A_1008 : i32 to index
        %swap3A_1032 = arith.constant 32 : index
        %swap3A_1033 = tpu.vector_load %arg5[%swap3A_1031, %swap3A_1032] {strides = array<i32>} : memref<256x48xf32, #tpu.memory_space<vmem>>, vector<1x16xf32>,
        %swap3A_1034 = vector.shape_cast %swap3A_1033 : vector<1x16xf32> to vector<16xf32>
        %swap3A_1035 = vector.shape_cast %add3A_1030 : vector<16xf32> to vector<1x16xf32>
        tpu.vector_store %arg5[%swap3A_1031, %swap3A_1032], %swap3A_1035 {strides = array<i32>} : memref<256x48xf32, #tpu.memory_space<vmem>>, vector<1x16xf32>,
        %scan3A_1036 = arith.constant 7 : i32
        %scan3A_1037 = arith.addi %scan3A_834, %scan3A_1036 : i32
        %sub3A_1038 = arith.constant 0 : i32
        %sub3A_1039 = arith.subi %scan3A_1037, %sub3A_1038 : i32
        %convert_element_type3A_1040 = arith.sitofp %sub3A_1039 : i32 to f32
        %mul3A_1041 = vector.broadcast %convert_element_type3A_1040 : f32 to vector<16xf32>
        %mul3A_1042 = arith.mulf %mul3A_1041, %mul3A_262 : vector<16xf32>
        %add3A_1043 = arith.addf %mul3A_189, %mul3A_1042 : vector<16xf32>
        %swap3A_1044 = arith.index_cast %scan3A_1037 : i32 to index
        %swap3A_1045 = arith.constant 0 : index
        %swap3A_1046 = tpu.vector_load %arg5[%swap3A_1044, %swap3A_1045] {strides = array<i32>} : memref<256x48xf32, #tpu.memory_space<vmem>>, vector<1x16xf32>,
        %swap3A_1047 = vector.shape_cast %swap3A_1046 : vector<1x16xf32> to vector<16xf32>
        %swap3A_1048 = vector.shape_cast %add3A_1043 : vector<16xf32> to vector<1x16xf32>
        tpu.vector_store %arg5[%swap3A_1044, %swap3A_1045], %swap3A_1048 {strides = array<i32>} : memref<256x48xf32, #tpu.memory_space<vmem>>, vector<1x16xf32>,
        %mul3A_1049 = vector.broadcast %convert_element_type3A_1040 : f32 to vector<16xf32>
        %mul3A_1050 = arith.mulf %mul3A_1049, %mul3A_276 : vector<16xf32>
        %add3A_1051 = arith.addf %mul3A_215, %mul3A_1050 : vector<16xf32>
        %swap3A_1052 = arith.index_cast %scan3A_1037 : i32 to index
        %swap3A_1053 = arith.constant 16 : index
        %swap3A_1054 = tpu.vector_load %arg5[%swap3A_1052, %swap3A_1053] {strides = array<i32>} : memref<256x48xf32, #tpu.memory_space<vmem>>, vector<1x16xf32>,
        %swap3A_1055 = vector.shape_cast %swap3A_1054 : vector<1x16xf32> to vector<16xf32>
        %swap3A_1056 = vector.shape_cast %add3A_1051 : vector<16xf32> to vector<1x16xf32>
        tpu.vector_store %arg5[%swap3A_1052, %swap3A_1053], %swap3A_1056 {strides = array<i32>} : memref<256x48xf32, #tpu.memory_space<vmem>>, vector<1x16xf32>,
        %mul3A_1057 = vector.broadcast %convert_element_type3A_1040 : f32 to vector<16xf32>
        %mul3A_1058 = arith.mulf %mul3A_1057, %mul3A_290 : vector<16xf32>
        %add3A_1059 = arith.addf %mul3A_242, %mul3A_1058 : vector<16xf32>
        %swap3A_1060 = arith.index_cast %scan3A_1037 : i32 to index
        %swap3A_1061 = arith.constant 32 : index
        %swap3A_1062 = tpu.vector_load %arg5[%swap3A_1060, %swap3A_1061] {strides = array<i32>} : memref<256x48xf32, #tpu.memory_space<vmem>>, vector<1x16xf32>,
        %swap3A_1063 = vector.shape_cast %swap3A_1062 : vector<1x16xf32> to vector<16xf32>
        %swap3A_1064 = vector.shape_cast %add3A_1059 : vector<16xf32> to vector<1x16xf32>
        tpu.vector_store %arg5[%swap3A_1060, %swap3A_1061], %swap3A_1064 {strides = array<i32>} : memref<256x48xf32, #tpu.memory_space<vmem>>, vector<1x16xf32>,
      }
      %scan3A_526 = arith.constant 64 : i32
      %mul3A_527 = arith.constant 1.270000e+02 : f32
      %mul3A_528 = vector.broadcast %mul3A_527 : f32 to vector<16xf32>
      %mul3A_529 = arith.mulf %mul3A_528, %mul3A_262 : vector<16xf32>
      %add3A_530 = arith.addf %mul3A_189, %mul3A_529 : vector<16xf32>
      %mul3A_531 = arith.constant 1.270000e+02 : f32
      %mul3A_532 = vector.broadcast %mul3A_531 : f32 to vector<16xf32>
      %mul3A_533 = arith.mulf %mul3A_532, %mul3A_276 : vector<16xf32>
      %add3A_534 = arith.addf %mul3A_215, %mul3A_533 : vector<16xf32>
      %mul3A_535 = arith.constant 1.270000e+02 : f32
      %mul3A_536 = vector.broadcast %mul3A_535 : f32 to vector<16xf32>
      %mul3A_537 = arith.mulf %mul3A_536, %mul3A_290 : vector<16xf32>
      %add3A_538 = arith.addf %mul3A_242, %mul3A_537 : vector<16xf32>
      %dma_start3A_539 = arith.constant 64 : i32
      %dma_start3A_540 = arith.constant 0 : i32
      %dma_start3A_541 = tpu.memref_slice %arg5[%dma_start3A_539, %dma_start3A_540] : memref<256x48xf32, #tpu.memory_space<vmem>> -> memref<64x48xf32, #tpu.memory_space<vmem>>
      %dma_start3A_542 = arith.constant 320 : i32
      %dma_start3A_543 = tpu.memref_slice %arg3[%dma_start3A_542, %mul3A_32] : memref<512x768xf32, #tpu.memory_space<hbm>> -> memref<64x48xf32, #tpu.memory_space<hbm>>
      %dma_start3A_544 = arith.constant 320 : i32
      %dma_start3A_545 = tpu.memref_slice %arg3[%dma_start3A_544, %mul3A_32] : memref<512x768xf32, #tpu.memory_space<hbm>> -> memref<64x48xf32, #tpu.memory_space<hbm>>
      %dma_start3A_546 = arith.constant 64 : i32
      %dma_start3A_547 = arith.constant 0 : i32
      %dma_start3A_548 = tpu.memref_slice %arg5[%dma_start3A_546, %dma_start3A_547] : memref<256x48xf32, #tpu.memory_space<vmem>> -> memref<64x48xf32, #tpu.memory_space<vmem>>
      tpu.enqueue_dma source(%dma_start3A_548 : memref<64x48xf32, #tpu.memory_space<vmem>>) target(%dma_start3A_545 : memref<64x48xf32, #tpu.memory_space<hbm>>) target_semaphore(%arg7 : memref<!tpu.dma_semaphore, #tpu.memory_space<semaphore_mem>>)
      %scan3A_549 = arith.constant 0 : i32
      %scan3A_550 = arith.constant 128 : i32
      %scan3A_551 = arith.constant 64 : i32
      %scan3A_552 = arith.addi %scan3A_550, %scan3A_551 : i32
      %scan3A_553 = arith.constant 8 : i32
      scf.for %scan3A_834 = %scan3A_550 to %scan3A_552 step %scan3A_553  : i32 {
        %sub3A_835 = arith.constant 0 : i32
        %sub3A_836 = arith.subi %scan3A_834, %sub3A_835 : i32
        %convert_element_type3A_837 = arith.sitofp %sub3A_836 : i32 to f32
        %mul3A_838 = vector.broadcast %convert_element_type3A_837 : f32 to vector<16xf32>
        %mul3A_839 = arith.mulf %mul3A_838, %mul3A_262 : vector<16xf32>
        %add3A_840 = arith.addf %mul3A_189, %mul3A_839 : vector<16xf32>
        %swap3A_841 = arith.index_cast %scan3A_834 : i32 to index
        %swap3A_842 = arith.constant 0 : index
        %swap3A_843 = tpu.vector_load %arg5[%swap3A_841, %swap3A_842] {strides = array<i32>} : memref<256x48xf32, #tpu.memory_space<vmem>>, vector<1x16xf32>,
        %swap3A_844 = vector.shape_cast %swap3A_843 : vector<1x16xf32> to vector<16xf32>
        %swap3A_845 = vector.shape_cast %add3A_840 : vector<16xf32> to vector<1x16xf32>
        tpu.vector_store %arg5[%swap3A_841, %swap3A_842], %swap3A_845 {strides = array<i32>} : memref<256x48xf32, #tpu.memory_space<vmem>>, vector<1x16xf32>,
        %mul3A_846 = vector.broadcast %convert_element_type3A_837 : f32 to vector<16xf32>
        %mul3A_847 = arith.mulf %mul3A_846, %mul3A_276 : vector<16xf32>
        %add3A_848 = arith.addf %mul3A_215, %mul3A_847 : vector<16xf32>
        %swap3A_849 = arith.index_cast %scan3A_834 : i32 to index
        %swap3A_850 = arith.constant 16 : index
        %swap3A_851 = tpu.vector_load %arg5[%swap3A_849, %swap3A_850] {strides = array<i32>} : memref<256x48xf32, #tpu.memory_space<vmem>>, vector<1x16xf32>,
        %swap3A_852 = vector.shape_cast %swap3A_851 : vector<1x16xf32> to vector<16xf32>
        %swap3A_853 = vector.shape_cast %add3A_848 : vector<16xf32> to vector<1x16xf32>
        tpu.vector_store %arg5[%swap3A_849, %swap3A_850], %swap3A_853 {strides = array<i32>} : memref<256x48xf32, #tpu.memory_space<vmem>>, vector<1x16xf32>,
        %mul3A_854 = vector.broadcast %convert_element_type3A_837 : f32 to vector<16xf32>
        %mul3A_855 = arith.mulf %mul3A_854, %mul3A_290 : vector<16xf32>
        %add3A_856 = arith.addf %mul3A_242, %mul3A_855 : vector<16xf32>
        %swap3A_857 = arith.index_cast %scan3A_834 : i32 to index
        %swap3A_858 = arith.constant 32 : index
        %swap3A_859 = tpu.vector_load %arg5[%swap3A_857, %swap3A_858] {strides = array<i32>} : memref<256x48xf32, #tpu.memory_space<vmem>>, vector<1x16xf32>,
        %swap3A_860 = vector.shape_cast %swap3A_859 : vector<1x16xf32> to vector<16xf32>
        %swap3A_861 = vector.shape_cast %add3A_856 : vector<16xf32> to vector<1x16xf32>
        tpu.vector_store %arg5[%swap3A_857, %swap3A_858], %swap3A_861 {strides = array<i32>} : memref<256x48xf32, #tpu.memory_space<vmem>>, vector<1x16xf32>,
        %scan3A_862 = arith.constant 1 : i32
        %scan3A_863 = arith.addi %scan3A_834, %scan3A_862 : i32
        %sub3A_864 = arith.constant 0 : i32
        %sub3A_865 = arith.subi %scan3A_863, %sub3A_864 : i32
        %convert_element_type3A_866 = arith.sitofp %sub3A_865 : i32 to f32
        %mul3A_867 = vector.broadcast %convert_element_type3A_866 : f32 to vector<16xf32>
        %mul3A_868 = arith.mulf %mul3A_867, %mul3A_262 : vector<16xf32>
        %add3A_869 = arith.addf %mul3A_189, %mul3A_868 : vector<16xf32>
        %swap3A_870 = arith.index_cast %scan3A_863 : i32 to index
        %swap3A_871 = arith.constant 0 : index
        %swap3A_872 = tpu.vector_load %arg5[%swap3A_870, %swap3A_871] {strides = array<i32>} : memref<256x48xf32, #tpu.memory_space<vmem>>, vector<1x16xf32>,
        %swap3A_873 = vector.shape_cast %swap3A_872 : vector<1x16xf32> to vector<16xf32>
        %swap3A_874 = vector.shape_cast %add3A_869 : vector<16xf32> to vector<1x16xf32>
        tpu.vector_store %arg5[%swap3A_870, %swap3A_871], %swap3A_874 {strides = array<i32>} : memref<256x48xf32, #tpu.memory_space<vmem>>, vector<1x16xf32>,
        %mul3A_875 = vector.broadcast %convert_element_type3A_866 : f32 to vector<16xf32>
        %mul3A_876 = arith.mulf %mul3A_875, %mul3A_276 : vector<16xf32>
        %add3A_877 = arith.addf %mul3A_215, %mul3A_876 : vector<16xf32>
        %swap3A_878 = arith.index_cast %scan3A_863 : i32 to index
        %swap3A_879 = arith.constant 16 : index
        %swap3A_880 = tpu.vector_load %arg5[%swap3A_878, %swap3A_879] {strides = array<i32>} : memref<256x48xf32, #tpu.memory_space<vmem>>, vector<1x16xf32>,
        %swap3A_881 = vector.shape_cast %swap3A_880 : vector<1x16xf32> to vector<16xf32>
        %swap3A_882 = vector.shape_cast %add3A_877 : vector<16xf32> to vector<1x16xf32>
        tpu.vector_store %arg5[%swap3A_878, %swap3A_879], %swap3A_882 {strides = array<i32>} : memref<256x48xf32, #tpu.memory_space<vmem>>, vector<1x16xf32>,
        %mul3A_883 = vector.broadcast %convert_element_type3A_866 : f32 to vector<16xf32>
        %mul3A_884 = arith.mulf %mul3A_883, %mul3A_290 : vector<16xf32>
        %add3A_885 = arith.addf %mul3A_242, %mul3A_884 : vector<16xf32>
        %swap3A_886 = arith.index_cast %scan3A_863 : i32 to index
        %swap3A_887 = arith.constant 32 : index
        %swap3A_888 = tpu.vector_load %arg5[%swap3A_886, %swap3A_887] {strides = array<i32>} : memref<256x48xf32, #tpu.memory_space<vmem>>, vector<1x16xf32>,
        %swap3A_889 = vector.shape_cast %swap3A_888 : vector<1x16xf32> to vector<16xf32>
        %swap3A_890 = vector.shape_cast %add3A_885 : vector<16xf32> to vector<1x16xf32>
        tpu.vector_store %arg5[%swap3A_886, %swap3A_887], %swap3A_890 {strides = array<i32>} : memref<256x48xf32, #tpu.memory_space<vmem>>, vector<1x16xf32>,
        %scan3A_891 = arith.constant 2 : i32
        %scan3A_892 = arith.addi %scan3A_834, %scan3A_891 : i32
        %sub3A_893 = arith.constant 0 : i32
        %sub3A_894 = arith.subi %scan3A_892, %sub3A_893 : i32
        %convert_element_type3A_895 = arith.sitofp %sub3A_894 : i32 to f32
        %mul3A_896 = vector.broadcast %convert_element_type3A_895 : f32 to vector<16xf32>
        %mul3A_897 = arith.mulf %mul3A_896, %mul3A_262 : vector<16xf32>
        %add3A_898 = arith.addf %mul3A_189, %mul3A_897 : vector<16xf32>
        %swap3A_899 = arith.index_cast %scan3A_892 : i32 to index
        %swap3A_900 = arith.constant 0 : index
        %swap3A_901 = tpu.vector_load %arg5[%swap3A_899, %swap3A_900] {strides = array<i32>} : memref<256x48xf32, #tpu.memory_space<vmem>>, vector<1x16xf32>,
        %swap3A_902 = vector.shape_cast %swap3A_901 : vector<1x16xf32> to vector<16xf32>
        %swap3A_903 = vector.shape_cast %add3A_898 : vector<16xf32> to vector<1x16xf32>
        tpu.vector_store %arg5[%swap3A_899, %swap3A_900], %swap3A_903 {strides = array<i32>} : memref<256x48xf32, #tpu.memory_space<vmem>>, vector<1x16xf32>,
        %mul3A_904 = vector.broadcast %convert_element_type3A_895 : f32 to vector<16xf32>
        %mul3A_905 = arith.mulf %mul3A_904, %mul3A_276 : vector<16xf32>
        %add3A_906 = arith.addf %mul3A_215, %mul3A_905 : vector<16xf32>
        %swap3A_907 = arith.index_cast %scan3A_892 : i32 to index
        %swap3A_908 = arith.constant 16 : index
        %swap3A_909 = tpu.vector_load %arg5[%swap3A_907, %swap3A_908] {strides = array<i32>} : memref<256x48xf32, #tpu.memory_space<vmem>>, vector<1x16xf32>,
        %swap3A_910 = vector.shape_cast %swap3A_909 : vector<1x16xf32> to vector<16xf32>
        %swap3A_911 = vector.shape_cast %add3A_906 : vector<16xf32> to vector<1x16xf32>
        tpu.vector_store %arg5[%swap3A_907, %swap3A_908], %swap3A_911 {strides = array<i32>} : memref<256x48xf32, #tpu.memory_space<vmem>>, vector<1x16xf32>,
        %mul3A_912 = vector.broadcast %convert_element_type3A_895 : f32 to vector<16xf32>
        %mul3A_913 = arith.mulf %mul3A_912, %mul3A_290 : vector<16xf32>
        %add3A_914 = arith.addf %mul3A_242, %mul3A_913 : vector<16xf32>
        %swap3A_915 = arith.index_cast %scan3A_892 : i32 to index
        %swap3A_916 = arith.constant 32 : index
        %swap3A_917 = tpu.vector_load %arg5[%swap3A_915, %swap3A_916] {strides = array<i32>} : memref<256x48xf32, #tpu.memory_space<vmem>>, vector<1x16xf32>,
        %swap3A_918 = vector.shape_cast %swap3A_917 : vector<1x16xf32> to vector<16xf32>
        %swap3A_919 = vector.shape_cast %add3A_914 : vector<16xf32> to vector<1x16xf32>
        tpu.vector_store %arg5[%swap3A_915, %swap3A_916], %swap3A_919 {strides = array<i32>} : memref<256x48xf32, #tpu.memory_space<vmem>>, vector<1x16xf32>,
        %scan3A_920 = arith.constant 3 : i32
        %scan3A_921 = arith.addi %scan3A_834, %scan3A_920 : i32
        %sub3A_922 = arith.constant 0 : i32
        %sub3A_923 = arith.subi %scan3A_921, %sub3A_922 : i32
        %convert_element_type3A_924 = arith.sitofp %sub3A_923 : i32 to f32
        %mul3A_925 = vector.broadcast %convert_element_type3A_924 : f32 to vector<16xf32>
        %mul3A_926 = arith.mulf %mul3A_925, %mul3A_262 : vector<16xf32>
        %add3A_927 = arith.addf %mul3A_189, %mul3A_926 : vector<16xf32>
        %swap3A_928 = arith.index_cast %scan3A_921 : i32 to index
        %swap3A_929 = arith.constant 0 : index
        %swap3A_930 = tpu.vector_load %arg5[%swap3A_928, %swap3A_929] {strides = array<i32>} : memref<256x48xf32, #tpu.memory_space<vmem>>, vector<1x16xf32>,
        %swap3A_931 = vector.shape_cast %swap3A_930 : vector<1x16xf32> to vector<16xf32>
        %swap3A_932 = vector.shape_cast %add3A_927 : vector<16xf32> to vector<1x16xf32>
        tpu.vector_store %arg5[%swap3A_928, %swap3A_929], %swap3A_932 {strides = array<i32>} : memref<256x48xf32, #tpu.memory_space<vmem>>, vector<1x16xf32>,
        %mul3A_933 = vector.broadcast %convert_element_type3A_924 : f32 to vector<16xf32>
        %mul3A_934 = arith.mulf %mul3A_933, %mul3A_276 : vector<16xf32>
        %add3A_935 = arith.addf %mul3A_215, %mul3A_934 : vector<16xf32>
        %swap3A_936 = arith.index_cast %scan3A_921 : i32 to index
        %swap3A_937 = arith.constant 16 : index
        %swap3A_938 = tpu.vector_load %arg5[%swap3A_936, %swap3A_937] {strides = array<i32>} : memref<256x48xf32, #tpu.memory_space<vmem>>, vector<1x16xf32>,
        %swap3A_939 = vector.shape_cast %swap3A_938 : vector<1x16xf32> to vector<16xf32>
        %swap3A_940 = vector.shape_cast %add3A_935 : vector<16xf32> to vector<1x16xf32>
        tpu.vector_store %arg5[%swap3A_936, %swap3A_937], %swap3A_940 {strides = array<i32>} : memref<256x48xf32, #tpu.memory_space<vmem>>, vector<1x16xf32>,
        %mul3A_941 = vector.broadcast %convert_element_type3A_924 : f32 to vector<16xf32>
        %mul3A_942 = arith.mulf %mul3A_941, %mul3A_290 : vector<16xf32>
        %add3A_943 = arith.addf %mul3A_242, %mul3A_942 : vector<16xf32>
        %swap3A_944 = arith.index_cast %scan3A_921 : i32 to index
        %swap3A_945 = arith.constant 32 : index
        %swap3A_946 = tpu.vector_load %arg5[%swap3A_944, %swap3A_945] {strides = array<i32>} : memref<256x48xf32, #tpu.memory_space<vmem>>, vector<1x16xf32>,
        %swap3A_947 = vector.shape_cast %swap3A_946 : vector<1x16xf32> to vector<16xf32>
        %swap3A_948 = vector.shape_cast %add3A_943 : vector<16xf32> to vector<1x16xf32>
        tpu.vector_store %arg5[%swap3A_944, %swap3A_945], %swap3A_948 {strides = array<i32>} : memref<256x48xf32, #tpu.memory_space<vmem>>, vector<1x16xf32>,
        %scan3A_949 = arith.constant 4 : i32
        %scan3A_950 = arith.addi %scan3A_834, %scan3A_949 : i32
        %sub3A_951 = arith.constant 0 : i32
        %sub3A_952 = arith.subi %scan3A_950, %sub3A_951 : i32
        %convert_element_type3A_953 = arith.sitofp %sub3A_952 : i32 to f32
        %mul3A_954 = vector.broadcast %convert_element_type3A_953 : f32 to vector<16xf32>
        %mul3A_955 = arith.mulf %mul3A_954, %mul3A_262 : vector<16xf32>
        %add3A_956 = arith.addf %mul3A_189, %mul3A_955 : vector<16xf32>
        %swap3A_957 = arith.index_cast %scan3A_950 : i32 to index
        %swap3A_958 = arith.constant 0 : index
        %swap3A_959 = tpu.vector_load %arg5[%swap3A_957, %swap3A_958] {strides = array<i32>} : memref<256x48xf32, #tpu.memory_space<vmem>>, vector<1x16xf32>,
        %swap3A_960 = vector.shape_cast %swap3A_959 : vector<1x16xf32> to vector<16xf32>
        %swap3A_961 = vector.shape_cast %add3A_956 : vector<16xf32> to vector<1x16xf32>
        tpu.vector_store %arg5[%swap3A_957, %swap3A_958], %swap3A_961 {strides = array<i32>} : memref<256x48xf32, #tpu.memory_space<vmem>>, vector<1x16xf32>,
        %mul3A_962 = vector.broadcast %convert_element_type3A_953 : f32 to vector<16xf32>
        %mul3A_963 = arith.mulf %mul3A_962, %mul3A_276 : vector<16xf32>
        %add3A_964 = arith.addf %mul3A_215, %mul3A_963 : vector<16xf32>
        %swap3A_965 = arith.index_cast %scan3A_950 : i32 to index
        %swap3A_966 = arith.constant 16 : index
        %swap3A_967 = tpu.vector_load %arg5[%swap3A_965, %swap3A_966] {strides = array<i32>} : memref<256x48xf32, #tpu.memory_space<vmem>>, vector<1x16xf32>,
        %swap3A_968 = vector.shape_cast %swap3A_967 : vector<1x16xf32> to vector<16xf32>
        %swap3A_969 = vector.shape_cast %add3A_964 : vector<16xf32> to vector<1x16xf32>
        tpu.vector_store %arg5[%swap3A_965, %swap3A_966], %swap3A_969 {strides = array<i32>} : memref<256x48xf32, #tpu.memory_space<vmem>>, vector<1x16xf32>,
        %mul3A_970 = vector.broadcast %convert_element_type3A_953 : f32 to vector<16xf32>
        %mul3A_971 = arith.mulf %mul3A_970, %mul3A_290 : vector<16xf32>
        %add3A_972 = arith.addf %mul3A_242, %mul3A_971 : vector<16xf32>
        %swap3A_973 = arith.index_cast %scan3A_950 : i32 to index
        %swap3A_974 = arith.constant 32 : index
        %swap3A_975 = tpu.vector_load %arg5[%swap3A_973, %swap3A_974] {strides = array<i32>} : memref<256x48xf32, #tpu.memory_space<vmem>>, vector<1x16xf32>,
        %swap3A_976 = vector.shape_cast %swap3A_975 : vector<1x16xf32> to vector<16xf32>
        %swap3A_977 = vector.shape_cast %add3A_972 : vector<16xf32> to vector<1x16xf32>
        tpu.vector_store %arg5[%swap3A_973, %swap3A_974], %swap3A_977 {strides = array<i32>} : memref<256x48xf32, #tpu.memory_space<vmem>>, vector<1x16xf32>,
        %scan3A_978 = arith.constant 5 : i32
        %scan3A_979 = arith.addi %scan3A_834, %scan3A_978 : i32
        %sub3A_980 = arith.constant 0 : i32
        %sub3A_981 = arith.subi %scan3A_979, %sub3A_980 : i32
        %convert_element_type3A_982 = arith.sitofp %sub3A_981 : i32 to f32
        %mul3A_983 = vector.broadcast %convert_element_type3A_982 : f32 to vector<16xf32>
        %mul3A_984 = arith.mulf %mul3A_983, %mul3A_262 : vector<16xf32>
        %add3A_985 = arith.addf %mul3A_189, %mul3A_984 : vector<16xf32>
        %swap3A_986 = arith.index_cast %scan3A_979 : i32 to index
        %swap3A_987 = arith.constant 0 : index
        %swap3A_988 = tpu.vector_load %arg5[%swap3A_986, %swap3A_987] {strides = array<i32>} : memref<256x48xf32, #tpu.memory_space<vmem>>, vector<1x16xf32>,
        %swap3A_989 = vector.shape_cast %swap3A_988 : vector<1x16xf32> to vector<16xf32>
        %swap3A_990 = vector.shape_cast %add3A_985 : vector<16xf32> to vector<1x16xf32>
        tpu.vector_store %arg5[%swap3A_986, %swap3A_987], %swap3A_990 {strides = array<i32>} : memref<256x48xf32, #tpu.memory_space<vmem>>, vector<1x16xf32>,
        %mul3A_991 = vector.broadcast %convert_element_type3A_982 : f32 to vector<16xf32>
        %mul3A_992 = arith.mulf %mul3A_991, %mul3A_276 : vector<16xf32>
        %add3A_993 = arith.addf %mul3A_215, %mul3A_992 : vector<16xf32>
        %swap3A_994 = arith.index_cast %scan3A_979 : i32 to index
        %swap3A_995 = arith.constant 16 : index
        %swap3A_996 = tpu.vector_load %arg5[%swap3A_994, %swap3A_995] {strides = array<i32>} : memref<256x48xf32, #tpu.memory_space<vmem>>, vector<1x16xf32>,
        %swap3A_997 = vector.shape_cast %swap3A_996 : vector<1x16xf32> to vector<16xf32>
        %swap3A_998 = vector.shape_cast %add3A_993 : vector<16xf32> to vector<1x16xf32>
        tpu.vector_store %arg5[%swap3A_994, %swap3A_995], %swap3A_998 {strides = array<i32>} : memref<256x48xf32, #tpu.memory_space<vmem>>, vector<1x16xf32>,
        %mul3A_999 = vector.broadcast %convert_element_type3A_982 : f32 to vector<16xf32>
        %mul3A_1000 = arith.mulf %mul3A_999, %mul3A_290 : vector<16xf32>
        %add3A_1001 = arith.addf %mul3A_242, %mul3A_1000 : vector<16xf32>
        %swap3A_1002 = arith.index_cast %scan3A_979 : i32 to index
        %swap3A_1003 = arith.constant 32 : index
        %swap3A_1004 = tpu.vector_load %arg5[%swap3A_1002, %swap3A_1003] {strides = array<i32>} : memref<256x48xf32, #tpu.memory_space<vmem>>, vector<1x16xf32>,
        %swap3A_1005 = vector.shape_cast %swap3A_1004 : vector<1x16xf32> to vector<16xf32>
        %swap3A_1006 = vector.shape_cast %add3A_1001 : vector<16xf32> to vector<1x16xf32>
        tpu.vector_store %arg5[%swap3A_1002, %swap3A_1003], %swap3A_1006 {strides = array<i32>} : memref<256x48xf32, #tpu.memory_space<vmem>>, vector<1x16xf32>,
        %scan3A_1007 = arith.constant 6 : i32
        %scan3A_1008 = arith.addi %scan3A_834, %scan3A_1007 : i32
        %sub3A_1009 = arith.constant 0 : i32
        %sub3A_1010 = arith.subi %scan3A_1008, %sub3A_1009 : i32
        %convert_element_type3A_1011 = arith.sitofp %sub3A_1010 : i32 to f32
        %mul3A_1012 = vector.broadcast %convert_element_type3A_1011 : f32 to vector<16xf32>
        %mul3A_1013 = arith.mulf %mul3A_1012, %mul3A_262 : vector<16xf32>
        %add3A_1014 = arith.addf %mul3A_189, %mul3A_1013 : vector<16xf32>
        %swap3A_1015 = arith.index_cast %scan3A_1008 : i32 to index
        %swap3A_1016 = arith.constant 0 : index
        %swap3A_1017 = tpu.vector_load %arg5[%swap3A_1015, %swap3A_1016] {strides = array<i32>} : memref<256x48xf32, #tpu.memory_space<vmem>>, vector<1x16xf32>,
        %swap3A_1018 = vector.shape_cast %swap3A_1017 : vector<1x16xf32> to vector<16xf32>
        %swap3A_1019 = vector.shape_cast %add3A_1014 : vector<16xf32> to vector<1x16xf32>
        tpu.vector_store %arg5[%swap3A_1015, %swap3A_1016], %swap3A_1019 {strides = array<i32>} : memref<256x48xf32, #tpu.memory_space<vmem>>, vector<1x16xf32>,
        %mul3A_1020 = vector.broadcast %convert_element_type3A_1011 : f32 to vector<16xf32>
        %mul3A_1021 = arith.mulf %mul3A_1020, %mul3A_276 : vector<16xf32>
        %add3A_1022 = arith.addf %mul3A_215, %mul3A_1021 : vector<16xf32>
        %swap3A_1023 = arith.index_cast %scan3A_1008 : i32 to index
        %swap3A_1024 = arith.constant 16 : index
        %swap3A_1025 = tpu.vector_load %arg5[%swap3A_1023, %swap3A_1024] {strides = array<i32>} : memref<256x48xf32, #tpu.memory_space<vmem>>, vector<1x16xf32>,
        %swap3A_1026 = vector.shape_cast %swap3A_1025 : vector<1x16xf32> to vector<16xf32>
        %swap3A_1027 = vector.shape_cast %add3A_1022 : vector<16xf32> to vector<1x16xf32>
        tpu.vector_store %arg5[%swap3A_1023, %swap3A_1024], %swap3A_1027 {strides = array<i32>} : memref<256x48xf32, #tpu.memory_space<vmem>>, vector<1x16xf32>,
        %mul3A_1028 = vector.broadcast %convert_element_type3A_1011 : f32 to vector<16xf32>
        %mul3A_1029 = arith.mulf %mul3A_1028, %mul3A_290 : vector<16xf32>
        %add3A_1030 = arith.addf %mul3A_242, %mul3A_1029 : vector<16xf32>
        %swap3A_1031 = arith.index_cast %scan3A_1008 : i32 to index
        %swap3A_1032 = arith.constant 32 : index
        %swap3A_1033 = tpu.vector_load %arg5[%swap3A_1031, %swap3A_1032] {strides = array<i32>} : memref<256x48xf32, #tpu.memory_space<vmem>>, vector<1x16xf32>,
        %swap3A_1034 = vector.shape_cast %swap3A_1033 : vector<1x16xf32> to vector<16xf32>
        %swap3A_1035 = vector.shape_cast %add3A_1030 : vector<16xf32> to vector<1x16xf32>
        tpu.vector_store %arg5[%swap3A_1031, %swap3A_1032], %swap3A_1035 {strides = array<i32>} : memref<256x48xf32, #tpu.memory_space<vmem>>, vector<1x16xf32>,
        %scan3A_1036 = arith.constant 7 : i32
        %scan3A_1037 = arith.addi %scan3A_834, %scan3A_1036 : i32
        %sub3A_1038 = arith.constant 0 : i32
        %sub3A_1039 = arith.subi %scan3A_1037, %sub3A_1038 : i32
        %convert_element_type3A_1040 = arith.sitofp %sub3A_1039 : i32 to f32
        %mul3A_1041 = vector.broadcast %convert_element_type3A_1040 : f32 to vector<16xf32>
        %mul3A_1042 = arith.mulf %mul3A_1041, %mul3A_262 : vector<16xf32>
        %add3A_1043 = arith.addf %mul3A_189, %mul3A_1042 : vector<16xf32>
        %swap3A_1044 = arith.index_cast %scan3A_1037 : i32 to index
        %swap3A_1045 = arith.constant 0 : index
        %swap3A_1046 = tpu.vector_load %arg5[%swap3A_1044, %swap3A_1045] {strides = array<i32>} : memref<256x48xf32, #tpu.memory_space<vmem>>, vector<1x16xf32>,
        %swap3A_1047 = vector.shape_cast %swap3A_1046 : vector<1x16xf32> to vector<16xf32>
        %swap3A_1048 = vector.shape_cast %add3A_1043 : vector<16xf32> to vector<1x16xf32>
        tpu.vector_store %arg5[%swap3A_1044, %swap3A_1045], %swap3A_1048 {strides = array<i32>} : memref<256x48xf32, #tpu.memory_space<vmem>>, vector<1x16xf32>,
        %mul3A_1049 = vector.broadcast %convert_element_type3A_1040 : f32 to vector<16xf32>
        %mul3A_1050 = arith.mulf %mul3A_1049, %mul3A_276 : vector<16xf32>
        %add3A_1051 = arith.addf %mul3A_215, %mul3A_1050 : vector<16xf32>
        %swap3A_1052 = arith.index_cast %scan3A_1037 : i32 to index
        %swap3A_1053 = arith.constant 16 : index
        %swap3A_1054 = tpu.vector_load %arg5[%swap3A_1052, %swap3A_1053] {strides = array<i32>} : memref<256x48xf32, #tpu.memory_space<vmem>>, vector<1x16xf32>,
        %swap3A_1055 = vector.shape_cast %swap3A_1054 : vector<1x16xf32> to vector<16xf32>
        %swap3A_1056 = vector.shape_cast %add3A_1051 : vector<16xf32> to vector<1x16xf32>
        tpu.vector_store %arg5[%swap3A_1052, %swap3A_1053], %swap3A_1056 {strides = array<i32>} : memref<256x48xf32, #tpu.memory_space<vmem>>, vector<1x16xf32>,
        %mul3A_1057 = vector.broadcast %convert_element_type3A_1040 : f32 to vector<16xf32>
        %mul3A_1058 = arith.mulf %mul3A_1057, %mul3A_290 : vector<16xf32>
        %add3A_1059 = arith.addf %mul3A_242, %mul3A_1058 : vector<16xf32>
        %swap3A_1060 = arith.index_cast %scan3A_1037 : i32 to index
        %swap3A_1061 = arith.constant 32 : index
        %swap3A_1062 = tpu.vector_load %arg5[%swap3A_1060, %swap3A_1061] {strides = array<i32>} : memref<256x48xf32, #tpu.memory_space<vmem>>, vector<1x16xf32>,
        %swap3A_1063 = vector.shape_cast %swap3A_1062 : vector<1x16xf32> to vector<16xf32>
        %swap3A_1064 = vector.shape_cast %add3A_1059 : vector<16xf32> to vector<1x16xf32>
        tpu.vector_store %arg5[%swap3A_1060, %swap3A_1061], %swap3A_1064 {strides = array<i32>} : memref<256x48xf32, #tpu.memory_space<vmem>>, vector<1x16xf32>,
      }
      %scan3A_554 = arith.constant 64 : i32
      %mul3A_555 = arith.constant 1.910000e+02 : f32
      %mul3A_556 = vector.broadcast %mul3A_555 : f32 to vector<16xf32>
      %mul3A_557 = arith.mulf %mul3A_556, %mul3A_262 : vector<16xf32>
      %add3A_558 = arith.addf %mul3A_189, %mul3A_557 : vector<16xf32>
      %mul3A_559 = arith.constant 1.910000e+02 : f32
      %mul3A_560 = vector.broadcast %mul3A_559 : f32 to vector<16xf32>
      %mul3A_561 = arith.mulf %mul3A_560, %mul3A_276 : vector<16xf32>
      %add3A_562 = arith.addf %mul3A_215, %mul3A_561 : vector<16xf32>
      %mul3A_563 = arith.constant 1.910000e+02 : f32
      %mul3A_564 = vector.broadcast %mul3A_563 : f32 to vector<16xf32>
      %mul3A_565 = arith.mulf %mul3A_564, %mul3A_290 : vector<16xf32>
      %add3A_566 = arith.addf %mul3A_242, %mul3A_565 : vector<16xf32>
      %dma_start3A_567 = arith.constant 128 : i32
      %dma_start3A_568 = arith.constant 0 : i32
      %dma_start3A_569 = tpu.memref_slice %arg5[%dma_start3A_567, %dma_start3A_568] : memref<256x48xf32, #tpu.memory_space<vmem>> -> memref<64x48xf32, #tpu.memory_space<vmem>>
      %dma_start3A_570 = arith.constant 384 : i32
      %dma_start3A_571 = tpu.memref_slice %arg3[%dma_start3A_570, %mul3A_32] : memref<512x768xf32, #tpu.memory_space<hbm>> -> memref<64x48xf32, #tpu.memory_space<hbm>>
      %dma_start3A_572 = arith.constant 384 : i32
      %dma_start3A_573 = tpu.memref_slice %arg3[%dma_start3A_572, %mul3A_32] : memref<512x768xf32, #tpu.memory_space<hbm>> -> memref<64x48xf32, #tpu.memory_space<hbm>>
      %dma_start3A_574 = arith.constant 128 : i32
      %dma_start3A_575 = arith.constant 0 : i32
      %dma_start3A_576 = tpu.memref_slice %arg5[%dma_start3A_574, %dma_start3A_575] : memref<256x48xf32, #tpu.memory_space<vmem>> -> memref<64x48xf32, #tpu.memory_space<vmem>>
      tpu.enqueue_dma source(%dma_start3A_576 : memref<64x48xf32, #tpu.memory_space<vmem>>) target(%dma_start3A_573 : memref<64x48xf32, #tpu.memory_space<hbm>>) target_semaphore(%arg8 : memref<!tpu.dma_semaphore, #tpu.memory_space<semaphore_mem>>)
      %scan3A_577 = arith.constant 0 : i32
      %scan3A_578 = arith.constant 192 : i32
      %scan3A_579 = arith.constant 32 : i32
      %scan3A_580 = arith.addi %scan3A_578, %scan3A_579 : i32
      %scan3A_581 = arith.constant 8 : i32
      scf.for %scan3A_834 = %scan3A_578 to %scan3A_580 step %scan3A_581  : i32 {
        %sub3A_835 = arith.constant 0 : i32
        %sub3A_836 = arith.subi %scan3A_834, %sub3A_835 : i32
        %convert_element_type3A_837 = arith.sitofp %sub3A_836 : i32 to f32
        %mul3A_838 = vector.broadcast %convert_element_type3A_837 : f32 to vector<16xf32>
        %mul3A_839 = arith.mulf %mul3A_838, %mul3A_262 : vector<16xf32>
        %add3A_840 = arith.addf %mul3A_189, %mul3A_839 : vector<16xf32>
        %swap3A_841 = arith.index_cast %scan3A_834 : i32 to index
        %swap3A_842 = arith.constant 0 : index
        %swap3A_843 = tpu.vector_load %arg5[%swap3A_841, %swap3A_842] {strides = array<i32>} : memref<256x48xf32, #tpu.memory_space<vmem>>, vector<1x16xf32>,
        %swap3A_844 = vector.shape_cast %swap3A_843 : vector<1x16xf32> to vector<16xf32>
        %swap3A_845 = vector.shape_cast %add3A_840 : vector<16xf32> to vector<1x16xf32>
        tpu.vector_store %arg5[%swap3A_841, %swap3A_842], %swap3A_845 {strides = array<i32>} : memref<256x48xf32, #tpu.memory_space<vmem>>, vector<1x16xf32>,
        %mul3A_846 = vector.broadcast %convert_element_type3A_837 : f32 to vector<16xf32>
        %mul3A_847 = arith.mulf %mul3A_846, %mul3A_276 : vector<16xf32>
        %add3A_848 = arith.addf %mul3A_215, %mul3A_847 : vector<16xf32>
        %swap3A_849 = arith.index_cast %scan3A_834 : i32 to index
        %swap3A_850 = arith.constant 16 : index
        %swap3A_851 = tpu.vector_load %arg5[%swap3A_849, %swap3A_850] {strides = array<i32>} : memref<256x48xf32, #tpu.memory_space<vmem>>, vector<1x16xf32>,
        %swap3A_852 = vector.shape_cast %swap3A_851 : vector<1x16xf32> to vector<16xf32>
        %swap3A_853 = vector.shape_cast %add3A_848 : vector<16xf32> to vector<1x16xf32>
        tpu.vector_store %arg5[%swap3A_849, %swap3A_850], %swap3A_853 {strides = array<i32>} : memref<256x48xf32, #tpu.memory_space<vmem>>, vector<1x16xf32>,
        %mul3A_854 = vector.broadcast %convert_element_type3A_837 : f32 to vector<16xf32>
        %mul3A_855 = arith.mulf %mul3A_854, %mul3A_290 : vector<16xf32>
        %add3A_856 = arith.addf %mul3A_242, %mul3A_855 : vector<16xf32>
        %swap3A_857 = arith.index_cast %scan3A_834 : i32 to index
        %swap3A_858 = arith.constant 32 : index
        %swap3A_859 = tpu.vector_load %arg5[%swap3A_857, %swap3A_858] {strides = array<i32>} : memref<256x48xf32, #tpu.memory_space<vmem>>, vector<1x16xf32>,
        %swap3A_860 = vector.shape_cast %swap3A_859 : vector<1x16xf32> to vector<16xf32>
        %swap3A_861 = vector.shape_cast %add3A_856 : vector<16xf32> to vector<1x16xf32>
        tpu.vector_store %arg5[%swap3A_857, %swap3A_858], %swap3A_861 {strides = array<i32>} : memref<256x48xf32, #tpu.memory_space<vmem>>, vector<1x16xf32>,
        %scan3A_862 = arith.constant 1 : i32
        %scan3A_863 = arith.addi %scan3A_834, %scan3A_862 : i32
        %sub3A_864 = arith.constant 0 : i32
        %sub3A_865 = arith.subi %scan3A_863, %sub3A_864 : i32
        %convert_element_type3A_866 = arith.sitofp %sub3A_865 : i32 to f32
        %mul3A_867 = vector.broadcast %convert_element_type3A_866 : f32 to vector<16xf32>
        %mul3A_868 = arith.mulf %mul3A_867, %mul3A_262 : vector<16xf32>
        %add3A_869 = arith.addf %mul3A_189, %mul3A_868 : vector<16xf32>
        %swap3A_870 = arith.index_cast %scan3A_863 : i32 to index
        %swap3A_871 = arith.constant 0 : index
        %swap3A_872 = tpu.vector_load %arg5[%swap3A_870, %swap3A_871] {strides = array<i32>} : memref<256x48xf32, #tpu.memory_space<vmem>>, vector<1x16xf32>,
        %swap3A_873 = vector.shape_cast %swap3A_872 : vector<1x16xf32> to vector<16xf32>
        %swap3A_874 = vector.shape_cast %add3A_869 : vector<16xf32> to vector<1x16xf32>
        tpu.vector_store %arg5[%swap3A_870, %swap3A_871], %swap3A_874 {strides = array<i32>} : memref<256x48xf32, #tpu.memory_space<vmem>>, vector<1x16xf32>,
        %mul3A_875 = vector.broadcast %convert_element_type3A_866 : f32 to vector<16xf32>
        %mul3A_876 = arith.mulf %mul3A_875, %mul3A_276 : vector<16xf32>
        %add3A_877 = arith.addf %mul3A_215, %mul3A_876 : vector<16xf32>
        %swap3A_878 = arith.index_cast %scan3A_863 : i32 to index
        %swap3A_879 = arith.constant 16 : index
        %swap3A_880 = tpu.vector_load %arg5[%swap3A_878, %swap3A_879] {strides = array<i32>} : memref<256x48xf32, #tpu.memory_space<vmem>>, vector<1x16xf32>,
        %swap3A_881 = vector.shape_cast %swap3A_880 : vector<1x16xf32> to vector<16xf32>
        %swap3A_882 = vector.shape_cast %add3A_877 : vector<16xf32> to vector<1x16xf32>
        tpu.vector_store %arg5[%swap3A_878, %swap3A_879], %swap3A_882 {strides = array<i32>} : memref<256x48xf32, #tpu.memory_space<vmem>>, vector<1x16xf32>,
        %mul3A_883 = vector.broadcast %convert_element_type3A_866 : f32 to vector<16xf32>
        %mul3A_884 = arith.mulf %mul3A_883, %mul3A_290 : vector<16xf32>
        %add3A_885 = arith.addf %mul3A_242, %mul3A_884 : vector<16xf32>
        %swap3A_886 = arith.index_cast %scan3A_863 : i32 to index
        %swap3A_887 = arith.constant 32 : index
        %swap3A_888 = tpu.vector_load %arg5[%swap3A_886, %swap3A_887] {strides = array<i32>} : memref<256x48xf32, #tpu.memory_space<vmem>>, vector<1x16xf32>,
        %swap3A_889 = vector.shape_cast %swap3A_888 : vector<1x16xf32> to vector<16xf32>
        %swap3A_890 = vector.shape_cast %add3A_885 : vector<16xf32> to vector<1x16xf32>
        tpu.vector_store %arg5[%swap3A_886, %swap3A_887], %swap3A_890 {strides = array<i32>} : memref<256x48xf32, #tpu.memory_space<vmem>>, vector<1x16xf32>,
        %scan3A_891 = arith.constant 2 : i32
        %scan3A_892 = arith.addi %scan3A_834, %scan3A_891 : i32
        %sub3A_893 = arith.constant 0 : i32
        %sub3A_894 = arith.subi %scan3A_892, %sub3A_893 : i32
        %convert_element_type3A_895 = arith.sitofp %sub3A_894 : i32 to f32
        %mul3A_896 = vector.broadcast %convert_element_type3A_895 : f32 to vector<16xf32>
        %mul3A_897 = arith.mulf %mul3A_896, %mul3A_262 : vector<16xf32>
        %add3A_898 = arith.addf %mul3A_189, %mul3A_897 : vector<16xf32>
        %swap3A_899 = arith.index_cast %scan3A_892 : i32 to index
        %swap3A_900 = arith.constant 0 : index
        %swap3A_901 = tpu.vector_load %arg5[%swap3A_899, %swap3A_900] {strides = array<i32>} : memref<256x48xf32, #tpu.memory_space<vmem>>, vector<1x16xf32>,
        %swap3A_902 = vector.shape_cast %swap3A_901 : vector<1x16xf32> to vector<16xf32>
        %swap3A_903 = vector.shape_cast %add3A_898 : vector<16xf32> to vector<1x16xf32>
        tpu.vector_store %arg5[%swap3A_899, %swap3A_900], %swap3A_903 {strides = array<i32>} : memref<256x48xf32, #tpu.memory_space<vmem>>, vector<1x16xf32>,
        %mul3A_904 = vector.broadcast %convert_element_type3A_895 : f32 to vector<16xf32>
        %mul3A_905 = arith.mulf %mul3A_904, %mul3A_276 : vector<16xf32>
        %add3A_906 = arith.addf %mul3A_215, %mul3A_905 : vector<16xf32>
        %swap3A_907 = arith.index_cast %scan3A_892 : i32 to index
        %swap3A_908 = arith.constant 16 : index
        %swap3A_909 = tpu.vector_load %arg5[%swap3A_907, %swap3A_908] {strides = array<i32>} : memref<256x48xf32, #tpu.memory_space<vmem>>, vector<1x16xf32>,
        %swap3A_910 = vector.shape_cast %swap3A_909 : vector<1x16xf32> to vector<16xf32>
        %swap3A_911 = vector.shape_cast %add3A_906 : vector<16xf32> to vector<1x16xf32>
        tpu.vector_store %arg5[%swap3A_907, %swap3A_908], %swap3A_911 {strides = array<i32>} : memref<256x48xf32, #tpu.memory_space<vmem>>, vector<1x16xf32>,
        %mul3A_912 = vector.broadcast %convert_element_type3A_895 : f32 to vector<16xf32>
        %mul3A_913 = arith.mulf %mul3A_912, %mul3A_290 : vector<16xf32>
        %add3A_914 = arith.addf %mul3A_242, %mul3A_913 : vector<16xf32>
        %swap3A_915 = arith.index_cast %scan3A_892 : i32 to index
        %swap3A_916 = arith.constant 32 : index
        %swap3A_917 = tpu.vector_load %arg5[%swap3A_915, %swap3A_916] {strides = array<i32>} : memref<256x48xf32, #tpu.memory_space<vmem>>, vector<1x16xf32>,
        %swap3A_918 = vector.shape_cast %swap3A_917 : vector<1x16xf32> to vector<16xf32>
        %swap3A_919 = vector.shape_cast %add3A_914 : vector<16xf32> to vector<1x16xf32>
        tpu.vector_store %arg5[%swap3A_915, %swap3A_916], %swap3A_919 {strides = array<i32>} : memref<256x48xf32, #tpu.memory_space<vmem>>, vector<1x16xf32>,
        %scan3A_920 = arith.constant 3 : i32
        %scan3A_921 = arith.addi %scan3A_834, %scan3A_920 : i32
        %sub3A_922 = arith.constant 0 : i32
        %sub3A_923 = arith.subi %scan3A_921, %sub3A_922 : i32
        %convert_element_type3A_924 = arith.sitofp %sub3A_923 : i32 to f32
        %mul3A_925 = vector.broadcast %convert_element_type3A_924 : f32 to vector<16xf32>
        %mul3A_926 = arith.mulf %mul3A_925, %mul3A_262 : vector<16xf32>
        %add3A_927 = arith.addf %mul3A_189, %mul3A_926 : vector<16xf32>
        %swap3A_928 = arith.index_cast %scan3A_921 : i32 to index
        %swap3A_929 = arith.constant 0 : index
        %swap3A_930 = tpu.vector_load %arg5[%swap3A_928, %swap3A_929] {strides = array<i32>} : memref<256x48xf32, #tpu.memory_space<vmem>>, vector<1x16xf32>,
        %swap3A_931 = vector.shape_cast %swap3A_930 : vector<1x16xf32> to vector<16xf32>
        %swap3A_932 = vector.shape_cast %add3A_927 : vector<16xf32> to vector<1x16xf32>
        tpu.vector_store %arg5[%swap3A_928, %swap3A_929], %swap3A_932 {strides = array<i32>} : memref<256x48xf32, #tpu.memory_space<vmem>>, vector<1x16xf32>,
        %mul3A_933 = vector.broadcast %convert_element_type3A_924 : f32 to vector<16xf32>
        %mul3A_934 = arith.mulf %mul3A_933, %mul3A_276 : vector<16xf32>
        %add3A_935 = arith.addf %mul3A_215, %mul3A_934 : vector<16xf32>
        %swap3A_936 = arith.index_cast %scan3A_921 : i32 to index
        %swap3A_937 = arith.constant 16 : index
        %swap3A_938 = tpu.vector_load %arg5[%swap3A_936, %swap3A_937] {strides = array<i32>} : memref<256x48xf32, #tpu.memory_space<vmem>>, vector<1x16xf32>,
        %swap3A_939 = vector.shape_cast %swap3A_938 : vector<1x16xf32> to vector<16xf32>
        %swap3A_940 = vector.shape_cast %add3A_935 : vector<16xf32> to vector<1x16xf32>
        tpu.vector_store %arg5[%swap3A_936, %swap3A_937], %swap3A_940 {strides = array<i32>} : memref<256x48xf32, #tpu.memory_space<vmem>>, vector<1x16xf32>,
        %mul3A_941 = vector.broadcast %convert_element_type3A_924 : f32 to vector<16xf32>
        %mul3A_942 = arith.mulf %mul3A_941, %mul3A_290 : vector<16xf32>
        %add3A_943 = arith.addf %mul3A_242, %mul3A_942 : vector<16xf32>
        %swap3A_944 = arith.index_cast %scan3A_921 : i32 to index
        %swap3A_945 = arith.constant 32 : index
        %swap3A_946 = tpu.vector_load %arg5[%swap3A_944, %swap3A_945] {strides = array<i32>} : memref<256x48xf32, #tpu.memory_space<vmem>>, vector<1x16xf32>,
        %swap3A_947 = vector.shape_cast %swap3A_946 : vector<1x16xf32> to vector<16xf32>
        %swap3A_948 = vector.shape_cast %add3A_943 : vector<16xf32> to vector<1x16xf32>
        tpu.vector_store %arg5[%swap3A_944, %swap3A_945], %swap3A_948 {strides = array<i32>} : memref<256x48xf32, #tpu.memory_space<vmem>>, vector<1x16xf32>,
        %scan3A_949 = arith.constant 4 : i32
        %scan3A_950 = arith.addi %scan3A_834, %scan3A_949 : i32
        %sub3A_951 = arith.constant 0 : i32
        %sub3A_952 = arith.subi %scan3A_950, %sub3A_951 : i32
        %convert_element_type3A_953 = arith.sitofp %sub3A_952 : i32 to f32
        %mul3A_954 = vector.broadcast %convert_element_type3A_953 : f32 to vector<16xf32>
        %mul3A_955 = arith.mulf %mul3A_954, %mul3A_262 : vector<16xf32>
        %add3A_956 = arith.addf %mul3A_189, %mul3A_955 : vector<16xf32>
        %swap3A_957 = arith.index_cast %scan3A_950 : i32 to index
        %swap3A_958 = arith.constant 0 : index
        %swap3A_959 = tpu.vector_load %arg5[%swap3A_957, %swap3A_958] {strides = array<i32>} : memref<256x48xf32, #tpu.memory_space<vmem>>, vector<1x16xf32>,
        %swap3A_960 = vector.shape_cast %swap3A_959 : vector<1x16xf32> to vector<16xf32>
        %swap3A_961 = vector.shape_cast %add3A_956 : vector<16xf32> to vector<1x16xf32>
        tpu.vector_store %arg5[%swap3A_957, %swap3A_958], %swap3A_961 {strides = array<i32>} : memref<256x48xf32, #tpu.memory_space<vmem>>, vector<1x16xf32>,
        %mul3A_962 = vector.broadcast %convert_element_type3A_953 : f32 to vector<16xf32>
        %mul3A_963 = arith.mulf %mul3A_962, %mul3A_276 : vector<16xf32>
        %add3A_964 = arith.addf %mul3A_215, %mul3A_963 : vector<16xf32>
        %swap3A_965 = arith.index_cast %scan3A_950 : i32 to index
        %swap3A_966 = arith.constant 16 : index
        %swap3A_967 = tpu.vector_load %arg5[%swap3A_965, %swap3A_966] {strides = array<i32>} : memref<256x48xf32, #tpu.memory_space<vmem>>, vector<1x16xf32>,
        %swap3A_968 = vector.shape_cast %swap3A_967 : vector<1x16xf32> to vector<16xf32>
        %swap3A_969 = vector.shape_cast %add3A_964 : vector<16xf32> to vector<1x16xf32>
        tpu.vector_store %arg5[%swap3A_965, %swap3A_966], %swap3A_969 {strides = array<i32>} : memref<256x48xf32, #tpu.memory_space<vmem>>, vector<1x16xf32>,
        %mul3A_970 = vector.broadcast %convert_element_type3A_953 : f32 to vector<16xf32>
        %mul3A_971 = arith.mulf %mul3A_970, %mul3A_290 : vector<16xf32>
        %add3A_972 = arith.addf %mul3A_242, %mul3A_971 : vector<16xf32>
        %swap3A_973 = arith.index_cast %scan3A_950 : i32 to index
        %swap3A_974 = arith.constant 32 : index
        %swap3A_975 = tpu.vector_load %arg5[%swap3A_973, %swap3A_974] {strides = array<i32>} : memref<256x48xf32, #tpu.memory_space<vmem>>, vector<1x16xf32>,
        %swap3A_976 = vector.shape_cast %swap3A_975 : vector<1x16xf32> to vector<16xf32>
        %swap3A_977 = vector.shape_cast %add3A_972 : vector<16xf32> to vector<1x16xf32>
        tpu.vector_store %arg5[%swap3A_973, %swap3A_974], %swap3A_977 {strides = array<i32>} : memref<256x48xf32, #tpu.memory_space<vmem>>, vector<1x16xf32>,
        %scan3A_978 = arith.constant 5 : i32
        %scan3A_979 = arith.addi %scan3A_834, %scan3A_978 : i32
        %sub3A_980 = arith.constant 0 : i32
        %sub3A_981 = arith.subi %scan3A_979, %sub3A_980 : i32
        %convert_element_type3A_982 = arith.sitofp %sub3A_981 : i32 to f32
        %mul3A_983 = vector.broadcast %convert_element_type3A_982 : f32 to vector<16xf32>
        %mul3A_984 = arith.mulf %mul3A_983, %mul3A_262 : vector<16xf32>
        %add3A_985 = arith.addf %mul3A_189, %mul3A_984 : vector<16xf32>
        %swap3A_986 = arith.index_cast %scan3A_979 : i32 to index
        %swap3A_987 = arith.constant 0 : index
        %swap3A_988 = tpu.vector_load %arg5[%swap3A_986, %swap3A_987] {strides = array<i32>} : memref<256x48xf32, #tpu.memory_space<vmem>>, vector<1x16xf32>,
        %swap3A_989 = vector.shape_cast %swap3A_988 : vector<1x16xf32> to vector<16xf32>
        %swap3A_990 = vector.shape_cast %add3A_985 : vector<16xf32> to vector<1x16xf32>
        tpu.vector_store %arg5[%swap3A_986, %swap3A_987], %swap3A_990 {strides = array<i32>} : memref<256x48xf32, #tpu.memory_space<vmem>>, vector<1x16xf32>,
        %mul3A_991 = vector.broadcast %convert_element_type3A_982 : f32 to vector<16xf32>
        %mul3A_992 = arith.mulf %mul3A_991, %mul3A_276 : vector<16xf32>
        %add3A_993 = arith.addf %mul3A_215, %mul3A_992 : vector<16xf32>
        %swap3A_994 = arith.index_cast %scan3A_979 : i32 to index
        %swap3A_995 = arith.constant 16 : index
        %swap3A_996 = tpu.vector_load %arg5[%swap3A_994, %swap3A_995] {strides = array<i32>} : memref<256x48xf32, #tpu.memory_space<vmem>>, vector<1x16xf32>,
        %swap3A_997 = vector.shape_cast %swap3A_996 : vector<1x16xf32> to vector<16xf32>
        %swap3A_998 = vector.shape_cast %add3A_993 : vector<16xf32> to vector<1x16xf32>
        tpu.vector_store %arg5[%swap3A_994, %swap3A_995], %swap3A_998 {strides = array<i32>} : memref<256x48xf32, #tpu.memory_space<vmem>>, vector<1x16xf32>,
        %mul3A_999 = vector.broadcast %convert_element_type3A_982 : f32 to vector<16xf32>
        %mul3A_1000 = arith.mulf %mul3A_999, %mul3A_290 : vector<16xf32>
        %add3A_1001 = arith.addf %mul3A_242, %mul3A_1000 : vector<16xf32>
        %swap3A_1002 = arith.index_cast %scan3A_979 : i32 to index
        %swap3A_1003 = arith.constant 32 : index
        %swap3A_1004 = tpu.vector_load %arg5[%swap3A_1002, %swap3A_1003] {strides = array<i32>} : memref<256x48xf32, #tpu.memory_space<vmem>>, vector<1x16xf32>,
        %swap3A_1005 = vector.shape_cast %swap3A_1004 : vector<1x16xf32> to vector<16xf32>
        %swap3A_1006 = vector.shape_cast %add3A_1001 : vector<16xf32> to vector<1x16xf32>
        tpu.vector_store %arg5[%swap3A_1002, %swap3A_1003], %swap3A_1006 {strides = array<i32>} : memref<256x48xf32, #tpu.memory_space<vmem>>, vector<1x16xf32>,
        %scan3A_1007 = arith.constant 6 : i32
        %scan3A_1008 = arith.addi %scan3A_834, %scan3A_1007 : i32
        %sub3A_1009 = arith.constant 0 : i32
        %sub3A_1010 = arith.subi %scan3A_1008, %sub3A_1009 : i32
        %convert_element_type3A_1011 = arith.sitofp %sub3A_1010 : i32 to f32
        %mul3A_1012 = vector.broadcast %convert_element_type3A_1011 : f32 to vector<16xf32>
        %mul3A_1013 = arith.mulf %mul3A_1012, %mul3A_262 : vector<16xf32>
        %add3A_1014 = arith.addf %mul3A_189, %mul3A_1013 : vector<16xf32>
        %swap3A_1015 = arith.index_cast %scan3A_1008 : i32 to index
        %swap3A_1016 = arith.constant 0 : index
        %swap3A_1017 = tpu.vector_load %arg5[%swap3A_1015, %swap3A_1016] {strides = array<i32>} : memref<256x48xf32, #tpu.memory_space<vmem>>, vector<1x16xf32>,
        %swap3A_1018 = vector.shape_cast %swap3A_1017 : vector<1x16xf32> to vector<16xf32>
        %swap3A_1019 = vector.shape_cast %add3A_1014 : vector<16xf32> to vector<1x16xf32>
        tpu.vector_store %arg5[%swap3A_1015, %swap3A_1016], %swap3A_1019 {strides = array<i32>} : memref<256x48xf32, #tpu.memory_space<vmem>>, vector<1x16xf32>,
        %mul3A_1020 = vector.broadcast %convert_element_type3A_1011 : f32 to vector<16xf32>
        %mul3A_1021 = arith.mulf %mul3A_1020, %mul3A_276 : vector<16xf32>
        %add3A_1022 = arith.addf %mul3A_215, %mul3A_1021 : vector<16xf32>
        %swap3A_1023 = arith.index_cast %scan3A_1008 : i32 to index
        %swap3A_1024 = arith.constant 16 : index
        %swap3A_1025 = tpu.vector_load %arg5[%swap3A_1023, %swap3A_1024] {strides = array<i32>} : memref<256x48xf32, #tpu.memory_space<vmem>>, vector<1x16xf32>,
        %swap3A_1026 = vector.shape_cast %swap3A_1025 : vector<1x16xf32> to vector<16xf32>
        %swap3A_1027 = vector.shape_cast %add3A_1022 : vector<16xf32> to vector<1x16xf32>
        tpu.vector_store %arg5[%swap3A_1023, %swap3A_1024], %swap3A_1027 {strides = array<i32>} : memref<256x48xf32, #tpu.memory_space<vmem>>, vector<1x16xf32>,
        %mul3A_1028 = vector.broadcast %convert_element_type3A_1011 : f32 to vector<16xf32>
        %mul3A_1029 = arith.mulf %mul3A_1028, %mul3A_290 : vector<16xf32>
        %add3A_1030 = arith.addf %mul3A_242, %mul3A_1029 : vector<16xf32>
        %swap3A_1031 = arith.index_cast %scan3A_1008 : i32 to index
        %swap3A_1032 = arith.constant 32 : index
        %swap3A_1033 = tpu.vector_load %arg5[%swap3A_1031, %swap3A_1032] {strides = array<i32>} : memref<256x48xf32, #tpu.memory_space<vmem>>, vector<1x16xf32>,
        %swap3A_1034 = vector.shape_cast %swap3A_1033 : vector<1x16xf32> to vector<16xf32>
        %swap3A_1035 = vector.shape_cast %add3A_1030 : vector<16xf32> to vector<1x16xf32>
        tpu.vector_store %arg5[%swap3A_1031, %swap3A_1032], %swap3A_1035 {strides = array<i32>} : memref<256x48xf32, #tpu.memory_space<vmem>>, vector<1x16xf32>,
        %scan3A_1036 = arith.constant 7 : i32
        %scan3A_1037 = arith.addi %scan3A_834, %scan3A_1036 : i32
        %sub3A_1038 = arith.constant 0 : i32
        %sub3A_1039 = arith.subi %scan3A_1037, %sub3A_1038 : i32
        %convert_element_type3A_1040 = arith.sitofp %sub3A_1039 : i32 to f32
        %mul3A_1041 = vector.broadcast %convert_element_type3A_1040 : f32 to vector<16xf32>
        %mul3A_1042 = arith.mulf %mul3A_1041, %mul3A_262 : vector<16xf32>
        %add3A_1043 = arith.addf %mul3A_189, %mul3A_1042 : vector<16xf32>
        %swap3A_1044 = arith.index_cast %scan3A_1037 : i32 to index
        %swap3A_1045 = arith.constant 0 : index
        %swap3A_1046 = tpu.vector_load %arg5[%swap3A_1044, %swap3A_1045] {strides = array<i32>} : memref<256x48xf32, #tpu.memory_space<vmem>>, vector<1x16xf32>,
        %swap3A_1047 = vector.shape_cast %swap3A_1046 : vector<1x16xf32> to vector<16xf32>
        %swap3A_1048 = vector.shape_cast %add3A_1043 : vector<16xf32> to vector<1x16xf32>
        tpu.vector_store %arg5[%swap3A_1044, %swap3A_1045], %swap3A_1048 {strides = array<i32>} : memref<256x48xf32, #tpu.memory_space<vmem>>, vector<1x16xf32>,
        %mul3A_1049 = vector.broadcast %convert_element_type3A_1040 : f32 to vector<16xf32>
        %mul3A_1050 = arith.mulf %mul3A_1049, %mul3A_276 : vector<16xf32>
        %add3A_1051 = arith.addf %mul3A_215, %mul3A_1050 : vector<16xf32>
        %swap3A_1052 = arith.index_cast %scan3A_1037 : i32 to index
        %swap3A_1053 = arith.constant 16 : index
        %swap3A_1054 = tpu.vector_load %arg5[%swap3A_1052, %swap3A_1053] {strides = array<i32>} : memref<256x48xf32, #tpu.memory_space<vmem>>, vector<1x16xf32>,
        %swap3A_1055 = vector.shape_cast %swap3A_1054 : vector<1x16xf32> to vector<16xf32>
        %swap3A_1056 = vector.shape_cast %add3A_1051 : vector<16xf32> to vector<1x16xf32>
        tpu.vector_store %arg5[%swap3A_1052, %swap3A_1053], %swap3A_1056 {strides = array<i32>} : memref<256x48xf32, #tpu.memory_space<vmem>>, vector<1x16xf32>,
        %mul3A_1057 = vector.broadcast %convert_element_type3A_1040 : f32 to vector<16xf32>
        %mul3A_1058 = arith.mulf %mul3A_1057, %mul3A_290 : vector<16xf32>
        %add3A_1059 = arith.addf %mul3A_242, %mul3A_1058 : vector<16xf32>
        %swap3A_1060 = arith.index_cast %scan3A_1037 : i32 to index
        %swap3A_1061 = arith.constant 32 : index
        %swap3A_1062 = tpu.vector_load %arg5[%swap3A_1060, %swap3A_1061] {strides = array<i32>} : memref<256x48xf32, #tpu.memory_space<vmem>>, vector<1x16xf32>,
        %swap3A_1063 = vector.shape_cast %swap3A_1062 : vector<1x16xf32> to vector<16xf32>
        %swap3A_1064 = vector.shape_cast %add3A_1059 : vector<16xf32> to vector<1x16xf32>
        tpu.vector_store %arg5[%swap3A_1060, %swap3A_1061], %swap3A_1064 {strides = array<i32>} : memref<256x48xf32, #tpu.memory_space<vmem>>, vector<1x16xf32>,
      }
      %scan3A_582 = arith.constant 32 : i32
      %scan3A_583 = arith.addi %scan3A_578, %scan3A_582 : i32
      %sub3A_584 = arith.constant 0 : i32
      %sub3A_585 = arith.subi %scan3A_583, %sub3A_584 : i32
      %convert_element_type3A_586 = arith.sitofp %sub3A_585 : i32 to f32
      %mul3A_587 = vector.broadcast %convert_element_type3A_586 : f32 to vector<16xf32>
      %mul3A_588 = arith.mulf %mul3A_587, %mul3A_262 : vector<16xf32>
      %add3A_589 = arith.addf %mul3A_189, %mul3A_588 : vector<16xf32>
      %swap3A_590 = arith.index_cast %scan3A_583 : i32 to index
      %swap3A_591 = arith.constant 0 : index
      %swap3A_592 = tpu.vector_load %arg5[%swap3A_590, %swap3A_591] {strides = array<i32>} : memref<256x48xf32, #tpu.memory_space<vmem>>, vector<1x16xf32>,
      %swap3A_593 = vector.shape_cast %swap3A_592 : vector<1x16xf32> to vector<16xf32>
      %swap3A_594 = vector.shape_cast %add3A_589 : vector<16xf32> to vector<1x16xf32>
      tpu.vector_store %arg5[%swap3A_590, %swap3A_591], %swap3A_594 {strides = array<i32>} : memref<256x48xf32, #tpu.memory_space<vmem>>, vector<1x16xf32>,
      %mul3A_595 = vector.broadcast %convert_element_type3A_586 : f32 to vector<16xf32>
      %mul3A_596 = arith.mulf %mul3A_595, %mul3A_276 : vector<16xf32>
      %add3A_597 = arith.addf %mul3A_215, %mul3A_596 : vector<16xf32>
      %swap3A_598 = arith.index_cast %scan3A_583 : i32 to index
      %swap3A_599 = arith.constant 16 : index
      %swap3A_600 = tpu.vector_load %arg5[%swap3A_598, %swap3A_599] {strides = array<i32>} : memref<256x48xf32, #tpu.memory_space<vmem>>, vector<1x16xf32>,
      %swap3A_601 = vector.shape_cast %swap3A_600 : vector<1x16xf32> to vector<16xf32>
      %swap3A_602 = vector.shape_cast %add3A_597 : vector<16xf32> to vector<1x16xf32>
      tpu.vector_store %arg5[%swap3A_598, %swap3A_599], %swap3A_602 {strides = array<i32>} : memref<256x48xf32, #tpu.memory_space<vmem>>, vector<1x16xf32>,
      %mul3A_603 = vector.broadcast %convert_element_type3A_586 : f32 to vector<16xf32>
      %mul3A_604 = arith.mulf %mul3A_603, %mul3A_290 : vector<16xf32>
      %add3A_605 = arith.addf %mul3A_242, %mul3A_604 : vector<16xf32>
      %swap3A_606 = arith.index_cast %scan3A_583 : i32 to index
      %swap3A_607 = arith.constant 32 : index
      %swap3A_608 = tpu.vector_load %arg5[%swap3A_606, %swap3A_607] {strides = array<i32>} : memref<256x48xf32, #tpu.memory_space<vmem>>, vector<1x16xf32>,
      %swap3A_609 = vector.shape_cast %swap3A_608 : vector<1x16xf32> to vector<16xf32>
      %swap3A_610 = vector.shape_cast %add3A_605 : vector<16xf32> to vector<1x16xf32>
      tpu.vector_store %arg5[%swap3A_606, %swap3A_607], %swap3A_610 {strides = array<i32>} : memref<256x48xf32, #tpu.memory_space<vmem>>, vector<1x16xf32>,
      %scan3A_611 = arith.constant 33 : i32
      %mul3A_612 = arith.constant 2.240000e+02 : f32
      %mul3A_613 = vector.broadcast %mul3A_612 : f32 to vector<16xf32>
      %mul3A_614 = arith.mulf %mul3A_613, %mul3A_262 : vector<16xf32>
      %add3A_615 = arith.addf %mul3A_189, %mul3A_614 : vector<16xf32>
      %mul3A_616 = arith.constant 2.240000e+02 : f32
      %mul3A_617 = vector.broadcast %mul3A_616 : f32 to vector<16xf32>
      %mul3A_618 = arith.mulf %mul3A_617, %mul3A_276 : vector<16xf32>
      %add3A_619 = arith.addf %mul3A_215, %mul3A_618 : vector<16xf32>
      %mul3A_620 = arith.constant 2.240000e+02 : f32
      %mul3A_621 = vector.broadcast %mul3A_620 : f32 to vector<16xf32>
      %mul3A_622 = arith.mulf %mul3A_621, %mul3A_290 : vector<16xf32>
      %add3A_623 = arith.addf %mul3A_242, %mul3A_622 : vector<16xf32>
      %get3A_624 = arith.constant 64 : i32
      %get3A_625 = arith.index_cast %get3A_624 : i32 to index
      %get3A_626 = arith.constant 0 : index
      %get3A_627 = tpu.vector_load %arg4[%get3A_625, %get3A_626] {strides = array<i32>} : memref<65x48xf32, #tpu.memory_space<vmem>>, vector<1x16xf32>,
      %get3A_628 = vector.shape_cast %get3A_627 : vector<1x16xf32> to vector<16xf32>
      %mul3A_629 = arith.constant 0.001953125 : f32
      %mul3A_630 = vector.broadcast %mul3A_629 : f32 to vector<16xf32>
      %mul3A_631 = arith.mulf %get3A_628, %mul3A_630 : vector<16xf32>
      %get3A_632 = arith.constant 64 : i32
      %get3A_633 = arith.index_cast %get3A_632 : i32 to index
      %get3A_634 = arith.constant 16 : index
      %get3A_635 = tpu.vector_load %arg4[%get3A_633, %get3A_634] {strides = array<i32>} : memref<65x48xf32, #tpu.memory_space<vmem>>, vector<1x16xf32>,
      %get3A_636 = vector.shape_cast %get3A_635 : vector<1x16xf32> to vector<16xf32>
      %mul3A_637 = arith.constant 0.001953125 : f32
      %mul3A_638 = vector.broadcast %mul3A_637 : f32 to vector<16xf32>
      %mul3A_639 = arith.mulf %get3A_636, %mul3A_638 : vector<16xf32>
      %get3A_640 = arith.constant 64 : i32
      %get3A_641 = arith.index_cast %get3A_640 : i32 to index
      %get3A_642 = arith.constant 32 : index
      %get3A_643 = tpu.vector_load %arg4[%get3A_641, %get3A_642] {strides = array<i32>} : memref<65x48xf32, #tpu.memory_space<vmem>>, vector<1x16xf32>,
      %get3A_644 = vector.shape_cast %get3A_643 : vector<1x16xf32> to vector<16xf32>
      %mul3A_645 = arith.constant 0.001953125 : f32
      %mul3A_646 = vector.broadcast %mul3A_645 : f32 to vector<16xf32>
      %mul3A_647 = arith.mulf %get3A_644, %mul3A_646 : vector<16xf32>
      %neg3A = arith.constant 0.000000e+00 : f32
      %neg3A_648 = arith.constant 0.001953125 : f32
      %neg3A_649 = arith.subf %neg3A, %neg3A_648 : f32
      %scan3A_650 = arith.constant 225 : i32
      %scan3A_651 = arith.constant 28 : i32
      %scan3A_652 = arith.addi %scan3A_650, %scan3A_651 : i32
      %scan3A_653 = arith.constant 4 : i32
      %scan3A_654:3 = scf.for %scan3A_834 = %scan3A_650 to %scan3A_652 step %scan3A_653 iter_args(%scan3A_835 = %add3A_615, %scan3A_836 = %add3A_619, %scan3A_837 = %add3A_623) -> (vector<16xf32>, vector<16xf32>, vector<16xf32>)  : i32 {
        %add3A_838 = arith.constant -224 : i32
        %add3A_839 = arith.addi %scan3A_834, %add3A_838 : i32
        %get3A_840 = arith.index_cast %add3A_839 : i32 to index
        %get3A_841 = arith.constant 0 : index
        %get3A_842 = tpu.vector_load %arg4[%get3A_840, %get3A_841] {strides = array<i32>} : memref<65x48xf32, #tpu.memory_space<vmem>>, vector<1x16xf32>,
        %get3A_843 = vector.shape_cast %get3A_842 : vector<1x16xf32> to vector<16xf32>
        %mul3A_844 = vector.broadcast %neg3A_649 : f32 to vector<16xf32>
        %mul3A_845 = arith.mulf %get3A_843, %mul3A_844 : vector<16xf32>
        %add3A_846 = arith.addf %scan3A_835, %mul3A_845 : vector<16xf32>
        %add3A_847 = arith.addf %add3A_846, %mul3A_631 : vector<16xf32>
        %swap3A_848 = arith.index_cast %scan3A_834 : i32 to index
        %swap3A_849 = arith.constant 0 : index
        %swap3A_850 = tpu.vector_load %arg5[%swap3A_848, %swap3A_849] {strides = array<i32>} : memref<256x48xf32, #tpu.memory_space<vmem>>, vector<1x16xf32>,
        %swap3A_851 = vector.shape_cast %swap3A_850 : vector<1x16xf32> to vector<16xf32>
        %swap3A_852 = vector.shape_cast %add3A_847 : vector<16xf32> to vector<1x16xf32>
        tpu.vector_store %arg5[%swap3A_848, %swap3A_849], %swap3A_852 {strides = array<i32>} : memref<256x48xf32, #tpu.memory_space<vmem>>, vector<1x16xf32>,
        %get3A_853 = arith.index_cast %add3A_839 : i32 to index
        %get3A_854 = arith.constant 16 : index
        %get3A_855 = tpu.vector_load %arg4[%get3A_853, %get3A_854] {strides = array<i32>} : memref<65x48xf32, #tpu.memory_space<vmem>>, vector<1x16xf32>,
        %get3A_856 = vector.shape_cast %get3A_855 : vector<1x16xf32> to vector<16xf32>
        %mul3A_857 = vector.broadcast %neg3A_649 : f32 to vector<16xf32>
        %mul3A_858 = arith.mulf %get3A_856, %mul3A_857 : vector<16xf32>
        %add3A_859 = arith.addf %scan3A_836, %mul3A_858 : vector<16xf32>
        %add3A_860 = arith.addf %add3A_859, %mul3A_639 : vector<16xf32>
        %swap3A_861 = arith.index_cast %scan3A_834 : i32 to index
        %swap3A_862 = arith.constant 16 : index
        %swap3A_863 = tpu.vector_load %arg5[%swap3A_861, %swap3A_862] {strides = array<i32>} : memref<256x48xf32, #tpu.memory_space<vmem>>, vector<1x16xf32>,
        %swap3A_864 = vector.shape_cast %swap3A_863 : vector<1x16xf32> to vector<16xf32>
        %swap3A_865 = vector.shape_cast %add3A_860 : vector<16xf32> to vector<1x16xf32>
        tpu.vector_store %arg5[%swap3A_861, %swap3A_862], %swap3A_865 {strides = array<i32>} : memref<256x48xf32, #tpu.memory_space<vmem>>, vector<1x16xf32>,
        %get3A_866 = arith.index_cast %add3A_839 : i32 to index
        %get3A_867 = arith.constant 32 : index
        %get3A_868 = tpu.vector_load %arg4[%get3A_866, %get3A_867] {strides = array<i32>} : memref<65x48xf32, #tpu.memory_space<vmem>>, vector<1x16xf32>,
        %get3A_869 = vector.shape_cast %get3A_868 : vector<1x16xf32> to vector<16xf32>
        %mul3A_870 = vector.broadcast %neg3A_649 : f32 to vector<16xf32>
        %mul3A_871 = arith.mulf %get3A_869, %mul3A_870 : vector<16xf32>
        %add3A_872 = arith.addf %scan3A_837, %mul3A_871 : vector<16xf32>
        %add3A_873 = arith.addf %add3A_872, %mul3A_647 : vector<16xf32>
        %swap3A_874 = arith.index_cast %scan3A_834 : i32 to index
        %swap3A_875 = arith.constant 32 : index
        %swap3A_876 = tpu.vector_load %arg5[%swap3A_874, %swap3A_875] {strides = array<i32>} : memref<256x48xf32, #tpu.memory_space<vmem>>, vector<1x16xf32>,
        %swap3A_877 = vector.shape_cast %swap3A_876 : vector<1x16xf32> to vector<16xf32>
        %swap3A_878 = vector.shape_cast %add3A_873 : vector<16xf32> to vector<1x16xf32>
        tpu.vector_store %arg5[%swap3A_874, %swap3A_875], %swap3A_878 {strides = array<i32>} : memref<256x48xf32, #tpu.memory_space<vmem>>, vector<1x16xf32>,
        %scan3A_879 = arith.constant 1 : i32
        %scan3A_880 = arith.addi %scan3A_834, %scan3A_879 : i32
        %add3A_881 = arith.constant -224 : i32
        %add3A_882 = arith.addi %scan3A_880, %add3A_881 : i32
        %get3A_883 = arith.index_cast %add3A_882 : i32 to index
        %get3A_884 = arith.constant 0 : index
        %get3A_885 = tpu.vector_load %arg4[%get3A_883, %get3A_884] {strides = array<i32>} : memref<65x48xf32, #tpu.memory_space<vmem>>, vector<1x16xf32>,
        %get3A_886 = vector.shape_cast %get3A_885 : vector<1x16xf32> to vector<16xf32>
        %mul3A_887 = vector.broadcast %neg3A_649 : f32 to vector<16xf32>
        %mul3A_888 = arith.mulf %get3A_886, %mul3A_887 : vector<16xf32>
        %add3A_889 = arith.addf %add3A_847, %mul3A_888 : vector<16xf32>
        %add3A_890 = arith.addf %add3A_889, %mul3A_631 : vector<16xf32>
        %swap3A_891 = arith.index_cast %scan3A_880 : i32 to index
        %swap3A_892 = arith.constant 0 : index
        %swap3A_893 = tpu.vector_load %arg5[%swap3A_891, %swap3A_892] {strides = array<i32>} : memref<256x48xf32, #tpu.memory_space<vmem>>, vector<1x16xf32>,
        %swap3A_894 = vector.shape_cast %swap3A_893 : vector<1x16xf32> to vector<16xf32>
        %swap3A_895 = vector.shape_cast %add3A_890 : vector<16xf32> to vector<1x16xf32>
        tpu.vector_store %arg5[%swap3A_891, %swap3A_892], %swap3A_895 {strides = array<i32>} : memref<256x48xf32, #tpu.memory_space<vmem>>, vector<1x16xf32>,
        %get3A_896 = arith.index_cast %add3A_882 : i32 to index
        %get3A_897 = arith.constant 16 : index
        %get3A_898 = tpu.vector_load %arg4[%get3A_896, %get3A_897] {strides = array<i32>} : memref<65x48xf32, #tpu.memory_space<vmem>>, vector<1x16xf32>,
        %get3A_899 = vector.shape_cast %get3A_898 : vector<1x16xf32> to vector<16xf32>
        %mul3A_900 = vector.broadcast %neg3A_649 : f32 to vector<16xf32>
        %mul3A_901 = arith.mulf %get3A_899, %mul3A_900 : vector<16xf32>
        %add3A_902 = arith.addf %add3A_860, %mul3A_901 : vector<16xf32>
        %add3A_903 = arith.addf %add3A_902, %mul3A_639 : vector<16xf32>
        %swap3A_904 = arith.index_cast %scan3A_880 : i32 to index
        %swap3A_905 = arith.constant 16 : index
        %swap3A_906 = tpu.vector_load %arg5[%swap3A_904, %swap3A_905] {strides = array<i32>} : memref<256x48xf32, #tpu.memory_space<vmem>>, vector<1x16xf32>,
        %swap3A_907 = vector.shape_cast %swap3A_906 : vector<1x16xf32> to vector<16xf32>
        %swap3A_908 = vector.shape_cast %add3A_903 : vector<16xf32> to vector<1x16xf32>
        tpu.vector_store %arg5[%swap3A_904, %swap3A_905], %swap3A_908 {strides = array<i32>} : memref<256x48xf32, #tpu.memory_space<vmem>>, vector<1x16xf32>,
        %get3A_909 = arith.index_cast %add3A_882 : i32 to index
        %get3A_910 = arith.constant 32 : index
        %get3A_911 = tpu.vector_load %arg4[%get3A_909, %get3A_910] {strides = array<i32>} : memref<65x48xf32, #tpu.memory_space<vmem>>, vector<1x16xf32>,
        %get3A_912 = vector.shape_cast %get3A_911 : vector<1x16xf32> to vector<16xf32>
        %mul3A_913 = vector.broadcast %neg3A_649 : f32 to vector<16xf32>
        %mul3A_914 = arith.mulf %get3A_912, %mul3A_913 : vector<16xf32>
        %add3A_915 = arith.addf %add3A_873, %mul3A_914 : vector<16xf32>
        %add3A_916 = arith.addf %add3A_915, %mul3A_647 : vector<16xf32>
        %swap3A_917 = arith.index_cast %scan3A_880 : i32 to index
        %swap3A_918 = arith.constant 32 : index
        %swap3A_919 = tpu.vector_load %arg5[%swap3A_917, %swap3A_918] {strides = array<i32>} : memref<256x48xf32, #tpu.memory_space<vmem>>, vector<1x16xf32>,
        %swap3A_920 = vector.shape_cast %swap3A_919 : vector<1x16xf32> to vector<16xf32>
        %swap3A_921 = vector.shape_cast %add3A_916 : vector<16xf32> to vector<1x16xf32>
        tpu.vector_store %arg5[%swap3A_917, %swap3A_918], %swap3A_921 {strides = array<i32>} : memref<256x48xf32, #tpu.memory_space<vmem>>, vector<1x16xf32>,
        %scan3A_922 = arith.constant 2 : i32
        %scan3A_923 = arith.addi %scan3A_834, %scan3A_922 : i32
        %add3A_924 = arith.constant -224 : i32
        %add3A_925 = arith.addi %scan3A_923, %add3A_924 : i32
        %get3A_926 = arith.index_cast %add3A_925 : i32 to index
        %get3A_927 = arith.constant 0 : index
        %get3A_928 = tpu.vector_load %arg4[%get3A_926, %get3A_927] {strides = array<i32>} : memref<65x48xf32, #tpu.memory_space<vmem>>, vector<1x16xf32>,
        %get3A_929 = vector.shape_cast %get3A_928 : vector<1x16xf32> to vector<16xf32>
        %mul3A_930 = vector.broadcast %neg3A_649 : f32 to vector<16xf32>
        %mul3A_931 = arith.mulf %get3A_929, %mul3A_930 : vector<16xf32>
        %add3A_932 = arith.addf %add3A_890, %mul3A_931 : vector<16xf32>
        %add3A_933 = arith.addf %add3A_932, %mul3A_631 : vector<16xf32>
        %swap3A_934 = arith.index_cast %scan3A_923 : i32 to index
        %swap3A_935 = arith.constant 0 : index
        %swap3A_936 = tpu.vector_load %arg5[%swap3A_934, %swap3A_935] {strides = array<i32>} : memref<256x48xf32, #tpu.memory_space<vmem>>, vector<1x16xf32>,
        %swap3A_937 = vector.shape_cast %swap3A_936 : vector<1x16xf32> to vector<16xf32>
        %swap3A_938 = vector.shape_cast %add3A_933 : vector<16xf32> to vector<1x16xf32>
        tpu.vector_store %arg5[%swap3A_934, %swap3A_935], %swap3A_938 {strides = array<i32>} : memref<256x48xf32, #tpu.memory_space<vmem>>, vector<1x16xf32>,
        %get3A_939 = arith.index_cast %add3A_925 : i32 to index
        %get3A_940 = arith.constant 16 : index
        %get3A_941 = tpu.vector_load %arg4[%get3A_939, %get3A_940] {strides = array<i32>} : memref<65x48xf32, #tpu.memory_space<vmem>>, vector<1x16xf32>,
        %get3A_942 = vector.shape_cast %get3A_941 : vector<1x16xf32> to vector<16xf32>
        %mul3A_943 = vector.broadcast %neg3A_649 : f32 to vector<16xf32>
        %mul3A_944 = arith.mulf %get3A_942, %mul3A_943 : vector<16xf32>
        %add3A_945 = arith.addf %add3A_903, %mul3A_944 : vector<16xf32>
        %add3A_946 = arith.addf %add3A_945, %mul3A_639 : vector<16xf32>
        %swap3A_947 = arith.index_cast %scan3A_923 : i32 to index
        %swap3A_948 = arith.constant 16 : index
        %swap3A_949 = tpu.vector_load %arg5[%swap3A_947, %swap3A_948] {strides = array<i32>} : memref<256x48xf32, #tpu.memory_space<vmem>>, vector<1x16xf32>,
        %swap3A_950 = vector.shape_cast %swap3A_949 : vector<1x16xf32> to vector<16xf32>
        %swap3A_951 = vector.shape_cast %add3A_946 : vector<16xf32> to vector<1x16xf32>
        tpu.vector_store %arg5[%swap3A_947, %swap3A_948], %swap3A_951 {strides = array<i32>} : memref<256x48xf32, #tpu.memory_space<vmem>>, vector<1x16xf32>,
        %get3A_952 = arith.index_cast %add3A_925 : i32 to index
        %get3A_953 = arith.constant 32 : index
        %get3A_954 = tpu.vector_load %arg4[%get3A_952, %get3A_953] {strides = array<i32>} : memref<65x48xf32, #tpu.memory_space<vmem>>, vector<1x16xf32>,
        %get3A_955 = vector.shape_cast %get3A_954 : vector<1x16xf32> to vector<16xf32>
        %mul3A_956 = vector.broadcast %neg3A_649 : f32 to vector<16xf32>
        %mul3A_957 = arith.mulf %get3A_955, %mul3A_956 : vector<16xf32>
        %add3A_958 = arith.addf %add3A_916, %mul3A_957 : vector<16xf32>
        %add3A_959 = arith.addf %add3A_958, %mul3A_647 : vector<16xf32>
        %swap3A_960 = arith.index_cast %scan3A_923 : i32 to index
        %swap3A_961 = arith.constant 32 : index
        %swap3A_962 = tpu.vector_load %arg5[%swap3A_960, %swap3A_961] {strides = array<i32>} : memref<256x48xf32, #tpu.memory_space<vmem>>, vector<1x16xf32>,
        %swap3A_963 = vector.shape_cast %swap3A_962 : vector<1x16xf32> to vector<16xf32>
        %swap3A_964 = vector.shape_cast %add3A_959 : vector<16xf32> to vector<1x16xf32>
        tpu.vector_store %arg5[%swap3A_960, %swap3A_961], %swap3A_964 {strides = array<i32>} : memref<256x48xf32, #tpu.memory_space<vmem>>, vector<1x16xf32>,
        %scan3A_965 = arith.constant 3 : i32
        %scan3A_966 = arith.addi %scan3A_834, %scan3A_965 : i32
        %add3A_967 = arith.constant -224 : i32
        %add3A_968 = arith.addi %scan3A_966, %add3A_967 : i32
        %get3A_969 = arith.index_cast %add3A_968 : i32 to index
        %get3A_970 = arith.constant 0 : index
        %get3A_971 = tpu.vector_load %arg4[%get3A_969, %get3A_970] {strides = array<i32>} : memref<65x48xf32, #tpu.memory_space<vmem>>, vector<1x16xf32>,
        %get3A_972 = vector.shape_cast %get3A_971 : vector<1x16xf32> to vector<16xf32>
        %mul3A_973 = vector.broadcast %neg3A_649 : f32 to vector<16xf32>
        %mul3A_974 = arith.mulf %get3A_972, %mul3A_973 : vector<16xf32>
        %add3A_975 = arith.addf %add3A_933, %mul3A_974 : vector<16xf32>
        %add3A_976 = arith.addf %add3A_975, %mul3A_631 : vector<16xf32>
        %swap3A_977 = arith.index_cast %scan3A_966 : i32 to index
        %swap3A_978 = arith.constant 0 : index
        %swap3A_979 = tpu.vector_load %arg5[%swap3A_977, %swap3A_978] {strides = array<i32>} : memref<256x48xf32, #tpu.memory_space<vmem>>, vector<1x16xf32>,
        %swap3A_980 = vector.shape_cast %swap3A_979 : vector<1x16xf32> to vector<16xf32>
        %swap3A_981 = vector.shape_cast %add3A_976 : vector<16xf32> to vector<1x16xf32>
        tpu.vector_store %arg5[%swap3A_977, %swap3A_978], %swap3A_981 {strides = array<i32>} : memref<256x48xf32, #tpu.memory_space<vmem>>, vector<1x16xf32>,
        %get3A_982 = arith.index_cast %add3A_968 : i32 to index
        %get3A_983 = arith.constant 16 : index
        %get3A_984 = tpu.vector_load %arg4[%get3A_982, %get3A_983] {strides = array<i32>} : memref<65x48xf32, #tpu.memory_space<vmem>>, vector<1x16xf32>,
        %get3A_985 = vector.shape_cast %get3A_984 : vector<1x16xf32> to vector<16xf32>
        %mul3A_986 = vector.broadcast %neg3A_649 : f32 to vector<16xf32>
        %mul3A_987 = arith.mulf %get3A_985, %mul3A_986 : vector<16xf32>
        %add3A_988 = arith.addf %add3A_946, %mul3A_987 : vector<16xf32>
        %add3A_989 = arith.addf %add3A_988, %mul3A_639 : vector<16xf32>
        %swap3A_990 = arith.index_cast %scan3A_966 : i32 to index
        %swap3A_991 = arith.constant 16 : index
        %swap3A_992 = tpu.vector_load %arg5[%swap3A_990, %swap3A_991] {strides = array<i32>} : memref<256x48xf32, #tpu.memory_space<vmem>>, vector<1x16xf32>,
        %swap3A_993 = vector.shape_cast %swap3A_992 : vector<1x16xf32> to vector<16xf32>
        %swap3A_994 = vector.shape_cast %add3A_989 : vector<16xf32> to vector<1x16xf32>
        tpu.vector_store %arg5[%swap3A_990, %swap3A_991], %swap3A_994 {strides = array<i32>} : memref<256x48xf32, #tpu.memory_space<vmem>>, vector<1x16xf32>,
        %get3A_995 = arith.index_cast %add3A_968 : i32 to index
        %get3A_996 = arith.constant 32 : index
        %get3A_997 = tpu.vector_load %arg4[%get3A_995, %get3A_996] {strides = array<i32>} : memref<65x48xf32, #tpu.memory_space<vmem>>, vector<1x16xf32>,
        %get3A_998 = vector.shape_cast %get3A_997 : vector<1x16xf32> to vector<16xf32>
        %mul3A_999 = vector.broadcast %neg3A_649 : f32 to vector<16xf32>
        %mul3A_1000 = arith.mulf %get3A_998, %mul3A_999 : vector<16xf32>
        %add3A_1001 = arith.addf %add3A_959, %mul3A_1000 : vector<16xf32>
        %add3A_1002 = arith.addf %add3A_1001, %mul3A_647 : vector<16xf32>
        %swap3A_1003 = arith.index_cast %scan3A_966 : i32 to index
        %swap3A_1004 = arith.constant 32 : index
        %swap3A_1005 = tpu.vector_load %arg5[%swap3A_1003, %swap3A_1004] {strides = array<i32>} : memref<256x48xf32, #tpu.memory_space<vmem>>, vector<1x16xf32>,
        %swap3A_1006 = vector.shape_cast %swap3A_1005 : vector<1x16xf32> to vector<16xf32>
        %swap3A_1007 = vector.shape_cast %add3A_1002 : vector<16xf32> to vector<1x16xf32>
        tpu.vector_store %arg5[%swap3A_1003, %swap3A_1004], %swap3A_1007 {strides = array<i32>} : memref<256x48xf32, #tpu.memory_space<vmem>>, vector<1x16xf32>,
        scf.yield %add3A_976, %add3A_989, %add3A_1002 : vector<16xf32>, vector<16xf32>, vector<16xf32>
      }
      %scan3A_655 = arith.constant 28 : i32
      %scan3A_656 = arith.addi %scan3A_650, %scan3A_655 : i32
      %add3A_657 = arith.constant -224 : i32
      %add3A_658 = arith.addi %scan3A_656, %add3A_657 : i32
      %get3A_659 = arith.index_cast %add3A_658 : i32 to index
      %get3A_660 = arith.constant 0 : index
      %get3A_661 = tpu.vector_load %arg4[%get3A_659, %get3A_660] {strides = array<i32>} : memref<65x48xf32, #tpu.memory_space<vmem>>, vector<1x16xf32>,
      %get3A_662 = vector.shape_cast %get3A_661 : vector<1x16xf32> to vector<16xf32>
      %mul3A_663 = vector.broadcast %neg3A_649 : f32 to vector<16xf32>
      %mul3A_664 = arith.mulf %get3A_662, %mul3A_663 : vector<16xf32>
      %add3A_665 = arith.addf %scan3A_654#0, %mul3A_664 : vector<16xf32>
      %add3A_666 = arith.addf %add3A_665, %mul3A_631 : vector<16xf32>
      %swap3A_667 = arith.index_cast %scan3A_656 : i32 to index
      %swap3A_668 = arith.constant 0 : index
      %swap3A_669 = tpu.vector_load %arg5[%swap3A_667, %swap3A_668] {strides = array<i32>} : memref<256x48xf32, #tpu.memory_space<vmem>>, vector<1x16xf32>,
      %swap3A_670 = vector.shape_cast %swap3A_669 : vector<1x16xf32> to vector<16xf32>
      %swap3A_671 = vector.shape_cast %add3A_666 : vector<16xf32> to vector<1x16xf32>
      tpu.vector_store %arg5[%swap3A_667, %swap3A_668], %swap3A_671 {strides = array<i32>} : memref<256x48xf32, #tpu.memory_space<vmem>>, vector<1x16xf32>,
      %get3A_672 = arith.index_cast %add3A_658 : i32 to index
      %get3A_673 = arith.constant 16 : index
      %get3A_674 = tpu.vector_load %arg4[%get3A_672, %get3A_673] {strides = array<i32>} : memref<65x48xf32, #tpu.memory_space<vmem>>, vector<1x16xf32>,
      %get3A_675 = vector.shape_cast %get3A_674 : vector<1x16xf32> to vector<16xf32>
      %mul3A_676 = vector.broadcast %neg3A_649 : f32 to vector<16xf32>
      %mul3A_677 = arith.mulf %get3A_675, %mul3A_676 : vector<16xf32>
      %add3A_678 = arith.addf %scan3A_654#1, %mul3A_677 : vector<16xf32>
      %add3A_679 = arith.addf %add3A_678, %mul3A_639 : vector<16xf32>
      %swap3A_680 = arith.index_cast %scan3A_656 : i32 to index
      %swap3A_681 = arith.constant 16 : index
      %swap3A_682 = tpu.vector_load %arg5[%swap3A_680, %swap3A_681] {strides = array<i32>} : memref<256x48xf32, #tpu.memory_space<vmem>>, vector<1x16xf32>,
      %swap3A_683 = vector.shape_cast %swap3A_682 : vector<1x16xf32> to vector<16xf32>
      %swap3A_684 = vector.shape_cast %add3A_679 : vector<16xf32> to vector<1x16xf32>
      tpu.vector_store %arg5[%swap3A_680, %swap3A_681], %swap3A_684 {strides = array<i32>} : memref<256x48xf32, #tpu.memory_space<vmem>>, vector<1x16xf32>,
      %get3A_685 = arith.index_cast %add3A_658 : i32 to index
      %get3A_686 = arith.constant 32 : index
      %get3A_687 = tpu.vector_load %arg4[%get3A_685, %get3A_686] {strides = array<i32>} : memref<65x48xf32, #tpu.memory_space<vmem>>, vector<1x16xf32>,
      %get3A_688 = vector.shape_cast %get3A_687 : vector<1x16xf32> to vector<16xf32>
      %mul3A_689 = vector.broadcast %neg3A_649 : f32 to vector<16xf32>
      %mul3A_690 = arith.mulf %get3A_688, %mul3A_689 : vector<16xf32>
      %add3A_691 = arith.addf %scan3A_654#2, %mul3A_690 : vector<16xf32>
      %add3A_692 = arith.addf %add3A_691, %mul3A_647 : vector<16xf32>
      %swap3A_693 = arith.index_cast %scan3A_656 : i32 to index
      %swap3A_694 = arith.constant 32 : index
      %swap3A_695 = tpu.vector_load %arg5[%swap3A_693, %swap3A_694] {strides = array<i32>} : memref<256x48xf32, #tpu.memory_space<vmem>>, vector<1x16xf32>,
      %swap3A_696 = vector.shape_cast %swap3A_695 : vector<1x16xf32> to vector<16xf32>
      %swap3A_697 = vector.shape_cast %add3A_692 : vector<16xf32> to vector<1x16xf32>
      tpu.vector_store %arg5[%swap3A_693, %swap3A_694], %swap3A_697 {strides = array<i32>} : memref<256x48xf32, #tpu.memory_space<vmem>>, vector<1x16xf32>,
      %scan3A_698 = arith.constant 29 : i32
      %scan3A_699 = arith.addi %scan3A_650, %scan3A_698 : i32
      %add3A_700 = arith.constant -224 : i32
      %add3A_701 = arith.addi %scan3A_699, %add3A_700 : i32
      %get3A_702 = arith.index_cast %add3A_701 : i32 to index
      %get3A_703 = arith.constant 0 : index
      %get3A_704 = tpu.vector_load %arg4[%get3A_702, %get3A_703] {strides = array<i32>} : memref<65x48xf32, #tpu.memory_space<vmem>>, vector<1x16xf32>,
      %get3A_705 = vector.shape_cast %get3A_704 : vector<1x16xf32> to vector<16xf32>
      %mul3A_706 = vector.broadcast %neg3A_649 : f32 to vector<16xf32>
      %mul3A_707 = arith.mulf %get3A_705, %mul3A_706 : vector<16xf32>
      %add3A_708 = arith.addf %add3A_666, %mul3A_707 : vector<16xf32>
      %add3A_709 = arith.addf %add3A_708, %mul3A_631 : vector<16xf32>
      %swap3A_710 = arith.index_cast %scan3A_699 : i32 to index
      %swap3A_711 = arith.constant 0 : index
      %swap3A_712 = tpu.vector_load %arg5[%swap3A_710, %swap3A_711] {strides = array<i32>} : memref<256x48xf32, #tpu.memory_space<vmem>>, vector<1x16xf32>,
      %swap3A_713 = vector.shape_cast %swap3A_712 : vector<1x16xf32> to vector<16xf32>
      %swap3A_714 = vector.shape_cast %add3A_709 : vector<16xf32> to vector<1x16xf32>
      tpu.vector_store %arg5[%swap3A_710, %swap3A_711], %swap3A_714 {strides = array<i32>} : memref<256x48xf32, #tpu.memory_space<vmem>>, vector<1x16xf32>,
      %get3A_715 = arith.index_cast %add3A_701 : i32 to index
      %get3A_716 = arith.constant 16 : index
      %get3A_717 = tpu.vector_load %arg4[%get3A_715, %get3A_716] {strides = array<i32>} : memref<65x48xf32, #tpu.memory_space<vmem>>, vector<1x16xf32>,
      %get3A_718 = vector.shape_cast %get3A_717 : vector<1x16xf32> to vector<16xf32>
      %mul3A_719 = vector.broadcast %neg3A_649 : f32 to vector<16xf32>
      %mul3A_720 = arith.mulf %get3A_718, %mul3A_719 : vector<16xf32>
      %add3A_721 = arith.addf %add3A_679, %mul3A_720 : vector<16xf32>
      %add3A_722 = arith.addf %add3A_721, %mul3A_639 : vector<16xf32>
      %swap3A_723 = arith.index_cast %scan3A_699 : i32 to index
      %swap3A_724 = arith.constant 16 : index
      %swap3A_725 = tpu.vector_load %arg5[%swap3A_723, %swap3A_724] {strides = array<i32>} : memref<256x48xf32, #tpu.memory_space<vmem>>, vector<1x16xf32>,
      %swap3A_726 = vector.shape_cast %swap3A_725 : vector<1x16xf32> to vector<16xf32>
      %swap3A_727 = vector.shape_cast %add3A_722 : vector<16xf32> to vector<1x16xf32>
      tpu.vector_store %arg5[%swap3A_723, %swap3A_724], %swap3A_727 {strides = array<i32>} : memref<256x48xf32, #tpu.memory_space<vmem>>, vector<1x16xf32>,
      %get3A_728 = arith.index_cast %add3A_701 : i32 to index
      %get3A_729 = arith.constant 32 : index
      %get3A_730 = tpu.vector_load %arg4[%get3A_728, %get3A_729] {strides = array<i32>} : memref<65x48xf32, #tpu.memory_space<vmem>>, vector<1x16xf32>,
      %get3A_731 = vector.shape_cast %get3A_730 : vector<1x16xf32> to vector<16xf32>
      %mul3A_732 = vector.broadcast %neg3A_649 : f32 to vector<16xf32>
      %mul3A_733 = arith.mulf %get3A_731, %mul3A_732 : vector<16xf32>
      %add3A_734 = arith.addf %add3A_692, %mul3A_733 : vector<16xf32>
      %add3A_735 = arith.addf %add3A_734, %mul3A_647 : vector<16xf32>
      %swap3A_736 = arith.index_cast %scan3A_699 : i32 to index
      %swap3A_737 = arith.constant 32 : index
      %swap3A_738 = tpu.vector_load %arg5[%swap3A_736, %swap3A_737] {strides = array<i32>} : memref<256x48xf32, #tpu.memory_space<vmem>>, vector<1x16xf32>,
      %swap3A_739 = vector.shape_cast %swap3A_738 : vector<1x16xf32> to vector<16xf32>
      %swap3A_740 = vector.shape_cast %add3A_735 : vector<16xf32> to vector<1x16xf32>
      tpu.vector_store %arg5[%swap3A_736, %swap3A_737], %swap3A_740 {strides = array<i32>} : memref<256x48xf32, #tpu.memory_space<vmem>>, vector<1x16xf32>,
      %scan3A_741 = arith.constant 30 : i32
      %scan3A_742 = arith.addi %scan3A_650, %scan3A_741 : i32
      %add3A_743 = arith.constant -224 : i32
      %add3A_744 = arith.addi %scan3A_742, %add3A_743 : i32
      %get3A_745 = arith.index_cast %add3A_744 : i32 to index
      %get3A_746 = arith.constant 0 : index
      %get3A_747 = tpu.vector_load %arg4[%get3A_745, %get3A_746] {strides = array<i32>} : memref<65x48xf32, #tpu.memory_space<vmem>>, vector<1x16xf32>,
      %get3A_748 = vector.shape_cast %get3A_747 : vector<1x16xf32> to vector<16xf32>
      %mul3A_749 = vector.broadcast %neg3A_649 : f32 to vector<16xf32>
      %mul3A_750 = arith.mulf %get3A_748, %mul3A_749 : vector<16xf32>
      %add3A_751 = arith.addf %add3A_709, %mul3A_750 : vector<16xf32>
      %add3A_752 = arith.addf %add3A_751, %mul3A_631 : vector<16xf32>
      %swap3A_753 = arith.index_cast %scan3A_742 : i32 to index
      %swap3A_754 = arith.constant 0 : index
      %swap3A_755 = tpu.vector_load %arg5[%swap3A_753, %swap3A_754] {strides = array<i32>} : memref<256x48xf32, #tpu.memory_space<vmem>>, vector<1x16xf32>,
      %swap3A_756 = vector.shape_cast %swap3A_755 : vector<1x16xf32> to vector<16xf32>
      %swap3A_757 = vector.shape_cast %add3A_752 : vector<16xf32> to vector<1x16xf32>
      tpu.vector_store %arg5[%swap3A_753, %swap3A_754], %swap3A_757 {strides = array<i32>} : memref<256x48xf32, #tpu.memory_space<vmem>>, vector<1x16xf32>,
      %get3A_758 = arith.index_cast %add3A_744 : i32 to index
      %get3A_759 = arith.constant 16 : index
      %get3A_760 = tpu.vector_load %arg4[%get3A_758, %get3A_759] {strides = array<i32>} : memref<65x48xf32, #tpu.memory_space<vmem>>, vector<1x16xf32>,
      %get3A_761 = vector.shape_cast %get3A_760 : vector<1x16xf32> to vector<16xf32>
      %mul3A_762 = vector.broadcast %neg3A_649 : f32 to vector<16xf32>
      %mul3A_763 = arith.mulf %get3A_761, %mul3A_762 : vector<16xf32>
      %add3A_764 = arith.addf %add3A_722, %mul3A_763 : vector<16xf32>
      %add3A_765 = arith.addf %add3A_764, %mul3A_639 : vector<16xf32>
      %swap3A_766 = arith.index_cast %scan3A_742 : i32 to index
      %swap3A_767 = arith.constant 16 : index
      %swap3A_768 = tpu.vector_load %arg5[%swap3A_766, %swap3A_767] {strides = array<i32>} : memref<256x48xf32, #tpu.memory_space<vmem>>, vector<1x16xf32>,
      %swap3A_769 = vector.shape_cast %swap3A_768 : vector<1x16xf32> to vector<16xf32>
      %swap3A_770 = vector.shape_cast %add3A_765 : vector<16xf32> to vector<1x16xf32>
      tpu.vector_store %arg5[%swap3A_766, %swap3A_767], %swap3A_770 {strides = array<i32>} : memref<256x48xf32, #tpu.memory_space<vmem>>, vector<1x16xf32>,
      %get3A_771 = arith.index_cast %add3A_744 : i32 to index
      %get3A_772 = arith.constant 32 : index
      %get3A_773 = tpu.vector_load %arg4[%get3A_771, %get3A_772] {strides = array<i32>} : memref<65x48xf32, #tpu.memory_space<vmem>>, vector<1x16xf32>,
      %get3A_774 = vector.shape_cast %get3A_773 : vector<1x16xf32> to vector<16xf32>
      %mul3A_775 = vector.broadcast %neg3A_649 : f32 to vector<16xf32>
      %mul3A_776 = arith.mulf %get3A_774, %mul3A_775 : vector<16xf32>
      %add3A_777 = arith.addf %add3A_735, %mul3A_776 : vector<16xf32>
      %add3A_778 = arith.addf %add3A_777, %mul3A_647 : vector<16xf32>
      %swap3A_779 = arith.index_cast %scan3A_742 : i32 to index
      %swap3A_780 = arith.constant 32 : index
      %swap3A_781 = tpu.vector_load %arg5[%swap3A_779, %swap3A_780] {strides = array<i32>} : memref<256x48xf32, #tpu.memory_space<vmem>>, vector<1x16xf32>,
      %swap3A_782 = vector.shape_cast %swap3A_781 : vector<1x16xf32> to vector<16xf32>
      %swap3A_783 = vector.shape_cast %add3A_778 : vector<16xf32> to vector<1x16xf32>
      tpu.vector_store %arg5[%swap3A_779, %swap3A_780], %swap3A_783 {strides = array<i32>} : memref<256x48xf32, #tpu.memory_space<vmem>>, vector<1x16xf32>,
      %scan3A_784 = arith.constant 31 : i32
      %dma_start3A_785 = arith.constant 192 : i32
      %dma_start3A_786 = arith.constant 0 : i32
      %dma_start3A_787 = tpu.memref_slice %arg5[%dma_start3A_785, %dma_start3A_786] : memref<256x48xf32, #tpu.memory_space<vmem>> -> memref<64x48xf32, #tpu.memory_space<vmem>>
      %dma_start3A_788 = arith.constant 448 : i32
      %dma_start3A_789 = tpu.memref_slice %arg3[%dma_start3A_788, %mul3A_32] : memref<512x768xf32, #tpu.memory_space<hbm>> -> memref<64x48xf32, #tpu.memory_space<hbm>>
      %dma_start3A_790 = arith.constant 448 : i32
      %dma_start3A_791 = tpu.memref_slice %arg3[%dma_start3A_790, %mul3A_32] : memref<512x768xf32, #tpu.memory_space<hbm>> -> memref<64x48xf32, #tpu.memory_space<hbm>>
      %dma_start3A_792 = arith.constant 192 : i32
      %dma_start3A_793 = arith.constant 0 : i32
      %dma_start3A_794 = tpu.memref_slice %arg5[%dma_start3A_792, %dma_start3A_793] : memref<256x48xf32, #tpu.memory_space<vmem>> -> memref<64x48xf32, #tpu.memory_space<vmem>>
      tpu.enqueue_dma source(%dma_start3A_794 : memref<64x48xf32, #tpu.memory_space<vmem>>) target(%dma_start3A_791 : memref<64x48xf32, #tpu.memory_space<hbm>>) target_semaphore(%arg9 : memref<!tpu.dma_semaphore, #tpu.memory_space<semaphore_mem>>)
      %dma_wait3A = arith.constant 0 : i32
      %dma_wait3A_795 = arith.constant 0 : i32
      %dma_wait3A_796 = tpu.memref_slice %arg5[%dma_wait3A, %dma_wait3A_795] : memref<256x48xf32, #tpu.memory_space<vmem>> -> memref<64x48xf32, #tpu.memory_space<vmem>>
      %dma_wait3A_797 = arith.constant 256 : i32
      %dma_wait3A_798 = tpu.memref_slice %arg3[%dma_wait3A_797, %mul3A_32] : memref<512x768xf32, #tpu.memory_space<hbm>> -> memref<64x48xf32, #tpu.memory_space<hbm>>
      %dma_wait3A_799 = arith.constant 256 : i32
      %dma_wait3A_800 = tpu.memref_slice %arg3[%dma_wait3A_799, %mul3A_32] : memref<512x768xf32, #tpu.memory_space<hbm>> -> memref<64x48xf32, #tpu.memory_space<hbm>>
      %dma_wait3A_801 = arith.constant 0 : i32
      %dma_wait3A_802 = arith.constant 0 : i32
      %dma_wait3A_803 = tpu.memref_slice %arg5[%dma_wait3A_801, %dma_wait3A_802] : memref<256x48xf32, #tpu.memory_space<vmem>> -> memref<64x48xf32, #tpu.memory_space<vmem>>
      tpu.wait_dma2 semaphore(%arg6 : memref<!tpu.dma_semaphore, #tpu.memory_space<semaphore_mem>>) src(%dma_wait3A_803 : memref<64x48xf32, #tpu.memory_space<vmem>>) dst(%dma_wait3A_800 : memref<64x48xf32, #tpu.memory_space<hbm>>)
      %dma_wait3A_804 = arith.constant 64 : i32
      %dma_wait3A_805 = arith.constant 0 : i32
      %dma_wait3A_806 = tpu.memref_slice %arg5[%dma_wait3A_804, %dma_wait3A_805] : memref<256x48xf32, #tpu.memory_space<vmem>> -> memref<64x48xf32, #tpu.memory_space<vmem>>
      %dma_wait3A_807 = arith.constant 320 : i32
      %dma_wait3A_808 = tpu.memref_slice %arg3[%dma_wait3A_807, %mul3A_32] : memref<512x768xf32, #tpu.memory_space<hbm>> -> memref<64x48xf32, #tpu.memory_space<hbm>>
      %dma_wait3A_809 = arith.constant 320 : i32
      %dma_wait3A_810 = tpu.memref_slice %arg3[%dma_wait3A_809, %mul3A_32] : memref<512x768xf32, #tpu.memory_space<hbm>> -> memref<64x48xf32, #tpu.memory_space<hbm>>
      %dma_wait3A_811 = arith.constant 64 : i32
      %dma_wait3A_812 = arith.constant 0 : i32
      %dma_wait3A_813 = tpu.memref_slice %arg5[%dma_wait3A_811, %dma_wait3A_812] : memref<256x48xf32, #tpu.memory_space<vmem>> -> memref<64x48xf32, #tpu.memory_space<vmem>>
      tpu.wait_dma2 semaphore(%arg7 : memref<!tpu.dma_semaphore, #tpu.memory_space<semaphore_mem>>) src(%dma_wait3A_813 : memref<64x48xf32, #tpu.memory_space<vmem>>) dst(%dma_wait3A_810 : memref<64x48xf32, #tpu.memory_space<hbm>>)
      %dma_wait3A_814 = arith.constant 128 : i32
      %dma_wait3A_815 = arith.constant 0 : i32
      %dma_wait3A_816 = tpu.memref_slice %arg5[%dma_wait3A_814, %dma_wait3A_815] : memref<256x48xf32, #tpu.memory_space<vmem>> -> memref<64x48xf32, #tpu.memory_space<vmem>>
      %dma_wait3A_817 = arith.constant 384 : i32
      %dma_wait3A_818 = tpu.memref_slice %arg3[%dma_wait3A_817, %mul3A_32] : memref<512x768xf32, #tpu.memory_space<hbm>> -> memref<64x48xf32, #tpu.memory_space<hbm>>
      %dma_wait3A_819 = arith.constant 384 : i32
      %dma_wait3A_820 = tpu.memref_slice %arg3[%dma_wait3A_819, %mul3A_32] : memref<512x768xf32, #tpu.memory_space<hbm>> -> memref<64x48xf32, #tpu.memory_space<hbm>>
      %dma_wait3A_821 = arith.constant 128 : i32
      %dma_wait3A_822 = arith.constant 0 : i32
      %dma_wait3A_823 = tpu.memref_slice %arg5[%dma_wait3A_821, %dma_wait3A_822] : memref<256x48xf32, #tpu.memory_space<vmem>> -> memref<64x48xf32, #tpu.memory_space<vmem>>
      tpu.wait_dma2 semaphore(%arg8 : memref<!tpu.dma_semaphore, #tpu.memory_space<semaphore_mem>>) src(%dma_wait3A_823 : memref<64x48xf32, #tpu.memory_space<vmem>>) dst(%dma_wait3A_820 : memref<64x48xf32, #tpu.memory_space<hbm>>)
      %dma_wait3A_824 = arith.constant 192 : i32
      %dma_wait3A_825 = arith.constant 0 : i32
      %dma_wait3A_826 = tpu.memref_slice %arg5[%dma_wait3A_824, %dma_wait3A_825] : memref<256x48xf32, #tpu.memory_space<vmem>> -> memref<64x48xf32, #tpu.memory_space<vmem>>
      %dma_wait3A_827 = arith.constant 448 : i32
      %dma_wait3A_828 = tpu.memref_slice %arg3[%dma_wait3A_827, %mul3A_32] : memref<512x768xf32, #tpu.memory_space<hbm>> -> memref<64x48xf32, #tpu.memory_space<hbm>>
      %dma_wait3A_829 = arith.constant 448 : i32
      %dma_wait3A_830 = tpu.memref_slice %arg3[%dma_wait3A_829, %mul3A_32] : memref<512x768xf32, #tpu.memory_space<hbm>> -> memref<64x48xf32, #tpu.memory_space<hbm>>
      %dma_wait3A_831 = arith.constant 192 : i32
      %dma_wait3A_832 = arith.constant 0 : i32
      %dma_wait3A_833 = tpu.memref_slice %arg5[%dma_wait3A_831, %dma_wait3A_832] : memref<256x48xf32, #tpu.memory_space<vmem>> -> memref<64x48xf32, #tpu.memory_space<vmem>>
      tpu.wait_dma2 semaphore(%arg9 : memref<!tpu.dma_semaphore, #tpu.memory_space<semaphore_mem>>) src(%dma_wait3A_833 : memref<64x48xf32, #tpu.memory_space<vmem>>) dst(%dma_wait3A_830 : memref<64x48xf32, #tpu.memory_space<hbm>>)
    } else {
    }
    return
  }
}

</mosaic_0001>

<sc_bundles>
// kernel: kernel.3.cloned.1.call-start
scs
__scs_entry_jumppad:
0x0: {  	(pc) =	sbr.rel $0x88, $3  }
0x1: {  	(tag) =	ssettag $0x0;
	lr =	simm.s32 $0x1  }
0x2: {  	[smem:$0x3FA0] =	sst lr;
	_ =	strace $0xD0000000  }
0x3: {  	_ = 	snop  }
0x4: {  	_ = 	snop  }
0x5: {  	_ = 	snop  }
0x6: {  	_ = 	snop  }
0x7: {  	_ = 	snop  }
__scs_overlays_trampoline_lowered:
0x8: {  	[smem:$0x3FAF] =	sst s0  }
0x9: {  	[smem:$0x3FB0] =	sst s1  }
0xa: {  	[smem:$0x3FB1] =	sst s2  }
0xb: {  	[smem:$0x3FB2] =	sst s3  }
0xc: {  	[smem:$0x3FB3] =	sst s4  }
0xd: {  	[smem:$0x3FB4] =	sst s5  }
0xe: {  	[smem:$0x3FB5] =	sst s6  }
0xf: {  	[smem:$0x3FB6] =	sst s7  }
0x10: {  	[smem:$0x3FB7] =	sst s8  }
0x11: {  	[smem:$0x3FB8] =	sst s9;
	s0 =	simm.s32 @!p0 $0x0  }
0x12: {  	s1 =	sld [smem:$0x3F9E];
	s0 =	simm.s32 @p0 $0x1  }
0x13: {  	[smem:$0x3FB9] =	sst s0;
	s0 =	simm.s32 @!p1 $0x0  }
0x14: {  	s2 =	sld [smem:$0x3F9D];
	s0 =	simm.s32 @p1 $0x1  }
0x15: {  	[smem:$0x3FBA] =	sst s0;
	s0 =	simm.s32 @!p2 $0x0  }
0x16: {  	s3 =	sld [smem:$0x3FDB];
	s0 =	simm.s32 @p2 $0x1  }
0x17: {  	s4 =	simm.s32 $0x1BF5;
	[smem:$0x3FBC] =	sst s0  }
0x18: {  	s0 =	sld [smem:$0x3F9F];
	_ =	swait.ge [sflag:s4], $0x0  }
0x19: {  	s7 =	sld [smem:$0x3FA0]  }
0x1a: {  	s8 =	sadd.s32 $0xFFFFE003, lr  }
0x1b: {  	s9 =	sadd.s32 $0xFFFFFEF7, lr;
	s5 =	simm.s32 $0xFFFFFFFF;
	p2 =	slt.u32 s8, $0xFFFFF086  }
0x1c: {  	p1 =	slt.u32 s9, $0xF7A;
	s5 =	simm.s32 @!p2 $0x0  }
0x1d: {  	s5 =	simm.s32 @p1 $0x1;
	p0 =	seq.s32 s7, s2  }
0x1e: {  	s7 =	smul.u32 @!p0 $0xF7A, s2;
	p2 =	seq.s32 @!p0 s5, $0x0  }
0x1f: {  	s9 =	smul.u32 $0xF7A, s1;
	s8 =	simm.s32 @!p0 $0x1BF5;
	p2 =	por !p2, p0  }
0x20: {  	[sflag:s8] =	ssyncset.s32 @!p0 $0xFFFFF086;
	s6 =	sadd.s32 @!p0 s3, s7;
	s7 =	simm.s32 @!p0 $0x108  }
0x21: {  	s3 =	sadd.s32 s3, s9;
	s6 =	sadd.s32 @!p0 $0x88, s6;
	s7 =	simm.s32 @p2 $0x1082  }
0x22: {  	[simem:s7], [sflag:s8] =	dma.local @!p0 [hbm:s6], $0xF7A  }
0x23: {  	s9 =	sor.u32 $0xD0000000, s2;
	s6 =	simm.s32 $0x108;
	_ =	swait.ge @!p0 [sflag:s8], $0x0  }
0x24: {  	s3 =	sadd.s32 $0x88, s3;
	s6 =	simm.s32 @!p1 $0x1082;
	[sflag:s4] =	ssyncset.s32 $0xFFFFF086  }
0x25: {  	[simem:s6], [sflag:s4] =	dma.local [hbm:s3], $0xF7A  }
0x26: {  	[smem:$0x3FA0] =	sst s1;
	(tag) =	ssettag s2;
	_ =	strace s9  }
0x27: {  	s1 =	sld [smem:$0x3FB0]  }
0x28: {  	s2 =	sld [smem:$0x3FB1]  }
0x29: {  	s4 =	sld [smem:$0x3FB3]  }
0x2a: {  	p0 =	seq.s32 s5, $0x0;
	s5 =	sld [smem:$0x3FB4]  }
0x2b: {  	s6 =	sld [smem:$0x3FB5]  }
0x2c: {  	s7 =	sld [smem:$0x3FB6]  }
0x2d: {  	s3 =	simm.s32 $0x108;
	s8 =	sld [smem:$0x3FB7]  }
0x2e: {  	s3 =	simm.s32 @!p0 $0x1082;
	s9 =	sld [smem:$0x3FB8]  }
0x2f: {  	lr =	sadd.s32 s0, s3;
	s0 =	sld [smem:$0x3FAF]  }
0x30: {  	s3 =	sld [smem:$0x3FB2]  }
0x31: {  	[smem:$0x3FBB] =	sst s10  }
0x32: {  	s10 =	sld [smem:$0x3FB9];
	_ =	sdelay $0x3  }
0x33: {  	p0 =	seq.s32 s10, $0x1;
	s10 =	sld [smem:$0x3FBB];
	_ =	sdelay $0x3  }
0x34: {  	[smem:$0x3FBB] =	sst s10  }
0x35: {  	s10 =	sld [smem:$0x3FBA];
	_ =	sdelay $0x3  }
0x36: {  	p1 =	seq.s32 s10, $0x1;
	s10 =	sld [smem:$0x3FBB];
	_ =	sdelay $0x3  }
0x37: {  	[smem:$0x3FBB] =	sst s10  }
0x38: {  	s10 =	sld [smem:$0x3FBC]  }
0x39: {  	_ = 	snop;
	(pc) =	sbr.ind lr, $3  }
0x3a: {  	_ = 	snop  }
0x3b: {  	_ = 	snop  }
0x3c: {  	p2 =	seq.s32 s10, $0x1;
	s10 =	sld [smem:$0x3FBB]  }
0x3d: {  	_ =	shalt  }
0x3e: {  	_ =	shalt  }
0x3f: {  	_ =	shalt  }
0x40: {  	_ =	shalt  }
0x41: {  	_ =	shalt  }
0x42: {  	_ =	shalt  }
0x43: {  	_ =	shalt  }
0x44: {  	_ =	shalt  }
0x45: {  	_ =	shalt  }
0x46: {  	_ =	shalt  }
0x47: {  	_ =	shalt  }
0x48: {  	_ =	shalt  }
0x49: {  	_ =	shalt  }
0x4a: {  	_ =	shalt  }
0x4b: {  	_ =	shalt  }
0x4c: {  	_ =	shalt  }
0x4d: {  	_ =	shalt  }
0x4e: {  	_ =	shalt  }
0x4f: {  	_ =	shalt  }
0x50: {  	_ =	shalt  }
0x51: {  	_ =	shalt  }
0x52: {  	_ =	shalt  }
0x53: {  	_ =	shalt  }
0x54: {  	_ =	shalt  }
0x55: {  	_ =	shalt  }
0x56: {  	_ =	shalt  }
0x57: {  	_ =	shalt  }
0x58: {  	_ =	shalt  }
0x59: {  	_ =	shalt  }
0x5a: {  	_ =	shalt  }
0x5b: {  	_ =	shalt  }
0x5c: {  	_ =	shalt  }
0x5d: {  	_ =	shalt  }
0x5e: {  	_ =	shalt  }
0x5f: {  	_ =	shalt  }
0x60: {  	_ =	shalt  }
0x61: {  	_ =	shalt  }
0x62: {  	_ =	shalt  }
0x63: {  	_ =	shalt  }
0x64: {  	_ =	shalt  }
0x65: {  	_ =	shalt  }
0x66: {  	_ =	shalt  }
0x67: {  	_ =	shalt  }
0x68: {  	_ =	shalt  }
0x69: {  	_ =	shalt  }
0x6a: {  	_ =	shalt  }
0x6b: {  	_ =	shalt  }
0x6c: {  	_ =	shalt  }
0x6d: {  	_ =	shalt  }
0x6e: {  	_ =	shalt  }
0x6f: {  	_ =	shalt  }
0x70: {  	_ =	shalt  }
0x71: {  	_ =	shalt  }
0x72: {  	_ =	shalt  }
0x73: {  	_ =	shalt  }
0x74: {  	_ =	shalt  }
0x75: {  	_ =	shalt  }
0x76: {  	_ =	shalt  }
0x77: {  	_ =	shalt  }
0x78: {  	_ =	shalt  }
0x79: {  	_ =	shalt  }
0x7a: {  	_ =	shalt  }
0x7b: {  	_ =	shalt  }
0x7c: {  	_ =	shalt  }
0x7d: {  	_ =	shalt  }
0x7e: {  	_ =	shalt  }
0x7f: {  	_ =	shalt  }
0x80: {  	_ =	shalt  }
0x81: {  	_ =	shalt  }
0x82: {  	_ =	shalt  }
0x83: {  	_ =	shalt  }
0x84: {  	_ =	shalt  }
0x85: {  	_ =	shalt  }
0x86: {  	_ =	shalt  }
0x87: {  	_ =	shalt  }
.Lfunc_end0:
.L_simem_size_0:
called_computation_lowered:
.L_overlay_start_0:
0x88: {  	s2 =	sld [smem:$0x3FD9]  }
0x89: {  	s3 =	sld [smem:$0x3FFE];
	_ =	sdelay $0x1  }
0x8a: {  	s1 =	srdreg.scid  }
0x8b: {  	s0 =	sand.u32 $0x1, s1  }
0x8c: {  	s17 =	sshll.u32 s0, $0xA;
	s2 =	sadd.s32 s3, s2  }
0x8d: {  	s2 =	sadd.s32 s2, s17  }
0x8e: {  	[smem:$0x3FC7] =	sst s2  }
0x8f: {  	_ = 	snop  }
0x90: {  	s2 =	sld [smem:$0x3FD0];
	(tm) =	ssettm $0x1  }
0x91: {  	s18 =	sld [smem:$0x3FFB];
	_ =	sdelay $0x3  }
0x92: {  	_ =	strace s18  }
0x93: {  	s3 =	sld [smem:$0x3FFC];
	_ =	sdelay $0x3  }
0x94: {  	_ =	strace s3  }
0x95: {  	s3 =	sld [smem:$0x3FFD];
	_ =	sdelay $0x3  }
0x96: {  	_ =	strace s3  }
0x97: {  	_ =	strace $0x8FFFFFFF  }
0x98: {  	s19 =	sld [smem:$0x3FDB];
	_ =	sdelay $0x1  }
0x99: {  	s4 =	simm.s32 $_scs_section_size  }
0x9a: {  	s5 =	simm.s32 $_size__tile_overlayer_lowered;
	s6 =	simm.s32 $_tile_overlayer_lowered  }
0x9b: {  	s22 =	simm.s32 $0x1BFF;
	s21 =	sshll.u32 s6, $0x1;
	s3 =	sadd.s32 s4, s19  }
0x9c: {  	s7 =	simm.s32 $0x0;
	s20 =	sshll.u32 s5, $0x1;
	s5 =	sadd.s32 s21, s3  }
0x9d: {  	[timem:s7], [sflag:s22] =	dma.local [hbm:s5], s20  }
0x9e: {  	_ =	swait.ge [sflag:s22], s20  }
0x9f: {  	s4 =	ssub.s32 $0x0, s20;
	[sflag:s22] =	ssyncset.done $0x0  }
0xa0: {  	[sflag:s22] =	ssyncadd.s32 s4;
	_ =	sdelay $0x1  }
0xa1: {  	s23 =	simm.s32 $0x1B8B  }
0xa2: {  	_ =	swait.ge [sflag:s23], $0x1  }
0xa3: {  	[sflag:s23] =	ssyncset.done $0x0  }
0xa4: {  	s25 =	simm.s32 $0x1B8E;
	s24 =	sld [smem:$0x3FFE];
	[sflag:s23] =	ssyncadd.s32 $0xFFFFFFFF  }
0xa5: {  	s26 =	simm.s32 $execute0_lowered;
	[smem:$0x3FD2] =	sst s25  }
0xa6: {  	s5 =	sshll.u32 s26, $0x1;
	_ =	strace $0x80000046;
	[dreg:$0x1] =	wrdreg $0xFFFFFFFF  }
0xa7: {  	s28 =	simm.s32 $_size_execute0_lowered;
	s3 =	sadd.s32 s3, s5;
	[dreg:$0x0] =	wrdreg $0x0  }
0xa8: {  	s5 =	sshll.u32 s28, $0x1;
	[dreg:$0x2] =	wrdreg s3  }
0xa9: {  	[dreg:$0x3] =	wrdreg s5  }
0xaa: {  	[dreg:$0x4] =	wrdreg $0xC0  }
0xab: {  	_ =	task [dreg:s7], $0x5FFFF  }
0xac: {  	[dreg:$0x1] =	wrdreg $0xFFFFFFFF  }
0xad: {  	[dreg:$0x0] =	wrdreg $0x60  }
0xae: {  	[dreg:$0x2] =	wrdreg s2  }
0xaf: {  	[dreg:$0x3] =	wrdreg s24  }
0xb0: {  	[dreg:$0x4] =	wrdreg $0x9  }
0xb1: {  	_ =	task.clear_ibuf [dreg:s7], $0x5FFFF;
	_ =	strace $0x90000046  }
0xb2: {  	s29 =	simm.s32 $0x9;
	_ =	strace $0x80000048  }
0xb3: {  	_ =	swait.ge [sflag:s29], $0x1  }
0xb4: {  	[sflag:s29] =	ssyncadd.s32 $0xFFFFFFFF  }
0xb5: {  	_ =	strace $0x90000048  }
0xb6: {  	_ =	sfence  }
0xb7: {  	s30 =	sld [smem:$0x0];
	_ =	sdelay $0x2  }
0xb8: {  	s31 =	sshll.u32 s1, $0xD;
	s1 =	sshrl.u32 s1, $0x2  }
0xb9: {  	s3 =	sand.u32 $0x4000, s31;
	s1 =	sadd.s32 s1, s30  }
0xba: {  	s0 =	sor.u32 s3, s0;
	s1 =	sshll.u32 s1, $0x11  }
0xbb: {  	s0 =	sor.u32 s1, s0  }
0xbc: {  	s0 =	sadd.s32 $0x8F2B, s0  }
0xbd: {  	[sflag:s0] =	ssyncadd.remote.s32 $0x1  }
0xbe: {  	_ =	sfence.sel $0xFFFF  }
0xbf: {  	[dreg:$0x0] =	wrdreg $0xFFFFFFFF;
	(pc) =	sbr.abs _section_cstart, $3  }
0xc0: {  	[dreg:$0x1] =	wrdreg $0xFFFFFFFF  }
0xc1: {  	_ =	task.clear_ibuf [dreg:s7], $0x2FFFF;
	_ =	strace $0x9FFFFFFF  }
0xc2: {  	(tm) =	ssettm $0x7FFFFFFF  }
0xc3: {  	_ =	shalt  }
tec
execute0_lowered:
.L_overlay_start_1:
0x0: {  	(tag) =	ssettag $0x1  }
0x1: {  	s0 =	stileid.u32;
	s4 =	rddreg [dreg:$0x0]  }
0x2: {  	s1 =	srdreg.scid;
	s12 =	rddreg [dreg:$0x1]  }
0x3: {  	s14 =	simm.s32 $0x30;
	s15 =	simm.s32 $0x300;
	s16 =	simm.s32 $0x5  }
0x4: {  	s17 =	simm.s32 $0xC30;
	s18 =	simm.s32 $0x1830;
	s19 =	simm.s32 $0x2430  }
0x5: {  	s20 =	simm.s32 $0x3030;
	s21 =	simm.s32 $0x1;
	s22 =	simm.s32 $0x2  }
0x6: {  	s23 =	simm.s32 $0x3;
	s24 =	simm.s32 $0x4;
	s2 =	sshll.u32 s0, $0x1  }
0x7: {  	s25 =	simm.s32 $0x0;
	s5 =	sand.u32 $0x1, s1;
	s31 =	sand.u32 $0xE, s2  }
0x8: {  	s8 =	sadd.s32 $0xAC00, s12;
	p0 =	sgt.u32 s0, $0x7;
	s3 =	sor.u32 s5, s31  }
0x9: {  	s2 =	simm.s32 $0x0;
	s5 =	ssub.s32 $0x2, s5;
	s3 =	smul.u32 $0x6, s3  }
.Ltmp0:
0xa: {  	[smem:$0x7FF] =	sst s2;
	s6 =	sshrl.u32 s5, $0x1;
	(pc) =	sbr.rel .LBB2_1-.Ltmp0, $4  }
0xb: {  	_ =	strace $0x80000047;
	s13 =	ssub.s32 s5, s6;
	s11 =	sadd.s32 s3, s12  }
0xc: {  	s4 =	sadd.s32 s4, s3;
	s12 =	sadd.s32 $0x4C00, s12;
	s13 =	smax.u32 s13, $0x1  }
0xd: {  	s5 =	sadd.s32 $0x6400, s11;
	s6 =	sadd.s32 $0x7C00, s11;
	s7 =	sadd.s32 $0x9400, s11  }
0xe: {  	s9 =	sadd.s32 $0x400, s11;
	s10 =	sadd.s32 $0x1C00, s11;
	s11 =	sadd.s32 $0x3400, s11  }
.LBB2_27:
0xf: {  	v6 =	vld [tilespmem:$0x570]  }
0x10: {  	v7 =	vld [tilespmem:$0x580]  }
0x11: {  	v8 =	vld [tilespmem:$0x590];
	_ =	sdelay $0x1  }
0x12: {  	v9 =	vld [tilespmem:$0x5A0]  }
0x13: {  	v10 =	vld [tilespmem:$0x5B0];
	v6 =	vmul.f32 $1.953125000e-03, v6  }
0x14: {  	v11 =	vld [tilespmem:$0x5C0];
	v7 =	vmul.f32 $1.953125000e-03, v7  }
0x15: {  	v47 =	vmul.f32 $1.953125000e-03, v8;
	v3 =	vsub.f32 v3, v6  }
0x16: {  	v48 =	vld [tilespmem:$0x5D0];
	v4 =	vsub.f32 v4, v7  }
0x17: {  	v50 =	vld [tilespmem:$0x5E0];
	v49 =	vmul.f32 $1.953125000e-03, v9;
	v5 =	vsub.f32 v5, v47;
	v3 =	vadd.f32 v3, v0  }
0x18: {  	v52 =	vld [tilespmem:$0x5F0];
	v51 =	vmul.f32 $1.953125000e-03, v10;
	v4 =	vadd.f32 v4, v1  }
0x19: {  	v11 =	vmul.f32 $1.953125000e-03, v11;
	v5 =	vadd.f32 v5, v2;
	v6 =	vsub.f32 v3, v49  }
0x1a: {  	v9 =	vsub.f32 v4, v51  }
0x1b: {  	v7 =	vmul.f32 $1.953125000e-03, v48;
	[tilespmem:$0x3BA0] =	vst v3;
	v54 =	vsub.f32 v5, v11;
	v53 =	vadd.f32 v6, v0  }
0x1c: {  	v8 =	vmul.f32 $1.953125000e-03, v50;
	[tilespmem:$0x3BB0] =	vst v4;
	v55 =	vadd.f32 v9, v1  }
0x1d: {  	v58 =	vmul.f32 $1.953125000e-03, v52;
	[tilespmem:$0x3BC0] =	vst v5;
	v56 =	vadd.f32 v54, v2;
	v57 =	vsub.f32 v53, v7  }
0x1e: {  	[tilespmem:$0x3BD0] =	vst v53;
	v59 =	vsub.f32 v55, v8  }
0x1f: {  	[tilespmem:$0x3BE0] =	vst v55;
	v61 =	vsub.f32 v56, v58;
	v60 =	vadd.f32 v57, v0  }
0x20: {  	[tilespmem:$0x3BF0] =	vst v56;
	v62 =	vadd.f32 v59, v1  }
0x21: {  	v63 =	vadd.f32 v61, v2;
	[tilespmem:$0x3C00] =	vst v60  }
0x22: {  	[tilespmem:$0x3C10] =	vst v62  }
0x23: {  	s26 =	smov.u32 s8;
	[tilespmem:$0x3C20] =	vst v63  }
.LBB2_28:
0x24: {  	s1 =	sadd.s32 s3, s26  }
0x25: {  	[hbm4b:s1+s14] =	stream.strided.scatter [tilespmem:s20], [sflag:$0x4], $0xC00, s15, s14, $0x38;
	[tilespmem:$0x3C30] =	vst v63  }
0x26: {  	_ =	swait.ge [sflag:s21], $0xC00  }
0x27: {  	[sflag:s21] =	ssyncset.done $0x0  }
0x28: {  	[sflag:s21] =	ssyncadd.s32 $0xFFFFF400  }
0x29: {  	_ =	swait.ge [sflag:s22], $0xC00  }
0x2a: {  	[sflag:s22] =	ssyncset.done $0x0  }
0x2b: {  	s25 =	sadd.s32 $0x1, s25;
	[sflag:s22] =	ssyncadd.s32 $0xFFFFF400  }
0x2c: {  	p1 =	sne.s32 s25, s13;
	_ =	swait.ge [sflag:s23], $0xC00  }
.Ltmp1:
0x2d: {  	[sflag:s23] =	ssyncset.done $0x0;
	(pc) =	sbr.rel @!p1 .LBB2_29-.Ltmp1, $4  }
0x2e: {  	[sflag:s23] =	ssyncadd.s32 $0xFFFFF400  }
0x2f: {  	_ =	swait.ge [sflag:s24], $0xC00  }
0x30: {  	[sflag:s24] =	ssyncset.done $0x0  }
0x31: {  	[sflag:s24] =	ssyncadd.s32 $0xFFFFF400  }
.LBB2_1:
.Ltmp2:
0x32: {  	(pc) =	sbr.rel @p0 .LBB2_15-.Ltmp2, $4  }
0x33: {  	[tilespmem:s2], [sflag:$0x5] =	stream.strided.gather [hbm4b:s4+s14], $0xC30, s15, s14, $0x38;
	[tilespmem:$0x3C30] =	vst v63  }
0x34: {  	_ =	swait.ge [sflag:s16], $0xC30  }
0x35: {  	[sflag:s16] =	ssyncset.done $0x0  }
0x36: {  	v2 =	vimm.f32 $0.0e+00;
	s26 =	simm.s32 $0xD0;
	[sflag:s16] =	ssyncadd.s32 $0xFFFFF3D0  }
0x37: {  	v1 =	vld [tilespmem:s26+$0xB0]  }
0x38: {  	v0 =	vld [tilespmem:s26+$0x80]  }
0x39: {  	v7 =	vld [tilespmem:s26+$0x50]  }
0x3a: {  	v4 =	vld [tilespmem:s26+$0x20]  }
0x3b: {  	v3 =	vld [tilespmem:s26+$0xFFFFFFF0]  }
0x3c: {  	v5 =	vld [tilespmem:s26+$0xFFFFFFC0]  }
0x3d: {  	v6 =	vld [tilespmem:s26+$0xFFFFFF90]  }
0x3e: {  	v8 =	vld [tilespmem:s26+$0xFFFFFF60]  }
0x3f: {  	v9 =	vld [tilespmem:s26+$0xFFFFFF70]  }
0x40: {  	v10 =	vld [tilespmem:s26+$0xFFFFFF80]  }
0x41: {  	v11 =	vld [tilespmem:s26+$0xFFFFFFA0]  }
0x42: {  	v12 =	vld [tilespmem:s26+$0xFFFFFFB0]  }
0x43: {  	v13 =	vld [tilespmem:s26+$0xFFFFFFD0]  }
0x44: {  	v14 =	vld [tilespmem:s26+$0xFFFFFFE0];
	v8 =	vadd.f32 v8, v2  }
0x45: {  	v15 =	vld [tilespmem:s26+$0x0];
	v9 =	vadd.f32 v9, v2;
	v2 =	vadd.f32 v10, v2  }
0x46: {  	v6 =	vadd.f32 v6, v8;
	v8 =	vld [tilespmem:s26+$0x10]  }
0x47: {  	v63 =	vld [tilespmem:s26+$0x40];
	v9 =	vadd.f32 v11, v9;
	v11 =	vadd.f32 v12, v2  }
0x48: {  	v10 =	vld [tilespmem:s26+$0x30];
	v5 =	vadd.f32 v5, v6  }
0x49: {  	v2 =	vld [tilespmem:s26+$0x60];
	v6 =	vadd.f32 v13, v9;
	v9 =	vadd.f32 v14, v11  }
0x4a: {  	v11 =	vadd.f32 v3, v5;
	v5 =	vld [tilespmem:s26+$0x70]  }
0x4b: {  	v13 =	vadd.f32 v15, v6;
	v3 =	vld [tilespmem:s26+$0x90];
	v9 =	vadd.f32 v8, v9  }
0x4c: {  	v6 =	vld [tilespmem:s26+$0xA0];
	v11 =	vadd.f32 v4, v11  }
0x4d: {  	v8 =	vadd.f32 v10, v13;
	v4 =	vld [tilespmem:s26+$0xC0];
	v9 =	vadd.f32 v63, v9  }
0x4e: {  	s28 =	simm.s32 $0x1;
	v10 =	vadd.f32 v7, v11;
	v7 =	vld [tilespmem:s26+$0xD0];
	s26 =	simm.s32 $0x250  }
.LBB2_3:
0x4f: {  	v11 =	vld [tilespmem:s26+$0xB0];
	v2 =	vadd.f32 v2, v8;
	v5 =	vadd.f32 v5, v9  }
0x50: {  	v8 =	vadd.f32 v0, v10;
	v0 =	vld [tilespmem:s26+$0x80]  }
0x51: {  	v10 =	vld [tilespmem:s26+$0x50];
	v2 =	vadd.f32 v3, v2;
	v3 =	vadd.f32 v6, v5  }
0x52: {  	v6 =	vld [tilespmem:s26+$0x20];
	v5 =	vadd.f32 v1, v8  }
0x53: {  	v8 =	vld [tilespmem:s26+$0xFFFFFFF0];
	v2 =	vadd.f32 v4, v2;
	v3 =	vadd.f32 v7, v3  }
0x54: {  	v4 =	vld [tilespmem:s26+$0xFFFFFFC0];
	v1 =	vmov v11  }
0x55: {  	v7 =	vld [tilespmem:s26+$0xFFFFFF90]  }
0x56: {  	v9 =	vld [tilespmem:s26+$0xFFFFFF60]  }
0x57: {  	v11 =	vld [tilespmem:s26+$0xFFFFFF70]  }
0x58: {  	s28 =	sadd.s32 $0x8, s28;
	v12 =	vld [tilespmem:s26+$0xFFFFFF80]  }
0x59: {  	p1 =	slt.u32 s28, $0x19;
	v13 =	vld [tilespmem:s26+$0xFFFFFFA0]  }
0x5a: {  	v14 =	vld [tilespmem:s26+$0xFFFFFFB0]  }
0x5b: {  	v15 =	vld [tilespmem:s26+$0xFFFFFFD0]  }
0x5c: {  	v5 =	vadd.f32 v9, v5;
	v9 =	vld [tilespmem:s26+$0xFFFFFFE0]  }
0x5d: {  	v2 =	vadd.f32 v11, v2;
	v3 =	vadd.f32 v12, v3;
	v11 =	vld [tilespmem:s26+$0x0]  }
0x5e: {  	v5 =	vadd.f32 v7, v5;
	v7 =	vld [tilespmem:s26+$0x10]  }
0x5f: {  	v2 =	vadd.f32 v13, v2;
	v3 =	vadd.f32 v14, v3;
	v12 =	vld [tilespmem:s26+$0x30]  }
0x60: {  	v4 =	vadd.f32 v4, v5;
	v13 =	vld [tilespmem:s26+$0x40]  }
0x61: {  	v14 =	vadd.f32 v15, v2;
	v3 =	vadd.f32 v9, v3;
	v2 =	vld [tilespmem:s26+$0x60]  }
.Ltmp3:
0x62: {  	v4 =	vadd.f32 v8, v4;
	v5 =	vld [tilespmem:s26+$0x70];
	(pc) =	sbr.rel @p1 .LBB2_3-.Ltmp3, $4  }
0x63: {  	v8 =	vadd.f32 v11, v14;
	v7 =	vadd.f32 v7, v3;
	v3 =	vld [tilespmem:s26+$0x90]  }
0x64: {  	v11 =	vadd.f32 v6, v4;
	v6 =	vld [tilespmem:s26+$0xA0]  }
0x65: {  	v8 =	vadd.f32 v12, v8;
	v9 =	vadd.f32 v13, v7;
	v4 =	vld [tilespmem:s26+$0xC0]  }
0x66: {  	v10 =	vadd.f32 v10, v11;
	v7 =	vld [tilespmem:s26+$0xD0];
	s26 =	sadd.s32 $0x180, s26  }
0x67: {  	v11 =	vld [tilespmem:$0x0]  }
0x68: {  	v12 =	vld [tilespmem:$0x10]  }
0x69: {  	v2 =	vadd.f32 v2, v8;
	v8 =	vld [tilespmem:$0x20]  }
0x6a: {  	v5 =	vadd.f32 v5, v9;
	v0 =	vadd.f32 v0, v10  }
0x6b: {  	v2 =	vadd.f32 v3, v2  }
0x6c: {  	v3 =	vadd.f32 v6, v5;
	v0 =	vadd.f32 v1, v0;
	v1 =	vmul.f32 $4.800000000e+02, v11  }
0x6d: {  	v2 =	vadd.f32 v4, v2;
	v4 =	vmul.f32 $4.800000000e+02, v12  }
0x6e: {  	v3 =	vadd.f32 v7, v3;
	v0 =	vadd.f32 v1, v0;
	v1 =	vmul.f32 $4.800000000e+02, v8  }
0x6f: {  	v2 =	vadd.f32 v4, v2  }
0x70: {  	v4 =	vmul.f32 $1.953125000e-03, v0;
	v0 =	vadd.f32 v1, v3  }
0x71: {  	v6 =	vmul.f32 $1.953125000e-03, v2  }
0x72: {  	[tilespmem:$0xC30] =	vst v4;
	v9 =	vmul.f32 $1.953125000e-03, v0  }
0x73: {  	[tilespmem:$0xC40] =	vst v6  }
0x74: {  	s28 =	simm.s32 $0x6E0;
	[tilespmem:$0xC50] =	vst v9  }
0x75: {  	v0 =	vld [tilespmem:s28+$0xFFFFFF50];
	_ =	sdelay $0x1  }
0x76: {  	v3 =	vld [tilespmem:$0x0];
	_ =	sdelay $0x2  }
0x77: {  	v2 =	vmul.f32 $1.953125000e-03, v0;
	_ =	sdelay $0x1  }
0x78: {  	v5 =	vld [tilespmem:$0xC00];
	v1 =	vmul.f32 $1.953125000e-03, v3;
	v4 =	vadd.f32 v2, v4  }
0x79: {  	v7 =	vld [tilespmem:$0xC20]  }
0x7a: {  	v8 =	vld [tilespmem:$0x20];
	v10 =	vsub.f32 v4, v1  }
0x7b: {  	s26 =	simm.s32 $0xCA0;
	v0 =	vld [tilespmem:$0xC10]  }
0x7c: {  	v2 =	vld [tilespmem:$0x10];
	[tilespmem:s26+$0xFFFFFFC0] =	vst v10  }
0x7d: {  	v4 =	vld [tilespmem:s28+$0xFFFFFF60];
	_ =	sdelay $0x4  }
0x7e: {  	v11 =	vmul.f32 $1.953125000e-03, v4;
	_ =	sdelay $0x1  }
0x7f: {  	v4 =	vmul.f32 $1.953125000e-03, v2;
	v6 =	vadd.f32 v11, v6;
	_ =	sdelay $0x1  }
0x80: {  	v11 =	vsub.f32 v6, v4;
	_ =	sdelay $0x1  }
0x81: {  	[tilespmem:s26+$0xFFFFFFD0] =	vst v11  }
0x82: {  	v6 =	vld [tilespmem:s28+$0xFFFFFF70];
	_ =	sdelay $0x4  }
0x83: {  	v57 =	vmul.f32 $1.953125000e-03, v6;
	_ =	sdelay $0x1  }
0x84: {  	v6 =	vmul.f32 $1.953125000e-03, v8;
	v9 =	vadd.f32 v57, v9;
	_ =	sdelay $0x1  }
0x85: {  	v9 =	vsub.f32 v9, v6;
	_ =	sdelay $0x1  }
0x86: {  	[tilespmem:s26+$0xFFFFFFE0] =	vst v9  }
0x87: {  	v58 =	vld [tilespmem:s28+$0xFFFFFF80];
	_ =	sdelay $0x4  }
0x88: {  	v12 =	vmul.f32 $1.953125000e-03, v58;
	_ =	sdelay $0x1  }
0x89: {  	v10 =	vadd.f32 v12, v10;
	_ =	sdelay $0x1  }
0x8a: {  	v10 =	vsub.f32 v10, v1;
	_ =	sdelay $0x1  }
0x8b: {  	[tilespmem:s26+$0xFFFFFFF0] =	vst v10  }
0x8c: {  	v59 =	vld [tilespmem:s28+$0xFFFFFF90];
	_ =	sdelay $0x4  }
0x8d: {  	v12 =	vmul.f32 $1.953125000e-03, v59;
	_ =	sdelay $0x1  }
0x8e: {  	v11 =	vadd.f32 v12, v11;
	_ =	sdelay $0x1  }
0x8f: {  	v11 =	vsub.f32 v11, v4;
	_ =	sdelay $0x1  }
0x90: {  	[tilespmem:s26+$0x0] =	vst v11  }
0x91: {  	v60 =	vld [tilespmem:s28+$0xFFFFFFA0];
	_ =	sdelay $0x4  }
0x92: {  	v12 =	vmul.f32 $1.953125000e-03, v60;
	_ =	sdelay $0x1  }
0x93: {  	v9 =	vadd.f32 v12, v9;
	_ =	sdelay $0x1  }
0x94: {  	v9 =	vsub.f32 v9, v6;
	_ =	sdelay $0x1  }
0x95: {  	[tilespmem:s26+$0x10] =	vst v9  }
0x96: {  	v61 =	vld [tilespmem:s28+$0xFFFFFFB0];
	_ =	sdelay $0x4  }
0x97: {  	v12 =	vmul.f32 $1.953125000e-03, v61;
	_ =	sdelay $0x1  }
0x98: {  	v10 =	vadd.f32 v12, v10;
	_ =	sdelay $0x1  }
0x99: {  	v10 =	vsub.f32 v10, v1;
	_ =	sdelay $0x1  }
0x9a: {  	[tilespmem:s26+$0x20] =	vst v10  }
0x9b: {  	v62 =	vld [tilespmem:s28+$0xFFFFFFC0];
	_ =	sdelay $0x4  }
0x9c: {  	v12 =	vmul.f32 $1.953125000e-03, v62;
	_ =	sdelay $0x1  }
0x9d: {  	v11 =	vadd.f32 v12, v11;
	_ =	sdelay $0x1  }
0x9e: {  	v11 =	vsub.f32 v11, v4;
	_ =	sdelay $0x1  }
0x9f: {  	[tilespmem:s26+$0x30] =	vst v11  }
0xa0: {  	v63 =	vld [tilespmem:s28+$0xFFFFFFD0];
	_ =	sdelay $0x4  }
0xa1: {  	v12 =	vmul.f32 $1.953125000e-03, v63;
	_ =	sdelay $0x1  }
0xa2: {  	v9 =	vadd.f32 v12, v9;
	_ =	sdelay $0x1  }
0xa3: {  	v12 =	vsub.f32 v9, v6;
	_ =	sdelay $0x1  }
0xa4: {  	[tilespmem:s26+$0x40] =	vst v12  }
0xa5: {  	v9 =	vld [tilespmem:s28+$0xFFFFFFE0];
	_ =	sdelay $0x4  }
0xa6: {  	v9 =	vmul.f32 $1.953125000e-03, v9;
	_ =	sdelay $0x1  }
0xa7: {  	v9 =	vadd.f32 v9, v10;
	_ =	sdelay $0x1  }
0xa8: {  	v9 =	vsub.f32 v9, v1;
	_ =	sdelay $0x1  }
0xa9: {  	[tilespmem:s26+$0x50] =	vst v9  }
0xaa: {  	v10 =	vld [tilespmem:s28+$0xFFFFFFF0];
	_ =	sdelay $0x4  }
0xab: {  	v10 =	vmul.f32 $1.953125000e-03, v10;
	_ =	sdelay $0x1  }
0xac: {  	v10 =	vadd.f32 v10, v11;
	_ =	sdelay $0x1  }
0xad: {  	v10 =	vsub.f32 v10, v4;
	_ =	sdelay $0x1  }
0xae: {  	[tilespmem:s26+$0x60] =	vst v10  }
0xaf: {  	v11 =	vld [tilespmem:s28+$0x0];
	_ =	sdelay $0x4  }
0xb0: {  	v11 =	vmul.f32 $1.953125000e-03, v11;
	_ =	sdelay $0x1  }
0xb1: {  	v11 =	vadd.f32 v11, v12;
	_ =	sdelay $0x1  }
0xb2: {  	v11 =	vsub.f32 v11, v6;
	_ =	sdelay $0x1  }
0xb3: {  	s29 =	simm.s32 $0x7A0;
	s28 =	simm.s32 $0x1;
	[tilespmem:s26+$0x70] =	vst v11  }
.LBB2_5:
0xb4: {  	v12 =	vld [tilespmem:s29+$0xFFFFFF50];
	s28 =	sadd.s32 $0x4, s28  }
0xb5: {  	p1 =	slt.u32 s28, $0x19;
	_ =	sdelay $0x3  }
0xb6: {  	v12 =	vmul.f32 $1.953125000e-03, v12;
	_ =	sdelay $0x1  }
0xb7: {  	v9 =	vadd.f32 v12, v9;
	_ =	sdelay $0x1  }
0xb8: {  	v9 =	vsub.f32 v9, v1  }
0xb9: {  	s26 =	sadd.s32 $0xC0, s26  }
0xba: {  	[tilespmem:s26+$0xFFFFFFC0] =	vst v9  }
0xbb: {  	v12 =	vld [tilespmem:s29+$0xFFFFFF60];
	_ =	sdelay $0x4  }
0xbc: {  	v12 =	vmul.f32 $1.953125000e-03, v12;
	_ =	sdelay $0x1  }
0xbd: {  	v10 =	vadd.f32 v12, v10;
	_ =	sdelay $0x1  }
0xbe: {  	v10 =	vsub.f32 v10, v4;
	_ =	sdelay $0x1  }
0xbf: {  	[tilespmem:s26+$0xFFFFFFD0] =	vst v10  }
0xc0: {  	v12 =	vld [tilespmem:s29+$0xFFFFFF70];
	_ =	sdelay $0x4  }
0xc1: {  	v12 =	vmul.f32 $1.953125000e-03, v12;
	_ =	sdelay $0x1  }
0xc2: {  	v11 =	vadd.f32 v12, v11;
	_ =	sdelay $0x1  }
0xc3: {  	v11 =	vsub.f32 v11, v6;
	_ =	sdelay $0x1  }
0xc4: {  	[tilespmem:s26+$0xFFFFFFE0] =	vst v11  }
0xc5: {  	v12 =	vld [tilespmem:s29+$0xFFFFFF80];
	_ =	sdelay $0x4  }
0xc6: {  	v12 =	vmul.f32 $1.953125000e-03, v12;
	_ =	sdelay $0x1  }
0xc7: {  	v9 =	vadd.f32 v12, v9;
	_ =	sdelay $0x1  }
0xc8: {  	v9 =	vsub.f32 v9, v1;
	_ =	sdelay $0x1  }
0xc9: {  	[tilespmem:s26+$0xFFFFFFF0] =	vst v9  }
0xca: {  	v12 =	vld [tilespmem:s29+$0xFFFFFF90];
	_ =	sdelay $0x4  }
0xcb: {  	v12 =	vmul.f32 $1.953125000e-03, v12;
	_ =	sdelay $0x1  }
0xcc: {  	v10 =	vadd.f32 v12, v10;
	_ =	sdelay $0x1  }
0xcd: {  	v10 =	vsub.f32 v10, v4;
	_ =	sdelay $0x1  }
0xce: {  	[tilespmem:s26+$0x0] =	vst v10  }
0xcf: {  	v12 =	vld [tilespmem:s29+$0xFFFFFFA0];
	_ =	sdelay $0x4  }
0xd0: {  	v12 =	vmul.f32 $1.953125000e-03, v12;
	_ =	sdelay $0x1  }
0xd1: {  	v11 =	vadd.f32 v12, v11;
	_ =	sdelay $0x1  }
0xd2: {  	v11 =	vsub.f32 v11, v6;
	_ =	sdelay $0x1  }
0xd3: {  	[tilespmem:s26+$0x10] =	vst v11  }
0xd4: {  	v12 =	vld [tilespmem:s29+$0xFFFFFFB0];
	_ =	sdelay $0x4  }
0xd5: {  	v12 =	vmul.f32 $1.953125000e-03, v12;
	_ =	sdelay $0x1  }
0xd6: {  	v9 =	vadd.f32 v12, v9;
	_ =	sdelay $0x1  }
0xd7: {  	v9 =	vsub.f32 v9, v1;
	_ =	sdelay $0x1  }
0xd8: {  	[tilespmem:s26+$0x20] =	vst v9  }
0xd9: {  	v12 =	vld [tilespmem:s29+$0xFFFFFFC0];
	_ =	sdelay $0x4  }
0xda: {  	v12 =	vmul.f32 $1.953125000e-03, v12;
	_ =	sdelay $0x1  }
0xdb: {  	v10 =	vadd.f32 v12, v10;
	_ =	sdelay $0x1  }
0xdc: {  	v10 =	vsub.f32 v10, v4;
	_ =	sdelay $0x1  }
0xdd: {  	[tilespmem:s26+$0x30] =	vst v10  }
0xde: {  	v12 =	vld [tilespmem:s29+$0xFFFFFFD0];
	_ =	sdelay $0x4  }
0xdf: {  	v12 =	vmul.f32 $1.953125000e-03, v12;
	_ =	sdelay $0x1  }
0xe0: {  	v11 =	vadd.f32 v12, v11;
	_ =	sdelay $0x1  }
0xe1: {  	v11 =	vsub.f32 v11, v6;
	_ =	sdelay $0x1  }
0xe2: {  	[tilespmem:s26+$0x40] =	vst v11  }
0xe3: {  	v12 =	vld [tilespmem:s29+$0xFFFFFFE0];
	_ =	sdelay $0x4  }
0xe4: {  	v12 =	vmul.f32 $1.953125000e-03, v12;
	_ =	sdelay $0x1  }
0xe5: {  	v9 =	vadd.f32 v12, v9;
	_ =	sdelay $0x1  }
0xe6: {  	v9 =	vsub.f32 v9, v1;
	_ =	sdelay $0x1  }
0xe7: {  	[tilespmem:s26+$0x50] =	vst v9  }
0xe8: {  	v12 =	vld [tilespmem:s29+$0xFFFFFFF0];
	_ =	sdelay $0x4  }
0xe9: {  	v12 =	vmul.f32 $1.953125000e-03, v12;
	_ =	sdelay $0x1  }
0xea: {  	v10 =	vadd.f32 v12, v10;
	_ =	sdelay $0x1  }
0xeb: {  	v10 =	vsub.f32 v10, v4;
	_ =	sdelay $0x1  }
0xec: {  	[tilespmem:s26+$0x60] =	vst v10  }
0xed: {  	v12 =	vld [tilespmem:s29+$0x0];
	_ =	sdelay $0x4  }
0xee: {  	v12 =	vmul.f32 $1.953125000e-03, v12;
	_ =	sdelay $0x1  }
.Ltmp4:
0xef: {  	v11 =	vadd.f32 v12, v11;
	(pc) =	sbr.rel @p1 .LBB2_5-.Ltmp4, $3  }
0xf0: {  	_ = 	snop  }
0xf1: {  	v11 =	vsub.f32 v11, v6;
	_ =	sdelay $0x1  }
0xf2: {  	s29 =	sadd.s32 $0xC0, s29;
	[tilespmem:s26+$0x70] =	vst v11  }
0xf3: {  	v12 =	vld [tilespmem:$0xB70]  }
0xf4: {  	v13 =	vld [tilespmem:$0xB80]  }
0xf5: {  	v14 =	vld [tilespmem:$0xB90];
	_ =	sdelay $0x1  }
0xf6: {  	v15 =	vld [tilespmem:$0xBA0]  }
0xf7: {  	v16 =	vld [tilespmem:$0xBB0]  }
0xf8: {  	v17 =	vld [tilespmem:$0xBC0];
	v12 =	vmul.f32 $1.953125000e-03, v12  }
0xf9: {  	v13 =	vmul.f32 $1.953125000e-03, v13;
	v54 =	vmul.f32 $1.953125000e-03, v14  }
0xfa: {  	v55 =	vld [tilespmem:$0xBD0];
	v3 =	vsub.f32 v5, v3;
	v9 =	vadd.f32 v12, v9  }
0xfb: {  	v59 =	vld [tilespmem:$0xBF0];
	v10 =	vadd.f32 v13, v10;
	v11 =	vadd.f32 v54, v11  }
0xfc: {  	v56 =	vld [tilespmem:$0xBE0];
	v57 =	vmul.f32 $1.953125000e-03, v15;
	v58 =	vmul.f32 $1.953125000e-03, v16;
	v9 =	vsub.f32 v9, v1  }
0xfd: {  	v10 =	vsub.f32 v10, v4;
	v5 =	vsub.f32 v11, v6;
	v11 =	vmul.f32 $1.953125000e-03, v17  }
0xfe: {  	v7 =	vsub.f32 v7, v8;
	v14 =	vadd.f32 v57, v9  }
0xff: {  	v15 =	vadd.f32 v58, v10;
	v8 =	vadd.f32 v11, v5  }
0x100: {  	v60 =	vmul.f32 $1.953125000e-03, v59;
	v13 =	vmul.f32 $1.953125000e-03, v55;
	[tilespmem:$0x11A0] =	vst v9;
	v9 =	vsub.f32 v14, v1  }
0x101: {  	[tilespmem:$0x11B0] =	vst v10;
	v10 =	vmul.f32 $1.953125000e-03, v56;
	v11 =	vsub.f32 v15, v4;
	v8 =	vsub.f32 v8, v6  }
0x102: {  	v61 =	vsub.f32 v0, v2;
	s26 =	simm.s32 $0x8;
	[tilespmem:$0x11C0] =	vst v5;
	v13 =	vadd.f32 v13, v9  }
0x103: {  	s29 =	simm.s32 $0x1;
	s28 =	scvt.s32.f32 s26;
	v0 =	vmul.f32 $1.953125000e-03, v7;
	[tilespmem:$0x11D0] =	vst v9;
	v7 =	vadd.f32 v10, v11;
	v9 =	vadd.f32 v60, v8  }
0x104: {  	s29 =	scvt.s32.f32 s29;
	v2 =	vmul.f32 $1.953125000e-03, v3;
	v5 =	vmul.f32 $1.953125000e-03, v61;
	[tilespmem:$0x11E0] =	vst v11;
	v3 =	vsub.f32 v13, v1  }
0x105: {  	[tilespmem:$0x11F0] =	vst v8;
	v4 =	vsub.f32 v7, v4;
	v1 =	vsub.f32 v9, v6;
	v6 =	vmul.f32 s28, v0  }
0x106: {  	s31 =	simm.s32 $0x2;
	v7 =	vmul.f32 s29, v2;
	[tilespmem:$0x1200] =	vst v3  }
0x107: {  	s30 =	scvt.s32.f32 s31;
	v8 =	vmul.f32 s29, v5;
	[tilespmem:$0x1210] =	vst v4;
	v6 =	vadd.f32 v6, v1  }
0x108: {  	s26 =	simm.s32 $0x13A0;
	v9 =	vmul.f32 s29, v0;
	[tilespmem:$0x1220] =	vst v1;
	v7 =	vadd.f32 v7, v3  }
0x109: {  	v10 =	vmul.f32 s30, v2;
	s29 =	simm.s32 $0x3;
	v8 =	vadd.f32 v8, v4;
	[tilespmem:s26+$0x0] =	vst v6  }
0x10a: {  	s29 =	scvt.s32.f32 s29;
	[tilespmem:s26+$0xFFFFFE90] =	vst v7;
	v6 =	vadd.f32 v9, v1;
	v7 =	vmul.f32 s30, v5  }
0x10b: {  	[tilespmem:s26+$0xFFFFFEA0] =	vst v8;
	v8 =	vadd.f32 v10, v3;
	v9 =	vmul.f32 s30, v0  }
0x10c: {  	s1 =	simm.s32 $0x4;
	[tilespmem:s26+$0xFFFFFEB0] =	vst v6;
	v6 =	vadd.f32 v7, v4;
	v7 =	vmul.f32 s29, v2  }
0x10d: {  	s30 =	scvt.s32.f32 s1;
	[tilespmem:s26+$0xFFFFFEC0] =	vst v8;
	v8 =	vadd.f32 v9, v1;
	v9 =	vmul.f32 s29, v5  }
0x10e: {  	[tilespmem:s26+$0xFFFFFED0] =	vst v6;
	v6 =	vadd.f32 v7, v3;
	v7 =	vmul.f32 s29, v0  }
0x10f: {  	[tilespmem:s26+$0xFFFFFEE0] =	vst v8;
	v8 =	vadd.f32 v9, v4;
	v9 =	vmul.f32 s30, v2;
	s29 =	simm.s32 $0x5  }
0x110: {  	s29 =	scvt.s32.f32 s29;
	[tilespmem:s26+$0xFFFFFEF0] =	vst v6;
	v6 =	vadd.f32 v7, v1;
	v7 =	vmul.f32 s30, v5  }
0x111: {  	[tilespmem:s26+$0xFFFFFF00] =	vst v8;
	v8 =	vadd.f32 v9, v3;
	v9 =	vmul.f32 s30, v0  }
0x112: {  	s31 =	simm.s32 $0x6;
	[tilespmem:s26+$0xFFFFFF10] =	vst v6;
	v6 =	vadd.f32 v7, v4;
	v7 =	vmul.f32 s29, v2  }
0x113: {  	s30 =	scvt.s32.f32 s31;
	[tilespmem:s26+$0xFFFFFF20] =	vst v8;
	v8 =	vadd.f32 v9, v1;
	v9 =	vmul.f32 s29, v5  }
0x114: {  	v11 =	vmul.f32 s28, v5;
	[tilespmem:s26+$0xFFFFFF30] =	vst v6;
	v6 =	vadd.f32 v7, v3;
	v7 =	vmul.f32 s29, v0  }
0x115: {  	v10 =	vmul.f32 s28, v2;
	s28 =	simm.s32 $0x7;
	[tilespmem:s26+$0xFFFFFF40] =	vst v8;
	v8 =	vadd.f32 v9, v4;
	v9 =	vmul.f32 s30, v2  }
0x116: {  	v63 =	vmul.f32 s30, v5;
	s29 =	scvt.s32.f32 s28;
	[tilespmem:s26+$0xFFFFFF50] =	vst v6;
	v62 =	vadd.f32 v7, v1  }
0x117: {  	v6 =	vadd.f32 v10, v3;
	[tilespmem:s26+$0xFFFFFF60] =	vst v8;
	v8 =	vadd.f32 v9, v3;
	v9 =	vmul.f32 s30, v0  }
0x118: {  	v7 =	vadd.f32 v11, v4;
	v10 =	vadd.f32 v63, v4;
	v11 =	vmul.f32 s29, v2;
	[tilespmem:s26+$0xFFFFFF70] =	vst v62  }
0x119: {  	s28 =	simm.s32 $0x20;
	[tilespmem:s26+$0xFFFFFF80] =	vst v8;
	v8 =	vadd.f32 v9, v1;
	v9 =	vmul.f32 s29, v5  }
.LBB2_7:
0x11a: {  	s30 =	sadd.s32 $0xFFFFFFF0, s28;
	[tilespmem:s26+$0xFFFFFF90] =	vst v10;
	v10 =	vadd.f32 v11, v3;
	v11 =	vmul.f32 s29, v0;
	s29 =	smov.u32 s28;
	s28 =	sadd.s32 $0x8, s28  }
0x11b: {  	s31 =	sadd.s32 $0xFFFFFFE9, s29;
	s30 =	scvt.s32.f32 s30;
	p1 =	slt.u32 s28, $0x38;
	[tilespmem:s26+$0xFFFFFFA0] =	vst v8;
	v8 =	vadd.f32 v9, v4  }
0x11c: {  	s31 =	scvt.s32.f32 s31;
	[tilespmem:s26+$0xFFFFFFB0] =	vst v10;
	v9 =	vadd.f32 v11, v1  }
0x11d: {  	v10 =	vmul.f32 s30, v2;
	v11 =	vmul.f32 s30, v0;
	[tilespmem:s26+$0xFFFFFFC0] =	vst v8  }
0x11e: {  	s1 =	sadd.s32 $0xFFFFFFEA, s29;
	v12 =	vmul.f32 s30, v5;
	v8 =	vmul.f32 s31, v2;
	[tilespmem:s26+$0xFFFFFFD0] =	vst v9  }
0x11f: {  	s1 =	scvt.s32.f32 s1;
	v9 =	vmul.f32 s31, v5;
	v11 =	vadd.f32 v11, v1;
	[tilespmem:s26+$0xFFFFFFE0] =	vst v6;
	v6 =	vadd.f32 v10, v3  }
0x120: {  	v10 =	vmul.f32 s31, v0;
	v8 =	vadd.f32 v8, v3;
	[tilespmem:s26+$0xFFFFFFF0] =	vst v7;
	v7 =	vadd.f32 v12, v4;
	s26 =	sadd.s32 $0x180, s26  }
0x121: {  	s30 =	sadd.s32 $0xFFFFFFEB, s29;
	v9 =	vadd.f32 v9, v4;
	v12 =	vmul.f32 s1, v2;
	[tilespmem:s26+$0x0] =	vst v11  }
0x122: {  	s30 =	scvt.s32.f32 s30;
	[tilespmem:s26+$0xFFFFFE90] =	vst v8;
	v8 =	vadd.f32 v10, v1;
	v10 =	vmul.f32 s1, v5  }
0x123: {  	v11 =	vmul.f32 s1, v0;
	[tilespmem:s26+$0xFFFFFEA0] =	vst v9;
	v9 =	vadd.f32 v12, v3  }
0x124: {  	s1 =	sadd.s32 $0xFFFFFFEC, s29;
	[tilespmem:s26+$0xFFFFFEB0] =	vst v8;
	v8 =	vadd.f32 v10, v4;
	v10 =	vmul.f32 s30, v2  }
0x125: {  	s1 =	scvt.s32.f32 s1;
	[tilespmem:s26+$0xFFFFFEC0] =	vst v9;
	v9 =	vadd.f32 v11, v1;
	v11 =	vmul.f32 s30, v5  }
0x126: {  	[tilespmem:s26+$0xFFFFFED0] =	vst v8;
	v8 =	vadd.f32 v10, v3;
	v10 =	vmul.f32 s30, v0  }
0x127: {  	s30 =	sadd.s32 $0xFFFFFFED, s29;
	[tilespmem:s26+$0xFFFFFEE0] =	vst v9;
	v9 =	vadd.f32 v11, v4;
	v11 =	vmul.f32 s1, v2  }
0x128: {  	s30 =	scvt.s32.f32 s30;
	[tilespmem:s26+$0xFFFFFEF0] =	vst v8;
	v8 =	vadd.f32 v10, v1;
	v10 =	vmul.f32 s1, v5  }
0x129: {  	[tilespmem:s26+$0xFFFFFF00] =	vst v9;
	v9 =	vadd.f32 v11, v3;
	v11 =	vmul.f32 s1, v0  }
0x12a: {  	s1 =	sadd.s32 $0xFFFFFFEE, s29;
	[tilespmem:s26+$0xFFFFFF10] =	vst v8;
	v8 =	vadd.f32 v10, v4;
	v10 =	vmul.f32 s30, v2  }
0x12b: {  	s1 =	scvt.s32.f32 s1;
	[tilespmem:s26+$0xFFFFFF20] =	vst v9;
	v9 =	vadd.f32 v11, v1;
	v11 =	vmul.f32 s30, v5  }
0x12c: {  	[tilespmem:s26+$0xFFFFFF30] =	vst v8;
	v8 =	vadd.f32 v10, v3;
	v10 =	vmul.f32 s30, v0  }
.Ltmp5:
0x12d: {  	s29 =	sadd.s32 $0xFFFFFFEF, s29;
	[tilespmem:s26+$0xFFFFFF40] =	vst v9;
	v9 =	vadd.f32 v11, v4;
	v11 =	vmul.f32 s1, v2;
	(pc) =	sbr.rel @p1 .LBB2_7-.Ltmp5, $4  }
0x12e: {  	s29 =	scvt.s32.f32 s29;
	[tilespmem:s26+$0xFFFFFF50] =	vst v8;
	v8 =	vadd.f32 v10, v1;
	v10 =	vmul.f32 s1, v5  }
0x12f: {  	v12 =	vmul.f32 s1, v0;
	[tilespmem:s26+$0xFFFFFF60] =	vst v9;
	v9 =	vadd.f32 v11, v3  }
0x130: {  	v11 =	vmul.f32 s29, v2;
	[tilespmem:s26+$0xFFFFFF70] =	vst v8;
	v10 =	vadd.f32 v10, v4  }
0x131: {  	v8 =	vadd.f32 v12, v1;
	[tilespmem:s26+$0xFFFFFF80] =	vst v9;
	v9 =	vmul.f32 s29, v5  }
0x132: {  	[tilespmem:s26+$0xFFFFFF90] =	vst v10  }
0x133: {  	s1 =	simm.s32 $0x28;
	[tilespmem:s26+$0xFFFFFFE0] =	vst v6  }
0x134: {  	v10 =	vadd.f32 v11, v3;
	v11 =	vmul.f32 s29, v0;
	s28 =	simm.s32 $0x21;
	[tilespmem:s26+$0xFFFFFFF0] =	vst v7;
	s1 =	scvt.s32.f32 s1  }
0x135: {  	[tilespmem:s26+$0xFFFFFFA0] =	vst v8;
	v8 =	vadd.f32 v9, v4;
	s28 =	scvt.s32.f32 s28  }
0x136: {  	[tilespmem:s26+$0xFFFFFFB0] =	vst v10;
	v9 =	vadd.f32 v11, v1;
	v6 =	vmul.f32 s1, v0  }
0x137: {  	s30 =	simm.s32 $0x22;
	[tilespmem:s26+$0xFFFFFFC0] =	vst v8;
	v7 =	vmul.f32 s28, v2  }
0x138: {  	s29 =	scvt.s32.f32 s30;
	v8 =	vmul.f32 s28, v5;
	[tilespmem:s26+$0xFFFFFFD0] =	vst v9;
	s26 =	simm.s32 $0x19A0;
	v6 =	vadd.f32 v6, v1  }
0x139: {  	v9 =	vmul.f32 s28, v0;
	[hbm4b:s9+s14] =	stream.strided.scatter [tilespmem:s17], [sflag:$0x1], $0xC00, s15, s14, $0x38;
	v7 =	vadd.f32 v7, v3;
	[tilespmem:$0x3C30] =	vst v63  }
0x13a: {  	v10 =	vmul.f32 s29, v2;
	s28 =	simm.s32 $0x23;
	v8 =	vadd.f32 v8, v4;
	[tilespmem:s26+$0x0] =	vst v6  }
0x13b: {  	s28 =	scvt.s32.f32 s28;
	[tilespmem:s26+$0xFFFFFE90] =	vst v7;
	v6 =	vadd.f32 v9, v1;
	v7 =	vmul.f32 s29, v5  }
0x13c: {  	[tilespmem:s26+$0xFFFFFEA0] =	vst v8;
	v8 =	vadd.f32 v10, v3;
	v9 =	vmul.f32 s29, v0  }
0x13d: {  	s29 =	simm.s32 $0x24;
	[tilespmem:s26+$0xFFFFFEB0] =	vst v6;
	v6 =	vadd.f32 v7, v4;
	v7 =	vmul.f32 s28, v2  }
0x13e: {  	s29 =	scvt.s32.f32 s29;
	[tilespmem:s26+$0xFFFFFEC0] =	vst v8;
	v8 =	vadd.f32 v9, v1;
	v9 =	vmul.f32 s28, v5  }
0x13f: {  	[tilespmem:s26+$0xFFFFFED0] =	vst v6;
	v6 =	vadd.f32 v7, v3;
	v7 =	vmul.f32 s28, v0  }
0x140: {  	[tilespmem:s26+$0xFFFFFEE0] =	vst v8;
	v8 =	vadd.f32 v9, v4;
	v9 =	vmul.f32 s29, v2;
	s28 =	simm.s32 $0x25  }
0x141: {  	s28 =	scvt.s32.f32 s28;
	[tilespmem:s26+$0xFFFFFEF0] =	vst v6;
	v6 =	vadd.f32 v7, v1;
	v7 =	vmul.f32 s29, v5  }
0x142: {  	[tilespmem:s26+$0xFFFFFF00] =	vst v8;
	v8 =	vadd.f32 v9, v3;
	v9 =	vmul.f32 s29, v0  }
0x143: {  	s29 =	simm.s32 $0x26;
	[tilespmem:s26+$0xFFFFFF10] =	vst v6;
	v6 =	vadd.f32 v7, v4;
	v7 =	vmul.f32 s28, v2  }
0x144: {  	s30 =	scvt.s32.f32 s29;
	[tilespmem:s26+$0xFFFFFF20] =	vst v8;
	v8 =	vadd.f32 v9, v1;
	v9 =	vmul.f32 s28, v5  }
0x145: {  	[tilespmem:s26+$0xFFFFFF30] =	vst v6;
	v6 =	vadd.f32 v7, v3;
	v7 =	vmul.f32 s28, v0  }
0x146: {  	s31 =	simm.s32 $0x27;
	v10 =	vmul.f32 s1, v2;
	[tilespmem:s26+$0xFFFFFF40] =	vst v8;
	v8 =	vadd.f32 v9, v4;
	v9 =	vmul.f32 s30, v2  }
0x147: {  	v11 =	vmul.f32 s1, v5;
	s29 =	scvt.s32.f32 s31;
	v13 =	vmul.f32 s30, v5;
	[tilespmem:s26+$0xFFFFFF50] =	vst v6;
	v12 =	vadd.f32 v7, v1  }
0x148: {  	v6 =	vadd.f32 v10, v3;
	[tilespmem:s26+$0xFFFFFF60] =	vst v8;
	v8 =	vadd.f32 v9, v3;
	v9 =	vmul.f32 s30, v0  }
0x149: {  	v7 =	vadd.f32 v11, v4;
	v10 =	vadd.f32 v13, v4;
	v11 =	vmul.f32 s29, v2;
	[tilespmem:s26+$0xFFFFFF70] =	vst v12  }
0x14a: {  	s28 =	simm.s32 $0x40;
	[tilespmem:s26+$0xFFFFFF80] =	vst v8;
	v8 =	vadd.f32 v9, v1;
	v9 =	vmul.f32 s29, v5  }
.LBB2_9:
0x14b: {  	s1 =	sadd.s32 $0xFFFFFFF0, s28;
	[tilespmem:s26+$0xFFFFFF90] =	vst v10;
	v10 =	vadd.f32 v11, v3;
	v11 =	vmul.f32 s29, v0;
	s29 =	smov.u32 s28;
	s28 =	sadd.s32 $0x8, s28  }
0x14c: {  	s30 =	sadd.s32 $0xFFFFFFE9, s29;
	s1 =	scvt.s32.f32 s1;
	p1 =	slt.u32 s28, $0x78;
	[tilespmem:s26+$0xFFFFFFA0] =	vst v8;
	v8 =	vadd.f32 v9, v4  }
0x14d: {  	s30 =	scvt.s32.f32 s30;
	[tilespmem:s26+$0xFFFFFFB0] =	vst v10;
	v9 =	vadd.f32 v11, v1  }
0x14e: {  	v10 =	vmul.f32 s1, v2;
	v11 =	vmul.f32 s1, v0;
	[tilespmem:s26+$0xFFFFFFC0] =	vst v8  }
0x14f: {  	s31 =	sadd.s32 $0xFFFFFFEA, s29;
	v12 =	vmul.f32 s1, v5;
	v8 =	vmul.f32 s30, v2;
	[tilespmem:s26+$0xFFFFFFD0] =	vst v9  }
0x150: {  	s1 =	scvt.s32.f32 s31;
	v9 =	vmul.f32 s30, v5;
	v11 =	vadd.f32 v11, v1;
	[tilespmem:s26+$0xFFFFFFE0] =	vst v6;
	v6 =	vadd.f32 v10, v3  }
0x151: {  	v10 =	vmul.f32 s30, v0;
	v8 =	vadd.f32 v8, v3;
	[tilespmem:s26+$0xFFFFFFF0] =	vst v7;
	v7 =	vadd.f32 v12, v4;
	s26 =	sadd.s32 $0x180, s26  }
0x152: {  	s30 =	sadd.s32 $0xFFFFFFEB, s29;
	v9 =	vadd.f32 v9, v4;
	v12 =	vmul.f32 s1, v2;
	[tilespmem:s26+$0x0] =	vst v11  }
0x153: {  	s30 =	scvt.s32.f32 s30;
	[tilespmem:s26+$0xFFFFFE90] =	vst v8;
	v8 =	vadd.f32 v10, v1;
	v10 =	vmul.f32 s1, v5  }
0x154: {  	v11 =	vmul.f32 s1, v0;
	[tilespmem:s26+$0xFFFFFEA0] =	vst v9;
	v9 =	vadd.f32 v12, v3  }
0x155: {  	s1 =	sadd.s32 $0xFFFFFFEC, s29;
	[tilespmem:s26+$0xFFFFFEB0] =	vst v8;
	v8 =	vadd.f32 v10, v4;
	v10 =	vmul.f32 s30, v2  }
0x156: {  	s1 =	scvt.s32.f32 s1;
	[tilespmem:s26+$0xFFFFFEC0] =	vst v9;
	v9 =	vadd.f32 v11, v1;
	v11 =	vmul.f32 s30, v5  }
0x157: {  	[tilespmem:s26+$0xFFFFFED0] =	vst v8;
	v8 =	vadd.f32 v10, v3;
	v10 =	vmul.f32 s30, v0  }
0x158: {  	s30 =	sadd.s32 $0xFFFFFFED, s29;
	[tilespmem:s26+$0xFFFFFEE0] =	vst v9;
	v9 =	vadd.f32 v11, v4;
	v11 =	vmul.f32 s1, v2  }
0x159: {  	s30 =	scvt.s32.f32 s30;
	[tilespmem:s26+$0xFFFFFEF0] =	vst v8;
	v8 =	vadd.f32 v10, v1;
	v10 =	vmul.f32 s1, v5  }
0x15a: {  	[tilespmem:s26+$0xFFFFFF00] =	vst v9;
	v9 =	vadd.f32 v11, v3;
	v11 =	vmul.f32 s1, v0  }
0x15b: {  	s1 =	sadd.s32 $0xFFFFFFEE, s29;
	[tilespmem:s26+$0xFFFFFF10] =	vst v8;
	v8 =	vadd.f32 v10, v4;
	v10 =	vmul.f32 s30, v2  }
0x15c: {  	s1 =	scvt.s32.f32 s1;
	[tilespmem:s26+$0xFFFFFF20] =	vst v9;
	v9 =	vadd.f32 v11, v1;
	v11 =	vmul.f32 s30, v5  }
0x15d: {  	[tilespmem:s26+$0xFFFFFF30] =	vst v8;
	v8 =	vadd.f32 v10, v3;
	v10 =	vmul.f32 s30, v0  }
.Ltmp6:
0x15e: {  	s29 =	sadd.s32 $0xFFFFFFEF, s29;
	[tilespmem:s26+$0xFFFFFF40] =	vst v9;
	v9 =	vadd.f32 v11, v4;
	v11 =	vmul.f32 s1, v2;
	(pc) =	sbr.rel @p1 .LBB2_9-.Ltmp6, $4  }
0x15f: {  	s29 =	scvt.s32.f32 s29;
	[tilespmem:s26+$0xFFFFFF50] =	vst v8;
	v8 =	vadd.f32 v10, v1;
	v10 =	vmul.f32 s1, v5  }
0x160: {  	v12 =	vmul.f32 s1, v0;
	[tilespmem:s26+$0xFFFFFF60] =	vst v9;
	v9 =	vadd.f32 v11, v3  }
0x161: {  	v11 =	vmul.f32 s29, v2;
	[tilespmem:s26+$0xFFFFFF70] =	vst v8;
	v10 =	vadd.f32 v10, v4  }
0x162: {  	v8 =	vadd.f32 v12, v1;
	[tilespmem:s26+$0xFFFFFF80] =	vst v9;
	v9 =	vmul.f32 s29, v5  }
0x163: {  	[tilespmem:s26+$0xFFFFFF90] =	vst v10  }
0x164: {  	s1 =	simm.s32 $0x68;
	[tilespmem:s26+$0xFFFFFFE0] =	vst v6  }
0x165: {  	v10 =	vadd.f32 v11, v3;
	v11 =	vmul.f32 s29, v0;
	s28 =	simm.s32 $0x61;
	[tilespmem:s26+$0xFFFFFFF0] =	vst v7;
	s1 =	scvt.s32.f32 s1  }
0x166: {  	[tilespmem:s26+$0xFFFFFFA0] =	vst v8;
	v8 =	vadd.f32 v9, v4;
	s28 =	scvt.s32.f32 s28  }
0x167: {  	[tilespmem:s26+$0xFFFFFFB0] =	vst v10;
	v9 =	vadd.f32 v11, v1;
	v6 =	vmul.f32 s1, v0  }
0x168: {  	s30 =	simm.s32 $0x62;
	[tilespmem:s26+$0xFFFFFFC0] =	vst v8;
	v7 =	vmul.f32 s28, v2  }
0x169: {  	s29 =	scvt.s32.f32 s30;
	v8 =	vmul.f32 s28, v5;
	[tilespmem:s26+$0xFFFFFFD0] =	vst v9;
	s26 =	simm.s32 $0x25A0;
	v6 =	vadd.f32 v6, v1  }
0x16a: {  	v9 =	vmul.f32 s28, v0;
	[hbm4b:s10+s14] =	stream.strided.scatter [tilespmem:s18], [sflag:$0x2], $0xC00, s15, s14, $0x38;
	v7 =	vadd.f32 v7, v3;
	[tilespmem:$0x3C30] =	vst v63  }
0x16b: {  	v10 =	vmul.f32 s29, v2;
	s28 =	simm.s32 $0x63;
	v8 =	vadd.f32 v8, v4;
	[tilespmem:s26+$0x0] =	vst v6  }
0x16c: {  	s28 =	scvt.s32.f32 s28;
	[tilespmem:s26+$0xFFFFFE90] =	vst v7;
	v6 =	vadd.f32 v9, v1;
	v7 =	vmul.f32 s29, v5  }
0x16d: {  	[tilespmem:s26+$0xFFFFFEA0] =	vst v8;
	v8 =	vadd.f32 v10, v3;
	v9 =	vmul.f32 s29, v0  }
0x16e: {  	s29 =	simm.s32 $0x64;
	[tilespmem:s26+$0xFFFFFEB0] =	vst v6;
	v6 =	vadd.f32 v7, v4;
	v7 =	vmul.f32 s28, v2  }
0x16f: {  	s29 =	scvt.s32.f32 s29;
	[tilespmem:s26+$0xFFFFFEC0] =	vst v8;
	v8 =	vadd.f32 v9, v1;
	v9 =	vmul.f32 s28, v5  }
0x170: {  	[tilespmem:s26+$0xFFFFFED0] =	vst v6;
	v6 =	vadd.f32 v7, v3;
	v7 =	vmul.f32 s28, v0  }
0x171: {  	[tilespmem:s26+$0xFFFFFEE0] =	vst v8;
	v8 =	vadd.f32 v9, v4;
	v9 =	vmul.f32 s29, v2;
	s28 =	simm.s32 $0x65  }
0x172: {  	s28 =	scvt.s32.f32 s28;
	[tilespmem:s26+$0xFFFFFEF0] =	vst v6;
	v6 =	vadd.f32 v7, v1;
	v7 =	vmul.f32 s29, v5  }
0x173: {  	[tilespmem:s26+$0xFFFFFF00] =	vst v8;
	v8 =	vadd.f32 v9, v3;
	v9 =	vmul.f32 s29, v0  }
0x174: {  	s29 =	simm.s32 $0x66;
	[tilespmem:s26+$0xFFFFFF10] =	vst v6;
	v6 =	vadd.f32 v7, v4;
	v7 =	vmul.f32 s28, v2  }
0x175: {  	s30 =	scvt.s32.f32 s29;
	[tilespmem:s26+$0xFFFFFF20] =	vst v8;
	v8 =	vadd.f32 v9, v1;
	v9 =	vmul.f32 s28, v5  }
0x176: {  	[tilespmem:s26+$0xFFFFFF30] =	vst v6;
	v6 =	vadd.f32 v7, v3;
	v7 =	vmul.f32 s28, v0  }
0x177: {  	s31 =	simm.s32 $0x67;
	v10 =	vmul.f32 s1, v2;
	[tilespmem:s26+$0xFFFFFF40] =	vst v8;
	v8 =	vadd.f32 v9, v4;
	v9 =	vmul.f32 s30, v2  }
0x178: {  	v11 =	vmul.f32 s1, v5;
	s29 =	scvt.s32.f32 s31;
	v13 =	vmul.f32 s30, v5;
	[tilespmem:s26+$0xFFFFFF50] =	vst v6;
	v12 =	vadd.f32 v7, v1  }
0x179: {  	v6 =	vadd.f32 v10, v3;
	[tilespmem:s26+$0xFFFFFF60] =	vst v8;
	v8 =	vadd.f32 v9, v3;
	v9 =	vmul.f32 s30, v0  }
0x17a: {  	v7 =	vadd.f32 v11, v4;
	v10 =	vadd.f32 v13, v4;
	v11 =	vmul.f32 s29, v2;
	[tilespmem:s26+$0xFFFFFF70] =	vst v12  }
0x17b: {  	s28 =	simm.s32 $0x80;
	[tilespmem:s26+$0xFFFFFF80] =	vst v8;
	v8 =	vadd.f32 v9, v1;
	v9 =	vmul.f32 s29, v5  }
.LBB2_11:
0x17c: {  	s1 =	sadd.s32 $0xFFFFFFF0, s28;
	[tilespmem:s26+$0xFFFFFF90] =	vst v10;
	v10 =	vadd.f32 v11, v3;
	v11 =	vmul.f32 s29, v0;
	s29 =	smov.u32 s28;
	s28 =	sadd.s32 $0x8, s28  }
0x17d: {  	s30 =	sadd.s32 $0xFFFFFFE9, s29;
	s1 =	scvt.s32.f32 s1;
	p1 =	slt.u32 s28, $0xB8;
	[tilespmem:s26+$0xFFFFFFA0] =	vst v8;
	v8 =	vadd.f32 v9, v4  }
0x17e: {  	s30 =	scvt.s32.f32 s30;
	[tilespmem:s26+$0xFFFFFFB0] =	vst v10;
	v9 =	vadd.f32 v11, v1  }
0x17f: {  	v10 =	vmul.f32 s1, v2;
	v11 =	vmul.f32 s1, v0;
	[tilespmem:s26+$0xFFFFFFC0] =	vst v8  }
0x180: {  	s31 =	sadd.s32 $0xFFFFFFEA, s29;
	v12 =	vmul.f32 s1, v5;
	v8 =	vmul.f32 s30, v2;
	[tilespmem:s26+$0xFFFFFFD0] =	vst v9  }
0x181: {  	s1 =	scvt.s32.f32 s31;
	v9 =	vmul.f32 s30, v5;
	v11 =	vadd.f32 v11, v1;
	[tilespmem:s26+$0xFFFFFFE0] =	vst v6;
	v6 =	vadd.f32 v10, v3  }
0x182: {  	v10 =	vmul.f32 s30, v0;
	v8 =	vadd.f32 v8, v3;
	[tilespmem:s26+$0xFFFFFFF0] =	vst v7;
	v7 =	vadd.f32 v12, v4;
	s26 =	sadd.s32 $0x180, s26  }
0x183: {  	s30 =	sadd.s32 $0xFFFFFFEB, s29;
	v9 =	vadd.f32 v9, v4;
	v12 =	vmul.f32 s1, v2;
	[tilespmem:s26+$0x0] =	vst v11  }
0x184: {  	s30 =	scvt.s32.f32 s30;
	[tilespmem:s26+$0xFFFFFE90] =	vst v8;
	v8 =	vadd.f32 v10, v1;
	v10 =	vmul.f32 s1, v5  }
0x185: {  	v11 =	vmul.f32 s1, v0;
	[tilespmem:s26+$0xFFFFFEA0] =	vst v9;
	v9 =	vadd.f32 v12, v3  }
0x186: {  	s1 =	sadd.s32 $0xFFFFFFEC, s29;
	[tilespmem:s26+$0xFFFFFEB0] =	vst v8;
	v8 =	vadd.f32 v10, v4;
	v10 =	vmul.f32 s30, v2  }
0x187: {  	s1 =	scvt.s32.f32 s1;
	[tilespmem:s26+$0xFFFFFEC0] =	vst v9;
	v9 =	vadd.f32 v11, v1;
	v11 =	vmul.f32 s30, v5  }
0x188: {  	[tilespmem:s26+$0xFFFFFED0] =	vst v8;
	v8 =	vadd.f32 v10, v3;
	v10 =	vmul.f32 s30, v0  }
0x189: {  	s30 =	sadd.s32 $0xFFFFFFED, s29;
	[tilespmem:s26+$0xFFFFFEE0] =	vst v9;
	v9 =	vadd.f32 v11, v4;
	v11 =	vmul.f32 s1, v2  }
0x18a: {  	s30 =	scvt.s32.f32 s30;
	[tilespmem:s26+$0xFFFFFEF0] =	vst v8;
	v8 =	vadd.f32 v10, v1;
	v10 =	vmul.f32 s1, v5  }
0x18b: {  	[tilespmem:s26+$0xFFFFFF00] =	vst v9;
	v9 =	vadd.f32 v11, v3;
	v11 =	vmul.f32 s1, v0  }
0x18c: {  	s1 =	sadd.s32 $0xFFFFFFEE, s29;
	[tilespmem:s26+$0xFFFFFF10] =	vst v8;
	v8 =	vadd.f32 v10, v4;
	v10 =	vmul.f32 s30, v2  }
0x18d: {  	s1 =	scvt.s32.f32 s1;
	[tilespmem:s26+$0xFFFFFF20] =	vst v9;
	v9 =	vadd.f32 v11, v1;
	v11 =	vmul.f32 s30, v5  }
0x18e: {  	[tilespmem:s26+$0xFFFFFF30] =	vst v8;
	v8 =	vadd.f32 v10, v3;
	v10 =	vmul.f32 s30, v0  }
.Ltmp7:
0x18f: {  	s29 =	sadd.s32 $0xFFFFFFEF, s29;
	[tilespmem:s26+$0xFFFFFF40] =	vst v9;
	v9 =	vadd.f32 v11, v4;
	v11 =	vmul.f32 s1, v2;
	(pc) =	sbr.rel @p1 .LBB2_11-.Ltmp7, $4  }
0x190: {  	s29 =	scvt.s32.f32 s29;
	[tilespmem:s26+$0xFFFFFF50] =	vst v8;
	v8 =	vadd.f32 v10, v1;
	v10 =	vmul.f32 s1, v5  }
0x191: {  	v12 =	vmul.f32 s1, v0;
	[tilespmem:s26+$0xFFFFFF60] =	vst v9;
	v9 =	vadd.f32 v11, v3  }
0x192: {  	v11 =	vmul.f32 s29, v2;
	[tilespmem:s26+$0xFFFFFF70] =	vst v8;
	v10 =	vadd.f32 v10, v4  }
0x193: {  	v8 =	vadd.f32 v12, v1;
	[tilespmem:s26+$0xFFFFFF80] =	vst v9;
	v9 =	vmul.f32 s29, v5  }
0x194: {  	[tilespmem:s26+$0xFFFFFF90] =	vst v10  }
0x195: {  	s1 =	simm.s32 $0xA8;
	[tilespmem:s26+$0xFFFFFFE0] =	vst v6  }
0x196: {  	v10 =	vadd.f32 v11, v3;
	v11 =	vmul.f32 s29, v0;
	s28 =	simm.s32 $0xA1;
	[tilespmem:s26+$0xFFFFFFF0] =	vst v7;
	s1 =	scvt.s32.f32 s1  }
0x197: {  	[tilespmem:s26+$0xFFFFFFA0] =	vst v8;
	v8 =	vadd.f32 v9, v4;
	s28 =	scvt.s32.f32 s28  }
0x198: {  	[tilespmem:s26+$0xFFFFFFB0] =	vst v10;
	v9 =	vadd.f32 v11, v1;
	v6 =	vmul.f32 s1, v0  }
0x199: {  	s30 =	simm.s32 $0xA2;
	[tilespmem:s26+$0xFFFFFFC0] =	vst v8;
	v7 =	vmul.f32 s28, v2  }
0x19a: {  	s29 =	scvt.s32.f32 s30;
	v8 =	vmul.f32 s28, v5;
	[tilespmem:s26+$0xFFFFFFD0] =	vst v9;
	s26 =	simm.s32 $0x31A0;
	v6 =	vadd.f32 v6, v1  }
0x19b: {  	v9 =	vmul.f32 s28, v0;
	[hbm4b:s11+s14] =	stream.strided.scatter [tilespmem:s19], [sflag:$0x3], $0xC00, s15, s14, $0x38;
	v7 =	vadd.f32 v7, v3;
	[tilespmem:$0x3C30] =	vst v63  }
0x19c: {  	v10 =	vmul.f32 s29, v2;
	s28 =	simm.s32 $0xA3;
	v8 =	vadd.f32 v8, v4;
	[tilespmem:s26+$0x0] =	vst v6  }
0x19d: {  	s28 =	scvt.s32.f32 s28;
	[tilespmem:s26+$0xFFFFFE90] =	vst v7;
	v6 =	vadd.f32 v9, v1;
	v7 =	vmul.f32 s29, v5  }
0x19e: {  	[tilespmem:s26+$0xFFFFFEA0] =	vst v8;
	v8 =	vadd.f32 v10, v3;
	v9 =	vmul.f32 s29, v0  }
0x19f: {  	s29 =	simm.s32 $0xA4;
	[tilespmem:s26+$0xFFFFFEB0] =	vst v6;
	v6 =	vadd.f32 v7, v4;
	v7 =	vmul.f32 s28, v2  }
0x1a0: {  	s29 =	scvt.s32.f32 s29;
	[tilespmem:s26+$0xFFFFFEC0] =	vst v8;
	v8 =	vadd.f32 v9, v1;
	v9 =	vmul.f32 s28, v5  }
0x1a1: {  	[tilespmem:s26+$0xFFFFFED0] =	vst v6;
	v6 =	vadd.f32 v7, v3;
	v7 =	vmul.f32 s28, v0  }
0x1a2: {  	[tilespmem:s26+$0xFFFFFEE0] =	vst v8;
	v8 =	vadd.f32 v9, v4;
	v9 =	vmul.f32 s29, v2;
	s28 =	simm.s32 $0xA5  }
0x1a3: {  	s28 =	scvt.s32.f32 s28;
	[tilespmem:s26+$0xFFFFFEF0] =	vst v6;
	v6 =	vadd.f32 v7, v1;
	v7 =	vmul.f32 s29, v5  }
0x1a4: {  	[tilespmem:s26+$0xFFFFFF00] =	vst v8;
	v8 =	vadd.f32 v9, v3;
	v9 =	vmul.f32 s29, v0  }
0x1a5: {  	s29 =	simm.s32 $0xA6;
	[tilespmem:s26+$0xFFFFFF10] =	vst v6;
	v6 =	vadd.f32 v7, v4;
	v7 =	vmul.f32 s28, v2  }
0x1a6: {  	s30 =	scvt.s32.f32 s29;
	[tilespmem:s26+$0xFFFFFF20] =	vst v8;
	v8 =	vadd.f32 v9, v1;
	v9 =	vmul.f32 s28, v5  }
0x1a7: {  	[tilespmem:s26+$0xFFFFFF30] =	vst v6;
	v6 =	vadd.f32 v7, v3;
	v7 =	vmul.f32 s28, v0  }
0x1a8: {  	s31 =	simm.s32 $0xA7;
	v10 =	vmul.f32 s1, v2;
	[tilespmem:s26+$0xFFFFFF40] =	vst v8;
	v8 =	vadd.f32 v9, v4;
	v9 =	vmul.f32 s30, v2  }
0x1a9: {  	v11 =	vmul.f32 s1, v5;
	s29 =	scvt.s32.f32 s31;
	v13 =	vmul.f32 s30, v5;
	[tilespmem:s26+$0xFFFFFF50] =	vst v6;
	v12 =	vadd.f32 v7, v1  }
0x1aa: {  	v6 =	vadd.f32 v10, v3;
	[tilespmem:s26+$0xFFFFFF60] =	vst v8;
	v8 =	vadd.f32 v9, v3;
	v9 =	vmul.f32 s30, v0  }
0x1ab: {  	v7 =	vadd.f32 v11, v4;
	v10 =	vadd.f32 v13, v4;
	v11 =	vmul.f32 s29, v2;
	[tilespmem:s26+$0xFFFFFF70] =	vst v12  }
0x1ac: {  	s28 =	simm.s32 $0xC0;
	[tilespmem:s26+$0xFFFFFF80] =	vst v8;
	v8 =	vadd.f32 v9, v1;
	v9 =	vmul.f32 s29, v5  }
.LBB2_13:
0x1ad: {  	s1 =	sadd.s32 $0xFFFFFFF0, s28;
	[tilespmem:s26+$0xFFFFFF90] =	vst v10;
	v10 =	vadd.f32 v11, v3;
	v11 =	vmul.f32 s29, v0;
	s29 =	smov.u32 s28;
	s28 =	sadd.s32 $0x8, s28  }
0x1ae: {  	s30 =	sadd.s32 $0xFFFFFFE9, s29;
	s1 =	scvt.s32.f32 s1;
	p1 =	slt.u32 s28, $0xF8;
	[tilespmem:s26+$0xFFFFFFA0] =	vst v8;
	v8 =	vadd.f32 v9, v4  }
0x1af: {  	s30 =	scvt.s32.f32 s30;
	[tilespmem:s26+$0xFFFFFFB0] =	vst v10;
	v9 =	vadd.f32 v11, v1  }
0x1b0: {  	v10 =	vmul.f32 s1, v2;
	v11 =	vmul.f32 s1, v0;
	[tilespmem:s26+$0xFFFFFFC0] =	vst v8  }
0x1b1: {  	s31 =	sadd.s32 $0xFFFFFFEA, s29;
	v12 =	vmul.f32 s1, v5;
	v8 =	vmul.f32 s30, v2;
	[tilespmem:s26+$0xFFFFFFD0] =	vst v9  }
0x1b2: {  	s1 =	scvt.s32.f32 s31;
	v9 =	vmul.f32 s30, v5;
	v11 =	vadd.f32 v11, v1;
	[tilespmem:s26+$0xFFFFFFE0] =	vst v6;
	v6 =	vadd.f32 v10, v3  }
0x1b3: {  	v10 =	vmul.f32 s30, v0;
	v8 =	vadd.f32 v8, v3;
	[tilespmem:s26+$0xFFFFFFF0] =	vst v7;
	v7 =	vadd.f32 v12, v4;
	s26 =	sadd.s32 $0x180, s26  }
0x1b4: {  	s30 =	sadd.s32 $0xFFFFFFEB, s29;
	v9 =	vadd.f32 v9, v4;
	v12 =	vmul.f32 s1, v2;
	[tilespmem:s26+$0x0] =	vst v11  }
0x1b5: {  	s30 =	scvt.s32.f32 s30;
	[tilespmem:s26+$0xFFFFFE90] =	vst v8;
	v8 =	vadd.f32 v10, v1;
	v10 =	vmul.f32 s1, v5  }
0x1b6: {  	v11 =	vmul.f32 s1, v0;
	[tilespmem:s26+$0xFFFFFEA0] =	vst v9;
	v9 =	vadd.f32 v12, v3  }
0x1b7: {  	s1 =	sadd.s32 $0xFFFFFFEC, s29;
	[tilespmem:s26+$0xFFFFFEB0] =	vst v8;
	v8 =	vadd.f32 v10, v4;
	v10 =	vmul.f32 s30, v2  }
0x1b8: {  	s1 =	scvt.s32.f32 s1;
	[tilespmem:s26+$0xFFFFFEC0] =	vst v9;
	v9 =	vadd.f32 v11, v1;
	v11 =	vmul.f32 s30, v5  }
0x1b9: {  	[tilespmem:s26+$0xFFFFFED0] =	vst v8;
	v8 =	vadd.f32 v10, v3;
	v10 =	vmul.f32 s30, v0  }
0x1ba: {  	s30 =	sadd.s32 $0xFFFFFFED, s29;
	[tilespmem:s26+$0xFFFFFEE0] =	vst v9;
	v9 =	vadd.f32 v11, v4;
	v11 =	vmul.f32 s1, v2  }
0x1bb: {  	s30 =	scvt.s32.f32 s30;
	[tilespmem:s26+$0xFFFFFEF0] =	vst v8;
	v8 =	vadd.f32 v10, v1;
	v10 =	vmul.f32 s1, v5  }
0x1bc: {  	[tilespmem:s26+$0xFFFFFF00] =	vst v9;
	v9 =	vadd.f32 v11, v3;
	v11 =	vmul.f32 s1, v0  }
0x1bd: {  	s1 =	sadd.s32 $0xFFFFFFEE, s29;
	[tilespmem:s26+$0xFFFFFF10] =	vst v8;
	v8 =	vadd.f32 v10, v4;
	v10 =	vmul.f32 s30, v2  }
0x1be: {  	s1 =	scvt.s32.f32 s1;
	[tilespmem:s26+$0xFFFFFF20] =	vst v9;
	v9 =	vadd.f32 v11, v1;
	v11 =	vmul.f32 s30, v5  }
0x1bf: {  	[tilespmem:s26+$0xFFFFFF30] =	vst v8;
	v8 =	vadd.f32 v10, v3;
	v10 =	vmul.f32 s30, v0  }
.Ltmp8:
0x1c0: {  	s29 =	sadd.s32 $0xFFFFFFEF, s29;
	[tilespmem:s26+$0xFFFFFF40] =	vst v9;
	v9 =	vadd.f32 v11, v4;
	v11 =	vmul.f32 s1, v2;
	(pc) =	sbr.rel @p1 .LBB2_13-.Ltmp8, $4  }
0x1c1: {  	s29 =	scvt.s32.f32 s29;
	[tilespmem:s26+$0xFFFFFF50] =	vst v8;
	v8 =	vadd.f32 v10, v1;
	v10 =	vmul.f32 s1, v5  }
0x1c2: {  	v12 =	vmul.f32 s1, v0;
	[tilespmem:s26+$0xFFFFFF60] =	vst v9;
	v9 =	vadd.f32 v11, v3  }
0x1c3: {  	v11 =	vmul.f32 s29, v2;
	[tilespmem:s26+$0xFFFFFF70] =	vst v8;
	v10 =	vadd.f32 v10, v4  }
0x1c4: {  	v8 =	vadd.f32 v12, v1;
	[tilespmem:s26+$0xFFFFFF80] =	vst v9;
	v9 =	vmul.f32 s29, v5  }
0x1c5: {  	[tilespmem:s26+$0xFFFFFF90] =	vst v10  }
0x1c6: {  	[tilespmem:s26+$0xFFFFFFE0] =	vst v6  }
.Ltmp9:
0x1c7: {  	v2 =	vadd.f32 v11, v3;
	v0 =	vmul.f32 s29, v0;
	[tilespmem:s26+$0xFFFFFFF0] =	vst v7;
	(pc) =	sbr.rel .LBB2_28-.Ltmp9, $4  }
0x1c8: {  	[tilespmem:s26+$0xFFFFFFA0] =	vst v8;
	v63 =	vadd.f32 v9, v4  }
0x1c9: {  	[tilespmem:s26+$0xFFFFFFB0] =	vst v2;
	v0 =	vadd.f32 v0, v1  }
0x1ca: {  	[tilespmem:s26+$0xFFFFFFC0] =	vst v63  }
0x1cb: {  	[tilespmem:s26+$0xFFFFFFD0] =	vst v0;
	s26 =	smov.u32 s12  }
.LBB2_15:
0x1cc: {  	v0 =	vld [tilespmem:s26+$0xB0]  }
0x1cd: {  	v1 =	vld [tilespmem:s26+$0x80]  }
0x1ce: {  	v7 =	vld [tilespmem:s26+$0x50]  }
0x1cf: {  	v4 =	vld [tilespmem:s26+$0x20]  }
0x1d0: {  	v3 =	vld [tilespmem:s26+$0xFFFFFFF0]  }
0x1d1: {  	v5 =	vld [tilespmem:s26+$0xFFFFFFC0]  }
0x1d2: {  	v6 =	vld [tilespmem:s26+$0xFFFFFF90]  }
0x1d3: {  	v8 =	vld [tilespmem:s26+$0xFFFFFF60]  }
0x1d4: {  	v9 =	vld [tilespmem:s26+$0xFFFFFF70]  }
0x1d5: {  	v10 =	vld [tilespmem:s26+$0xFFFFFF80]  }
0x1d6: {  	v11 =	vld [tilespmem:s26+$0xFFFFFFA0]  }
0x1d7: {  	v12 =	vld [tilespmem:s26+$0xFFFFFFB0]  }
0x1d8: {  	v13 =	vld [tilespmem:s26+$0xFFFFFFD0]  }
0x1d9: {  	v14 =	vld [tilespmem:s26+$0xFFFFFFE0];
	v8 =	vadd.f32 v8, v2  }
0x1da: {  	v15 =	vld [tilespmem:s26+$0x0];
	v9 =	vadd.f32 v9, v2;
	v2 =	vadd.f32 v10, v2  }
0x1db: {  	v6 =	vadd.f32 v6, v8;
	v8 =	vld [tilespmem:s26+$0x10]  }
0x1dc: {  	v63 =	vld [tilespmem:s26+$0x40];
	v9 =	vadd.f32 v11, v9;
	v11 =	vadd.f32 v12, v2  }
0x1dd: {  	v10 =	vld [tilespmem:s26+$0x30];
	v5 =	vadd.f32 v5, v6  }
0x1de: {  	v2 =	vld [tilespmem:s26+$0x60];
	v6 =	vadd.f32 v13, v9;
	v9 =	vadd.f32 v14, v11  }
0x1df: {  	v11 =	vadd.f32 v3, v5;
	v5 =	vld [tilespmem:s26+$0x70]  }
0x1e0: {  	v13 =	vadd.f32 v15, v6;
	v3 =	vld [tilespmem:s26+$0x90];
	v9 =	vadd.f32 v8, v9  }
0x1e1: {  	v6 =	vld [tilespmem:s26+$0xA0];
	v11 =	vadd.f32 v4, v11  }
0x1e2: {  	v8 =	vadd.f32 v10, v13;
	v4 =	vld [tilespmem:s26+$0xC0];
	v9 =	vadd.f32 v63, v9  }
0x1e3: {  	s28 =	simm.s32 $0x1;
	v10 =	vadd.f32 v7, v11;
	v7 =	vld [tilespmem:s26+$0xD0];
	s26 =	simm.s32 $0x250  }
.LBB2_16:
0x1e4: {  	v11 =	vld [tilespmem:s26+$0xB0];
	v2 =	vadd.f32 v2, v8;
	v5 =	vadd.f32 v5, v9  }
0x1e5: {  	v8 =	vadd.f32 v1, v10;
	v1 =	vld [tilespmem:s26+$0x80]  }
0x1e6: {  	v10 =	vld [tilespmem:s26+$0x50];
	v2 =	vadd.f32 v3, v2;
	v3 =	vadd.f32 v6, v5  }
0x1e7: {  	v6 =	vld [tilespmem:s26+$0x20];
	v5 =	vadd.f32 v0, v8  }
0x1e8: {  	v8 =	vld [tilespmem:s26+$0xFFFFFFF0];
	v2 =	vadd.f32 v4, v2;
	v3 =	vadd.f32 v7, v3  }
0x1e9: {  	v4 =	vld [tilespmem:s26+$0xFFFFFFC0];
	v0 =	vmov v11  }
0x1ea: {  	v7 =	vld [tilespmem:s26+$0xFFFFFF90]  }
0x1eb: {  	v9 =	vld [tilespmem:s26+$0xFFFFFF60]  }
0x1ec: {  	v11 =	vld [tilespmem:s26+$0xFFFFFF70]  }
0x1ed: {  	s28 =	sadd.s32 $0x8, s28;
	v12 =	vld [tilespmem:s26+$0xFFFFFF80]  }
0x1ee: {  	p1 =	slt.u32 s28, $0x31;
	v13 =	vld [tilespmem:s26+$0xFFFFFFA0]  }
0x1ef: {  	v14 =	vld [tilespmem:s26+$0xFFFFFFB0]  }
0x1f0: {  	v15 =	vld [tilespmem:s26+$0xFFFFFFD0]  }
0x1f1: {  	v5 =	vadd.f32 v9, v5;
	v9 =	vld [tilespmem:s26+$0xFFFFFFE0]  }
0x1f2: {  	v2 =	vadd.f32 v11, v2;
	v3 =	vadd.f32 v12, v3;
	v11 =	vld [tilespmem:s26+$0x0]  }
0x1f3: {  	v5 =	vadd.f32 v7, v5;
	v7 =	vld [tilespmem:s26+$0x10]  }
0x1f4: {  	v2 =	vadd.f32 v13, v2;
	v3 =	vadd.f32 v14, v3;
	v12 =	vld [tilespmem:s26+$0x30]  }
0x1f5: {  	v4 =	vadd.f32 v4, v5;
	v13 =	vld [tilespmem:s26+$0x40]  }
0x1f6: {  	v14 =	vadd.f32 v15, v2;
	v3 =	vadd.f32 v9, v3;
	v2 =	vld [tilespmem:s26+$0x60]  }
.Ltmp10:
0x1f7: {  	v4 =	vadd.f32 v8, v4;
	v5 =	vld [tilespmem:s26+$0x70];
	(pc) =	sbr.rel @p1 .LBB2_16-.Ltmp10, $4  }
0x1f8: {  	v8 =	vadd.f32 v11, v14;
	v7 =	vadd.f32 v7, v3;
	v3 =	vld [tilespmem:s26+$0x90]  }
0x1f9: {  	v11 =	vadd.f32 v6, v4;
	v6 =	vld [tilespmem:s26+$0xA0]  }
0x1fa: {  	v8 =	vadd.f32 v12, v8;
	v9 =	vadd.f32 v13, v7;
	v4 =	vld [tilespmem:s26+$0xC0]  }
0x1fb: {  	v10 =	vadd.f32 v10, v11;
	v7 =	vld [tilespmem:s26+$0xD0];
	s26 =	sadd.s32 $0x180, s26  }
0x1fc: {  	v11 =	vld [tilespmem:$0xAB0]  }
0x1fd: {  	v12 =	vld [tilespmem:$0xAC0]  }
0x1fe: {  	v13 =	vld [tilespmem:$0xAD0]  }
0x1ff: {  	v14 =	vld [tilespmem:$0xAE0]  }
0x200: {  	v15 =	vld [tilespmem:$0xAF0]  }
0x201: {  	v16 =	vld [tilespmem:$0xB00]  }
0x202: {  	v17 =	vld [tilespmem:$0xB10]  }
0x203: {  	v18 =	vld [tilespmem:$0xB20]  }
0x204: {  	v19 =	vld [tilespmem:$0xB30]  }
0x205: {  	v20 =	vld [tilespmem:$0xB40]  }
0x206: {  	v21 =	vld [tilespmem:$0xB50]  }
0x207: {  	v22 =	vld [tilespmem:$0xB60]  }
0x208: {  	v23 =	vld [tilespmem:$0xB70]  }
0x209: {  	v2 =	vadd.f32 v2, v8;
	v5 =	vadd.f32 v5, v9;
	v8 =	vld [tilespmem:$0xB80]  }
0x20a: {  	v9 =	vld [tilespmem:$0xB90];
	v1 =	vadd.f32 v1, v10  }
0x20b: {  	v58 =	vld [tilespmem:$0xC00];
	v2 =	vadd.f32 v3, v2;
	v3 =	vadd.f32 v6, v5  }
0x20c: {  	v59 =	vld [tilespmem:$0x10];
	v0 =	vadd.f32 v0, v1  }
0x20d: {  	v60 =	vld [tilespmem:$0xC10];
	v2 =	vadd.f32 v4, v2;
	v3 =	vadd.f32 v7, v3  }
0x20e: {  	v61 =	vld [tilespmem:$0x20];
	v0 =	vadd.f32 v11, v0  }
0x20f: {  	v62 =	vld [tilespmem:$0xC20];
	v2 =	vadd.f32 v12, v2;
	v3 =	vadd.f32 v13, v3  }
0x210: {  	v10 =	vld [tilespmem:$0xBF0];
	v0 =	vadd.f32 v14, v0  }
0x211: {  	v5 =	vld [tilespmem:$0xBA0];
	v2 =	vadd.f32 v15, v2;
	v3 =	vadd.f32 v16, v3  }
0x212: {  	v6 =	vld [tilespmem:$0xBD0];
	v0 =	vadd.f32 v17, v0  }
0x213: {  	v1 =	vld [tilespmem:$0xBB0];
	v2 =	vadd.f32 v18, v2;
	v3 =	vadd.f32 v19, v3  }
0x214: {  	v4 =	vld [tilespmem:$0xBC0];
	v0 =	vadd.f32 v20, v0  }
0x215: {  	v11 =	vld [tilespmem:$0x0];
	v2 =	vadd.f32 v21, v2;
	v3 =	vadd.f32 v22, v3  }
0x216: {  	v7 =	vld [tilespmem:$0xBE0];
	v0 =	vadd.f32 v23, v0  }
0x217: {  	v2 =	vadd.f32 v8, v2;
	v3 =	vadd.f32 v9, v3;
	v8 =	vld [tilespmem:$0xC00]  }
0x218: {  	v9 =	vld [tilespmem:$0xC10];
	v0 =	vadd.f32 v5, v0  }
0x219: {  	v1 =	vadd.f32 v1, v2;
	v2 =	vadd.f32 v4, v3;
	v3 =	vld [tilespmem:$0xC20]  }
0x21a: {  	v4 =	vmul.f32 $2.240000000e+02, v11;
	v0 =	vadd.f32 v6, v0;
	v6 =	vld [tilespmem:$0x20]  }
0x21b: {  	v5 =	vld [tilespmem:$0x0];
	v1 =	vadd.f32 v7, v1;
	v2 =	vadd.f32 v10, v2;
	v7 =	vmul.f32 $2.240000000e+02, v59  }
0x21c: {  	v11 =	vld [tilespmem:$0x10];
	v10 =	vmul.f32 $2.240000000e+02, v61;
	v0 =	vadd.f32 v4, v0;
	v4 =	vmul.f32 $2.250000000e+02, v58  }
0x21d: {  	v1 =	vadd.f32 v7, v1;
	v7 =	vmul.f32 $2.250000000e+02, v60  }
0x21e: {  	v2 =	vadd.f32 v10, v2;
	v0 =	vadd.f32 v4, v0;
	v4 =	vmul.f32 $2.250000000e+02, v62  }
0x21f: {  	v1 =	vadd.f32 v7, v1;
	v3 =	vsub.f32 v3, v6  }
0x220: {  	s1 =	simm.s32 $0x8;
	v0 =	vmul.f32 $1.953125000e-03, v0;
	v2 =	vadd.f32 v4, v2;
	v4 =	vsub.f32 v8, v5  }
0x221: {  	s26 =	simm.s32 $0x2;
	s28 =	scvt.s32.f32 s1;
	v6 =	vsub.f32 v9, v11;
	v1 =	vmul.f32 $1.953125000e-03, v1;
	v3 =	vmul.f32 $1.953125000e-03, v3  }
0x222: {  	s1 =	scvt.s32.f32 s26;
	v2 =	vmul.f32 $1.953125000e-03, v2;
	v5 =	vmul.f32 $1.953125000e-03, v4  }
0x223: {  	v4 =	vmul.f32 $1.953125000e-03, v6;
	v6 =	vmul.f32 s28, v3  }
0x224: {  	s26 =	simm.s32 $0x3;
	[tilespmem:$0xC30] =	vst v0;
	v7 =	vmul.f32 s1, v5  }
0x225: {  	s29 =	scvt.s32.f32 s26;
	[tilespmem:$0xC40] =	vst v1;
	v8 =	vmul.f32 s1, v4;
	v6 =	vadd.f32 v6, v2  }
0x226: {  	s26 =	simm.s32 $0xD00;
	v9 =	vmul.f32 s1, v3;
	[tilespmem:$0xC50] =	vst v2;
	v7 =	vadd.f32 v7, v0  }
0x227: {  	v10 =	vmul.f32 s29, v5;
	s1 =	simm.s32 $0x4;
	v8 =	vadd.f32 v8, v1;
	[tilespmem:s26+$0xD0] =	vst v6  }
0x228: {  	s1 =	scvt.s32.f32 s1;
	v6 =	vadd.f32 v9, v2;
	[tilespmem:s26+$0xFFFFFF90] =	vst v7;
	v7 =	vmul.f32 s29, v4  }
0x229: {  	v9 =	vmul.f32 s29, v3;
	[tilespmem:s26+$0xFFFFFFA0] =	vst v8;
	v8 =	vadd.f32 v10, v0  }
0x22a: {  	s29 =	simm.s32 $0x5;
	[tilespmem:s26+$0xFFFFFFB0] =	vst v6;
	v6 =	vadd.f32 v7, v1;
	v7 =	vmul.f32 s1, v5  }
0x22b: {  	s29 =	scvt.s32.f32 s29;
	[tilespmem:s26+$0xFFFFFFC0] =	vst v8;
	v8 =	vadd.f32 v9, v2;
	v9 =	vmul.f32 s1, v4  }
0x22c: {  	[tilespmem:s26+$0xFFFFFFD0] =	vst v6;
	v6 =	vadd.f32 v7, v0;
	v7 =	vmul.f32 s1, v3  }
0x22d: {  	[tilespmem:s26+$0xFFFFFFE0] =	vst v8;
	v8 =	vadd.f32 v9, v1;
	v9 =	vmul.f32 s29, v5;
	s1 =	simm.s32 $0x6  }
0x22e: {  	s1 =	scvt.s32.f32 s1;
	[tilespmem:s26+$0xFFFFFFF0] =	vst v6;
	v6 =	vadd.f32 v7, v2;
	v7 =	vmul.f32 s29, v4  }
0x22f: {  	[tilespmem:s26+$0x0] =	vst v8;
	v8 =	vadd.f32 v9, v0;
	v9 =	vmul.f32 s29, v3  }
0x230: {  	s29 =	simm.s32 $0x7;
	[tilespmem:s26+$0x10] =	vst v6;
	v6 =	vadd.f32 v7, v1;
	v7 =	vmul.f32 s1, v5  }
0x231: {  	s29 =	scvt.s32.f32 s29;
	[tilespmem:s26+$0x20] =	vst v8;
	v8 =	vadd.f32 v9, v2;
	v9 =	vmul.f32 s1, v4  }
0x232: {  	[tilespmem:s26+$0x30] =	vst v6;
	v6 =	vadd.f32 v7, v0;
	v7 =	vmul.f32 s1, v3  }
0x233: {  	[tilespmem:s26+$0x40] =	vst v8;
	v8 =	vadd.f32 v9, v1;
	v9 =	vmul.f32 s29, v5  }
0x234: {  	[tilespmem:s26+$0x50] =	vst v6;
	v6 =	vadd.f32 v7, v2;
	v7 =	vmul.f32 s29, v4  }
0x235: {  	v11 =	vmul.f32 s29, v3;
	s1 =	simm.s32 $0x1;
	[tilespmem:s26+$0x60] =	vst v8;
	v8 =	vadd.f32 v9, v0  }
0x236: {  	v10 =	vmul.f32 s28, v5;
	s30 =	scvt.s32.f32 s1;
	v9 =	vmul.f32 s28, v4;
	[tilespmem:s26+$0x70] =	vst v6;
	v63 =	vadd.f32 v7, v1  }
0x237: {  	[tilespmem:s26+$0x80] =	vst v8;
	v8 =	vadd.f32 v11, v2  }
0x238: {  	s31 =	simm.s32 $0x10;
	s28 =	simm.s32 $0x9;
	s29 =	simm.s32 $0x11;
	v6 =	vadd.f32 v10, v0;
	v7 =	vadd.f32 v9, v1;
	v9 =	vmul.f32 s30, v5;
	[tilespmem:s26+$0x90] =	vst v63  }
.LBB2_18:
0x239: {  	p1 =	slt.u32 s29, $0x31;
	s1 =	sadd.s32 $0x1, s28;
	s31 =	scvt.s32.f32 s31;
	v10 =	vmul.f32 s30, v4;
	[tilespmem:s26+$0xA0] =	vst v8  }
0x23a: {  	s1 =	scvt.s32.f32 s1;
	v8 =	vadd.f32 v9, v0;
	v9 =	vmul.f32 s30, v3;
	[tilespmem:s26+$0xB0] =	vst v6  }
0x23b: {  	v6 =	vmul.f32 s31, v5;
	v11 =	vmul.f32 s31, v3;
	v10 =	vadd.f32 v10, v1;
	[tilespmem:s26+$0xC0] =	vst v7  }
0x23c: {  	s30 =	sadd.s32 $0x2, s28;
	v12 =	vmul.f32 s31, v4;
	v7 =	vmul.f32 s1, v5;
	[tilespmem:s26+$0xFFFFFF60] =	vst v8;
	v8 =	vadd.f32 v9, v2  }
0x23d: {  	s30 =	scvt.s32.f32 s30;
	v9 =	vmul.f32 s1, v4;
	v6 =	vadd.f32 v6, v0;
	v11 =	vadd.f32 v11, v2;
	[tilespmem:s26+$0xFFFFFF70] =	vst v10  }
0x23e: {  	v13 =	vmul.f32 s1, v3;
	v10 =	vadd.f32 v7, v0;
	v7 =	vadd.f32 v12, v1;
	[tilespmem:s26+$0xFFFFFF80] =	vst v8;
	s26 =	sadd.s32 $0x180, s26  }
0x23f: {  	s1 =	sadd.s32 $0x3, s28;
	v8 =	vadd.f32 v9, v1;
	v9 =	vmul.f32 s30, v5;
	[tilespmem:s26+$0xD0] =	vst v11  }
0x240: {  	s1 =	scvt.s32.f32 s1;
	v11 =	vmul.f32 s30, v4;
	[tilespmem:s26+$0xFFFFFF90] =	vst v10;
	v10 =	vadd.f32 v13, v2  }
0x241: {  	[tilespmem:s26+$0xFFFFFFA0] =	vst v8;
	v8 =	vadd.f32 v9, v0;
	v9 =	vmul.f32 s30, v3  }
0x242: {  	s30 =	sadd.s32 $0x4, s28;
	[tilespmem:s26+$0xFFFFFFB0] =	vst v10;
	v10 =	vadd.f32 v11, v1;
	v11 =	vmul.f32 s1, v5  }
0x243: {  	s30 =	scvt.s32.f32 s30;
	[tilespmem:s26+$0xFFFFFFC0] =	vst v8;
	v8 =	vadd.f32 v9, v2;
	v9 =	vmul.f32 s1, v4  }
0x244: {  	[tilespmem:s26+$0xFFFFFFD0] =	vst v10;
	v10 =	vadd.f32 v11, v0;
	v11 =	vmul.f32 s1, v3  }
0x245: {  	s1 =	sadd.s32 $0x5, s28;
	[tilespmem:s26+$0xFFFFFFE0] =	vst v8;
	v8 =	vadd.f32 v9, v1;
	v9 =	vmul.f32 s30, v5  }
0x246: {  	s1 =	scvt.s32.f32 s1;
	[tilespmem:s26+$0xFFFFFFF0] =	vst v10;
	v10 =	vadd.f32 v11, v2;
	v11 =	vmul.f32 s30, v4  }
0x247: {  	[tilespmem:s26+$0x0] =	vst v8;
	v8 =	vadd.f32 v9, v0;
	v9 =	vmul.f32 s30, v3  }
0x248: {  	s30 =	sadd.s32 $0x6, s28;
	[tilespmem:s26+$0x10] =	vst v10;
	v10 =	vadd.f32 v11, v1;
	v11 =	vmul.f32 s1, v5  }
0x249: {  	s30 =	scvt.s32.f32 s30;
	[tilespmem:s26+$0x20] =	vst v8;
	v8 =	vadd.f32 v9, v2;
	v9 =	vmul.f32 s1, v4  }
0x24a: {  	[tilespmem:s26+$0x30] =	vst v10;
	v10 =	vadd.f32 v11, v0;
	v11 =	vmul.f32 s1, v3  }
0x24b: {  	[tilespmem:s26+$0x40] =	vst v8;
	v8 =	vadd.f32 v9, v1;
	v9 =	vmul.f32 s30, v5  }
.Ltmp11:
0x24c: {  	[tilespmem:s26+$0x50] =	vst v10;
	v10 =	vadd.f32 v11, v2;
	v11 =	vmul.f32 s30, v4;
	(pc) =	sbr.rel @p1 .LBB2_18-.Ltmp11, $4  }
0x24d: {  	[tilespmem:s26+$0x60] =	vst v8;
	v8 =	vadd.f32 v9, v0;
	v9 =	vmul.f32 s30, v3  }
0x24e: {  	s30 =	scvt.s32.f32 s28;
	s28 =	smov.u32 s29;
	[tilespmem:s26+$0x70] =	vst v10;
	v10 =	vadd.f32 v11, v1  }
0x24f: {  	[tilespmem:s26+$0x80] =	vst v8;
	v8 =	vadd.f32 v9, v2  }
0x250: {  	s29 =	sadd.s32 $0x8, s29;
	s31 =	sadd.s32 $0x7, s28;
	v9 =	vmul.f32 s30, v5;
	[tilespmem:s26+$0x90] =	vst v10  }
0x251: {  	s1 =	sadd.s32 $0x1, s28;
	s29 =	scvt.s32.f32 s31;
	v10 =	vmul.f32 s30, v4;
	[tilespmem:s26+$0xA0] =	vst v8  }
0x252: {  	[tilespmem:s26+$0xB0] =	vst v6;
	s1 =	scvt.s32.f32 s1;
	v8 =	vadd.f32 v9, v0;
	v9 =	vmul.f32 s30, v3  }
0x253: {  	[tilespmem:s26+$0xC0] =	vst v7;
	v6 =	vmul.f32 s29, v3;
	v10 =	vadd.f32 v10, v1  }
0x254: {  	s30 =	sadd.s32 $0x2, s28;
	v7 =	vmul.f32 s1, v5;
	[tilespmem:s26+$0xFFFFFF60] =	vst v8;
	v8 =	vadd.f32 v9, v2  }
0x255: {  	s30 =	scvt.s32.f32 s30;
	v9 =	vmul.f32 s1, v4;
	v6 =	vadd.f32 v6, v2;
	[tilespmem:s26+$0xFFFFFF70] =	vst v10  }
0x256: {  	v10 =	vmul.f32 s1, v3;
	v7 =	vadd.f32 v7, v0;
	[tilespmem:s26+$0xFFFFFF80] =	vst v8;
	s26 =	sadd.s32 $0x180, s26  }
0x257: {  	s1 =	sadd.s32 $0x3, s28;
	v8 =	vadd.f32 v9, v1;
	v9 =	vmul.f32 s30, v5;
	[tilespmem:s26+$0xD0] =	vst v6  }
0x258: {  	s1 =	scvt.s32.f32 s1;
	v6 =	vadd.f32 v10, v2;
	[tilespmem:s26+$0xFFFFFF90] =	vst v7;
	v7 =	vmul.f32 s30, v4  }
0x259: {  	[tilespmem:s26+$0xFFFFFFA0] =	vst v8;
	v8 =	vadd.f32 v9, v0;
	v9 =	vmul.f32 s30, v3  }
0x25a: {  	s30 =	sadd.s32 $0x4, s28;
	[tilespmem:s26+$0xFFFFFFB0] =	vst v6;
	v6 =	vadd.f32 v7, v1;
	v7 =	vmul.f32 s1, v5  }
0x25b: {  	s30 =	scvt.s32.f32 s30;
	[tilespmem:s26+$0xFFFFFFC0] =	vst v8;
	v8 =	vadd.f32 v9, v2;
	v9 =	vmul.f32 s1, v4  }
0x25c: {  	[tilespmem:s26+$0xFFFFFFD0] =	vst v6;
	v6 =	vadd.f32 v7, v0;
	v7 =	vmul.f32 s1, v3  }
0x25d: {  	[tilespmem:s26+$0xFFFFFFE0] =	vst v8;
	v8 =	vadd.f32 v9, v1;
	v9 =	vmul.f32 s30, v5;
	s1 =	sadd.s32 $0x5, s28  }
0x25e: {  	s1 =	scvt.s32.f32 s1;
	[tilespmem:s26+$0xFFFFFFF0] =	vst v6;
	v6 =	vadd.f32 v7, v2;
	v7 =	vmul.f32 s30, v4  }
0x25f: {  	[tilespmem:s26+$0x0] =	vst v8;
	v8 =	vadd.f32 v9, v0;
	v9 =	vmul.f32 s30, v3  }
0x260: {  	s30 =	sadd.s32 $0x6, s28;
	[tilespmem:s26+$0x10] =	vst v6;
	v6 =	vadd.f32 v7, v1;
	v7 =	vmul.f32 s1, v5  }
0x261: {  	s30 =	scvt.s32.f32 s30;
	[tilespmem:s26+$0x20] =	vst v8;
	v8 =	vadd.f32 v9, v2;
	v9 =	vmul.f32 s1, v4  }
0x262: {  	[tilespmem:s26+$0x30] =	vst v6;
	v6 =	vadd.f32 v7, v0;
	v7 =	vmul.f32 s1, v3  }
0x263: {  	[tilespmem:s26+$0x40] =	vst v8;
	v8 =	vadd.f32 v9, v1;
	v9 =	vmul.f32 s30, v5  }
0x264: {  	[tilespmem:s26+$0x50] =	vst v6;
	v6 =	vadd.f32 v7, v2;
	v7 =	vmul.f32 s30, v4  }
0x265: {  	[tilespmem:s26+$0x60] =	vst v8;
	v8 =	vadd.f32 v9, v0;
	v9 =	vmul.f32 s30, v3  }
0x266: {  	v10 =	vmul.f32 s29, v5;
	s1 =	scvt.s32.f32 s28;
	[tilespmem:s26+$0x70] =	vst v6;
	v6 =	vadd.f32 v7, v1  }
0x267: {  	v7 =	vmul.f32 s29, v4;
	[tilespmem:s26+$0x80] =	vst v8;
	v8 =	vadd.f32 v9, v2  }
0x268: {  	v9 =	vadd.f32 v10, v0;
	v10 =	vmul.f32 s1, v5;
	[tilespmem:s26+$0x90] =	vst v6  }
0x269: {  	v6 =	vadd.f32 v7, v1;
	v7 =	vmul.f32 s1, v4;
	[tilespmem:s26+$0xA0] =	vst v8  }
0x26a: {  	v8 =	vadd.f32 v10, v0;
	v10 =	vmul.f32 s1, v3;
	[tilespmem:s26+$0xB0] =	vst v9  }
0x26b: {  	v7 =	vadd.f32 v7, v1;
	[tilespmem:s26+$0xC0] =	vst v6;
	v6 =	vmul.f32 $5.700000000e+01, v5  }
0x26c: {  	[tilespmem:s26+$0xFFFFFF60] =	vst v8;
	v8 =	vadd.f32 v10, v2  }
0x26d: {  	[tilespmem:s26+$0xFFFFFF70] =	vst v7;
	v6 =	vadd.f32 v6, v0;
	v7 =	vmul.f32 $5.700000000e+01, v3  }
0x26e: {  	v9 =	vmul.f32 $5.700000000e+01, v4;
	[tilespmem:s26+$0xFFFFFF80] =	vst v8  }
0x26f: {  	[tilespmem:$0x16E0] =	vst v6;
	v6 =	vadd.f32 v7, v2;
	v7 =	vmul.f32 $5.800000000e+01, v4  }
0x270: {  	v8 =	vadd.f32 v9, v1;
	v9 =	vmul.f32 $5.800000000e+01, v5  }
0x271: {  	[tilespmem:$0x1700] =	vst v6;
	v6 =	vadd.f32 v7, v1;
	v7 =	vmul.f32 $5.900000000e+01, v5  }
0x272: {  	[tilespmem:$0x16F0] =	vst v8;
	v8 =	vadd.f32 v9, v0;
	v9 =	vmul.f32 $5.800000000e+01, v3  }
0x273: {  	[tilespmem:$0x1720] =	vst v6;
	v6 =	vadd.f32 v7, v0;
	v7 =	vmul.f32 $5.900000000e+01, v3  }
0x274: {  	[tilespmem:$0x1710] =	vst v8;
	v8 =	vadd.f32 v9, v2;
	v9 =	vmul.f32 $5.900000000e+01, v4  }
0x275: {  	[tilespmem:$0x1740] =	vst v6;
	v6 =	vadd.f32 v7, v2;
	v7 =	vmul.f32 $6.000000000e+01, v4  }
0x276: {  	[tilespmem:$0x1730] =	vst v8;
	v8 =	vadd.f32 v9, v1;
	v9 =	vmul.f32 $6.000000000e+01, v5  }
0x277: {  	[tilespmem:$0x1760] =	vst v6;
	v6 =	vadd.f32 v7, v1;
	v7 =	vmul.f32 $6.100000000e+01, v5  }
0x278: {  	[tilespmem:$0x1750] =	vst v8;
	v8 =	vadd.f32 v9, v0;
	v9 =	vmul.f32 $6.000000000e+01, v3  }
0x279: {  	[tilespmem:$0x1780] =	vst v6;
	v6 =	vadd.f32 v7, v0;
	v7 =	vmul.f32 $6.100000000e+01, v3  }
0x27a: {  	[tilespmem:$0x1770] =	vst v8;
	v8 =	vadd.f32 v9, v2;
	v9 =	vmul.f32 $6.100000000e+01, v4  }
0x27b: {  	[tilespmem:$0x17A0] =	vst v6;
	v6 =	vadd.f32 v7, v2;
	v7 =	vmul.f32 $6.200000000e+01, v4  }
0x27c: {  	[tilespmem:$0x1790] =	vst v8;
	v8 =	vadd.f32 v9, v1;
	v9 =	vmul.f32 $6.200000000e+01, v5  }
0x27d: {  	[tilespmem:$0x17C0] =	vst v6;
	v6 =	vadd.f32 v7, v1;
	v7 =	vmul.f32 $6.300000000e+01, v5  }
0x27e: {  	[tilespmem:$0x17B0] =	vst v8;
	v8 =	vadd.f32 v9, v0;
	v9 =	vmul.f32 $6.200000000e+01, v3  }
0x27f: {  	s1 =	simm.s32 $0x47;
	s26 =	simm.s32 $0x41;
	[tilespmem:$0x17E0] =	vst v6;
	v6 =	vadd.f32 v7, v0;
	v7 =	vmul.f32 $6.300000000e+01, v3  }
0x280: {  	s28 =	scvt.s32.f32 s1;
	s1 =	scvt.s32.f32 s26;
	[tilespmem:$0x17D0] =	vst v8;
	v8 =	vadd.f32 v9, v2;
	v9 =	vmul.f32 $6.300000000e+01, v4  }
0x281: {  	[tilespmem:$0x1800] =	vst v6;
	v6 =	vadd.f32 v7, v2  }
0x282: {  	[tilespmem:$0x17F0] =	vst v8;
	v8 =	vadd.f32 v9, v1;
	v7 =	vmul.f32 s1, v5  }
0x283: {  	s26 =	simm.s32 $0x42;
	[tilespmem:$0x1820] =	vst v6;
	v6 =	vmul.f32 s28, v3  }
0x284: {  	s29 =	scvt.s32.f32 s26;
	s26 =	simm.s32 $0x19A0;
	[tilespmem:$0x1810] =	vst v8;
	v8 =	vmul.f32 s1, v4;
	v7 =	vadd.f32 v7, v0  }
0x285: {  	v9 =	vmul.f32 s1, v3;
	[hbm4b:s5+s14] =	stream.strided.scatter [tilespmem:s17], [sflag:$0x1], $0xC00, s15, s14, $0x38;
	v6 =	vadd.f32 v6, v2;
	[tilespmem:$0x3C30] =	vst v63  }
0x286: {  	v10 =	vmul.f32 s29, v5;
	s1 =	simm.s32 $0x43;
	v8 =	vadd.f32 v8, v1;
	[tilespmem:s26+$0xFFFFFEC0] =	vst v7  }
0x287: {  	s1 =	scvt.s32.f32 s1;
	v7 =	vmul.f32 s29, v4;
	[tilespmem:s26+$0x0] =	vst v6;
	v6 =	vadd.f32 v9, v2  }
0x288: {  	[tilespmem:s26+$0xFFFFFED0] =	vst v8;
	v8 =	vadd.f32 v10, v0;
	v9 =	vmul.f32 s29, v3  }
0x289: {  	s29 =	simm.s32 $0x44;
	[tilespmem:s26+$0xFFFFFEE0] =	vst v6;
	v6 =	vadd.f32 v7, v1;
	v7 =	vmul.f32 s1, v5  }
0x28a: {  	[tilespmem:s26+$0xFFFFFEF0] =	vst v8;
	s29 =	scvt.s32.f32 s29;
	v8 =	vadd.f32 v9, v2;
	v9 =	vmul.f32 s1, v4  }
0x28b: {  	[tilespmem:s26+$0xFFFFFF00] =	vst v6;
	v6 =	vadd.f32 v7, v0;
	v7 =	vmul.f32 s1, v3  }
0x28c: {  	[tilespmem:s26+$0xFFFFFF10] =	vst v8;
	v8 =	vadd.f32 v9, v1;
	v9 =	vmul.f32 s29, v5;
	s1 =	simm.s32 $0x45  }
0x28d: {  	s1 =	scvt.s32.f32 s1;
	[tilespmem:s26+$0xFFFFFF20] =	vst v6;
	v6 =	vadd.f32 v7, v2;
	v7 =	vmul.f32 s29, v4  }
0x28e: {  	[tilespmem:s26+$0xFFFFFF30] =	vst v8;
	v8 =	vadd.f32 v9, v0;
	v9 =	vmul.f32 s29, v3  }
0x28f: {  	s29 =	simm.s32 $0x46;
	[tilespmem:s26+$0xFFFFFF40] =	vst v6;
	v6 =	vadd.f32 v7, v1;
	v7 =	vmul.f32 s1, v5  }
0x290: {  	s29 =	scvt.s32.f32 s29;
	[tilespmem:s26+$0xFFFFFF50] =	vst v8;
	v8 =	vadd.f32 v9, v2;
	v9 =	vmul.f32 s1, v4  }
0x291: {  	[tilespmem:s26+$0xFFFFFF60] =	vst v6;
	v6 =	vadd.f32 v7, v0;
	v7 =	vmul.f32 s1, v3  }
0x292: {  	[tilespmem:s26+$0xFFFFFF70] =	vst v8;
	v8 =	vadd.f32 v9, v1;
	v9 =	vmul.f32 s29, v5  }
0x293: {  	[tilespmem:s26+$0xFFFFFF80] =	vst v6;
	v6 =	vadd.f32 v7, v2;
	v7 =	vmul.f32 s29, v4  }
0x294: {  	v11 =	vmul.f32 s29, v3;
	s1 =	simm.s32 $0x40;
	[tilespmem:s26+$0xFFFFFF90] =	vst v8;
	v8 =	vadd.f32 v9, v0  }
0x295: {  	v10 =	vmul.f32 s28, v5;
	s30 =	scvt.s32.f32 s1;
	v9 =	vmul.f32 s28, v4;
	[tilespmem:s26+$0xFFFFFFA0] =	vst v6;
	v12 =	vadd.f32 v7, v1  }
0x296: {  	[tilespmem:s26+$0xFFFFFFB0] =	vst v8;
	v8 =	vadd.f32 v11, v2  }
0x297: {  	s31 =	simm.s32 $0x4F;
	s28 =	simm.s32 $0x48;
	s29 =	simm.s32 $0x50;
	v6 =	vadd.f32 v10, v0;
	v7 =	vadd.f32 v9, v1;
	v9 =	vmul.f32 s30, v5;
	[tilespmem:s26+$0xFFFFFFC0] =	vst v12  }
.LBB2_20:
0x298: {  	p1 =	slt.u32 s29, $0x78;
	s1 =	sadd.s32 $0x1, s28;
	s31 =	scvt.s32.f32 s31;
	v10 =	vmul.f32 s30, v4;
	[tilespmem:s26+$0xFFFFFFD0] =	vst v8  }
0x299: {  	s1 =	scvt.s32.f32 s1;
	v8 =	vadd.f32 v9, v0;
	v9 =	vmul.f32 s30, v3;
	[tilespmem:s26+$0xFFFFFFE0] =	vst v6  }
0x29a: {  	v6 =	vmul.f32 s31, v5;
	v11 =	vmul.f32 s31, v3;
	v10 =	vadd.f32 v10, v1;
	[tilespmem:s26+$0xFFFFFFF0] =	vst v7  }
0x29b: {  	s30 =	sadd.s32 $0x2, s28;
	v12 =	vmul.f32 s31, v4;
	v7 =	vmul.f32 s1, v5;
	[tilespmem:s26+$0xFFFFFE90] =	vst v8;
	v8 =	vadd.f32 v9, v2  }
0x29c: {  	s30 =	scvt.s32.f32 s30;
	v9 =	vmul.f32 s1, v4;
	v6 =	vadd.f32 v6, v0;
	v11 =	vadd.f32 v11, v2;
	[tilespmem:s26+$0xFFFFFEA0] =	vst v10  }
0x29d: {  	v13 =	vmul.f32 s1, v3;
	v10 =	vadd.f32 v7, v0;
	v7 =	vadd.f32 v12, v1;
	[tilespmem:s26+$0xFFFFFEB0] =	vst v8;
	s26 =	sadd.s32 $0x180, s26  }
0x29e: {  	s1 =	sadd.s32 $0x3, s28;
	v8 =	vadd.f32 v9, v1;
	v9 =	vmul.f32 s30, v5;
	[tilespmem:s26+$0x0] =	vst v11  }
0x29f: {  	s1 =	scvt.s32.f32 s1;
	v11 =	vmul.f32 s30, v4;
	[tilespmem:s26+$0xFFFFFEC0] =	vst v10;
	v10 =	vadd.f32 v13, v2  }
0x2a0: {  	[tilespmem:s26+$0xFFFFFED0] =	vst v8;
	v8 =	vadd.f32 v9, v0;
	v9 =	vmul.f32 s30, v3  }
0x2a1: {  	s30 =	sadd.s32 $0x4, s28;
	[tilespmem:s26+$0xFFFFFEE0] =	vst v10;
	v10 =	vadd.f32 v11, v1;
	v11 =	vmul.f32 s1, v5  }
0x2a2: {  	s30 =	scvt.s32.f32 s30;
	[tilespmem:s26+$0xFFFFFEF0] =	vst v8;
	v8 =	vadd.f32 v9, v2;
	v9 =	vmul.f32 s1, v4  }
0x2a3: {  	[tilespmem:s26+$0xFFFFFF00] =	vst v10;
	v10 =	vadd.f32 v11, v0;
	v11 =	vmul.f32 s1, v3  }
0x2a4: {  	s1 =	sadd.s32 $0x5, s28;
	[tilespmem:s26+$0xFFFFFF10] =	vst v8;
	v8 =	vadd.f32 v9, v1;
	v9 =	vmul.f32 s30, v5  }
0x2a5: {  	s1 =	scvt.s32.f32 s1;
	[tilespmem:s26+$0xFFFFFF20] =	vst v10;
	v10 =	vadd.f32 v11, v2;
	v11 =	vmul.f32 s30, v4  }
0x2a6: {  	[tilespmem:s26+$0xFFFFFF30] =	vst v8;
	v8 =	vadd.f32 v9, v0;
	v9 =	vmul.f32 s30, v3  }
0x2a7: {  	s30 =	sadd.s32 $0x6, s28;
	[tilespmem:s26+$0xFFFFFF40] =	vst v10;
	v10 =	vadd.f32 v11, v1;
	v11 =	vmul.f32 s1, v5  }
0x2a8: {  	s30 =	scvt.s32.f32 s30;
	[tilespmem:s26+$0xFFFFFF50] =	vst v8;
	v8 =	vadd.f32 v9, v2;
	v9 =	vmul.f32 s1, v4  }
0x2a9: {  	[tilespmem:s26+$0xFFFFFF60] =	vst v10;
	v10 =	vadd.f32 v11, v0;
	v11 =	vmul.f32 s1, v3  }
0x2aa: {  	[tilespmem:s26+$0xFFFFFF70] =	vst v8;
	v8 =	vadd.f32 v9, v1;
	v9 =	vmul.f32 s30, v5  }
.Ltmp12:
0x2ab: {  	[tilespmem:s26+$0xFFFFFF80] =	vst v10;
	v10 =	vadd.f32 v11, v2;
	v11 =	vmul.f32 s30, v4;
	(pc) =	sbr.rel @p1 .LBB2_20-.Ltmp12, $4  }
0x2ac: {  	[tilespmem:s26+$0xFFFFFF90] =	vst v8;
	v8 =	vadd.f32 v9, v0;
	v9 =	vmul.f32 s30, v3  }
0x2ad: {  	s30 =	scvt.s32.f32 s28;
	s28 =	smov.u32 s29;
	[tilespmem:s26+$0xFFFFFFA0] =	vst v10;
	v10 =	vadd.f32 v11, v1  }
0x2ae: {  	[tilespmem:s26+$0xFFFFFFB0] =	vst v8;
	v8 =	vadd.f32 v9, v2  }
0x2af: {  	s29 =	sadd.s32 $0x8, s29;
	s31 =	sadd.s32 $0x7, s28;
	v9 =	vmul.f32 s30, v5;
	[tilespmem:s26+$0xFFFFFFC0] =	vst v10  }
0x2b0: {  	s1 =	sadd.s32 $0x1, s28;
	s29 =	scvt.s32.f32 s31;
	v10 =	vmul.f32 s30, v4;
	[tilespmem:s26+$0xFFFFFFD0] =	vst v8  }
0x2b1: {  	[tilespmem:s26+$0xFFFFFFE0] =	vst v6;
	s1 =	scvt.s32.f32 s1;
	v8 =	vadd.f32 v9, v0;
	v9 =	vmul.f32 s30, v3  }
0x2b2: {  	[tilespmem:s26+$0xFFFFFFF0] =	vst v7;
	v6 =	vmul.f32 s29, v3;
	v10 =	vadd.f32 v10, v1  }
0x2b3: {  	s30 =	sadd.s32 $0x2, s28;
	v7 =	vmul.f32 s1, v5;
	[tilespmem:s26+$0xFFFFFE90] =	vst v8;
	v8 =	vadd.f32 v9, v2  }
0x2b4: {  	s30 =	scvt.s32.f32 s30;
	v9 =	vmul.f32 s1, v4;
	v6 =	vadd.f32 v6, v2;
	[tilespmem:s26+$0xFFFFFEA0] =	vst v10  }
0x2b5: {  	v10 =	vmul.f32 s1, v3;
	v7 =	vadd.f32 v7, v0;
	[tilespmem:s26+$0xFFFFFEB0] =	vst v8;
	s26 =	sadd.s32 $0x180, s26  }
0x2b6: {  	s1 =	sadd.s32 $0x3, s28;
	v8 =	vadd.f32 v9, v1;
	v9 =	vmul.f32 s30, v5;
	[tilespmem:s26+$0x0] =	vst v6  }
0x2b7: {  	s1 =	scvt.s32.f32 s1;
	v6 =	vadd.f32 v10, v2;
	[tilespmem:s26+$0xFFFFFEC0] =	vst v7;
	v7 =	vmul.f32 s30, v4  }
0x2b8: {  	[tilespmem:s26+$0xFFFFFED0] =	vst v8;
	v8 =	vadd.f32 v9, v0;
	v9 =	vmul.f32 s30, v3  }
0x2b9: {  	s30 =	sadd.s32 $0x4, s28;
	[tilespmem:s26+$0xFFFFFEE0] =	vst v6;
	v6 =	vadd.f32 v7, v1;
	v7 =	vmul.f32 s1, v5  }
0x2ba: {  	s30 =	scvt.s32.f32 s30;
	[tilespmem:s26+$0xFFFFFEF0] =	vst v8;
	v8 =	vadd.f32 v9, v2;
	v9 =	vmul.f32 s1, v4  }
0x2bb: {  	[tilespmem:s26+$0xFFFFFF00] =	vst v6;
	v6 =	vadd.f32 v7, v0;
	v7 =	vmul.f32 s1, v3  }
0x2bc: {  	[tilespmem:s26+$0xFFFFFF10] =	vst v8;
	v8 =	vadd.f32 v9, v1;
	v9 =	vmul.f32 s30, v5;
	s1 =	sadd.s32 $0x5, s28  }
0x2bd: {  	s1 =	scvt.s32.f32 s1;
	[tilespmem:s26+$0xFFFFFF20] =	vst v6;
	v6 =	vadd.f32 v7, v2;
	v7 =	vmul.f32 s30, v4  }
0x2be: {  	[tilespmem:s26+$0xFFFFFF30] =	vst v8;
	v8 =	vadd.f32 v9, v0;
	v9 =	vmul.f32 s30, v3  }
0x2bf: {  	s30 =	sadd.s32 $0x6, s28;
	[tilespmem:s26+$0xFFFFFF40] =	vst v6;
	v6 =	vadd.f32 v7, v1;
	v7 =	vmul.f32 s1, v5  }
0x2c0: {  	s30 =	scvt.s32.f32 s30;
	[tilespmem:s26+$0xFFFFFF50] =	vst v8;
	v8 =	vadd.f32 v9, v2;
	v9 =	vmul.f32 s1, v4  }
0x2c1: {  	[tilespmem:s26+$0xFFFFFF60] =	vst v6;
	v6 =	vadd.f32 v7, v0;
	v7 =	vmul.f32 s1, v3  }
0x2c2: {  	[tilespmem:s26+$0xFFFFFF70] =	vst v8;
	v8 =	vadd.f32 v9, v1;
	v9 =	vmul.f32 s30, v5  }
0x2c3: {  	[tilespmem:s26+$0xFFFFFF80] =	vst v6;
	v6 =	vadd.f32 v7, v2;
	v7 =	vmul.f32 s30, v4  }
0x2c4: {  	[tilespmem:s26+$0xFFFFFF90] =	vst v8;
	v8 =	vadd.f32 v9, v0;
	v9 =	vmul.f32 s30, v3  }
0x2c5: {  	v10 =	vmul.f32 s29, v5;
	s1 =	scvt.s32.f32 s28;
	[tilespmem:s26+$0xFFFFFFA0] =	vst v6;
	v6 =	vadd.f32 v7, v1  }
0x2c6: {  	v7 =	vmul.f32 s29, v4;
	[tilespmem:s26+$0xFFFFFFB0] =	vst v8;
	v8 =	vadd.f32 v9, v2  }
0x2c7: {  	v9 =	vadd.f32 v10, v0;
	v10 =	vmul.f32 s1, v5;
	[tilespmem:s26+$0xFFFFFFC0] =	vst v6  }
0x2c8: {  	v6 =	vadd.f32 v7, v1;
	v7 =	vmul.f32 s1, v4;
	[tilespmem:s26+$0xFFFFFFD0] =	vst v8  }
0x2c9: {  	v8 =	vadd.f32 v10, v0;
	v10 =	vmul.f32 s1, v3;
	[tilespmem:s26+$0xFFFFFFE0] =	vst v9  }
0x2ca: {  	s1 =	simm.s32 $0x87;
	v7 =	vadd.f32 v7, v1;
	[tilespmem:s26+$0xFFFFFFF0] =	vst v6  }
0x2cb: {  	s29 =	simm.s32 $0x81;
	s28 =	scvt.s32.f32 s1;
	[tilespmem:s26+$0xFFFFFE90] =	vst v8;
	v6 =	vadd.f32 v10, v2  }
0x2cc: {  	s1 =	scvt.s32.f32 s29;
	[tilespmem:s26+$0xFFFFFEA0] =	vst v7  }
0x2cd: {  	[tilespmem:s26+$0xFFFFFEB0] =	vst v6;
	v6 =	vmul.f32 s28, v3;
	s26 =	simm.s32 $0x82  }
0x2ce: {  	v7 =	vmul.f32 s1, v5;
	[hbm4b:s6+s14] =	stream.strided.scatter [tilespmem:s18], [sflag:$0x2], $0xC00, s15, s14, $0x38;
	[tilespmem:$0x3C30] =	vst v63  }
0x2cf: {  	v8 =	vmul.f32 s1, v4;
	s29 =	scvt.s32.f32 s26;
	v6 =	vadd.f32 v6, v2  }
0x2d0: {  	v9 =	vmul.f32 s1, v3;
	s26 =	simm.s32 $0x25A0;
	v7 =	vadd.f32 v7, v0  }
0x2d1: {  	s1 =	simm.s32 $0x83;
	v8 =	vadd.f32 v8, v1;
	v10 =	vmul.f32 s29, v5;
	[tilespmem:s26+$0x0] =	vst v6  }
0x2d2: {  	s1 =	scvt.s32.f32 s1;
	[tilespmem:s26+$0xFFFFFEC0] =	vst v7;
	v6 =	vadd.f32 v9, v2;
	v7 =	vmul.f32 s29, v4  }
0x2d3: {  	[tilespmem:s26+$0xFFFFFED0] =	vst v8;
	v9 =	vmul.f32 s29, v3;
	v8 =	vadd.f32 v10, v0  }
0x2d4: {  	s29 =	simm.s32 $0x84;
	[tilespmem:s26+$0xFFFFFEE0] =	vst v6;
	v6 =	vadd.f32 v7, v1;
	v7 =	vmul.f32 s1, v5  }
0x2d5: {  	s29 =	scvt.s32.f32 s29;
	[tilespmem:s26+$0xFFFFFEF0] =	vst v8;
	v8 =	vadd.f32 v9, v2;
	v9 =	vmul.f32 s1, v4  }
0x2d6: {  	[tilespmem:s26+$0xFFFFFF00] =	vst v6;
	v6 =	vadd.f32 v7, v0;
	v7 =	vmul.f32 s1, v3  }
0x2d7: {  	s1 =	simm.s32 $0x85;
	[tilespmem:s26+$0xFFFFFF10] =	vst v8;
	v8 =	vadd.f32 v9, v1;
	v9 =	vmul.f32 s29, v5  }
0x2d8: {  	s1 =	scvt.s32.f32 s1;
	[tilespmem:s26+$0xFFFFFF20] =	vst v6;
	v6 =	vadd.f32 v7, v2;
	v7 =	vmul.f32 s29, v4  }
0x2d9: {  	[tilespmem:s26+$0xFFFFFF30] =	vst v8;
	v8 =	vadd.f32 v9, v0;
	v9 =	vmul.f32 s29, v3  }
0x2da: {  	s29 =	simm.s32 $0x86;
	[tilespmem:s26+$0xFFFFFF40] =	vst v6;
	v6 =	vadd.f32 v7, v1;
	v7 =	vmul.f32 s1, v5  }
0x2db: {  	s29 =	scvt.s32.f32 s29;
	[tilespmem:s26+$0xFFFFFF50] =	vst v8;
	v8 =	vadd.f32 v9, v2;
	v9 =	vmul.f32 s1, v4  }
0x2dc: {  	[tilespmem:s26+$0xFFFFFF60] =	vst v6;
	v6 =	vadd.f32 v7, v0;
	v7 =	vmul.f32 s1, v3  }
0x2dd: {  	[tilespmem:s26+$0xFFFFFF70] =	vst v8;
	v8 =	vadd.f32 v9, v1;
	v9 =	vmul.f32 s29, v5  }
0x2de: {  	[tilespmem:s26+$0xFFFFFF80] =	vst v6;
	v6 =	vadd.f32 v7, v2;
	v7 =	vmul.f32 s29, v4  }
0x2df: {  	s1 =	simm.s32 $0x80;
	v11 =	vmul.f32 s29, v3;
	[tilespmem:s26+$0xFFFFFF90] =	vst v8;
	v8 =	vadd.f32 v9, v0  }
0x2e0: {  	v10 =	vmul.f32 s28, v5;
	s30 =	scvt.s32.f32 s1;
	v9 =	vmul.f32 s28, v4;
	[tilespmem:s26+$0xFFFFFFA0] =	vst v6;
	v12 =	vadd.f32 v7, v1  }
0x2e1: {  	[tilespmem:s26+$0xFFFFFFB0] =	vst v8;
	v8 =	vadd.f32 v11, v2  }
0x2e2: {  	s31 =	simm.s32 $0x8F;
	s29 =	simm.s32 $0x90;
	s28 =	simm.s32 $0x88;
	v6 =	vadd.f32 v10, v0;
	v7 =	vadd.f32 v9, v1;
	v9 =	vmul.f32 s30, v5;
	[tilespmem:s26+$0xFFFFFFC0] =	vst v12  }
.LBB2_22:
0x2e3: {  	p1 =	slt.u32 s29, $0xB8;
	s1 =	sadd.s32 $0x1, s28;
	s31 =	scvt.s32.f32 s31;
	v10 =	vmul.f32 s30, v4;
	[tilespmem:s26+$0xFFFFFFD0] =	vst v8  }
0x2e4: {  	s1 =	scvt.s32.f32 s1;
	v8 =	vadd.f32 v9, v0;
	v9 =	vmul.f32 s30, v3;
	[tilespmem:s26+$0xFFFFFFE0] =	vst v6  }
0x2e5: {  	v6 =	vmul.f32 s31, v5;
	v11 =	vmul.f32 s31, v3;
	v10 =	vadd.f32 v10, v1;
	[tilespmem:s26+$0xFFFFFFF0] =	vst v7  }
0x2e6: {  	s30 =	sadd.s32 $0x2, s28;
	v12 =	vmul.f32 s31, v4;
	v7 =	vmul.f32 s1, v5;
	[tilespmem:s26+$0xFFFFFE90] =	vst v8;
	v8 =	vadd.f32 v9, v2  }
0x2e7: {  	s30 =	scvt.s32.f32 s30;
	v9 =	vmul.f32 s1, v4;
	v6 =	vadd.f32 v6, v0;
	v11 =	vadd.f32 v11, v2;
	[tilespmem:s26+$0xFFFFFEA0] =	vst v10  }
0x2e8: {  	v13 =	vmul.f32 s1, v3;
	v10 =	vadd.f32 v7, v0;
	v7 =	vadd.f32 v12, v1;
	[tilespmem:s26+$0xFFFFFEB0] =	vst v8;
	s26 =	sadd.s32 $0x180, s26  }
0x2e9: {  	s1 =	sadd.s32 $0x3, s28;
	v8 =	vadd.f32 v9, v1;
	v9 =	vmul.f32 s30, v5;
	[tilespmem:s26+$0x0] =	vst v11  }
0x2ea: {  	s1 =	scvt.s32.f32 s1;
	v11 =	vmul.f32 s30, v4;
	[tilespmem:s26+$0xFFFFFEC0] =	vst v10;
	v10 =	vadd.f32 v13, v2  }
0x2eb: {  	[tilespmem:s26+$0xFFFFFED0] =	vst v8;
	v8 =	vadd.f32 v9, v0;
	v9 =	vmul.f32 s30, v3  }
0x2ec: {  	s30 =	sadd.s32 $0x4, s28;
	[tilespmem:s26+$0xFFFFFEE0] =	vst v10;
	v10 =	vadd.f32 v11, v1;
	v11 =	vmul.f32 s1, v5  }
0x2ed: {  	s30 =	scvt.s32.f32 s30;
	[tilespmem:s26+$0xFFFFFEF0] =	vst v8;
	v8 =	vadd.f32 v9, v2;
	v9 =	vmul.f32 s1, v4  }
0x2ee: {  	[tilespmem:s26+$0xFFFFFF00] =	vst v10;
	v10 =	vadd.f32 v11, v0;
	v11 =	vmul.f32 s1, v3  }
0x2ef: {  	s1 =	sadd.s32 $0x5, s28;
	[tilespmem:s26+$0xFFFFFF10] =	vst v8;
	v8 =	vadd.f32 v9, v1;
	v9 =	vmul.f32 s30, v5  }
0x2f0: {  	s1 =	scvt.s32.f32 s1;
	[tilespmem:s26+$0xFFFFFF20] =	vst v10;
	v10 =	vadd.f32 v11, v2;
	v11 =	vmul.f32 s30, v4  }
0x2f1: {  	[tilespmem:s26+$0xFFFFFF30] =	vst v8;
	v8 =	vadd.f32 v9, v0;
	v9 =	vmul.f32 s30, v3  }
0x2f2: {  	s30 =	sadd.s32 $0x6, s28;
	[tilespmem:s26+$0xFFFFFF40] =	vst v10;
	v10 =	vadd.f32 v11, v1;
	v11 =	vmul.f32 s1, v5  }
0x2f3: {  	s30 =	scvt.s32.f32 s30;
	[tilespmem:s26+$0xFFFFFF50] =	vst v8;
	v8 =	vadd.f32 v9, v2;
	v9 =	vmul.f32 s1, v4  }
0x2f4: {  	[tilespmem:s26+$0xFFFFFF60] =	vst v10;
	v10 =	vadd.f32 v11, v0;
	v11 =	vmul.f32 s1, v3  }
0x2f5: {  	[tilespmem:s26+$0xFFFFFF70] =	vst v8;
	v8 =	vadd.f32 v9, v1;
	v9 =	vmul.f32 s30, v5  }
.Ltmp13:
0x2f6: {  	[tilespmem:s26+$0xFFFFFF80] =	vst v10;
	v10 =	vadd.f32 v11, v2;
	v11 =	vmul.f32 s30, v4;
	(pc) =	sbr.rel @p1 .LBB2_22-.Ltmp13, $4  }
0x2f7: {  	[tilespmem:s26+$0xFFFFFF90] =	vst v8;
	v8 =	vadd.f32 v9, v0;
	v9 =	vmul.f32 s30, v3  }
0x2f8: {  	s30 =	scvt.s32.f32 s28;
	s28 =	smov.u32 s29;
	[tilespmem:s26+$0xFFFFFFA0] =	vst v10;
	v10 =	vadd.f32 v11, v1  }
0x2f9: {  	[tilespmem:s26+$0xFFFFFFB0] =	vst v8;
	v8 =	vadd.f32 v9, v2  }
0x2fa: {  	s29 =	sadd.s32 $0x8, s29;
	s31 =	sadd.s32 $0x7, s28;
	v9 =	vmul.f32 s30, v5;
	[tilespmem:s26+$0xFFFFFFC0] =	vst v10  }
0x2fb: {  	s1 =	sadd.s32 $0x1, s28;
	s29 =	scvt.s32.f32 s31;
	v10 =	vmul.f32 s30, v4;
	[tilespmem:s26+$0xFFFFFFD0] =	vst v8  }
0x2fc: {  	[tilespmem:s26+$0xFFFFFFE0] =	vst v6;
	s1 =	scvt.s32.f32 s1;
	v8 =	vadd.f32 v9, v0;
	v9 =	vmul.f32 s30, v3  }
0x2fd: {  	[tilespmem:s26+$0xFFFFFFF0] =	vst v7;
	v6 =	vmul.f32 s29, v3;
	v10 =	vadd.f32 v10, v1  }
0x2fe: {  	s30 =	sadd.s32 $0x2, s28;
	v7 =	vmul.f32 s1, v5;
	[tilespmem:s26+$0xFFFFFE90] =	vst v8;
	v8 =	vadd.f32 v9, v2  }
0x2ff: {  	s30 =	scvt.s32.f32 s30;
	v9 =	vmul.f32 s1, v4;
	v6 =	vadd.f32 v6, v2;
	[tilespmem:s26+$0xFFFFFEA0] =	vst v10  }
0x300: {  	v10 =	vmul.f32 s1, v3;
	v7 =	vadd.f32 v7, v0;
	[tilespmem:s26+$0xFFFFFEB0] =	vst v8;
	s26 =	sadd.s32 $0x180, s26  }
0x301: {  	s1 =	sadd.s32 $0x3, s28;
	v8 =	vadd.f32 v9, v1;
	v9 =	vmul.f32 s30, v5;
	[tilespmem:s26+$0x0] =	vst v6  }
0x302: {  	s1 =	scvt.s32.f32 s1;
	v6 =	vadd.f32 v10, v2;
	[tilespmem:s26+$0xFFFFFEC0] =	vst v7;
	v7 =	vmul.f32 s30, v4  }
0x303: {  	[tilespmem:s26+$0xFFFFFED0] =	vst v8;
	v8 =	vadd.f32 v9, v0;
	v9 =	vmul.f32 s30, v3  }
0x304: {  	s30 =	sadd.s32 $0x4, s28;
	[tilespmem:s26+$0xFFFFFEE0] =	vst v6;
	v6 =	vadd.f32 v7, v1;
	v7 =	vmul.f32 s1, v5  }
0x305: {  	s30 =	scvt.s32.f32 s30;
	[tilespmem:s26+$0xFFFFFEF0] =	vst v8;
	v8 =	vadd.f32 v9, v2;
	v9 =	vmul.f32 s1, v4  }
0x306: {  	[tilespmem:s26+$0xFFFFFF00] =	vst v6;
	v6 =	vadd.f32 v7, v0;
	v7 =	vmul.f32 s1, v3  }
0x307: {  	[tilespmem:s26+$0xFFFFFF10] =	vst v8;
	v8 =	vadd.f32 v9, v1;
	v9 =	vmul.f32 s30, v5;
	s1 =	sadd.s32 $0x5, s28  }
0x308: {  	s1 =	scvt.s32.f32 s1;
	[tilespmem:s26+$0xFFFFFF20] =	vst v6;
	v6 =	vadd.f32 v7, v2;
	v7 =	vmul.f32 s30, v4  }
0x309: {  	[tilespmem:s26+$0xFFFFFF30] =	vst v8;
	v8 =	vadd.f32 v9, v0;
	v9 =	vmul.f32 s30, v3  }
0x30a: {  	s30 =	sadd.s32 $0x6, s28;
	[tilespmem:s26+$0xFFFFFF40] =	vst v6;
	v6 =	vadd.f32 v7, v1;
	v7 =	vmul.f32 s1, v5  }
0x30b: {  	s30 =	scvt.s32.f32 s30;
	[tilespmem:s26+$0xFFFFFF50] =	vst v8;
	v8 =	vadd.f32 v9, v2;
	v9 =	vmul.f32 s1, v4  }
0x30c: {  	[tilespmem:s26+$0xFFFFFF60] =	vst v6;
	v6 =	vadd.f32 v7, v0;
	v7 =	vmul.f32 s1, v3  }
0x30d: {  	[tilespmem:s26+$0xFFFFFF70] =	vst v8;
	v8 =	vadd.f32 v9, v1;
	v9 =	vmul.f32 s30, v5  }
0x30e: {  	[tilespmem:s26+$0xFFFFFF80] =	vst v6;
	v6 =	vadd.f32 v7, v2;
	v7 =	vmul.f32 s30, v4  }
0x30f: {  	[tilespmem:s26+$0xFFFFFF90] =	vst v8;
	v8 =	vadd.f32 v9, v0;
	v9 =	vmul.f32 s30, v3  }
0x310: {  	v10 =	vmul.f32 s29, v5;
	s1 =	scvt.s32.f32 s28;
	[tilespmem:s26+$0xFFFFFFA0] =	vst v6;
	v6 =	vadd.f32 v7, v1  }
0x311: {  	v7 =	vmul.f32 s29, v4;
	[tilespmem:s26+$0xFFFFFFB0] =	vst v8;
	v8 =	vadd.f32 v9, v2  }
0x312: {  	v9 =	vadd.f32 v10, v0;
	v10 =	vmul.f32 s1, v5;
	[tilespmem:s26+$0xFFFFFFC0] =	vst v6  }
0x313: {  	v6 =	vadd.f32 v7, v1;
	v7 =	vmul.f32 s1, v4;
	[tilespmem:s26+$0xFFFFFFD0] =	vst v8  }
0x314: {  	v8 =	vadd.f32 v10, v0;
	v10 =	vmul.f32 s1, v3;
	[tilespmem:s26+$0xFFFFFFE0] =	vst v9  }
0x315: {  	s1 =	simm.s32 $0xC7;
	v7 =	vadd.f32 v7, v1;
	[tilespmem:s26+$0xFFFFFFF0] =	vst v6  }
0x316: {  	s29 =	simm.s32 $0xC1;
	s28 =	scvt.s32.f32 s1;
	[tilespmem:s26+$0xFFFFFE90] =	vst v8;
	v6 =	vadd.f32 v10, v2  }
0x317: {  	s1 =	scvt.s32.f32 s29;
	[tilespmem:s26+$0xFFFFFEA0] =	vst v7  }
0x318: {  	[tilespmem:s26+$0xFFFFFEB0] =	vst v6;
	v6 =	vmul.f32 s28, v3;
	s26 =	simm.s32 $0xC2  }
0x319: {  	v7 =	vmul.f32 s1, v5;
	[hbm4b:s7+s14] =	stream.strided.scatter [tilespmem:s19], [sflag:$0x3], $0xC00, s15, s14, $0x38;
	[tilespmem:$0x3C30] =	vst v63  }
0x31a: {  	v8 =	vmul.f32 s1, v4;
	s29 =	scvt.s32.f32 s26;
	v6 =	vadd.f32 v6, v2  }
0x31b: {  	v9 =	vmul.f32 s1, v3;
	s26 =	simm.s32 $0x31A0;
	v7 =	vadd.f32 v7, v0  }
0x31c: {  	s1 =	simm.s32 $0xC3;
	v8 =	vadd.f32 v8, v1;
	v10 =	vmul.f32 s29, v5;
	[tilespmem:s26+$0x0] =	vst v6  }
0x31d: {  	s1 =	scvt.s32.f32 s1;
	[tilespmem:s26+$0xFFFFFEC0] =	vst v7;
	v6 =	vadd.f32 v9, v2;
	v7 =	vmul.f32 s29, v4  }
0x31e: {  	[tilespmem:s26+$0xFFFFFED0] =	vst v8;
	v9 =	vmul.f32 s29, v3;
	v8 =	vadd.f32 v10, v0  }
0x31f: {  	s29 =	simm.s32 $0xC4;
	[tilespmem:s26+$0xFFFFFEE0] =	vst v6;
	v6 =	vadd.f32 v7, v1;
	v7 =	vmul.f32 s1, v5  }
0x320: {  	s29 =	scvt.s32.f32 s29;
	[tilespmem:s26+$0xFFFFFEF0] =	vst v8;
	v8 =	vadd.f32 v9, v2;
	v9 =	vmul.f32 s1, v4  }
0x321: {  	[tilespmem:s26+$0xFFFFFF00] =	vst v6;
	v6 =	vadd.f32 v7, v0;
	v7 =	vmul.f32 s1, v3  }
0x322: {  	s1 =	simm.s32 $0xC5;
	[tilespmem:s26+$0xFFFFFF10] =	vst v8;
	v8 =	vadd.f32 v9, v1;
	v9 =	vmul.f32 s29, v5  }
0x323: {  	s1 =	scvt.s32.f32 s1;
	[tilespmem:s26+$0xFFFFFF20] =	vst v6;
	v6 =	vadd.f32 v7, v2;
	v7 =	vmul.f32 s29, v4  }
0x324: {  	[tilespmem:s26+$0xFFFFFF30] =	vst v8;
	v8 =	vadd.f32 v9, v0;
	v9 =	vmul.f32 s29, v3  }
0x325: {  	s29 =	simm.s32 $0xC6;
	[tilespmem:s26+$0xFFFFFF40] =	vst v6;
	v6 =	vadd.f32 v7, v1;
	v7 =	vmul.f32 s1, v5  }
0x326: {  	s29 =	scvt.s32.f32 s29;
	[tilespmem:s26+$0xFFFFFF50] =	vst v8;
	v8 =	vadd.f32 v9, v2;
	v9 =	vmul.f32 s1, v4  }
0x327: {  	[tilespmem:s26+$0xFFFFFF60] =	vst v6;
	v6 =	vadd.f32 v7, v0;
	v7 =	vmul.f32 s1, v3  }
0x328: {  	[tilespmem:s26+$0xFFFFFF70] =	vst v8;
	v8 =	vadd.f32 v9, v1;
	v9 =	vmul.f32 s29, v5  }
0x329: {  	[tilespmem:s26+$0xFFFFFF80] =	vst v6;
	v6 =	vadd.f32 v7, v2;
	v7 =	vmul.f32 s29, v4  }
0x32a: {  	s1 =	simm.s32 $0xC0;
	v11 =	vmul.f32 s29, v3;
	[tilespmem:s26+$0xFFFFFF90] =	vst v8;
	v8 =	vadd.f32 v9, v0  }
0x32b: {  	v10 =	vmul.f32 s28, v5;
	s30 =	scvt.s32.f32 s1;
	v9 =	vmul.f32 s28, v4;
	[tilespmem:s26+$0xFFFFFFA0] =	vst v6;
	v12 =	vadd.f32 v7, v1  }
0x32c: {  	[tilespmem:s26+$0xFFFFFFB0] =	vst v8;
	v8 =	vadd.f32 v11, v2  }
0x32d: {  	s31 =	simm.s32 $0xCF;
	s29 =	simm.s32 $0xD0;
	s28 =	simm.s32 $0xC8;
	v6 =	vadd.f32 v10, v0;
	v7 =	vadd.f32 v9, v1;
	v9 =	vmul.f32 s30, v5;
	[tilespmem:s26+$0xFFFFFFC0] =	vst v12  }
.LBB2_24:
0x32e: {  	p1 =	slt.u32 s29, $0xD8;
	s1 =	sadd.s32 $0x1, s28;
	s31 =	scvt.s32.f32 s31;
	v10 =	vmul.f32 s30, v4;
	[tilespmem:s26+$0xFFFFFFD0] =	vst v8  }
0x32f: {  	s1 =	scvt.s32.f32 s1;
	v8 =	vadd.f32 v9, v0;
	v9 =	vmul.f32 s30, v3;
	[tilespmem:s26+$0xFFFFFFE0] =	vst v6  }
0x330: {  	v6 =	vmul.f32 s31, v5;
	v11 =	vmul.f32 s31, v3;
	v10 =	vadd.f32 v10, v1;
	[tilespmem:s26+$0xFFFFFFF0] =	vst v7  }
0x331: {  	s30 =	sadd.s32 $0x2, s28;
	v12 =	vmul.f32 s31, v4;
	v7 =	vmul.f32 s1, v5;
	[tilespmem:s26+$0xFFFFFE90] =	vst v8;
	v8 =	vadd.f32 v9, v2  }
0x332: {  	s30 =	scvt.s32.f32 s30;
	v9 =	vmul.f32 s1, v4;
	v6 =	vadd.f32 v6, v0;
	v11 =	vadd.f32 v11, v2;
	[tilespmem:s26+$0xFFFFFEA0] =	vst v10  }
0x333: {  	v13 =	vmul.f32 s1, v3;
	v10 =	vadd.f32 v7, v0;
	v7 =	vadd.f32 v12, v1;
	[tilespmem:s26+$0xFFFFFEB0] =	vst v8;
	s26 =	sadd.s32 $0x180, s26  }
0x334: {  	s1 =	sadd.s32 $0x3, s28;
	v8 =	vadd.f32 v9, v1;
	v9 =	vmul.f32 s30, v5;
	[tilespmem:s26+$0x0] =	vst v11  }
0x335: {  	s1 =	scvt.s32.f32 s1;
	v11 =	vmul.f32 s30, v4;
	[tilespmem:s26+$0xFFFFFEC0] =	vst v10;
	v10 =	vadd.f32 v13, v2  }
0x336: {  	[tilespmem:s26+$0xFFFFFED0] =	vst v8;
	v8 =	vadd.f32 v9, v0;
	v9 =	vmul.f32 s30, v3  }
0x337: {  	s30 =	sadd.s32 $0x4, s28;
	[tilespmem:s26+$0xFFFFFEE0] =	vst v10;
	v10 =	vadd.f32 v11, v1;
	v11 =	vmul.f32 s1, v5  }
0x338: {  	s30 =	scvt.s32.f32 s30;
	[tilespmem:s26+$0xFFFFFEF0] =	vst v8;
	v8 =	vadd.f32 v9, v2;
	v9 =	vmul.f32 s1, v4  }
0x339: {  	[tilespmem:s26+$0xFFFFFF00] =	vst v10;
	v10 =	vadd.f32 v11, v0;
	v11 =	vmul.f32 s1, v3  }
0x33a: {  	s1 =	sadd.s32 $0x5, s28;
	[tilespmem:s26+$0xFFFFFF10] =	vst v8;
	v8 =	vadd.f32 v9, v1;
	v9 =	vmul.f32 s30, v5  }
0x33b: {  	s1 =	scvt.s32.f32 s1;
	[tilespmem:s26+$0xFFFFFF20] =	vst v10;
	v10 =	vadd.f32 v11, v2;
	v11 =	vmul.f32 s30, v4  }
0x33c: {  	[tilespmem:s26+$0xFFFFFF30] =	vst v8;
	v8 =	vadd.f32 v9, v0;
	v9 =	vmul.f32 s30, v3  }
0x33d: {  	s30 =	sadd.s32 $0x6, s28;
	[tilespmem:s26+$0xFFFFFF40] =	vst v10;
	v10 =	vadd.f32 v11, v1;
	v11 =	vmul.f32 s1, v5  }
0x33e: {  	s30 =	scvt.s32.f32 s30;
	[tilespmem:s26+$0xFFFFFF50] =	vst v8;
	v8 =	vadd.f32 v9, v2;
	v9 =	vmul.f32 s1, v4  }
0x33f: {  	[tilespmem:s26+$0xFFFFFF60] =	vst v10;
	v10 =	vadd.f32 v11, v0;
	v11 =	vmul.f32 s1, v3  }
0x340: {  	[tilespmem:s26+$0xFFFFFF70] =	vst v8;
	v8 =	vadd.f32 v9, v1;
	v9 =	vmul.f32 s30, v5  }
.Ltmp14:
0x341: {  	[tilespmem:s26+$0xFFFFFF80] =	vst v10;
	v10 =	vadd.f32 v11, v2;
	v11 =	vmul.f32 s30, v4;
	(pc) =	sbr.rel @p1 .LBB2_24-.Ltmp14, $4  }
0x342: {  	[tilespmem:s26+$0xFFFFFF90] =	vst v8;
	v8 =	vadd.f32 v9, v0;
	v9 =	vmul.f32 s30, v3  }
0x343: {  	s30 =	scvt.s32.f32 s28;
	s28 =	smov.u32 s29;
	[tilespmem:s26+$0xFFFFFFA0] =	vst v10;
	v10 =	vadd.f32 v11, v1  }
0x344: {  	[tilespmem:s26+$0xFFFFFFB0] =	vst v8;
	v8 =	vadd.f32 v9, v2  }
0x345: {  	s29 =	sadd.s32 $0x8, s29;
	s31 =	sadd.s32 $0x7, s28;
	v9 =	vmul.f32 s30, v5;
	[tilespmem:s26+$0xFFFFFFC0] =	vst v10  }
0x346: {  	s29 =	scvt.s32.f32 s31;
	v10 =	vmul.f32 s30, v4;
	[tilespmem:s26+$0xFFFFFFD0] =	vst v8  }
0x347: {  	s1 =	sadd.s32 $0x1, s28;
	v38 =	vmul.f32 s30, v3;
	[tilespmem:s26+$0xFFFFFFE0] =	vst v6;
	v37 =	vadd.f32 v9, v0  }
0x348: {  	[tilespmem:s26+$0xFFFFFFF0] =	vst v7;
	s1 =	scvt.s32.f32 s1;
	v6 =	vmul.f32 s29, v3;
	v10 =	vadd.f32 v10, v1  }
0x349: {  	v39 =	vadd.f32 v38, v2;
	v58 =	vmul.f32 s29, v5;
	[tilespmem:s26+$0xFFFFFE90] =	vst v37  }
0x34a: {  	s31 =	sadd.s32 $0x2, s28;
	v7 =	vmul.f32 s1, v5;
	v6 =	vadd.f32 v6, v2;
	[tilespmem:s26+$0xFFFFFEA0] =	vst v10  }
0x34b: {  	s30 =	scvt.s32.f32 s31;
	v40 =	vmul.f32 s1, v4;
	[tilespmem:s26+$0xFFFFFEB0] =	vst v39;
	s26 =	sadd.s32 $0x180, s26;
	v60 =	vadd.f32 v58, v0  }
0x34c: {  	v41 =	vmul.f32 s1, v3;
	v7 =	vadd.f32 v7, v0;
	[tilespmem:s26+$0x0] =	vst v6  }
0x34d: {  	s31 =	sadd.s32 $0x3, s28;
	v43 =	vmul.f32 s30, v5;
	v42 =	vadd.f32 v40, v1;
	[tilespmem:s26+$0xFFFFFFE0] =	vst v60  }
0x34e: {  	s1 =	scvt.s32.f32 s31;
	v6 =	vadd.f32 v41, v2;
	[tilespmem:s26+$0xFFFFFEC0] =	vst v7;
	v7 =	vmul.f32 s30, v4  }
0x34f: {  	v45 =	vmul.f32 s30, v3;
	v44 =	vadd.f32 v43, v0;
	[tilespmem:s26+$0xFFFFFED0] =	vst v42  }
0x350: {  	s31 =	sadd.s32 $0x4, s28;
	[tilespmem:s26+$0xFFFFFEE0] =	vst v6;
	v6 =	vadd.f32 v7, v1;
	v7 =	vmul.f32 s1, v5  }
0x351: {  	v46 =	vadd.f32 v45, v2;
	v47 =	vmul.f32 s1, v4;
	[tilespmem:s26+$0xFFFFFEF0] =	vst v44;
	s30 =	scvt.s32.f32 s31  }
0x352: {  	[tilespmem:s26+$0xFFFFFF00] =	vst v6;
	v6 =	vadd.f32 v7, v0;
	v7 =	vmul.f32 s1, v3  }
0x353: {  	[tilespmem:s26+$0xFFFFFF10] =	vst v46;
	v48 =	vadd.f32 v47, v1;
	s31 =	sadd.s32 $0x5, s28;
	v49 =	vmul.f32 s30, v5  }
0x354: {  	s1 =	scvt.s32.f32 s31;
	[tilespmem:s26+$0xFFFFFF20] =	vst v6;
	v6 =	vadd.f32 v7, v2;
	v7 =	vmul.f32 s30, v4  }
0x355: {  	[tilespmem:s26+$0xFFFFFF30] =	vst v48;
	v51 =	vmul.f32 s30, v3;
	v50 =	vadd.f32 v49, v0  }
0x356: {  	s31 =	sadd.s32 $0x6, s28;
	[tilespmem:s26+$0xFFFFFF40] =	vst v6;
	v6 =	vadd.f32 v7, v1;
	v7 =	vmul.f32 s1, v5  }
0x357: {  	v52 =	vadd.f32 v51, v2;
	[tilespmem:s26+$0xFFFFFF50] =	vst v50;
	v53 =	vmul.f32 s1, v4;
	s30 =	scvt.s32.f32 s31  }
0x358: {  	[tilespmem:s26+$0xFFFFFF60] =	vst v6;
	v6 =	vadd.f32 v7, v0;
	v7 =	vmul.f32 s1, v3  }
0x359: {  	[tilespmem:s26+$0xFFFFFF70] =	vst v52;
	v54 =	vadd.f32 v53, v1;
	v55 =	vmul.f32 s30, v5  }
0x35a: {  	s31 =	scvt.s32.f32 s28;
	[tilespmem:s26+$0xFFFFFF80] =	vst v6;
	v6 =	vadd.f32 v7, v2;
	v7 =	vmul.f32 s30, v4  }
0x35b: {  	v57 =	vmul.f32 s30, v3;
	[tilespmem:s26+$0xFFFFFF90] =	vst v54;
	v56 =	vadd.f32 v55, v0  }
0x35c: {  	v61 =	vmul.f32 s31, v5;
	[tilespmem:s26+$0xFFFFFFA0] =	vst v6;
	v6 =	vadd.f32 v7, v1;
	v7 =	vmul.f32 s29, v4  }
0x35d: {  	v59 =	vadd.f32 v57, v2;
	[tilespmem:s26+$0xFFFFFFB0] =	vst v56  }
0x35e: {  	v62 =	vadd.f32 v61, v0;
	[tilespmem:s26+$0xFFFFFFC0] =	vst v6;
	v6 =	vadd.f32 v7, v1;
	v7 =	vmul.f32 s31, v4  }
0x35f: {  	v63 =	vmul.f32 s31, v3;
	[tilespmem:s26+$0xFFFFFFD0] =	vst v59  }
0x360: {  	v5 =	vmul.f32 $2.240000000e+02, v5;
	[tilespmem:s26+$0xFFFFFE90] =	vst v62;
	v7 =	vadd.f32 v7, v1  }
0x361: {  	v4 =	vmul.f32 $2.240000000e+02, v4;
	[tilespmem:s26+$0xFFFFFFF0] =	vst v6;
	v6 =	vadd.f32 v63, v2  }
0x362: {  	v5 =	vadd.f32 v5, v0;
	v0 =	vmul.f32 $2.240000000e+02, v3;
	[tilespmem:s26+$0xFFFFFEA0] =	vst v7  }
0x363: {  	v3 =	vadd.f32 v4, v1;
	[tilespmem:s26+$0xFFFFFEB0] =	vst v6  }
0x364: {  	v4 =	vadd.f32 v0, v2;
	[tilespmem:$0x3630] =	vst v5  }
0x365: {  	[tilespmem:$0x3640] =	vst v3  }
0x366: {  	s28 =	simm.s32 $0x70;
	[tilespmem:$0x3650] =	vst v4  }
0x367: {  	v0 =	vld [tilespmem:s28+$0xFFFFFFC0];
	_ =	sdelay $0x1  }
0x368: {  	v1 =	vld [tilespmem:$0xC00];
	_ =	sdelay $0x2  }
0x369: {  	v2 =	vmul.f32 $1.953125000e-03, v0;
	_ =	sdelay $0x1  }
0x36a: {  	v0 =	vmul.f32 $1.953125000e-03, v1;
	v1 =	vsub.f32 v5, v2;
	_ =	sdelay $0x1  }
0x36b: {  	v5 =	vadd.f32 v1, v0  }
0x36c: {  	s26 =	simm.s32 $0x3710;
	v6 =	vld [tilespmem:$0xC20]  }
0x36d: {  	v2 =	vld [tilespmem:$0xC10];
	[tilespmem:s26+$0xFFFFFF50] =	vst v5  }
0x36e: {  	v1 =	vld [tilespmem:s28+$0xFFFFFFD0];
	_ =	sdelay $0x4  }
0x36f: {  	v7 =	vmul.f32 $1.953125000e-03, v1;
	_ =	sdelay $0x1  }
0x370: {  	v1 =	vmul.f32 $1.953125000e-03, v2;
	v2 =	vsub.f32 v3, v7;
	_ =	sdelay $0x1  }
0x371: {  	v3 =	vadd.f32 v2, v1;
	_ =	sdelay $0x1  }
0x372: {  	[tilespmem:s26+$0xFFFFFF60] =	vst v3  }
0x373: {  	v2 =	vld [tilespmem:s28+$0xFFFFFFE0];
	_ =	sdelay $0x4  }
0x374: {  	v7 =	vmul.f32 $1.953125000e-03, v2;
	_ =	sdelay $0x1  }
0x375: {  	v2 =	vmul.f32 $1.953125000e-03, v6;
	v4 =	vsub.f32 v4, v7;
	_ =	sdelay $0x1  }
0x376: {  	v4 =	vadd.f32 v4, v2;
	_ =	sdelay $0x1  }
0x377: {  	[tilespmem:s26+$0xFFFFFF70] =	vst v4  }
0x378: {  	v6 =	vld [tilespmem:s28+$0xFFFFFFF0];
	_ =	sdelay $0x4  }
0x379: {  	v6 =	vmul.f32 $1.953125000e-03, v6;
	_ =	sdelay $0x1  }
0x37a: {  	v5 =	vsub.f32 v5, v6;
	_ =	sdelay $0x1  }
0x37b: {  	v5 =	vadd.f32 v5, v0;
	_ =	sdelay $0x1  }
0x37c: {  	[tilespmem:s26+$0xFFFFFF80] =	vst v5  }
0x37d: {  	v6 =	vld [tilespmem:s28+$0x0];
	_ =	sdelay $0x4  }
0x37e: {  	v6 =	vmul.f32 $1.953125000e-03, v6;
	_ =	sdelay $0x1  }
0x37f: {  	v3 =	vsub.f32 v3, v6;
	_ =	sdelay $0x1  }
0x380: {  	v3 =	vadd.f32 v3, v1;
	_ =	sdelay $0x1  }
0x381: {  	[tilespmem:s26+$0xFFFFFF90] =	vst v3  }
0x382: {  	v6 =	vld [tilespmem:s28+$0x10];
	_ =	sdelay $0x4  }
0x383: {  	v6 =	vmul.f32 $1.953125000e-03, v6;
	_ =	sdelay $0x1  }
0x384: {  	v4 =	vsub.f32 v4, v6;
	_ =	sdelay $0x1  }
0x385: {  	v4 =	vadd.f32 v4, v2;
	_ =	sdelay $0x1  }
0x386: {  	[tilespmem:s26+$0xFFFFFFA0] =	vst v4  }
0x387: {  	v6 =	vld [tilespmem:s28+$0x20];
	_ =	sdelay $0x4  }
0x388: {  	v6 =	vmul.f32 $1.953125000e-03, v6;
	_ =	sdelay $0x1  }
0x389: {  	v5 =	vsub.f32 v5, v6;
	_ =	sdelay $0x1  }
0x38a: {  	v5 =	vadd.f32 v5, v0;
	_ =	sdelay $0x1  }
0x38b: {  	[tilespmem:s26+$0xFFFFFFB0] =	vst v5  }
0x38c: {  	v6 =	vld [tilespmem:s28+$0x30];
	_ =	sdelay $0x4  }
0x38d: {  	v6 =	vmul.f32 $1.953125000e-03, v6;
	_ =	sdelay $0x1  }
0x38e: {  	v3 =	vsub.f32 v3, v6;
	_ =	sdelay $0x1  }
0x38f: {  	v6 =	vadd.f32 v3, v1;
	_ =	sdelay $0x1  }
0x390: {  	[tilespmem:s26+$0xFFFFFFC0] =	vst v6  }
0x391: {  	v3 =	vld [tilespmem:s28+$0x40];
	_ =	sdelay $0x4  }
0x392: {  	v3 =	vmul.f32 $1.953125000e-03, v3;
	_ =	sdelay $0x1  }
0x393: {  	v3 =	vsub.f32 v4, v3;
	_ =	sdelay $0x1  }
0x394: {  	v7 =	vadd.f32 v3, v2;
	_ =	sdelay $0x1  }
0x395: {  	[tilespmem:s26+$0xFFFFFFD0] =	vst v7  }
0x396: {  	v3 =	vld [tilespmem:s28+$0x50];
	_ =	sdelay $0x4  }
0x397: {  	v3 =	vmul.f32 $1.953125000e-03, v3;
	_ =	sdelay $0x1  }
0x398: {  	v3 =	vsub.f32 v5, v3;
	_ =	sdelay $0x1  }
0x399: {  	v3 =	vadd.f32 v3, v0;
	_ =	sdelay $0x1  }
0x39a: {  	[tilespmem:s26+$0xFFFFFFE0] =	vst v3  }
0x39b: {  	v4 =	vld [tilespmem:s28+$0x60];
	_ =	sdelay $0x4  }
0x39c: {  	v4 =	vmul.f32 $1.953125000e-03, v4;
	_ =	sdelay $0x1  }
0x39d: {  	v4 =	vsub.f32 v6, v4;
	_ =	sdelay $0x1  }
0x39e: {  	v4 =	vadd.f32 v4, v1;
	_ =	sdelay $0x1  }
0x39f: {  	[tilespmem:s26+$0xFFFFFFF0] =	vst v4  }
0x3a0: {  	v5 =	vld [tilespmem:s28+$0x70];
	_ =	sdelay $0x4  }
0x3a1: {  	v5 =	vmul.f32 $1.953125000e-03, v5;
	_ =	sdelay $0x1  }
0x3a2: {  	v5 =	vsub.f32 v7, v5;
	_ =	sdelay $0x1  }
0x3a3: {  	v5 =	vadd.f32 v5, v2;
	_ =	sdelay $0x1  }
0x3a4: {  	s29 =	simm.s32 $0x130;
	s28 =	simm.s32 $0xE1;
	[tilespmem:s26+$0x0] =	vst v5  }
.LBB2_26:
0x3a5: {  	v6 =	vld [tilespmem:s29+$0xFFFFFFC0];
	s28 =	sadd.s32 $0x4, s28  }
0x3a6: {  	p1 =	slt.u32 s28, $0xF9;
	_ =	sdelay $0x3  }
0x3a7: {  	v6 =	vmul.f32 $1.953125000e-03, v6;
	_ =	sdelay $0x1  }
0x3a8: {  	v3 =	vsub.f32 v3, v6;
	_ =	sdelay $0x1  }
0x3a9: {  	v3 =	vadd.f32 v3, v0  }
0x3aa: {  	s26 =	sadd.s32 $0xC0, s26  }
0x3ab: {  	[tilespmem:s26+$0xFFFFFF50] =	vst v3  }
0x3ac: {  	v6 =	vld [tilespmem:s29+$0xFFFFFFD0];
	_ =	sdelay $0x4  }
0x3ad: {  	v6 =	vmul.f32 $1.953125000e-03, v6;
	_ =	sdelay $0x1  }
0x3ae: {  	v4 =	vsub.f32 v4, v6;
	_ =	sdelay $0x1  }
0x3af: {  	v4 =	vadd.f32 v4, v1;
	_ =	sdelay $0x1  }
0x3b0: {  	[tilespmem:s26+$0xFFFFFF60] =	vst v4  }
0x3b1: {  	v6 =	vld [tilespmem:s29+$0xFFFFFFE0];
	_ =	sdelay $0x4  }
0x3b2: {  	v6 =	vmul.f32 $1.953125000e-03, v6;
	_ =	sdelay $0x1  }
0x3b3: {  	v5 =	vsub.f32 v5, v6;
	_ =	sdelay $0x1  }
0x3b4: {  	v5 =	vadd.f32 v5, v2;
	_ =	sdelay $0x1  }
0x3b5: {  	[tilespmem:s26+$0xFFFFFF70] =	vst v5  }
0x3b6: {  	v6 =	vld [tilespmem:s29+$0xFFFFFFF0];
	_ =	sdelay $0x4  }
0x3b7: {  	v6 =	vmul.f32 $1.953125000e-03, v6;
	_ =	sdelay $0x1  }
0x3b8: {  	v3 =	vsub.f32 v3, v6;
	_ =	sdelay $0x1  }
0x3b9: {  	v3 =	vadd.f32 v3, v0;
	_ =	sdelay $0x1  }
0x3ba: {  	[tilespmem:s26+$0xFFFFFF80] =	vst v3  }
0x3bb: {  	v6 =	vld [tilespmem:s29+$0x0];
	_ =	sdelay $0x4  }
0x3bc: {  	v6 =	vmul.f32 $1.953125000e-03, v6;
	_ =	sdelay $0x1  }
0x3bd: {  	v4 =	vsub.f32 v4, v6;
	_ =	sdelay $0x1  }
0x3be: {  	v4 =	vadd.f32 v4, v1;
	_ =	sdelay $0x1  }
0x3bf: {  	[tilespmem:s26+$0xFFFFFF90] =	vst v4  }
0x3c0: {  	v6 =	vld [tilespmem:s29+$0x10];
	_ =	sdelay $0x4  }
0x3c1: {  	v6 =	vmul.f32 $1.953125000e-03, v6;
	_ =	sdelay $0x1  }
0x3c2: {  	v5 =	vsub.f32 v5, v6;
	_ =	sdelay $0x1  }
0x3c3: {  	v5 =	vadd.f32 v5, v2;
	_ =	sdelay $0x1  }
0x3c4: {  	[tilespmem:s26+$0xFFFFFFA0] =	vst v5  }
0x3c5: {  	v6 =	vld [tilespmem:s29+$0x20];
	_ =	sdelay $0x4  }
0x3c6: {  	v6 =	vmul.f32 $1.953125000e-03, v6;
	_ =	sdelay $0x1  }
0x3c7: {  	v3 =	vsub.f32 v3, v6;
	_ =	sdelay $0x1  }
0x3c8: {  	v3 =	vadd.f32 v3, v0;
	_ =	sdelay $0x1  }
0x3c9: {  	[tilespmem:s26+$0xFFFFFFB0] =	vst v3  }
0x3ca: {  	v6 =	vld [tilespmem:s29+$0x30];
	_ =	sdelay $0x4  }
0x3cb: {  	v6 =	vmul.f32 $1.953125000e-03, v6;
	_ =	sdelay $0x1  }
0x3cc: {  	v4 =	vsub.f32 v4, v6;
	_ =	sdelay $0x1  }
0x3cd: {  	v4 =	vadd.f32 v4, v1;
	_ =	sdelay $0x1  }
0x3ce: {  	[tilespmem:s26+$0xFFFFFFC0] =	vst v4  }
0x3cf: {  	v6 =	vld [tilespmem:s29+$0x40];
	_ =	sdelay $0x4  }
0x3d0: {  	v6 =	vmul.f32 $1.953125000e-03, v6;
	_ =	sdelay $0x1  }
0x3d1: {  	v5 =	vsub.f32 v5, v6;
	_ =	sdelay $0x1  }
0x3d2: {  	v5 =	vadd.f32 v5, v2;
	_ =	sdelay $0x1  }
0x3d3: {  	[tilespmem:s26+$0xFFFFFFD0] =	vst v5  }
0x3d4: {  	v6 =	vld [tilespmem:s29+$0x50];
	_ =	sdelay $0x4  }
0x3d5: {  	v6 =	vmul.f32 $1.953125000e-03, v6;
	_ =	sdelay $0x1  }
0x3d6: {  	v3 =	vsub.f32 v3, v6;
	_ =	sdelay $0x1  }
0x3d7: {  	v3 =	vadd.f32 v3, v0;
	_ =	sdelay $0x1  }
0x3d8: {  	[tilespmem:s26+$0xFFFFFFE0] =	vst v3  }
0x3d9: {  	v6 =	vld [tilespmem:s29+$0x60];
	_ =	sdelay $0x4  }
0x3da: {  	v6 =	vmul.f32 $1.953125000e-03, v6;
	_ =	sdelay $0x1  }
0x3db: {  	v4 =	vsub.f32 v4, v6;
	_ =	sdelay $0x1  }
0x3dc: {  	v4 =	vadd.f32 v4, v1;
	_ =	sdelay $0x1  }
0x3dd: {  	[tilespmem:s26+$0xFFFFFFF0] =	vst v4  }
0x3de: {  	v6 =	vld [tilespmem:s29+$0x70];
	_ =	sdelay $0x4  }
0x3df: {  	v6 =	vmul.f32 $1.953125000e-03, v6;
	_ =	sdelay $0x1  }
.Ltmp15:
0x3e0: {  	v5 =	vsub.f32 v5, v6;
	(pc) =	sbr.rel @p1 .LBB2_26-.Ltmp15, $3  }
0x3e1: {  	_ = 	snop  }
0x3e2: {  	v5 =	vadd.f32 v5, v2;
	_ =	sdelay $0x1  }
0x3e3: {  	s29 =	sadd.s32 $0xC0, s29;
	[tilespmem:s26+$0x0] =	vst v5  }
.Ltmp16:
0x3e4: {  	_ = 	snop;
	(pc) =	sbr.rel .LBB2_27-.Ltmp16, $1  }
0x3e5: {  	_ =	sdelay $0x3  }
.LBB2_29:
0x3e6: {  	_ =	sfence.sel $0x180000  }
0x3e7: {  	[bflag:$0x0] =	sbarrier.arrive $0xFFFF  }
0x3e8: {  	_ =	strace $0x90000047  }
0x3e9: {  	[bflag:$0x2] =	sbarrier.arrive $0xFFFF  }
0x3ea: {  	p0 =	sne.s32 s0, $0x0;
	s0 =	rddreg [dreg:$0x2]  }
0x3eb: {  	s0 =	sadd.s32 @!p0 $0x100000, s0  }
0x3ec: {  	[sflag:s0] =	ssyncadd.tile.s32 @!p0 $0x1;
	_ =	shalt  }
.Lfunc_end2:
_tile_overlayer_lowered:
.L_overlay_start_2:
0x3ed: {  	(tag) =	ssettag $0x2  }
0x3ee: {  	s0 =	rddreg [dreg:$0x0];
	s2 =	stileid.u32  }
0x3ef: {  	s1 =	rddreg [dreg:$0x1];
	p0 =	sne.s32 s2, $0x0  }
0x3f0: {  	s3 =	rddreg [dreg:$0x2];
	[bflag:$0x3] =	sbarrier.arrive $0xFFFF;
	s2 =	simm.s32 @!p0 $0x1C05  }
0x3f1: {  	[timem:s3], [sflag:s2] =	dma.local @!p0 [hbm:s0], s1  }
0x3f2: {  	s0 =	simm.s32 @!p0 $0x5  }
0x3f3: {  	_ =	swait.ge @!p0 [sflag:s0], s1  }
0x3f4: {  	s1 =	ssub.s32 @!p0 $0x0, s1;
	[sflag:s0] =	ssyncset.done @!p0 $0x0  }
0x3f5: {  	[sflag:s0] =	ssyncadd.s32 @!p0 s1  }
0x3f6: {  	[bflag:$0x3] =	sbarrier.arrive $0xFFFF  }
0x3f7: {  	_ =	shalt  }

</sc_bundles>
